<compile_context>
chip_gen: v7x
topology: tpu7x:2x2x1
jax: 0.10.2.dev20260603
libtpu: 0.0.44.dev20260713+nightly
codegen_flags: <defaults>
</compile_context>

<pallas_src>
import jax
import jax.numpy as jnp
from jax import lax
from jax.experimental import pallas as pl
from jax.experimental.pallas import tpu as pltpu
from jax.experimental.pallas import tpu_sc as plsc

TPB = 17
B, S, V, D = 1024, 340, 100000, 64
NC, NS = 2, 16
NW = NC * NS
N = B * S
RPW = N // NW
J = RPW // 128
APW = RPW // TPB
AJ = APW // 128


NBUF = 7
SPAD = 344
OUTR = B * SPAD * 2


def _sc_body(tok_hbm, obs_hbm, act_hbm, out_hbm,
             tok_v, act_tok, act_out, phys_idx, rows_v, act_rows,
             gsem0, gsem1, gsem2, gsem3, gsem4, gsem5, gsem6,
             osem0, osem1, osem2, osem3, osem4, osem5, osem6, asem):
    gsem = (gsem0, gsem1, gsem2, gsem3, gsem4, gsem5, gsem6)
    osem = (osem0, osem1, osem2, osem3, osem4, osem5, osem6)
    wid = lax.axis_index("s") * NC + lax.axis_index("c")
    base = wid * RPW
    lane = lax.iota(jnp.int32, 16)

    pltpu.sync_copy(tok_hbm.at[pl.ds(base, RPW)], tok_v)

    def start_gather(j, b):
        idx = tok_v.at[pl.ds(j * 128, 128)]
        pltpu.async_copy(obs_hbm.at[idx], rows_v.at[b], gsem[b])

    def start_outcopy(j, b):
        pltpu.async_copy(rows_v.at[b], out_hbm.at[phys_idx.at[j]], osem[b])

    def wait_gather(b):
        pltpu.make_async_copy(out_hbm.at[pl.ds(0, 128)], rows_v.at[b],
                              gsem[b]).wait()

    def wait_outcopy(b):
        pltpu.make_async_copy(rows_v.at[b], out_hbm.at[pl.ds(0, 128)],
                              osem[b]).wait()

    for b in range(NBUF):
        start_gather(b, b)

    def ibody(j, carry):
        b0, s0 = carry
        pbase = 688 * b0 + 2 * s0
        for jj in range(8):
            i16 = jj * 16 + lane
            s_v = s0 + i16
            phys = pbase + 2 * i16 + lax.select(
                s_v >= S, jnp.full((16,), 8, jnp.int32),
                jnp.zeros((16,), jnp.int32))
            phys_idx[j, pl.ds(jj * 16, 16)] = phys
        s0n = s0 + 128
        wrap = (s0n >= S).astype(jnp.int32)
        return (b0 + wrap, s0n - S * wrap)

    lax.fori_loop(0, J, ibody, (32 * wid, jnp.int32(0)))

    def xbody(j, carry):
        pb = j * (16 * TPB)
        acc = tok_v[pl.ds(pb + 16, 16)]
        for i in range(1, 16):
            v = tok_v[pl.ds(pb + 16 * (i + 1), 16)]
            acc = lax.select(lane == i, v, acc)
        act_tok[pl.ds(j * 16, 16)] = acc
        return carry

    lax.fori_loop(0, APW // 16, xbody, 0)

    for jj in range(APW // 16):
        p = jj * (16 * TPB) + TPB * lane + (TPB - 1)
        t0 = (jj * (16 * TPB) + (TPB - 1)) // S
        vals = 22016 * wid + 8 * t0 + 2 * p + lax.select(
            p >= S * (t0 + 1), jnp.full((16,), 8, jnp.int32),
            jnp.zeros((16,), jnp.int32))
        act_out[jj // 8, pl.ds((jj % 8) * 16, 16)] = vals

    def grp(g, carry):
        for b in range(NBUF):
            wait_gather(b)
            start_outcopy(g * NBUF + b, b)
        for b in range(NBUF):
            wait_outcopy(b)
            start_gather((g + 1) * NBUF + b, b)
        return carry

    lax.fori_loop(0, J // NBUF - 1, grp, 0)

    for a in range(AJ):
        idx = act_tok.at[pl.ds(a * 128, 128)]
        pltpu.async_copy(act_hbm.at[idx], act_rows.at[a], asem)

    for b in range(NBUF):
        wait_gather(b)
        start_outcopy((J // NBUF - 1) * NBUF + b, b)
    wait_outcopy(0)
    start_gather(J - 1, 0)
    wait_gather(0)
    start_outcopy(J - 1, 0)
    for b in range(1, NBUF):
        wait_outcopy(b)
    wait_outcopy(0)

    for a in range(AJ):
        pltpu.make_async_copy(out_hbm.at[pl.ds(0, 128)], act_rows.at[a],
                              asem).wait()
    for a in range(AJ):
        pltpu.async_copy(act_rows.at[a], out_hbm.at[act_out.at[a]], asem)
    for a in range(AJ):
        pltpu.make_async_copy(act_rows.at[a], out_hbm.at[pl.ds(0, 128)],
                              asem).wait()


@jax.jit
def kernel(tokens, obs_table, act_table):
    tok1d = tokens.reshape(N)
    call = pl.kernel(
        _sc_body,
        out_type=jax.ShapeDtypeStruct((OUTR, D), jnp.float32),
        mesh=plsc.VectorSubcoreMesh(core_axis_name="c", subcore_axis_name="s"),
        compiler_params=pltpu.CompilerParams(use_tc_tiling_on_sc=False),
        scratch_types=[
            pltpu.VMEM((RPW,), jnp.int32),
            pltpu.VMEM((APW,), jnp.int32),
            pltpu.VMEM((AJ, 128), jnp.int32),
            pltpu.VMEM((J, 128), jnp.int32),
            pltpu.VMEM((NBUF, 128, D), jnp.float32),
            pltpu.VMEM((AJ, 128, D), jnp.float32),
        ] + [pltpu.SemaphoreType.DMA] * (2 * NBUF + 1),
    )
    out = call(tok1d, obs_table, act_table)
    return out.reshape(B, SPAD, 2 * D)[:, :S, :D]

# --- scband reference (transcript-rebuilt; emitter-appended) ---
"""Pipeline reference for scband-embedder-79147657331342 (READ-ONLY COPY).

The authoritative reference and input builder live on the scoring server;
editing this copy changes nothing except your own understanding.
"""

import jax, jax.numpy as jnp
import numpy as np

TOKENS_PER_BLOCK = 17
MAX_BLOCKS = 20
VOCAB = 100000
DIM = 64
BATCH = 1024
SEQ = 340


def setup_inputs(seed: int = 0) -> dict:
    key = jax.random.key(seed)
    k1, k2, k3 = jax.random.split(key, 3)
    tokens = jax.random.randint(k1, (BATCH, SEQ), 0, VOCAB, dtype=jnp.int32)
    obs_table = jax.random.normal(k2, (VOCAB, DIM), dtype=jnp.float32) * 0.02
    act_table = jax.random.normal(k3, (VOCAB, DIM), dtype=jnp.float32) * 0.02
    return {"tokens": tokens, "obs_table": obs_table, "act_table": act_table}


def reference(tokens, obs_table, act_table):
    # setup(): observation token pattern, last token of each block is an action
    pattern = jnp.ones(TOKENS_PER_BLOCK, dtype=bool).at[-1].set(False)
    observation_mask = jnp.tile(pattern, MAX_BLOCKS)
    # __call__
    observation_mask = observation_mask[: tokens.shape[1]]
    observation_emb = jnp.take(obs_table, tokens, axis=0)
    action_emb = jnp.take(act_table, tokens, axis=0)
    output = jnp.where(observation_mask[None, :, None], observation_emb, action_emb)
    return output

if __name__ == "__main__":
    import jax
    _d = setup_inputs()
    print(jax.jit(kernel)(*tuple(_d.values())))

</pallas_src>

<mosaic_0001>
#map = affine_map<(d0, d1) -> (0)>
#map1 = affine_map<(d0, d1) -> (0, 0)>
module attributes {stable_mosaic.version = 14 : i64} {
  func.func @_sc_body(%arg0: i32, %arg1: i32, %arg2: memref<348160xi32, #tpu.memory_space<hbm>>, %arg3: memref<100000x64xf32, #tpu.memory_space<hbm>>, %arg4: memref<100000x64xf32, #tpu.memory_space<hbm>>, %arg5: memref<704512x64xf32, #tpu.memory_space<hbm>>, %arg6: memref<10880xi32, #tpu.memory_space<vmem>>, %arg7: memref<640xi32, #tpu.memory_space<vmem>>, %arg8: memref<5x128xi32, #tpu.memory_space<vmem>>, %arg9: memref<85x128xi32, #tpu.memory_space<vmem>>, %arg10: memref<7x128x64xf32, #tpu.memory_space<vmem>>, %arg11: memref<5x128x64xf32, #tpu.memory_space<vmem>>, %arg12: memref<!tpu.dma_semaphore, #tpu.memory_space<semaphore_mem>>, %arg13: memref<!tpu.dma_semaphore, #tpu.memory_space<semaphore_mem>>, %arg14: memref<!tpu.dma_semaphore, #tpu.memory_space<semaphore_mem>>, %arg15: memref<!tpu.dma_semaphore, #tpu.memory_space<semaphore_mem>>, %arg16: memref<!tpu.dma_semaphore, #tpu.memory_space<semaphore_mem>>, %arg17: memref<!tpu.dma_semaphore, #tpu.memory_space<semaphore_mem>>, %arg18: memref<!tpu.dma_semaphore, #tpu.memory_space<semaphore_mem>>, %arg19: memref<!tpu.dma_semaphore, #tpu.memory_space<semaphore_mem>>, %arg20: memref<!tpu.dma_semaphore, #tpu.memory_space<semaphore_mem>>, %arg21: memref<!tpu.dma_semaphore, #tpu.memory_space<semaphore_mem>>, %arg22: memref<!tpu.dma_semaphore, #tpu.memory_space<semaphore_mem>>, %arg23: memref<!tpu.dma_semaphore, #tpu.memory_space<semaphore_mem>>, %arg24: memref<!tpu.dma_semaphore, #tpu.memory_space<semaphore_mem>>, %arg25: memref<!tpu.dma_semaphore, #tpu.memory_space<semaphore_mem>>, %arg26: memref<!tpu.dma_semaphore, #tpu.memory_space<semaphore_mem>>) attributes {dimension_semantics = [#tpu.dimension_semantics<core_parallel>, #tpu.dimension_semantics<subcore_parallel>], iteration_bounds = array<i64: 2, 16>, scalar_prefetch = 0 : i64, scratch_operands = 21 : i64, tpu.core_type = #tpu.core_type<sc_vector_subcore>, window_params = [{transform_indices = #map}, {transform_indices = #map1}, {transform_indices = #map1}, {transform_indices = #map1}]} {
    %mul3A = arith.constant 2 : i32
    %mul3A_0 = arith.muli %arg1, %mul3A : i32
    %add3A = arith.addi %mul3A_0, %arg0 : i32
    %mul3A_1 = arith.constant 10880 : i32
    %mul3A_2 = arith.muli %add3A, %mul3A_1 : i32
    %iota3A = tpu.iota {dimensions = array<i32: 0>} : vector<16xi32>
    "tpu.region"() ({
      %run_scoped3A = tpu.sem_alloc : memref<!tpu.dma_semaphore, #tpu.memory_space<semaphore_mem>>
      %dma_start3A_2013 = tpu.memref_slice %arg2[%mul3A_2] : memref<348160xi32, #tpu.memory_space<hbm>> -> memref<10880xi32, #tpu.memory_space<hbm>>
      %dma_start3A_2014 = tpu.memref_slice %arg2[%mul3A_2] : memref<348160xi32, #tpu.memory_space<hbm>> -> memref<10880xi32, #tpu.memory_space<hbm>>
      tpu.enqueue_dma source(%dma_start3A_2014 : memref<10880xi32, #tpu.memory_space<hbm>>) target(%arg6 : memref<10880xi32, #tpu.memory_space<vmem>>) target_semaphore(%run_scoped3A : memref<!tpu.dma_semaphore, #tpu.memory_space<semaphore_mem>>)
      %dma_wait3A_2015 = tpu.memref_slice %arg2[%mul3A_2] : memref<348160xi32, #tpu.memory_space<hbm>> -> memref<10880xi32, #tpu.memory_space<hbm>>
      %dma_wait3A_2016 = tpu.memref_slice %arg2[%mul3A_2] : memref<348160xi32, #tpu.memory_space<hbm>> -> memref<10880xi32, #tpu.memory_space<hbm>>
      tpu.wait_dma2 semaphore(%run_scoped3A : memref<!tpu.dma_semaphore, #tpu.memory_space<semaphore_mem>>) src(%dma_wait3A_2016 : memref<10880xi32, #tpu.memory_space<hbm>>) dst(%arg6 : memref<10880xi32, #tpu.memory_space<vmem>>)
      tpu.yield
    }) : () -> ()
    %dma_start3A = arith.constant 0 : i32
    %dma_start3A_3 = arith.constant 0 : i32
    %dma_start3A_4 = arith.constant 0 : i32
    %dma_start3A_5 = tpu.memref_slice %arg10[%dma_start3A, %dma_start3A_3, %dma_start3A_4] : memref<7x128x64xf32, #tpu.memory_space<vmem>> -> memref<1x128x64xf32, #tpu.memory_space<vmem>>
    %dma_start3A_6 = tpu.memref_squeeze %dma_start3A_5 : memref<1x128x64xf32, #tpu.memory_space<vmem>> -> memref<128x64xf32, #tpu.memory_space<vmem>>
    %dma_start3A_7 = arith.constant 0 : i32
    %dma_start3A_8 = tpu.memref_slice %arg6[%dma_start3A_7] : memref<10880xi32, #tpu.memory_space<vmem>> -> memref<128xi32, #tpu.memory_space<vmem>>
    %dma_start3A_9 = arith.constant 0 : i32
    %dma_start3A_10 = arith.constant 0 : i32
    %dma_start3A_11 = tpu.memref_slice %arg3[%dma_start3A_9, %dma_start3A_10] : memref<100000x64xf32, #tpu.memory_space<hbm>> -> memref<100000x64xf32, #tpu.memory_space<hbm>>
    tpu.enqueue_indirect_dma source(%dma_start3A_11 : memref<100000x64xf32, #tpu.memory_space<hbm>>) target(%dma_start3A_6 : memref<128x64xf32, #tpu.memory_space<vmem>>) offsets(%dma_start3A_8 : memref<128xi32, #tpu.memory_space<vmem>>) semaphore(%arg12 : memref<!tpu.dma_semaphore, #tpu.memory_space<semaphore_mem>>)
    %dma_start3A_12 = arith.constant 1 : i32
    %dma_start3A_13 = arith.constant 0 : i32
    %dma_start3A_14 = arith.constant 0 : i32
    %dma_start3A_15 = tpu.memref_slice %arg10[%dma_start3A_12, %dma_start3A_13, %dma_start3A_14] : memref<7x128x64xf32, #tpu.memory_space<vmem>> -> memref<1x128x64xf32, #tpu.memory_space<vmem>>
    %dma_start3A_16 = tpu.memref_squeeze %dma_start3A_15 : memref<1x128x64xf32, #tpu.memory_space<vmem>> -> memref<128x64xf32, #tpu.memory_space<vmem>>
    %dma_start3A_17 = arith.constant 128 : i32
    %dma_start3A_18 = tpu.memref_slice %arg6[%dma_start3A_17] : memref<10880xi32, #tpu.memory_space<vmem>> -> memref<128xi32, #tpu.memory_space<vmem>>
    %dma_start3A_19 = arith.constant 0 : i32
    %dma_start3A_20 = arith.constant 0 : i32
    %dma_start3A_21 = tpu.memref_slice %arg3[%dma_start3A_19, %dma_start3A_20] : memref<100000x64xf32, #tpu.memory_space<hbm>> -> memref<100000x64xf32, #tpu.memory_space<hbm>>
    tpu.enqueue_indirect_dma source(%dma_start3A_21 : memref<100000x64xf32, #tpu.memory_space<hbm>>) target(%dma_start3A_16 : memref<128x64xf32, #tpu.memory_space<vmem>>) offsets(%dma_start3A_18 : memref<128xi32, #tpu.memory_space<vmem>>) semaphore(%arg13 : memref<!tpu.dma_semaphore, #tpu.memory_space<semaphore_mem>>)
    %dma_start3A_22 = arith.constant 2 : i32
    %dma_start3A_23 = arith.constant 0 : i32
    %dma_start3A_24 = arith.constant 0 : i32
    %dma_start3A_25 = tpu.memref_slice %arg10[%dma_start3A_22, %dma_start3A_23, %dma_start3A_24] : memref<7x128x64xf32, #tpu.memory_space<vmem>> -> memref<1x128x64xf32, #tpu.memory_space<vmem>>
    %dma_start3A_26 = tpu.memref_squeeze %dma_start3A_25 : memref<1x128x64xf32, #tpu.memory_space<vmem>> -> memref<128x64xf32, #tpu.memory_space<vmem>>
    %dma_start3A_27 = arith.constant 256 : i32
    %dma_start3A_28 = tpu.memref_slice %arg6[%dma_start3A_27] : memref<10880xi32, #tpu.memory_space<vmem>> -> memref<128xi32, #tpu.memory_space<vmem>>
    %dma_start3A_29 = arith.constant 0 : i32
    %dma_start3A_30 = arith.constant 0 : i32
    %dma_start3A_31 = tpu.memref_slice %arg3[%dma_start3A_29, %dma_start3A_30] : memref<100000x64xf32, #tpu.memory_space<hbm>> -> memref<100000x64xf32, #tpu.memory_space<hbm>>
    tpu.enqueue_indirect_dma source(%dma_start3A_31 : memref<100000x64xf32, #tpu.memory_space<hbm>>) target(%dma_start3A_26 : memref<128x64xf32, #tpu.memory_space<vmem>>) offsets(%dma_start3A_28 : memref<128xi32, #tpu.memory_space<vmem>>) semaphore(%arg14 : memref<!tpu.dma_semaphore, #tpu.memory_space<semaphore_mem>>)
    %dma_start3A_32 = arith.constant 3 : i32
    %dma_start3A_33 = arith.constant 0 : i32
    %dma_start3A_34 = arith.constant 0 : i32
    %dma_start3A_35 = tpu.memref_slice %arg10[%dma_start3A_32, %dma_start3A_33, %dma_start3A_34] : memref<7x128x64xf32, #tpu.memory_space<vmem>> -> memref<1x128x64xf32, #tpu.memory_space<vmem>>
    %dma_start3A_36 = tpu.memref_squeeze %dma_start3A_35 : memref<1x128x64xf32, #tpu.memory_space<vmem>> -> memref<128x64xf32, #tpu.memory_space<vmem>>
    %dma_start3A_37 = arith.constant 384 : i32
    %dma_start3A_38 = tpu.memref_slice %arg6[%dma_start3A_37] : memref<10880xi32, #tpu.memory_space<vmem>> -> memref<128xi32, #tpu.memory_space<vmem>>
    %dma_start3A_39 = arith.constant 0 : i32
    %dma_start3A_40 = arith.constant 0 : i32
    %dma_start3A_41 = tpu.memref_slice %arg3[%dma_start3A_39, %dma_start3A_40] : memref<100000x64xf32, #tpu.memory_space<hbm>> -> memref<100000x64xf32, #tpu.memory_space<hbm>>
    tpu.enqueue_indirect_dma source(%dma_start3A_41 : memref<100000x64xf32, #tpu.memory_space<hbm>>) target(%dma_start3A_36 : memref<128x64xf32, #tpu.memory_space<vmem>>) offsets(%dma_start3A_38 : memref<128xi32, #tpu.memory_space<vmem>>) semaphore(%arg15 : memref<!tpu.dma_semaphore, #tpu.memory_space<semaphore_mem>>)
    %dma_start3A_42 = arith.constant 4 : i32
    %dma_start3A_43 = arith.constant 0 : i32
    %dma_start3A_44 = arith.constant 0 : i32
    %dma_start3A_45 = tpu.memref_slice %arg10[%dma_start3A_42, %dma_start3A_43, %dma_start3A_44] : memref<7x128x64xf32, #tpu.memory_space<vmem>> -> memref<1x128x64xf32, #tpu.memory_space<vmem>>
    %dma_start3A_46 = tpu.memref_squeeze %dma_start3A_45 : memref<1x128x64xf32, #tpu.memory_space<vmem>> -> memref<128x64xf32, #tpu.memory_space<vmem>>
    %dma_start3A_47 = arith.constant 512 : i32
    %dma_start3A_48 = tpu.memref_slice %arg6[%dma_start3A_47] : memref<10880xi32, #tpu.memory_space<vmem>> -> memref<128xi32, #tpu.memory_space<vmem>>
    %dma_start3A_49 = arith.constant 0 : i32
    %dma_start3A_50 = arith.constant 0 : i32
    %dma_start3A_51 = tpu.memref_slice %arg3[%dma_start3A_49, %dma_start3A_50] : memref<100000x64xf32, #tpu.memory_space<hbm>> -> memref<100000x64xf32, #tpu.memory_space<hbm>>
    tpu.enqueue_indirect_dma source(%dma_start3A_51 : memref<100000x64xf32, #tpu.memory_space<hbm>>) target(%dma_start3A_46 : memref<128x64xf32, #tpu.memory_space<vmem>>) offsets(%dma_start3A_48 : memref<128xi32, #tpu.memory_space<vmem>>) semaphore(%arg16 : memref<!tpu.dma_semaphore, #tpu.memory_space<semaphore_mem>>)
    %dma_start3A_52 = arith.constant 5 : i32
    %dma_start3A_53 = arith.constant 0 : i32
    %dma_start3A_54 = arith.constant 0 : i32
    %dma_start3A_55 = tpu.memref_slice %arg10[%dma_start3A_52, %dma_start3A_53, %dma_start3A_54] : memref<7x128x64xf32, #tpu.memory_space<vmem>> -> memref<1x128x64xf32, #tpu.memory_space<vmem>>
    %dma_start3A_56 = tpu.memref_squeeze %dma_start3A_55 : memref<1x128x64xf32, #tpu.memory_space<vmem>> -> memref<128x64xf32, #tpu.memory_space<vmem>>
    %dma_start3A_57 = arith.constant 640 : i32
    %dma_start3A_58 = tpu.memref_slice %arg6[%dma_start3A_57] : memref<10880xi32, #tpu.memory_space<vmem>> -> memref<128xi32, #tpu.memory_space<vmem>>
    %dma_start3A_59 = arith.constant 0 : i32
    %dma_start3A_60 = arith.constant 0 : i32
    %dma_start3A_61 = tpu.memref_slice %arg3[%dma_start3A_59, %dma_start3A_60] : memref<100000x64xf32, #tpu.memory_space<hbm>> -> memref<100000x64xf32, #tpu.memory_space<hbm>>
    tpu.enqueue_indirect_dma source(%dma_start3A_61 : memref<100000x64xf32, #tpu.memory_space<hbm>>) target(%dma_start3A_56 : memref<128x64xf32, #tpu.memory_space<vmem>>) offsets(%dma_start3A_58 : memref<128xi32, #tpu.memory_space<vmem>>) semaphore(%arg17 : memref<!tpu.dma_semaphore, #tpu.memory_space<semaphore_mem>>)
    %dma_start3A_62 = arith.constant 6 : i32
    %dma_start3A_63 = arith.constant 0 : i32
    %dma_start3A_64 = arith.constant 0 : i32
    %dma_start3A_65 = tpu.memref_slice %arg10[%dma_start3A_62, %dma_start3A_63, %dma_start3A_64] : memref<7x128x64xf32, #tpu.memory_space<vmem>> -> memref<1x128x64xf32, #tpu.memory_space<vmem>>
    %dma_start3A_66 = tpu.memref_squeeze %dma_start3A_65 : memref<1x128x64xf32, #tpu.memory_space<vmem>> -> memref<128x64xf32, #tpu.memory_space<vmem>>
    %dma_start3A_67 = arith.constant 768 : i32
    %dma_start3A_68 = tpu.memref_slice %arg6[%dma_start3A_67] : memref<10880xi32, #tpu.memory_space<vmem>> -> memref<128xi32, #tpu.memory_space<vmem>>
    %dma_start3A_69 = arith.constant 0 : i32
    %dma_start3A_70 = arith.constant 0 : i32
    %dma_start3A_71 = tpu.memref_slice %arg3[%dma_start3A_69, %dma_start3A_70] : memref<100000x64xf32, #tpu.memory_space<hbm>> -> memref<100000x64xf32, #tpu.memory_space<hbm>>
    tpu.enqueue_indirect_dma source(%dma_start3A_71 : memref<100000x64xf32, #tpu.memory_space<hbm>>) target(%dma_start3A_66 : memref<128x64xf32, #tpu.memory_space<vmem>>) offsets(%dma_start3A_68 : memref<128xi32, #tpu.memory_space<vmem>>) semaphore(%arg18 : memref<!tpu.dma_semaphore, #tpu.memory_space<semaphore_mem>>)
    %mul3A_72 = arith.constant 32 : i32
    %mul3A_73 = arith.muli %mul3A_72, %add3A : i32
    %scan3A = arith.constant 0 : i32
    %scan3A_74 = arith.constant 0 : i32
    %scan3A_75 = arith.constant 85 : i32
    %scan3A_76 = arith.addi %scan3A_74, %scan3A_75 : i32
    %scan3A_77 = arith.constant 1 : i32
    %scan3A_78:2 = scf.for %scan3A_2013 = %scan3A_74 to %scan3A_76 step %scan3A_77 iter_args(%scan3A_2014 = %mul3A_73, %scan3A_2015 = %scan3A) -> (i32, i32)  : i32 {
      %mul3A_2016 = arith.constant 688 : i32
      %mul3A_2017 = arith.muli %mul3A_2016, %scan3A_2014 : i32
      %mul3A_2018 = arith.constant 2 : i32
      %mul3A_2019 = arith.muli %mul3A_2018, %scan3A_2015 : i32
      %add3A_2020 = arith.addi %mul3A_2017, %mul3A_2019 : i32
      %add3A_2021 = arith.constant 0 : i32
      %add3A_2022 = vector.broadcast %add3A_2021 : i32 to vector<16xi32>
      %add3A_2023 = arith.addi %add3A_2022, %iota3A : vector<16xi32>
      %add3A_2024 = vector.broadcast %scan3A_2015 : i32 to vector<16xi32>
      %add3A_2025 = arith.addi %add3A_2024, %add3A_2023 : vector<16xi32>
      %mul3A_2026 = arith.constant 2 : i32
      %mul3A_2027 = vector.broadcast %mul3A_2026 : i32 to vector<16xi32>
      %mul3A_2028 = arith.muli %mul3A_2027, %add3A_2023 : vector<16xi32>
      %add3A_2029 = vector.broadcast %add3A_2020 : i32 to vector<16xi32>
      %add3A_2030 = arith.addi %add3A_2029, %mul3A_2028 : vector<16xi32>
      %ge3A_2031 = arith.constant 340 : i32
      %ge3A_2032 = vector.broadcast %ge3A_2031 : i32 to vector<16xi32>
      %ge3A_2033 = arith.cmpi sge, %add3A_2025, %ge3A_2032 : vector<16xi32>
      %broadcast_in_dim3A_2034 = arith.constant 8 : i32
      %broadcast_in_dim3A_2035 = vector.broadcast %broadcast_in_dim3A_2034 : i32 to vector<16xi32>
      %broadcast_in_dim3A_2036 = arith.constant 0 : i32
      %broadcast_in_dim3A_2037 = vector.broadcast %broadcast_in_dim3A_2036 : i32 to vector<16xi32>
      %select_n3A_2038 = arith.select %ge3A_2033, %broadcast_in_dim3A_2035, %broadcast_in_dim3A_2037 : vector<16xi1>, vector<16xi32>
      %add3A_2039 = arith.addi %add3A_2030, %select_n3A_2038 : vector<16xi32>
      %swap3A_2040 = arith.index_cast %scan3A_2013 : i32 to index
      %swap3A_2041 = arith.constant 0 : index
      %swap3A_2042 = tpu.vector_load %arg9[%swap3A_2040, %swap3A_2041] {strides = array<i32>} : memref<85x128xi32, #tpu.memory_space<vmem>>, vector<1x16xi32>,
      %swap3A_2043 = vector.shape_cast %swap3A_2042 : vector<1x16xi32> to vector<16xi32>
      %swap3A_2044 = vector.shape_cast %add3A_2039 : vector<16xi32> to vector<1x16xi32>
      tpu.vector_store %arg9[%swap3A_2040, %swap3A_2041], %swap3A_2044 {strides = array<i32>} : memref<85x128xi32, #tpu.memory_space<vmem>>, vector<1x16xi32>,
      %add3A_2045 = arith.constant 16 : i32
      %add3A_2046 = vector.broadcast %add3A_2045 : i32 to vector<16xi32>
      %add3A_2047 = arith.addi %add3A_2046, %iota3A : vector<16xi32>
      %add3A_2048 = vector.broadcast %scan3A_2015 : i32 to vector<16xi32>
      %add3A_2049 = arith.addi %add3A_2048, %add3A_2047 : vector<16xi32>
      %mul3A_2050 = arith.constant 2 : i32
      %mul3A_2051 = vector.broadcast %mul3A_2050 : i32 to vector<16xi32>
      %mul3A_2052 = arith.muli %mul3A_2051, %add3A_2047 : vector<16xi32>
      %add3A_2053 = vector.broadcast %add3A_2020 : i32 to vector<16xi32>
      %add3A_2054 = arith.addi %add3A_2053, %mul3A_2052 : vector<16xi32>
      %ge3A_2055 = arith.constant 340 : i32
      %ge3A_2056 = vector.broadcast %ge3A_2055 : i32 to vector<16xi32>
      %ge3A_2057 = arith.cmpi sge, %add3A_2049, %ge3A_2056 : vector<16xi32>
      %broadcast_in_dim3A_2058 = arith.constant 8 : i32
      %broadcast_in_dim3A_2059 = vector.broadcast %broadcast_in_dim3A_2058 : i32 to vector<16xi32>
      %broadcast_in_dim3A_2060 = arith.constant 0 : i32
      %broadcast_in_dim3A_2061 = vector.broadcast %broadcast_in_dim3A_2060 : i32 to vector<16xi32>
      %select_n3A_2062 = arith.select %ge3A_2057, %broadcast_in_dim3A_2059, %broadcast_in_dim3A_2061 : vector<16xi1>, vector<16xi32>
      %add3A_2063 = arith.addi %add3A_2054, %select_n3A_2062 : vector<16xi32>
      %swap3A_2064 = arith.index_cast %scan3A_2013 : i32 to index
      %swap3A_2065 = arith.constant 16 : index
      %swap3A_2066 = tpu.vector_load %arg9[%swap3A_2064, %swap3A_2065] {strides = array<i32>} : memref<85x128xi32, #tpu.memory_space<vmem>>, vector<1x16xi32>,
      %swap3A_2067 = vector.shape_cast %swap3A_2066 : vector<1x16xi32> to vector<16xi32>
      %swap3A_2068 = vector.shape_cast %add3A_2063 : vector<16xi32> to vector<1x16xi32>
      tpu.vector_store %arg9[%swap3A_2064, %swap3A_2065], %swap3A_2068 {strides = array<i32>} : memref<85x128xi32, #tpu.memory_space<vmem>>, vector<1x16xi32>,
      %add3A_2069 = arith.constant 32 : i32
      %add3A_2070 = vector.broadcast %add3A_2069 : i32 to vector<16xi32>
      %add3A_2071 = arith.addi %add3A_2070, %iota3A : vector<16xi32>
      %add3A_2072 = vector.broadcast %scan3A_2015 : i32 to vector<16xi32>
      %add3A_2073 = arith.addi %add3A_2072, %add3A_2071 : vector<16xi32>
      %mul3A_2074 = arith.constant 2 : i32
      %mul3A_2075 = vector.broadcast %mul3A_2074 : i32 to vector<16xi32>
      %mul3A_2076 = arith.muli %mul3A_2075, %add3A_2071 : vector<16xi32>
      %add3A_2077 = vector.broadcast %add3A_2020 : i32 to vector<16xi32>
      %add3A_2078 = arith.addi %add3A_2077, %mul3A_2076 : vector<16xi32>
      %ge3A_2079 = arith.constant 340 : i32
      %ge3A_2080 = vector.broadcast %ge3A_2079 : i32 to vector<16xi32>
      %ge3A_2081 = arith.cmpi sge, %add3A_2073, %ge3A_2080 : vector<16xi32>
      %broadcast_in_dim3A_2082 = arith.constant 8 : i32
      %broadcast_in_dim3A_2083 = vector.broadcast %broadcast_in_dim3A_2082 : i32 to vector<16xi32>
      %broadcast_in_dim3A_2084 = arith.constant 0 : i32
      %broadcast_in_dim3A_2085 = vector.broadcast %broadcast_in_dim3A_2084 : i32 to vector<16xi32>
      %select_n3A_2086 = arith.select %ge3A_2081, %broadcast_in_dim3A_2083, %broadcast_in_dim3A_2085 : vector<16xi1>, vector<16xi32>
      %add3A_2087 = arith.addi %add3A_2078, %select_n3A_2086 : vector<16xi32>
      %swap3A_2088 = arith.index_cast %scan3A_2013 : i32 to index
      %swap3A_2089 = arith.constant 32 : index
      %swap3A_2090 = tpu.vector_load %arg9[%swap3A_2088, %swap3A_2089] {strides = array<i32>} : memref<85x128xi32, #tpu.memory_space<vmem>>, vector<1x16xi32>,
      %swap3A_2091 = vector.shape_cast %swap3A_2090 : vector<1x16xi32> to vector<16xi32>
      %swap3A_2092 = vector.shape_cast %add3A_2087 : vector<16xi32> to vector<1x16xi32>
      tpu.vector_store %arg9[%swap3A_2088, %swap3A_2089], %swap3A_2092 {strides = array<i32>} : memref<85x128xi32, #tpu.memory_space<vmem>>, vector<1x16xi32>,
      %add3A_2093 = arith.constant 48 : i32
      %add3A_2094 = vector.broadcast %add3A_2093 : i32 to vector<16xi32>
      %add3A_2095 = arith.addi %add3A_2094, %iota3A : vector<16xi32>
      %add3A_2096 = vector.broadcast %scan3A_2015 : i32 to vector<16xi32>
      %add3A_2097 = arith.addi %add3A_2096, %add3A_2095 : vector<16xi32>
      %mul3A_2098 = arith.constant 2 : i32
      %mul3A_2099 = vector.broadcast %mul3A_2098 : i32 to vector<16xi32>
      %mul3A_2100 = arith.muli %mul3A_2099, %add3A_2095 : vector<16xi32>
      %add3A_2101 = vector.broadcast %add3A_2020 : i32 to vector<16xi32>
      %add3A_2102 = arith.addi %add3A_2101, %mul3A_2100 : vector<16xi32>
      %ge3A_2103 = arith.constant 340 : i32
      %ge3A_2104 = vector.broadcast %ge3A_2103 : i32 to vector<16xi32>
      %ge3A_2105 = arith.cmpi sge, %add3A_2097, %ge3A_2104 : vector<16xi32>
      %broadcast_in_dim3A_2106 = arith.constant 8 : i32
      %broadcast_in_dim3A_2107 = vector.broadcast %broadcast_in_dim3A_2106 : i32 to vector<16xi32>
      %broadcast_in_dim3A_2108 = arith.constant 0 : i32
      %broadcast_in_dim3A_2109 = vector.broadcast %broadcast_in_dim3A_2108 : i32 to vector<16xi32>
      %select_n3A_2110 = arith.select %ge3A_2105, %broadcast_in_dim3A_2107, %broadcast_in_dim3A_2109 : vector<16xi1>, vector<16xi32>
      %add3A_2111 = arith.addi %add3A_2102, %select_n3A_2110 : vector<16xi32>
      %swap3A_2112 = arith.index_cast %scan3A_2013 : i32 to index
      %swap3A_2113 = arith.constant 48 : index
      %swap3A_2114 = tpu.vector_load %arg9[%swap3A_2112, %swap3A_2113] {strides = array<i32>} : memref<85x128xi32, #tpu.memory_space<vmem>>, vector<1x16xi32>,
      %swap3A_2115 = vector.shape_cast %swap3A_2114 : vector<1x16xi32> to vector<16xi32>
      %swap3A_2116 = vector.shape_cast %add3A_2111 : vector<16xi32> to vector<1x16xi32>
      tpu.vector_store %arg9[%swap3A_2112, %swap3A_2113], %swap3A_2116 {strides = array<i32>} : memref<85x128xi32, #tpu.memory_space<vmem>>, vector<1x16xi32>,
      %add3A_2117 = arith.constant 64 : i32
      %add3A_2118 = vector.broadcast %add3A_2117 : i32 to vector<16xi32>
      %add3A_2119 = arith.addi %add3A_2118, %iota3A : vector<16xi32>
      %add3A_2120 = vector.broadcast %scan3A_2015 : i32 to vector<16xi32>
      %add3A_2121 = arith.addi %add3A_2120, %add3A_2119 : vector<16xi32>
      %mul3A_2122 = arith.constant 2 : i32
      %mul3A_2123 = vector.broadcast %mul3A_2122 : i32 to vector<16xi32>
      %mul3A_2124 = arith.muli %mul3A_2123, %add3A_2119 : vector<16xi32>
      %add3A_2125 = vector.broadcast %add3A_2020 : i32 to vector<16xi32>
      %add3A_2126 = arith.addi %add3A_2125, %mul3A_2124 : vector<16xi32>
      %ge3A_2127 = arith.constant 340 : i32
      %ge3A_2128 = vector.broadcast %ge3A_2127 : i32 to vector<16xi32>
      %ge3A_2129 = arith.cmpi sge, %add3A_2121, %ge3A_2128 : vector<16xi32>
      %broadcast_in_dim3A_2130 = arith.constant 8 : i32
      %broadcast_in_dim3A_2131 = vector.broadcast %broadcast_in_dim3A_2130 : i32 to vector<16xi32>
      %broadcast_in_dim3A_2132 = arith.constant 0 : i32
      %broadcast_in_dim3A_2133 = vector.broadcast %broadcast_in_dim3A_2132 : i32 to vector<16xi32>
      %select_n3A_2134 = arith.select %ge3A_2129, %broadcast_in_dim3A_2131, %broadcast_in_dim3A_2133 : vector<16xi1>, vector<16xi32>
      %add3A_2135 = arith.addi %add3A_2126, %select_n3A_2134 : vector<16xi32>
      %swap3A_2136 = arith.index_cast %scan3A_2013 : i32 to index
      %swap3A_2137 = arith.constant 64 : index
      %swap3A_2138 = tpu.vector_load %arg9[%swap3A_2136, %swap3A_2137] {strides = array<i32>} : memref<85x128xi32, #tpu.memory_space<vmem>>, vector<1x16xi32>,
      %swap3A_2139 = vector.shape_cast %swap3A_2138 : vector<1x16xi32> to vector<16xi32>
      %swap3A_2140 = vector.shape_cast %add3A_2135 : vector<16xi32> to vector<1x16xi32>
      tpu.vector_store %arg9[%swap3A_2136, %swap3A_2137], %swap3A_2140 {strides = array<i32>} : memref<85x128xi32, #tpu.memory_space<vmem>>, vector<1x16xi32>,
      %add3A_2141 = arith.constant 80 : i32
      %add3A_2142 = vector.broadcast %add3A_2141 : i32 to vector<16xi32>
      %add3A_2143 = arith.addi %add3A_2142, %iota3A : vector<16xi32>
      %add3A_2144 = vector.broadcast %scan3A_2015 : i32 to vector<16xi32>
      %add3A_2145 = arith.addi %add3A_2144, %add3A_2143 : vector<16xi32>
      %mul3A_2146 = arith.constant 2 : i32
      %mul3A_2147 = vector.broadcast %mul3A_2146 : i32 to vector<16xi32>
      %mul3A_2148 = arith.muli %mul3A_2147, %add3A_2143 : vector<16xi32>
      %add3A_2149 = vector.broadcast %add3A_2020 : i32 to vector<16xi32>
      %add3A_2150 = arith.addi %add3A_2149, %mul3A_2148 : vector<16xi32>
      %ge3A_2151 = arith.constant 340 : i32
      %ge3A_2152 = vector.broadcast %ge3A_2151 : i32 to vector<16xi32>
      %ge3A_2153 = arith.cmpi sge, %add3A_2145, %ge3A_2152 : vector<16xi32>
      %broadcast_in_dim3A_2154 = arith.constant 8 : i32
      %broadcast_in_dim3A_2155 = vector.broadcast %broadcast_in_dim3A_2154 : i32 to vector<16xi32>
      %broadcast_in_dim3A_2156 = arith.constant 0 : i32
      %broadcast_in_dim3A_2157 = vector.broadcast %broadcast_in_dim3A_2156 : i32 to vector<16xi32>
      %select_n3A_2158 = arith.select %ge3A_2153, %broadcast_in_dim3A_2155, %broadcast_in_dim3A_2157 : vector<16xi1>, vector<16xi32>
      %add3A_2159 = arith.addi %add3A_2150, %select_n3A_2158 : vector<16xi32>
      %swap3A_2160 = arith.index_cast %scan3A_2013 : i32 to index
      %swap3A_2161 = arith.constant 80 : index
      %swap3A_2162 = tpu.vector_load %arg9[%swap3A_2160, %swap3A_2161] {strides = array<i32>} : memref<85x128xi32, #tpu.memory_space<vmem>>, vector<1x16xi32>,
      %swap3A_2163 = vector.shape_cast %swap3A_2162 : vector<1x16xi32> to vector<16xi32>
      %swap3A_2164 = vector.shape_cast %add3A_2159 : vector<16xi32> to vector<1x16xi32>
      tpu.vector_store %arg9[%swap3A_2160, %swap3A_2161], %swap3A_2164 {strides = array<i32>} : memref<85x128xi32, #tpu.memory_space<vmem>>, vector<1x16xi32>,
      %add3A_2165 = arith.constant 96 : i32
      %add3A_2166 = vector.broadcast %add3A_2165 : i32 to vector<16xi32>
      %add3A_2167 = arith.addi %add3A_2166, %iota3A : vector<16xi32>
      %add3A_2168 = vector.broadcast %scan3A_2015 : i32 to vector<16xi32>
      %add3A_2169 = arith.addi %add3A_2168, %add3A_2167 : vector<16xi32>
      %mul3A_2170 = arith.constant 2 : i32
      %mul3A_2171 = vector.broadcast %mul3A_2170 : i32 to vector<16xi32>
      %mul3A_2172 = arith.muli %mul3A_2171, %add3A_2167 : vector<16xi32>
      %add3A_2173 = vector.broadcast %add3A_2020 : i32 to vector<16xi32>
      %add3A_2174 = arith.addi %add3A_2173, %mul3A_2172 : vector<16xi32>
      %ge3A_2175 = arith.constant 340 : i32
      %ge3A_2176 = vector.broadcast %ge3A_2175 : i32 to vector<16xi32>
      %ge3A_2177 = arith.cmpi sge, %add3A_2169, %ge3A_2176 : vector<16xi32>
      %broadcast_in_dim3A_2178 = arith.constant 8 : i32
      %broadcast_in_dim3A_2179 = vector.broadcast %broadcast_in_dim3A_2178 : i32 to vector<16xi32>
      %broadcast_in_dim3A_2180 = arith.constant 0 : i32
      %broadcast_in_dim3A_2181 = vector.broadcast %broadcast_in_dim3A_2180 : i32 to vector<16xi32>
      %select_n3A_2182 = arith.select %ge3A_2177, %broadcast_in_dim3A_2179, %broadcast_in_dim3A_2181 : vector<16xi1>, vector<16xi32>
      %add3A_2183 = arith.addi %add3A_2174, %select_n3A_2182 : vector<16xi32>
      %swap3A_2184 = arith.index_cast %scan3A_2013 : i32 to index
      %swap3A_2185 = arith.constant 96 : index
      %swap3A_2186 = tpu.vector_load %arg9[%swap3A_2184, %swap3A_2185] {strides = array<i32>} : memref<85x128xi32, #tpu.memory_space<vmem>>, vector<1x16xi32>,
      %swap3A_2187 = vector.shape_cast %swap3A_2186 : vector<1x16xi32> to vector<16xi32>
      %swap3A_2188 = vector.shape_cast %add3A_2183 : vector<16xi32> to vector<1x16xi32>
      tpu.vector_store %arg9[%swap3A_2184, %swap3A_2185], %swap3A_2188 {strides = array<i32>} : memref<85x128xi32, #tpu.memory_space<vmem>>, vector<1x16xi32>,
      %add3A_2189 = arith.constant 112 : i32
      %add3A_2190 = vector.broadcast %add3A_2189 : i32 to vector<16xi32>
      %add3A_2191 = arith.addi %add3A_2190, %iota3A : vector<16xi32>
      %add3A_2192 = vector.broadcast %scan3A_2015 : i32 to vector<16xi32>
      %add3A_2193 = arith.addi %add3A_2192, %add3A_2191 : vector<16xi32>
      %mul3A_2194 = arith.constant 2 : i32
      %mul3A_2195 = vector.broadcast %mul3A_2194 : i32 to vector<16xi32>
      %mul3A_2196 = arith.muli %mul3A_2195, %add3A_2191 : vector<16xi32>
      %add3A_2197 = vector.broadcast %add3A_2020 : i32 to vector<16xi32>
      %add3A_2198 = arith.addi %add3A_2197, %mul3A_2196 : vector<16xi32>
      %ge3A_2199 = arith.constant 340 : i32
      %ge3A_2200 = vector.broadcast %ge3A_2199 : i32 to vector<16xi32>
      %ge3A_2201 = arith.cmpi sge, %add3A_2193, %ge3A_2200 : vector<16xi32>
      %broadcast_in_dim3A_2202 = arith.constant 8 : i32
      %broadcast_in_dim3A_2203 = vector.broadcast %broadcast_in_dim3A_2202 : i32 to vector<16xi32>
      %broadcast_in_dim3A_2204 = arith.constant 0 : i32
      %broadcast_in_dim3A_2205 = vector.broadcast %broadcast_in_dim3A_2204 : i32 to vector<16xi32>
      %select_n3A_2206 = arith.select %ge3A_2201, %broadcast_in_dim3A_2203, %broadcast_in_dim3A_2205 : vector<16xi1>, vector<16xi32>
      %add3A_2207 = arith.addi %add3A_2198, %select_n3A_2206 : vector<16xi32>
      %swap3A_2208 = arith.index_cast %scan3A_2013 : i32 to index
      %swap3A_2209 = arith.constant 112 : index
      %swap3A_2210 = tpu.vector_load %arg9[%swap3A_2208, %swap3A_2209] {strides = array<i32>} : memref<85x128xi32, #tpu.memory_space<vmem>>, vector<1x16xi32>,
      %swap3A_2211 = vector.shape_cast %swap3A_2210 : vector<1x16xi32> to vector<16xi32>
      %swap3A_2212 = vector.shape_cast %add3A_2207 : vector<16xi32> to vector<1x16xi32>
      tpu.vector_store %arg9[%swap3A_2208, %swap3A_2209], %swap3A_2212 {strides = array<i32>} : memref<85x128xi32, #tpu.memory_space<vmem>>, vector<1x16xi32>,
      %add3A_2213 = arith.constant 128 : i32
      %add3A_2214 = arith.addi %scan3A_2015, %add3A_2213 : i32
      %ge3A_2215 = arith.constant 340 : i32
      %ge3A_2216 = arith.cmpi sge, %add3A_2214, %ge3A_2215 : i32
      %convert_element_type3A = arith.extui %ge3A_2216 : i1 to i32
      %add3A_2217 = arith.addi %scan3A_2014, %convert_element_type3A : i32
      %mul3A_2218 = arith.constant 340 : i32
      %mul3A_2219 = arith.muli %mul3A_2218, %convert_element_type3A : i32
      %sub3A = arith.subi %add3A_2214, %mul3A_2219 : i32
      scf.yield %add3A_2217, %sub3A : i32, i32
    }
    %scan3A_79 = arith.constant 85 : i32
    %scan3A_80 = arith.constant 0 : i32
    %scan3A_81 = arith.constant 0 : i32
    %scan3A_82 = arith.constant 40 : i32
    %scan3A_83 = arith.addi %scan3A_81, %scan3A_82 : i32
    %scan3A_84 = arith.constant 1 : i32
    scf.for %scan3A_2013 = %scan3A_81 to %scan3A_83 step %scan3A_84  : i32 {
      %mul3A_2014 = arith.constant 272 : i32
      %mul3A_2015 = arith.muli %scan3A_2013, %mul3A_2014 : i32
      %add3A_2016 = arith.constant 16 : i32
      %add3A_2017 = arith.addi %mul3A_2015, %add3A_2016 : i32
      %get3A = arith.index_cast %add3A_2017 : i32 to index
      %get3A_2018 = tpu.vector_load %arg6[%get3A] {strides = array<i32>} : memref<10880xi32, #tpu.memory_space<vmem>>, vector<16xi32>,
      %get3A_2019 = vector.shape_cast %get3A_2018 : vector<16xi32> to vector<16xi32>
      %add3A_2020 = arith.constant 32 : i32
      %add3A_2021 = arith.addi %mul3A_2015, %add3A_2020 : i32
      %get3A_2022 = arith.index_cast %add3A_2021 : i32 to index
      %get3A_2023 = tpu.vector_load %arg6[%get3A_2022] {strides = array<i32>} : memref<10880xi32, #tpu.memory_space<vmem>>, vector<16xi32>,
      %get3A_2024 = vector.shape_cast %get3A_2023 : vector<16xi32> to vector<16xi32>
      %eq3A = arith.constant 1 : i32
      %eq3A_2025 = vector.broadcast %eq3A : i32 to vector<16xi32>
      %eq3A_2026 = arith.cmpi eq, %iota3A, %eq3A_2025 : vector<16xi32>
      %select_n3A_2027 = arith.select %eq3A_2026, %get3A_2024, %get3A_2019 : vector<16xi1>, vector<16xi32>
      %add3A_2028 = arith.constant 48 : i32
      %add3A_2029 = arith.addi %mul3A_2015, %add3A_2028 : i32
      %get3A_2030 = arith.index_cast %add3A_2029 : i32 to index
      %get3A_2031 = tpu.vector_load %arg6[%get3A_2030] {strides = array<i32>} : memref<10880xi32, #tpu.memory_space<vmem>>, vector<16xi32>,
      %get3A_2032 = vector.shape_cast %get3A_2031 : vector<16xi32> to vector<16xi32>
      %eq3A_2033 = arith.constant 2 : i32
      %eq3A_2034 = vector.broadcast %eq3A_2033 : i32 to vector<16xi32>
      %eq3A_2035 = arith.cmpi eq, %iota3A, %eq3A_2034 : vector<16xi32>
      %select_n3A_2036 = arith.select %eq3A_2035, %get3A_2032, %select_n3A_2027 : vector<16xi1>, vector<16xi32>
      %add3A_2037 = arith.constant 64 : i32
      %add3A_2038 = arith.addi %mul3A_2015, %add3A_2037 : i32
      %get3A_2039 = arith.index_cast %add3A_2038 : i32 to index
      %get3A_2040 = tpu.vector_load %arg6[%get3A_2039] {strides = array<i32>} : memref<10880xi32, #tpu.memory_space<vmem>>, vector<16xi32>,
      %get3A_2041 = vector.shape_cast %get3A_2040 : vector<16xi32> to vector<16xi32>
      %eq3A_2042 = arith.constant 3 : i32
      %eq3A_2043 = vector.broadcast %eq3A_2042 : i32 to vector<16xi32>
      %eq3A_2044 = arith.cmpi eq, %iota3A, %eq3A_2043 : vector<16xi32>
      %select_n3A_2045 = arith.select %eq3A_2044, %get3A_2041, %select_n3A_2036 : vector<16xi1>, vector<16xi32>
      %add3A_2046 = arith.constant 80 : i32
      %add3A_2047 = arith.addi %mul3A_2015, %add3A_2046 : i32
      %get3A_2048 = arith.index_cast %add3A_2047 : i32 to index
      %get3A_2049 = tpu.vector_load %arg6[%get3A_2048] {strides = array<i32>} : memref<10880xi32, #tpu.memory_space<vmem>>, vector<16xi32>,
      %get3A_2050 = vector.shape_cast %get3A_2049 : vector<16xi32> to vector<16xi32>
      %eq3A_2051 = arith.constant 4 : i32
      %eq3A_2052 = vector.broadcast %eq3A_2051 : i32 to vector<16xi32>
      %eq3A_2053 = arith.cmpi eq, %iota3A, %eq3A_2052 : vector<16xi32>
      %select_n3A_2054 = arith.select %eq3A_2053, %get3A_2050, %select_n3A_2045 : vector<16xi1>, vector<16xi32>
      %add3A_2055 = arith.constant 96 : i32
      %add3A_2056 = arith.addi %mul3A_2015, %add3A_2055 : i32
      %get3A_2057 = arith.index_cast %add3A_2056 : i32 to index
      %get3A_2058 = tpu.vector_load %arg6[%get3A_2057] {strides = array<i32>} : memref<10880xi32, #tpu.memory_space<vmem>>, vector<16xi32>,
      %get3A_2059 = vector.shape_cast %get3A_2058 : vector<16xi32> to vector<16xi32>
      %eq3A_2060 = arith.constant 5 : i32
      %eq3A_2061 = vector.broadcast %eq3A_2060 : i32 to vector<16xi32>
      %eq3A_2062 = arith.cmpi eq, %iota3A, %eq3A_2061 : vector<16xi32>
      %select_n3A_2063 = arith.select %eq3A_2062, %get3A_2059, %select_n3A_2054 : vector<16xi1>, vector<16xi32>
      %add3A_2064 = arith.constant 112 : i32
      %add3A_2065 = arith.addi %mul3A_2015, %add3A_2064 : i32
      %get3A_2066 = arith.index_cast %add3A_2065 : i32 to index
      %get3A_2067 = tpu.vector_load %arg6[%get3A_2066] {strides = array<i32>} : memref<10880xi32, #tpu.memory_space<vmem>>, vector<16xi32>,
      %get3A_2068 = vector.shape_cast %get3A_2067 : vector<16xi32> to vector<16xi32>
      %eq3A_2069 = arith.constant 6 : i32
      %eq3A_2070 = vector.broadcast %eq3A_2069 : i32 to vector<16xi32>
      %eq3A_2071 = arith.cmpi eq, %iota3A, %eq3A_2070 : vector<16xi32>
      %select_n3A_2072 = arith.select %eq3A_2071, %get3A_2068, %select_n3A_2063 : vector<16xi1>, vector<16xi32>
      %add3A_2073 = arith.constant 128 : i32
      %add3A_2074 = arith.addi %mul3A_2015, %add3A_2073 : i32
      %get3A_2075 = arith.index_cast %add3A_2074 : i32 to index
      %get3A_2076 = tpu.vector_load %arg6[%get3A_2075] {strides = array<i32>} : memref<10880xi32, #tpu.memory_space<vmem>>, vector<16xi32>,
      %get3A_2077 = vector.shape_cast %get3A_2076 : vector<16xi32> to vector<16xi32>
      %eq3A_2078 = arith.constant 7 : i32
      %eq3A_2079 = vector.broadcast %eq3A_2078 : i32 to vector<16xi32>
      %eq3A_2080 = arith.cmpi eq, %iota3A, %eq3A_2079 : vector<16xi32>
      %select_n3A_2081 = arith.select %eq3A_2080, %get3A_2077, %select_n3A_2072 : vector<16xi1>, vector<16xi32>
      %add3A_2082 = arith.constant 144 : i32
      %add3A_2083 = arith.addi %mul3A_2015, %add3A_2082 : i32
      %get3A_2084 = arith.index_cast %add3A_2083 : i32 to index
      %get3A_2085 = tpu.vector_load %arg6[%get3A_2084] {strides = array<i32>} : memref<10880xi32, #tpu.memory_space<vmem>>, vector<16xi32>,
      %get3A_2086 = vector.shape_cast %get3A_2085 : vector<16xi32> to vector<16xi32>
      %eq3A_2087 = arith.constant 8 : i32
      %eq3A_2088 = vector.broadcast %eq3A_2087 : i32 to vector<16xi32>
      %eq3A_2089 = arith.cmpi eq, %iota3A, %eq3A_2088 : vector<16xi32>
      %select_n3A_2090 = arith.select %eq3A_2089, %get3A_2086, %select_n3A_2081 : vector<16xi1>, vector<16xi32>
      %add3A_2091 = arith.constant 160 : i32
      %add3A_2092 = arith.addi %mul3A_2015, %add3A_2091 : i32
      %get3A_2093 = arith.index_cast %add3A_2092 : i32 to index
      %get3A_2094 = tpu.vector_load %arg6[%get3A_2093] {strides = array<i32>} : memref<10880xi32, #tpu.memory_space<vmem>>, vector<16xi32>,
      %get3A_2095 = vector.shape_cast %get3A_2094 : vector<16xi32> to vector<16xi32>
      %eq3A_2096 = arith.constant 9 : i32
      %eq3A_2097 = vector.broadcast %eq3A_2096 : i32 to vector<16xi32>
      %eq3A_2098 = arith.cmpi eq, %iota3A, %eq3A_2097 : vector<16xi32>
      %select_n3A_2099 = arith.select %eq3A_2098, %get3A_2095, %select_n3A_2090 : vector<16xi1>, vector<16xi32>
      %add3A_2100 = arith.constant 176 : i32
      %add3A_2101 = arith.addi %mul3A_2015, %add3A_2100 : i32
      %get3A_2102 = arith.index_cast %add3A_2101 : i32 to index
      %get3A_2103 = tpu.vector_load %arg6[%get3A_2102] {strides = array<i32>} : memref<10880xi32, #tpu.memory_space<vmem>>, vector<16xi32>,
      %get3A_2104 = vector.shape_cast %get3A_2103 : vector<16xi32> to vector<16xi32>
      %eq3A_2105 = arith.constant 10 : i32
      %eq3A_2106 = vector.broadcast %eq3A_2105 : i32 to vector<16xi32>
      %eq3A_2107 = arith.cmpi eq, %iota3A, %eq3A_2106 : vector<16xi32>
      %select_n3A_2108 = arith.select %eq3A_2107, %get3A_2104, %select_n3A_2099 : vector<16xi1>, vector<16xi32>
      %add3A_2109 = arith.constant 192 : i32
      %add3A_2110 = arith.addi %mul3A_2015, %add3A_2109 : i32
      %get3A_2111 = arith.index_cast %add3A_2110 : i32 to index
      %get3A_2112 = tpu.vector_load %arg6[%get3A_2111] {strides = array<i32>} : memref<10880xi32, #tpu.memory_space<vmem>>, vector<16xi32>,
      %get3A_2113 = vector.shape_cast %get3A_2112 : vector<16xi32> to vector<16xi32>
      %eq3A_2114 = arith.constant 11 : i32
      %eq3A_2115 = vector.broadcast %eq3A_2114 : i32 to vector<16xi32>
      %eq3A_2116 = arith.cmpi eq, %iota3A, %eq3A_2115 : vector<16xi32>
      %select_n3A_2117 = arith.select %eq3A_2116, %get3A_2113, %select_n3A_2108 : vector<16xi1>, vector<16xi32>
      %add3A_2118 = arith.constant 208 : i32
      %add3A_2119 = arith.addi %mul3A_2015, %add3A_2118 : i32
      %get3A_2120 = arith.index_cast %add3A_2119 : i32 to index
      %get3A_2121 = tpu.vector_load %arg6[%get3A_2120] {strides = array<i32>} : memref<10880xi32, #tpu.memory_space<vmem>>, vector<16xi32>,
      %get3A_2122 = vector.shape_cast %get3A_2121 : vector<16xi32> to vector<16xi32>
      %eq3A_2123 = arith.constant 12 : i32
      %eq3A_2124 = vector.broadcast %eq3A_2123 : i32 to vector<16xi32>
      %eq3A_2125 = arith.cmpi eq, %iota3A, %eq3A_2124 : vector<16xi32>
      %select_n3A_2126 = arith.select %eq3A_2125, %get3A_2122, %select_n3A_2117 : vector<16xi1>, vector<16xi32>
      %add3A_2127 = arith.constant 224 : i32
      %add3A_2128 = arith.addi %mul3A_2015, %add3A_2127 : i32
      %get3A_2129 = arith.index_cast %add3A_2128 : i32 to index
      %get3A_2130 = tpu.vector_load %arg6[%get3A_2129] {strides = array<i32>} : memref<10880xi32, #tpu.memory_space<vmem>>, vector<16xi32>,
      %get3A_2131 = vector.shape_cast %get3A_2130 : vector<16xi32> to vector<16xi32>
      %eq3A_2132 = arith.constant 13 : i32
      %eq3A_2133 = vector.broadcast %eq3A_2132 : i32 to vector<16xi32>
      %eq3A_2134 = arith.cmpi eq, %iota3A, %eq3A_2133 : vector<16xi32>
      %select_n3A_2135 = arith.select %eq3A_2134, %get3A_2131, %select_n3A_2126 : vector<16xi1>, vector<16xi32>
      %add3A_2136 = arith.constant 240 : i32
      %add3A_2137 = arith.addi %mul3A_2015, %add3A_2136 : i32
      %get3A_2138 = arith.index_cast %add3A_2137 : i32 to index
      %get3A_2139 = tpu.vector_load %arg6[%get3A_2138] {strides = array<i32>} : memref<10880xi32, #tpu.memory_space<vmem>>, vector<16xi32>,
      %get3A_2140 = vector.shape_cast %get3A_2139 : vector<16xi32> to vector<16xi32>
      %eq3A_2141 = arith.constant 14 : i32
      %eq3A_2142 = vector.broadcast %eq3A_2141 : i32 to vector<16xi32>
      %eq3A_2143 = arith.cmpi eq, %iota3A, %eq3A_2142 : vector<16xi32>
      %select_n3A_2144 = arith.select %eq3A_2143, %get3A_2140, %select_n3A_2135 : vector<16xi1>, vector<16xi32>
      %add3A_2145 = arith.constant 256 : i32
      %add3A_2146 = arith.addi %mul3A_2015, %add3A_2145 : i32
      %get3A_2147 = arith.index_cast %add3A_2146 : i32 to index
      %get3A_2148 = tpu.vector_load %arg6[%get3A_2147] {strides = array<i32>} : memref<10880xi32, #tpu.memory_space<vmem>>, vector<16xi32>,
      %get3A_2149 = vector.shape_cast %get3A_2148 : vector<16xi32> to vector<16xi32>
      %eq3A_2150 = arith.constant 15 : i32
      %eq3A_2151 = vector.broadcast %eq3A_2150 : i32 to vector<16xi32>
      %eq3A_2152 = arith.cmpi eq, %iota3A, %eq3A_2151 : vector<16xi32>
      %select_n3A_2153 = arith.select %eq3A_2152, %get3A_2149, %select_n3A_2144 : vector<16xi1>, vector<16xi32>
      %mul3A_2154 = arith.constant 16 : i32
      %mul3A_2155 = arith.muli %scan3A_2013, %mul3A_2154 : i32
      %swap3A_2156 = arith.index_cast %mul3A_2155 : i32 to index
      %swap3A_2157 = tpu.vector_load %arg7[%swap3A_2156] {strides = array<i32>} : memref<640xi32, #tpu.memory_space<vmem>>, vector<16xi32>,
      %swap3A_2158 = vector.shape_cast %swap3A_2157 : vector<16xi32> to vector<16xi32>
      %swap3A_2159 = vector.shape_cast %select_n3A_2153 : vector<16xi32> to vector<16xi32>
      tpu.vector_store %arg7[%swap3A_2156], %swap3A_2159 {strides = array<i32>} : memref<640xi32, #tpu.memory_space<vmem>>, vector<16xi32>,
    }
    %scan3A_85 = arith.constant 40 : i32
    %mul3A_86 = arith.constant 17 : i32
    %mul3A_87 = vector.broadcast %mul3A_86 : i32 to vector<16xi32>
    %mul3A_88 = arith.muli %mul3A_87, %iota3A : vector<16xi32>
    %add3A_89 = arith.constant 0 : i32
    %add3A_90 = vector.broadcast %add3A_89 : i32 to vector<16xi32>
    %add3A_91 = arith.addi %add3A_90, %mul3A_88 : vector<16xi32>
    %add3A_92 = arith.constant 16 : i32
    %add3A_93 = vector.broadcast %add3A_92 : i32 to vector<16xi32>
    %add3A_94 = arith.addi %add3A_91, %add3A_93 : vector<16xi32>
    %mul3A_95 = arith.constant 22016 : i32
    %mul3A_96 = arith.muli %mul3A_95, %add3A : i32
    %add3A_97 = arith.constant 0 : i32
    %add3A_98 = arith.addi %mul3A_96, %add3A_97 : i32
    %mul3A_99 = arith.constant 2 : i32
    %mul3A_100 = vector.broadcast %mul3A_99 : i32 to vector<16xi32>
    %mul3A_101 = arith.muli %mul3A_100, %add3A_94 : vector<16xi32>
    %add3A_102 = vector.broadcast %add3A_98 : i32 to vector<16xi32>
    %add3A_103 = arith.addi %add3A_102, %mul3A_101 : vector<16xi32>
    %ge3A = arith.constant 340 : i32
    %ge3A_104 = vector.broadcast %ge3A : i32 to vector<16xi32>
    %ge3A_105 = arith.cmpi sge, %add3A_94, %ge3A_104 : vector<16xi32>
    %broadcast_in_dim3A = arith.constant 8 : i32
    %broadcast_in_dim3A_106 = vector.broadcast %broadcast_in_dim3A : i32 to vector<16xi32>
    %broadcast_in_dim3A_107 = arith.constant 0 : i32
    %broadcast_in_dim3A_108 = vector.broadcast %broadcast_in_dim3A_107 : i32 to vector<16xi32>
    %select_n3A = arith.select %ge3A_105, %broadcast_in_dim3A_106, %broadcast_in_dim3A_108 : vector<16xi1>, vector<16xi32>
    %add3A_109 = arith.addi %add3A_103, %select_n3A : vector<16xi32>
    %swap3A = arith.constant 0 : i32
    %swap3A_110 = arith.index_cast %swap3A : i32 to index
    %swap3A_111 = arith.constant 0 : index
    %swap3A_112 = tpu.vector_load %arg8[%swap3A_110, %swap3A_111] {strides = array<i32>} : memref<5x128xi32, #tpu.memory_space<vmem>>, vector<1x16xi32>,
    %swap3A_113 = vector.shape_cast %swap3A_112 : vector<1x16xi32> to vector<16xi32>
    %swap3A_114 = vector.shape_cast %add3A_109 : vector<16xi32> to vector<1x16xi32>
    tpu.vector_store %arg8[%swap3A_110, %swap3A_111], %swap3A_114 {strides = array<i32>} : memref<5x128xi32, #tpu.memory_space<vmem>>, vector<1x16xi32>,
    %mul3A_115 = arith.constant 17 : i32
    %mul3A_116 = vector.broadcast %mul3A_115 : i32 to vector<16xi32>
    %mul3A_117 = arith.muli %mul3A_116, %iota3A : vector<16xi32>
    %add3A_118 = arith.constant 272 : i32
    %add3A_119 = vector.broadcast %add3A_118 : i32 to vector<16xi32>
    %add3A_120 = arith.addi %add3A_119, %mul3A_117 : vector<16xi32>
    %add3A_121 = arith.constant 16 : i32
    %add3A_122 = vector.broadcast %add3A_121 : i32 to vector<16xi32>
    %add3A_123 = arith.addi %add3A_120, %add3A_122 : vector<16xi32>
    %mul3A_124 = arith.constant 22016 : i32
    %mul3A_125 = arith.muli %mul3A_124, %add3A : i32
    %add3A_126 = arith.constant 0 : i32
    %add3A_127 = arith.addi %mul3A_125, %add3A_126 : i32
    %mul3A_128 = arith.constant 2 : i32
    %mul3A_129 = vector.broadcast %mul3A_128 : i32 to vector<16xi32>
    %mul3A_130 = arith.muli %mul3A_129, %add3A_123 : vector<16xi32>
    %add3A_131 = vector.broadcast %add3A_127 : i32 to vector<16xi32>
    %add3A_132 = arith.addi %add3A_131, %mul3A_130 : vector<16xi32>
    %ge3A_133 = arith.constant 340 : i32
    %ge3A_134 = vector.broadcast %ge3A_133 : i32 to vector<16xi32>
    %ge3A_135 = arith.cmpi sge, %add3A_123, %ge3A_134 : vector<16xi32>
    %broadcast_in_dim3A_136 = arith.constant 8 : i32
    %broadcast_in_dim3A_137 = vector.broadcast %broadcast_in_dim3A_136 : i32 to vector<16xi32>
    %broadcast_in_dim3A_138 = arith.constant 0 : i32
    %broadcast_in_dim3A_139 = vector.broadcast %broadcast_in_dim3A_138 : i32 to vector<16xi32>
    %select_n3A_140 = arith.select %ge3A_135, %broadcast_in_dim3A_137, %broadcast_in_dim3A_139 : vector<16xi1>, vector<16xi32>
    %add3A_141 = arith.addi %add3A_132, %select_n3A_140 : vector<16xi32>
    %swap3A_142 = arith.constant 0 : i32
    %swap3A_143 = arith.index_cast %swap3A_142 : i32 to index
    %swap3A_144 = arith.constant 16 : index
    %swap3A_145 = tpu.vector_load %arg8[%swap3A_143, %swap3A_144] {strides = array<i32>} : memref<5x128xi32, #tpu.memory_space<vmem>>, vector<1x16xi32>,
    %swap3A_146 = vector.shape_cast %swap3A_145 : vector<1x16xi32> to vector<16xi32>
    %swap3A_147 = vector.shape_cast %add3A_141 : vector<16xi32> to vector<1x16xi32>
    tpu.vector_store %arg8[%swap3A_143, %swap3A_144], %swap3A_147 {strides = array<i32>} : memref<5x128xi32, #tpu.memory_space<vmem>>, vector<1x16xi32>,
    %mul3A_148 = arith.constant 17 : i32
    %mul3A_149 = vector.broadcast %mul3A_148 : i32 to vector<16xi32>
    %mul3A_150 = arith.muli %mul3A_149, %iota3A : vector<16xi32>
    %add3A_151 = arith.constant 544 : i32
    %add3A_152 = vector.broadcast %add3A_151 : i32 to vector<16xi32>
    %add3A_153 = arith.addi %add3A_152, %mul3A_150 : vector<16xi32>
    %add3A_154 = arith.constant 16 : i32
    %add3A_155 = vector.broadcast %add3A_154 : i32 to vector<16xi32>
    %add3A_156 = arith.addi %add3A_153, %add3A_155 : vector<16xi32>
    %mul3A_157 = arith.constant 22016 : i32
    %mul3A_158 = arith.muli %mul3A_157, %add3A : i32
    %add3A_159 = arith.constant 8 : i32
    %add3A_160 = arith.addi %mul3A_158, %add3A_159 : i32
    %mul3A_161 = arith.constant 2 : i32
    %mul3A_162 = vector.broadcast %mul3A_161 : i32 to vector<16xi32>
    %mul3A_163 = arith.muli %mul3A_162, %add3A_156 : vector<16xi32>
    %add3A_164 = vector.broadcast %add3A_160 : i32 to vector<16xi32>
    %add3A_165 = arith.addi %add3A_164, %mul3A_163 : vector<16xi32>
    %ge3A_166 = arith.constant 680 : i32
    %ge3A_167 = vector.broadcast %ge3A_166 : i32 to vector<16xi32>
    %ge3A_168 = arith.cmpi sge, %add3A_156, %ge3A_167 : vector<16xi32>
    %broadcast_in_dim3A_169 = arith.constant 8 : i32
    %broadcast_in_dim3A_170 = vector.broadcast %broadcast_in_dim3A_169 : i32 to vector<16xi32>
    %broadcast_in_dim3A_171 = arith.constant 0 : i32
    %broadcast_in_dim3A_172 = vector.broadcast %broadcast_in_dim3A_171 : i32 to vector<16xi32>
    %select_n3A_173 = arith.select %ge3A_168, %broadcast_in_dim3A_170, %broadcast_in_dim3A_172 : vector<16xi1>, vector<16xi32>
    %add3A_174 = arith.addi %add3A_165, %select_n3A_173 : vector<16xi32>
    %swap3A_175 = arith.constant 0 : i32
    %swap3A_176 = arith.index_cast %swap3A_175 : i32 to index
    %swap3A_177 = arith.constant 32 : index
    %swap3A_178 = tpu.vector_load %arg8[%swap3A_176, %swap3A_177] {strides = array<i32>} : memref<5x128xi32, #tpu.memory_space<vmem>>, vector<1x16xi32>,
    %swap3A_179 = vector.shape_cast %swap3A_178 : vector<1x16xi32> to vector<16xi32>
    %swap3A_180 = vector.shape_cast %add3A_174 : vector<16xi32> to vector<1x16xi32>
    tpu.vector_store %arg8[%swap3A_176, %swap3A_177], %swap3A_180 {strides = array<i32>} : memref<5x128xi32, #tpu.memory_space<vmem>>, vector<1x16xi32>,
    %mul3A_181 = arith.constant 17 : i32
    %mul3A_182 = vector.broadcast %mul3A_181 : i32 to vector<16xi32>
    %mul3A_183 = arith.muli %mul3A_182, %iota3A : vector<16xi32>
    %add3A_184 = arith.constant 816 : i32
    %add3A_185 = vector.broadcast %add3A_184 : i32 to vector<16xi32>
    %add3A_186 = arith.addi %add3A_185, %mul3A_183 : vector<16xi32>
    %add3A_187 = arith.constant 16 : i32
    %add3A_188 = vector.broadcast %add3A_187 : i32 to vector<16xi32>
    %add3A_189 = arith.addi %add3A_186, %add3A_188 : vector<16xi32>
    %mul3A_190 = arith.constant 22016 : i32
    %mul3A_191 = arith.muli %mul3A_190, %add3A : i32
    %add3A_192 = arith.constant 16 : i32
    %add3A_193 = arith.addi %mul3A_191, %add3A_192 : i32
    %mul3A_194 = arith.constant 2 : i32
    %mul3A_195 = vector.broadcast %mul3A_194 : i32 to vector<16xi32>
    %mul3A_196 = arith.muli %mul3A_195, %add3A_189 : vector<16xi32>
    %add3A_197 = vector.broadcast %add3A_193 : i32 to vector<16xi32>
    %add3A_198 = arith.addi %add3A_197, %mul3A_196 : vector<16xi32>
    %ge3A_199 = arith.constant 1020 : i32
    %ge3A_200 = vector.broadcast %ge3A_199 : i32 to vector<16xi32>
    %ge3A_201 = arith.cmpi sge, %add3A_189, %ge3A_200 : vector<16xi32>
    %broadcast_in_dim3A_202 = arith.constant 8 : i32
    %broadcast_in_dim3A_203 = vector.broadcast %broadcast_in_dim3A_202 : i32 to vector<16xi32>
    %broadcast_in_dim3A_204 = arith.constant 0 : i32
    %broadcast_in_dim3A_205 = vector.broadcast %broadcast_in_dim3A_204 : i32 to vector<16xi32>
    %select_n3A_206 = arith.select %ge3A_201, %broadcast_in_dim3A_203, %broadcast_in_dim3A_205 : vector<16xi1>, vector<16xi32>
    %add3A_207 = arith.addi %add3A_198, %select_n3A_206 : vector<16xi32>
    %swap3A_208 = arith.constant 0 : i32
    %swap3A_209 = arith.index_cast %swap3A_208 : i32 to index
    %swap3A_210 = arith.constant 48 : index
    %swap3A_211 = tpu.vector_load %arg8[%swap3A_209, %swap3A_210] {strides = array<i32>} : memref<5x128xi32, #tpu.memory_space<vmem>>, vector<1x16xi32>,
    %swap3A_212 = vector.shape_cast %swap3A_211 : vector<1x16xi32> to vector<16xi32>
    %swap3A_213 = vector.shape_cast %add3A_207 : vector<16xi32> to vector<1x16xi32>
    tpu.vector_store %arg8[%swap3A_209, %swap3A_210], %swap3A_213 {strides = array<i32>} : memref<5x128xi32, #tpu.memory_space<vmem>>, vector<1x16xi32>,
    %mul3A_214 = arith.constant 17 : i32
    %mul3A_215 = vector.broadcast %mul3A_214 : i32 to vector<16xi32>
    %mul3A_216 = arith.muli %mul3A_215, %iota3A : vector<16xi32>
    %add3A_217 = arith.constant 1088 : i32
    %add3A_218 = vector.broadcast %add3A_217 : i32 to vector<16xi32>
    %add3A_219 = arith.addi %add3A_218, %mul3A_216 : vector<16xi32>
    %add3A_220 = arith.constant 16 : i32
    %add3A_221 = vector.broadcast %add3A_220 : i32 to vector<16xi32>
    %add3A_222 = arith.addi %add3A_219, %add3A_221 : vector<16xi32>
    %mul3A_223 = arith.constant 22016 : i32
    %mul3A_224 = arith.muli %mul3A_223, %add3A : i32
    %add3A_225 = arith.constant 24 : i32
    %add3A_226 = arith.addi %mul3A_224, %add3A_225 : i32
    %mul3A_227 = arith.constant 2 : i32
    %mul3A_228 = vector.broadcast %mul3A_227 : i32 to vector<16xi32>
    %mul3A_229 = arith.muli %mul3A_228, %add3A_222 : vector<16xi32>
    %add3A_230 = vector.broadcast %add3A_226 : i32 to vector<16xi32>
    %add3A_231 = arith.addi %add3A_230, %mul3A_229 : vector<16xi32>
    %ge3A_232 = arith.constant 1360 : i32
    %ge3A_233 = vector.broadcast %ge3A_232 : i32 to vector<16xi32>
    %ge3A_234 = arith.cmpi sge, %add3A_222, %ge3A_233 : vector<16xi32>
    %broadcast_in_dim3A_235 = arith.constant 8 : i32
    %broadcast_in_dim3A_236 = vector.broadcast %broadcast_in_dim3A_235 : i32 to vector<16xi32>
    %broadcast_in_dim3A_237 = arith.constant 0 : i32
    %broadcast_in_dim3A_238 = vector.broadcast %broadcast_in_dim3A_237 : i32 to vector<16xi32>
    %select_n3A_239 = arith.select %ge3A_234, %broadcast_in_dim3A_236, %broadcast_in_dim3A_238 : vector<16xi1>, vector<16xi32>
    %add3A_240 = arith.addi %add3A_231, %select_n3A_239 : vector<16xi32>
    %swap3A_241 = arith.constant 0 : i32
    %swap3A_242 = arith.index_cast %swap3A_241 : i32 to index
    %swap3A_243 = arith.constant 64 : index
    %swap3A_244 = tpu.vector_load %arg8[%swap3A_242, %swap3A_243] {strides = array<i32>} : memref<5x128xi32, #tpu.memory_space<vmem>>, vector<1x16xi32>,
    %swap3A_245 = vector.shape_cast %swap3A_244 : vector<1x16xi32> to vector<16xi32>
    %swap3A_246 = vector.shape_cast %add3A_240 : vector<16xi32> to vector<1x16xi32>
    tpu.vector_store %arg8[%swap3A_242, %swap3A_243], %swap3A_246 {strides = array<i32>} : memref<5x128xi32, #tpu.memory_space<vmem>>, vector<1x16xi32>,
    %mul3A_247 = arith.constant 17 : i32
    %mul3A_248 = vector.broadcast %mul3A_247 : i32 to vector<16xi32>
    %mul3A_249 = arith.muli %mul3A_248, %iota3A : vector<16xi32>
    %add3A_250 = arith.constant 1360 : i32
    %add3A_251 = vector.broadcast %add3A_250 : i32 to vector<16xi32>
    %add3A_252 = arith.addi %add3A_251, %mul3A_249 : vector<16xi32>
    %add3A_253 = arith.constant 16 : i32
    %add3A_254 = vector.broadcast %add3A_253 : i32 to vector<16xi32>
    %add3A_255 = arith.addi %add3A_252, %add3A_254 : vector<16xi32>
    %mul3A_256 = arith.constant 22016 : i32
    %mul3A_257 = arith.muli %mul3A_256, %add3A : i32
    %add3A_258 = arith.constant 32 : i32
    %add3A_259 = arith.addi %mul3A_257, %add3A_258 : i32
    %mul3A_260 = arith.constant 2 : i32
    %mul3A_261 = vector.broadcast %mul3A_260 : i32 to vector<16xi32>
    %mul3A_262 = arith.muli %mul3A_261, %add3A_255 : vector<16xi32>
    %add3A_263 = vector.broadcast %add3A_259 : i32 to vector<16xi32>
    %add3A_264 = arith.addi %add3A_263, %mul3A_262 : vector<16xi32>
    %ge3A_265 = arith.constant 1700 : i32
    %ge3A_266 = vector.broadcast %ge3A_265 : i32 to vector<16xi32>
    %ge3A_267 = arith.cmpi sge, %add3A_255, %ge3A_266 : vector<16xi32>
    %broadcast_in_dim3A_268 = arith.constant 8 : i32
    %broadcast_in_dim3A_269 = vector.broadcast %broadcast_in_dim3A_268 : i32 to vector<16xi32>
    %broadcast_in_dim3A_270 = arith.constant 0 : i32
    %broadcast_in_dim3A_271 = vector.broadcast %broadcast_in_dim3A_270 : i32 to vector<16xi32>
    %select_n3A_272 = arith.select %ge3A_267, %broadcast_in_dim3A_269, %broadcast_in_dim3A_271 : vector<16xi1>, vector<16xi32>
    %add3A_273 = arith.addi %add3A_264, %select_n3A_272 : vector<16xi32>
    %swap3A_274 = arith.constant 0 : i32
    %swap3A_275 = arith.index_cast %swap3A_274 : i32 to index
    %swap3A_276 = arith.constant 80 : index
    %swap3A_277 = tpu.vector_load %arg8[%swap3A_275, %swap3A_276] {strides = array<i32>} : memref<5x128xi32, #tpu.memory_space<vmem>>, vector<1x16xi32>,
    %swap3A_278 = vector.shape_cast %swap3A_277 : vector<1x16xi32> to vector<16xi32>
    %swap3A_279 = vector.shape_cast %add3A_273 : vector<16xi32> to vector<1x16xi32>
    tpu.vector_store %arg8[%swap3A_275, %swap3A_276], %swap3A_279 {strides = array<i32>} : memref<5x128xi32, #tpu.memory_space<vmem>>, vector<1x16xi32>,
    %mul3A_280 = arith.constant 17 : i32
    %mul3A_281 = vector.broadcast %mul3A_280 : i32 to vector<16xi32>
    %mul3A_282 = arith.muli %mul3A_281, %iota3A : vector<16xi32>
    %add3A_283 = arith.constant 1632 : i32
    %add3A_284 = vector.broadcast %add3A_283 : i32 to vector<16xi32>
    %add3A_285 = arith.addi %add3A_284, %mul3A_282 : vector<16xi32>
    %add3A_286 = arith.constant 16 : i32
    %add3A_287 = vector.broadcast %add3A_286 : i32 to vector<16xi32>
    %add3A_288 = arith.addi %add3A_285, %add3A_287 : vector<16xi32>
    %mul3A_289 = arith.constant 22016 : i32
    %mul3A_290 = arith.muli %mul3A_289, %add3A : i32
    %add3A_291 = arith.constant 32 : i32
    %add3A_292 = arith.addi %mul3A_290, %add3A_291 : i32
    %mul3A_293 = arith.constant 2 : i32
    %mul3A_294 = vector.broadcast %mul3A_293 : i32 to vector<16xi32>
    %mul3A_295 = arith.muli %mul3A_294, %add3A_288 : vector<16xi32>
    %add3A_296 = vector.broadcast %add3A_292 : i32 to vector<16xi32>
    %add3A_297 = arith.addi %add3A_296, %mul3A_295 : vector<16xi32>
    %ge3A_298 = arith.constant 1700 : i32
    %ge3A_299 = vector.broadcast %ge3A_298 : i32 to vector<16xi32>
    %ge3A_300 = arith.cmpi sge, %add3A_288, %ge3A_299 : vector<16xi32>
    %broadcast_in_dim3A_301 = arith.constant 8 : i32
    %broadcast_in_dim3A_302 = vector.broadcast %broadcast_in_dim3A_301 : i32 to vector<16xi32>
    %broadcast_in_dim3A_303 = arith.constant 0 : i32
    %broadcast_in_dim3A_304 = vector.broadcast %broadcast_in_dim3A_303 : i32 to vector<16xi32>
    %select_n3A_305 = arith.select %ge3A_300, %broadcast_in_dim3A_302, %broadcast_in_dim3A_304 : vector<16xi1>, vector<16xi32>
    %add3A_306 = arith.addi %add3A_297, %select_n3A_305 : vector<16xi32>
    %swap3A_307 = arith.constant 0 : i32
    %swap3A_308 = arith.index_cast %swap3A_307 : i32 to index
    %swap3A_309 = arith.constant 96 : index
    %swap3A_310 = tpu.vector_load %arg8[%swap3A_308, %swap3A_309] {strides = array<i32>} : memref<5x128xi32, #tpu.memory_space<vmem>>, vector<1x16xi32>,
    %swap3A_311 = vector.shape_cast %swap3A_310 : vector<1x16xi32> to vector<16xi32>
    %swap3A_312 = vector.shape_cast %add3A_306 : vector<16xi32> to vector<1x16xi32>
    tpu.vector_store %arg8[%swap3A_308, %swap3A_309], %swap3A_312 {strides = array<i32>} : memref<5x128xi32, #tpu.memory_space<vmem>>, vector<1x16xi32>,
    %mul3A_313 = arith.constant 17 : i32
    %mul3A_314 = vector.broadcast %mul3A_313 : i32 to vector<16xi32>
    %mul3A_315 = arith.muli %mul3A_314, %iota3A : vector<16xi32>
    %add3A_316 = arith.constant 1904 : i32
    %add3A_317 = vector.broadcast %add3A_316 : i32 to vector<16xi32>
    %add3A_318 = arith.addi %add3A_317, %mul3A_315 : vector<16xi32>
    %add3A_319 = arith.constant 16 : i32
    %add3A_320 = vector.broadcast %add3A_319 : i32 to vector<16xi32>
    %add3A_321 = arith.addi %add3A_318, %add3A_320 : vector<16xi32>
    %mul3A_322 = arith.constant 22016 : i32
    %mul3A_323 = arith.muli %mul3A_322, %add3A : i32
    %add3A_324 = arith.constant 40 : i32
    %add3A_325 = arith.addi %mul3A_323, %add3A_324 : i32
    %mul3A_326 = arith.constant 2 : i32
    %mul3A_327 = vector.broadcast %mul3A_326 : i32 to vector<16xi32>
    %mul3A_328 = arith.muli %mul3A_327, %add3A_321 : vector<16xi32>
    %add3A_329 = vector.broadcast %add3A_325 : i32 to vector<16xi32>
    %add3A_330 = arith.addi %add3A_329, %mul3A_328 : vector<16xi32>
    %ge3A_331 = arith.constant 2040 : i32
    %ge3A_332 = vector.broadcast %ge3A_331 : i32 to vector<16xi32>
    %ge3A_333 = arith.cmpi sge, %add3A_321, %ge3A_332 : vector<16xi32>
    %broadcast_in_dim3A_334 = arith.constant 8 : i32
    %broadcast_in_dim3A_335 = vector.broadcast %broadcast_in_dim3A_334 : i32 to vector<16xi32>
    %broadcast_in_dim3A_336 = arith.constant 0 : i32
    %broadcast_in_dim3A_337 = vector.broadcast %broadcast_in_dim3A_336 : i32 to vector<16xi32>
    %select_n3A_338 = arith.select %ge3A_333, %broadcast_in_dim3A_335, %broadcast_in_dim3A_337 : vector<16xi1>, vector<16xi32>
    %add3A_339 = arith.addi %add3A_330, %select_n3A_338 : vector<16xi32>
    %swap3A_340 = arith.constant 0 : i32
    %swap3A_341 = arith.index_cast %swap3A_340 : i32 to index
    %swap3A_342 = arith.constant 112 : index
    %swap3A_343 = tpu.vector_load %arg8[%swap3A_341, %swap3A_342] {strides = array<i32>} : memref<5x128xi32, #tpu.memory_space<vmem>>, vector<1x16xi32>,
    %swap3A_344 = vector.shape_cast %swap3A_343 : vector<1x16xi32> to vector<16xi32>
    %swap3A_345 = vector.shape_cast %add3A_339 : vector<16xi32> to vector<1x16xi32>
    tpu.vector_store %arg8[%swap3A_341, %swap3A_342], %swap3A_345 {strides = array<i32>} : memref<5x128xi32, #tpu.memory_space<vmem>>, vector<1x16xi32>,
    %mul3A_346 = arith.constant 17 : i32
    %mul3A_347 = vector.broadcast %mul3A_346 : i32 to vector<16xi32>
    %mul3A_348 = arith.muli %mul3A_347, %iota3A : vector<16xi32>
    %add3A_349 = arith.constant 2176 : i32
    %add3A_350 = vector.broadcast %add3A_349 : i32 to vector<16xi32>
    %add3A_351 = arith.addi %add3A_350, %mul3A_348 : vector<16xi32>
    %add3A_352 = arith.constant 16 : i32
    %add3A_353 = vector.broadcast %add3A_352 : i32 to vector<16xi32>
    %add3A_354 = arith.addi %add3A_351, %add3A_353 : vector<16xi32>
    %mul3A_355 = arith.constant 22016 : i32
    %mul3A_356 = arith.muli %mul3A_355, %add3A : i32
    %add3A_357 = arith.constant 48 : i32
    %add3A_358 = arith.addi %mul3A_356, %add3A_357 : i32
    %mul3A_359 = arith.constant 2 : i32
    %mul3A_360 = vector.broadcast %mul3A_359 : i32 to vector<16xi32>
    %mul3A_361 = arith.muli %mul3A_360, %add3A_354 : vector<16xi32>
    %add3A_362 = vector.broadcast %add3A_358 : i32 to vector<16xi32>
    %add3A_363 = arith.addi %add3A_362, %mul3A_361 : vector<16xi32>
    %ge3A_364 = arith.constant 2380 : i32
    %ge3A_365 = vector.broadcast %ge3A_364 : i32 to vector<16xi32>
    %ge3A_366 = arith.cmpi sge, %add3A_354, %ge3A_365 : vector<16xi32>
    %broadcast_in_dim3A_367 = arith.constant 8 : i32
    %broadcast_in_dim3A_368 = vector.broadcast %broadcast_in_dim3A_367 : i32 to vector<16xi32>
    %broadcast_in_dim3A_369 = arith.constant 0 : i32
    %broadcast_in_dim3A_370 = vector.broadcast %broadcast_in_dim3A_369 : i32 to vector<16xi32>
    %select_n3A_371 = arith.select %ge3A_366, %broadcast_in_dim3A_368, %broadcast_in_dim3A_370 : vector<16xi1>, vector<16xi32>
    %add3A_372 = arith.addi %add3A_363, %select_n3A_371 : vector<16xi32>
    %swap3A_373 = arith.constant 1 : i32
    %swap3A_374 = arith.index_cast %swap3A_373 : i32 to index
    %swap3A_375 = arith.constant 0 : index
    %swap3A_376 = tpu.vector_load %arg8[%swap3A_374, %swap3A_375] {strides = array<i32>} : memref<5x128xi32, #tpu.memory_space<vmem>>, vector<1x16xi32>,
    %swap3A_377 = vector.shape_cast %swap3A_376 : vector<1x16xi32> to vector<16xi32>
    %swap3A_378 = vector.shape_cast %add3A_372 : vector<16xi32> to vector<1x16xi32>
    tpu.vector_store %arg8[%swap3A_374, %swap3A_375], %swap3A_378 {strides = array<i32>} : memref<5x128xi32, #tpu.memory_space<vmem>>, vector<1x16xi32>,
    %mul3A_379 = arith.constant 17 : i32
    %mul3A_380 = vector.broadcast %mul3A_379 : i32 to vector<16xi32>
    %mul3A_381 = arith.muli %mul3A_380, %iota3A : vector<16xi32>
    %add3A_382 = arith.constant 2448 : i32
    %add3A_383 = vector.broadcast %add3A_382 : i32 to vector<16xi32>
    %add3A_384 = arith.addi %add3A_383, %mul3A_381 : vector<16xi32>
    %add3A_385 = arith.constant 16 : i32
    %add3A_386 = vector.broadcast %add3A_385 : i32 to vector<16xi32>
    %add3A_387 = arith.addi %add3A_384, %add3A_386 : vector<16xi32>
    %mul3A_388 = arith.constant 22016 : i32
    %mul3A_389 = arith.muli %mul3A_388, %add3A : i32
    %add3A_390 = arith.constant 56 : i32
    %add3A_391 = arith.addi %mul3A_389, %add3A_390 : i32
    %mul3A_392 = arith.constant 2 : i32
    %mul3A_393 = vector.broadcast %mul3A_392 : i32 to vector<16xi32>
    %mul3A_394 = arith.muli %mul3A_393, %add3A_387 : vector<16xi32>
    %add3A_395 = vector.broadcast %add3A_391 : i32 to vector<16xi32>
    %add3A_396 = arith.addi %add3A_395, %mul3A_394 : vector<16xi32>
    %ge3A_397 = arith.constant 2720 : i32
    %ge3A_398 = vector.broadcast %ge3A_397 : i32 to vector<16xi32>
    %ge3A_399 = arith.cmpi sge, %add3A_387, %ge3A_398 : vector<16xi32>
    %broadcast_in_dim3A_400 = arith.constant 8 : i32
    %broadcast_in_dim3A_401 = vector.broadcast %broadcast_in_dim3A_400 : i32 to vector<16xi32>
    %broadcast_in_dim3A_402 = arith.constant 0 : i32
    %broadcast_in_dim3A_403 = vector.broadcast %broadcast_in_dim3A_402 : i32 to vector<16xi32>
    %select_n3A_404 = arith.select %ge3A_399, %broadcast_in_dim3A_401, %broadcast_in_dim3A_403 : vector<16xi1>, vector<16xi32>
    %add3A_405 = arith.addi %add3A_396, %select_n3A_404 : vector<16xi32>
    %swap3A_406 = arith.constant 1 : i32
    %swap3A_407 = arith.index_cast %swap3A_406 : i32 to index
    %swap3A_408 = arith.constant 16 : index
    %swap3A_409 = tpu.vector_load %arg8[%swap3A_407, %swap3A_408] {strides = array<i32>} : memref<5x128xi32, #tpu.memory_space<vmem>>, vector<1x16xi32>,
    %swap3A_410 = vector.shape_cast %swap3A_409 : vector<1x16xi32> to vector<16xi32>
    %swap3A_411 = vector.shape_cast %add3A_405 : vector<16xi32> to vector<1x16xi32>
    tpu.vector_store %arg8[%swap3A_407, %swap3A_408], %swap3A_411 {strides = array<i32>} : memref<5x128xi32, #tpu.memory_space<vmem>>, vector<1x16xi32>,
    %mul3A_412 = arith.constant 17 : i32
    %mul3A_413 = vector.broadcast %mul3A_412 : i32 to vector<16xi32>
    %mul3A_414 = arith.muli %mul3A_413, %iota3A : vector<16xi32>
    %add3A_415 = arith.constant 2720 : i32
    %add3A_416 = vector.broadcast %add3A_415 : i32 to vector<16xi32>
    %add3A_417 = arith.addi %add3A_416, %mul3A_414 : vector<16xi32>
    %add3A_418 = arith.constant 16 : i32
    %add3A_419 = vector.broadcast %add3A_418 : i32 to vector<16xi32>
    %add3A_420 = arith.addi %add3A_417, %add3A_419 : vector<16xi32>
    %mul3A_421 = arith.constant 22016 : i32
    %mul3A_422 = arith.muli %mul3A_421, %add3A : i32
    %add3A_423 = arith.constant 64 : i32
    %add3A_424 = arith.addi %mul3A_422, %add3A_423 : i32
    %mul3A_425 = arith.constant 2 : i32
    %mul3A_426 = vector.broadcast %mul3A_425 : i32 to vector<16xi32>
    %mul3A_427 = arith.muli %mul3A_426, %add3A_420 : vector<16xi32>
    %add3A_428 = vector.broadcast %add3A_424 : i32 to vector<16xi32>
    %add3A_429 = arith.addi %add3A_428, %mul3A_427 : vector<16xi32>
    %ge3A_430 = arith.constant 3060 : i32
    %ge3A_431 = vector.broadcast %ge3A_430 : i32 to vector<16xi32>
    %ge3A_432 = arith.cmpi sge, %add3A_420, %ge3A_431 : vector<16xi32>
    %broadcast_in_dim3A_433 = arith.constant 8 : i32
    %broadcast_in_dim3A_434 = vector.broadcast %broadcast_in_dim3A_433 : i32 to vector<16xi32>
    %broadcast_in_dim3A_435 = arith.constant 0 : i32
    %broadcast_in_dim3A_436 = vector.broadcast %broadcast_in_dim3A_435 : i32 to vector<16xi32>
    %select_n3A_437 = arith.select %ge3A_432, %broadcast_in_dim3A_434, %broadcast_in_dim3A_436 : vector<16xi1>, vector<16xi32>
    %add3A_438 = arith.addi %add3A_429, %select_n3A_437 : vector<16xi32>
    %swap3A_439 = arith.constant 1 : i32
    %swap3A_440 = arith.index_cast %swap3A_439 : i32 to index
    %swap3A_441 = arith.constant 32 : index
    %swap3A_442 = tpu.vector_load %arg8[%swap3A_440, %swap3A_441] {strides = array<i32>} : memref<5x128xi32, #tpu.memory_space<vmem>>, vector<1x16xi32>,
    %swap3A_443 = vector.shape_cast %swap3A_442 : vector<1x16xi32> to vector<16xi32>
    %swap3A_444 = vector.shape_cast %add3A_438 : vector<16xi32> to vector<1x16xi32>
    tpu.vector_store %arg8[%swap3A_440, %swap3A_441], %swap3A_444 {strides = array<i32>} : memref<5x128xi32, #tpu.memory_space<vmem>>, vector<1x16xi32>,
    %mul3A_445 = arith.constant 17 : i32
    %mul3A_446 = vector.broadcast %mul3A_445 : i32 to vector<16xi32>
    %mul3A_447 = arith.muli %mul3A_446, %iota3A : vector<16xi32>
    %add3A_448 = arith.constant 2992 : i32
    %add3A_449 = vector.broadcast %add3A_448 : i32 to vector<16xi32>
    %add3A_450 = arith.addi %add3A_449, %mul3A_447 : vector<16xi32>
    %add3A_451 = arith.constant 16 : i32
    %add3A_452 = vector.broadcast %add3A_451 : i32 to vector<16xi32>
    %add3A_453 = arith.addi %add3A_450, %add3A_452 : vector<16xi32>
    %mul3A_454 = arith.constant 22016 : i32
    %mul3A_455 = arith.muli %mul3A_454, %add3A : i32
    %add3A_456 = arith.constant 64 : i32
    %add3A_457 = arith.addi %mul3A_455, %add3A_456 : i32
    %mul3A_458 = arith.constant 2 : i32
    %mul3A_459 = vector.broadcast %mul3A_458 : i32 to vector<16xi32>
    %mul3A_460 = arith.muli %mul3A_459, %add3A_453 : vector<16xi32>
    %add3A_461 = vector.broadcast %add3A_457 : i32 to vector<16xi32>
    %add3A_462 = arith.addi %add3A_461, %mul3A_460 : vector<16xi32>
    %ge3A_463 = arith.constant 3060 : i32
    %ge3A_464 = vector.broadcast %ge3A_463 : i32 to vector<16xi32>
    %ge3A_465 = arith.cmpi sge, %add3A_453, %ge3A_464 : vector<16xi32>
    %broadcast_in_dim3A_466 = arith.constant 8 : i32
    %broadcast_in_dim3A_467 = vector.broadcast %broadcast_in_dim3A_466 : i32 to vector<16xi32>
    %broadcast_in_dim3A_468 = arith.constant 0 : i32
    %broadcast_in_dim3A_469 = vector.broadcast %broadcast_in_dim3A_468 : i32 to vector<16xi32>
    %select_n3A_470 = arith.select %ge3A_465, %broadcast_in_dim3A_467, %broadcast_in_dim3A_469 : vector<16xi1>, vector<16xi32>
    %add3A_471 = arith.addi %add3A_462, %select_n3A_470 : vector<16xi32>
    %swap3A_472 = arith.constant 1 : i32
    %swap3A_473 = arith.index_cast %swap3A_472 : i32 to index
    %swap3A_474 = arith.constant 48 : index
    %swap3A_475 = tpu.vector_load %arg8[%swap3A_473, %swap3A_474] {strides = array<i32>} : memref<5x128xi32, #tpu.memory_space<vmem>>, vector<1x16xi32>,
    %swap3A_476 = vector.shape_cast %swap3A_475 : vector<1x16xi32> to vector<16xi32>
    %swap3A_477 = vector.shape_cast %add3A_471 : vector<16xi32> to vector<1x16xi32>
    tpu.vector_store %arg8[%swap3A_473, %swap3A_474], %swap3A_477 {strides = array<i32>} : memref<5x128xi32, #tpu.memory_space<vmem>>, vector<1x16xi32>,
    %mul3A_478 = arith.constant 17 : i32
    %mul3A_479 = vector.broadcast %mul3A_478 : i32 to vector<16xi32>
    %mul3A_480 = arith.muli %mul3A_479, %iota3A : vector<16xi32>
    %add3A_481 = arith.constant 3264 : i32
    %add3A_482 = vector.broadcast %add3A_481 : i32 to vector<16xi32>
    %add3A_483 = arith.addi %add3A_482, %mul3A_480 : vector<16xi32>
    %add3A_484 = arith.constant 16 : i32
    %add3A_485 = vector.broadcast %add3A_484 : i32 to vector<16xi32>
    %add3A_486 = arith.addi %add3A_483, %add3A_485 : vector<16xi32>
    %mul3A_487 = arith.constant 22016 : i32
    %mul3A_488 = arith.muli %mul3A_487, %add3A : i32
    %add3A_489 = arith.constant 72 : i32
    %add3A_490 = arith.addi %mul3A_488, %add3A_489 : i32
    %mul3A_491 = arith.constant 2 : i32
    %mul3A_492 = vector.broadcast %mul3A_491 : i32 to vector<16xi32>
    %mul3A_493 = arith.muli %mul3A_492, %add3A_486 : vector<16xi32>
    %add3A_494 = vector.broadcast %add3A_490 : i32 to vector<16xi32>
    %add3A_495 = arith.addi %add3A_494, %mul3A_493 : vector<16xi32>
    %ge3A_496 = arith.constant 3400 : i32
    %ge3A_497 = vector.broadcast %ge3A_496 : i32 to vector<16xi32>
    %ge3A_498 = arith.cmpi sge, %add3A_486, %ge3A_497 : vector<16xi32>
    %broadcast_in_dim3A_499 = arith.constant 8 : i32
    %broadcast_in_dim3A_500 = vector.broadcast %broadcast_in_dim3A_499 : i32 to vector<16xi32>
    %broadcast_in_dim3A_501 = arith.constant 0 : i32
    %broadcast_in_dim3A_502 = vector.broadcast %broadcast_in_dim3A_501 : i32 to vector<16xi32>
    %select_n3A_503 = arith.select %ge3A_498, %broadcast_in_dim3A_500, %broadcast_in_dim3A_502 : vector<16xi1>, vector<16xi32>
    %add3A_504 = arith.addi %add3A_495, %select_n3A_503 : vector<16xi32>
    %swap3A_505 = arith.constant 1 : i32
    %swap3A_506 = arith.index_cast %swap3A_505 : i32 to index
    %swap3A_507 = arith.constant 64 : index
    %swap3A_508 = tpu.vector_load %arg8[%swap3A_506, %swap3A_507] {strides = array<i32>} : memref<5x128xi32, #tpu.memory_space<vmem>>, vector<1x16xi32>,
    %swap3A_509 = vector.shape_cast %swap3A_508 : vector<1x16xi32> to vector<16xi32>
    %swap3A_510 = vector.shape_cast %add3A_504 : vector<16xi32> to vector<1x16xi32>
    tpu.vector_store %arg8[%swap3A_506, %swap3A_507], %swap3A_510 {strides = array<i32>} : memref<5x128xi32, #tpu.memory_space<vmem>>, vector<1x16xi32>,
    %mul3A_511 = arith.constant 17 : i32
    %mul3A_512 = vector.broadcast %mul3A_511 : i32 to vector<16xi32>
    %mul3A_513 = arith.muli %mul3A_512, %iota3A : vector<16xi32>
    %add3A_514 = arith.constant 3536 : i32
    %add3A_515 = vector.broadcast %add3A_514 : i32 to vector<16xi32>
    %add3A_516 = arith.addi %add3A_515, %mul3A_513 : vector<16xi32>
    %add3A_517 = arith.constant 16 : i32
    %add3A_518 = vector.broadcast %add3A_517 : i32 to vector<16xi32>
    %add3A_519 = arith.addi %add3A_516, %add3A_518 : vector<16xi32>
    %mul3A_520 = arith.constant 22016 : i32
    %mul3A_521 = arith.muli %mul3A_520, %add3A : i32
    %add3A_522 = arith.constant 80 : i32
    %add3A_523 = arith.addi %mul3A_521, %add3A_522 : i32
    %mul3A_524 = arith.constant 2 : i32
    %mul3A_525 = vector.broadcast %mul3A_524 : i32 to vector<16xi32>
    %mul3A_526 = arith.muli %mul3A_525, %add3A_519 : vector<16xi32>
    %add3A_527 = vector.broadcast %add3A_523 : i32 to vector<16xi32>
    %add3A_528 = arith.addi %add3A_527, %mul3A_526 : vector<16xi32>
    %ge3A_529 = arith.constant 3740 : i32
    %ge3A_530 = vector.broadcast %ge3A_529 : i32 to vector<16xi32>
    %ge3A_531 = arith.cmpi sge, %add3A_519, %ge3A_530 : vector<16xi32>
    %broadcast_in_dim3A_532 = arith.constant 8 : i32
    %broadcast_in_dim3A_533 = vector.broadcast %broadcast_in_dim3A_532 : i32 to vector<16xi32>
    %broadcast_in_dim3A_534 = arith.constant 0 : i32
    %broadcast_in_dim3A_535 = vector.broadcast %broadcast_in_dim3A_534 : i32 to vector<16xi32>
    %select_n3A_536 = arith.select %ge3A_531, %broadcast_in_dim3A_533, %broadcast_in_dim3A_535 : vector<16xi1>, vector<16xi32>
    %add3A_537 = arith.addi %add3A_528, %select_n3A_536 : vector<16xi32>
    %swap3A_538 = arith.constant 1 : i32
    %swap3A_539 = arith.index_cast %swap3A_538 : i32 to index
    %swap3A_540 = arith.constant 80 : index
    %swap3A_541 = tpu.vector_load %arg8[%swap3A_539, %swap3A_540] {strides = array<i32>} : memref<5x128xi32, #tpu.memory_space<vmem>>, vector<1x16xi32>,
    %swap3A_542 = vector.shape_cast %swap3A_541 : vector<1x16xi32> to vector<16xi32>
    %swap3A_543 = vector.shape_cast %add3A_537 : vector<16xi32> to vector<1x16xi32>
    tpu.vector_store %arg8[%swap3A_539, %swap3A_540], %swap3A_543 {strides = array<i32>} : memref<5x128xi32, #tpu.memory_space<vmem>>, vector<1x16xi32>,
    %mul3A_544 = arith.constant 17 : i32
    %mul3A_545 = vector.broadcast %mul3A_544 : i32 to vector<16xi32>
    %mul3A_546 = arith.muli %mul3A_545, %iota3A : vector<16xi32>
    %add3A_547 = arith.constant 3808 : i32
    %add3A_548 = vector.broadcast %add3A_547 : i32 to vector<16xi32>
    %add3A_549 = arith.addi %add3A_548, %mul3A_546 : vector<16xi32>
    %add3A_550 = arith.constant 16 : i32
    %add3A_551 = vector.broadcast %add3A_550 : i32 to vector<16xi32>
    %add3A_552 = arith.addi %add3A_549, %add3A_551 : vector<16xi32>
    %mul3A_553 = arith.constant 22016 : i32
    %mul3A_554 = arith.muli %mul3A_553, %add3A : i32
    %add3A_555 = arith.constant 88 : i32
    %add3A_556 = arith.addi %mul3A_554, %add3A_555 : i32
    %mul3A_557 = arith.constant 2 : i32
    %mul3A_558 = vector.broadcast %mul3A_557 : i32 to vector<16xi32>
    %mul3A_559 = arith.muli %mul3A_558, %add3A_552 : vector<16xi32>
    %add3A_560 = vector.broadcast %add3A_556 : i32 to vector<16xi32>
    %add3A_561 = arith.addi %add3A_560, %mul3A_559 : vector<16xi32>
    %ge3A_562 = arith.constant 4080 : i32
    %ge3A_563 = vector.broadcast %ge3A_562 : i32 to vector<16xi32>
    %ge3A_564 = arith.cmpi sge, %add3A_552, %ge3A_563 : vector<16xi32>
    %broadcast_in_dim3A_565 = arith.constant 8 : i32
    %broadcast_in_dim3A_566 = vector.broadcast %broadcast_in_dim3A_565 : i32 to vector<16xi32>
    %broadcast_in_dim3A_567 = arith.constant 0 : i32
    %broadcast_in_dim3A_568 = vector.broadcast %broadcast_in_dim3A_567 : i32 to vector<16xi32>
    %select_n3A_569 = arith.select %ge3A_564, %broadcast_in_dim3A_566, %broadcast_in_dim3A_568 : vector<16xi1>, vector<16xi32>
    %add3A_570 = arith.addi %add3A_561, %select_n3A_569 : vector<16xi32>
    %swap3A_571 = arith.constant 1 : i32
    %swap3A_572 = arith.index_cast %swap3A_571 : i32 to index
    %swap3A_573 = arith.constant 96 : index
    %swap3A_574 = tpu.vector_load %arg8[%swap3A_572, %swap3A_573] {strides = array<i32>} : memref<5x128xi32, #tpu.memory_space<vmem>>, vector<1x16xi32>,
    %swap3A_575 = vector.shape_cast %swap3A_574 : vector<1x16xi32> to vector<16xi32>
    %swap3A_576 = vector.shape_cast %add3A_570 : vector<16xi32> to vector<1x16xi32>
    tpu.vector_store %arg8[%swap3A_572, %swap3A_573], %swap3A_576 {strides = array<i32>} : memref<5x128xi32, #tpu.memory_space<vmem>>, vector<1x16xi32>,
    %mul3A_577 = arith.constant 17 : i32
    %mul3A_578 = vector.broadcast %mul3A_577 : i32 to vector<16xi32>
    %mul3A_579 = arith.muli %mul3A_578, %iota3A : vector<16xi32>
    %add3A_580 = arith.constant 4080 : i32
    %add3A_581 = vector.broadcast %add3A_580 : i32 to vector<16xi32>
    %add3A_582 = arith.addi %add3A_581, %mul3A_579 : vector<16xi32>
    %add3A_583 = arith.constant 16 : i32
    %add3A_584 = vector.broadcast %add3A_583 : i32 to vector<16xi32>
    %add3A_585 = arith.addi %add3A_582, %add3A_584 : vector<16xi32>
    %mul3A_586 = arith.constant 22016 : i32
    %mul3A_587 = arith.muli %mul3A_586, %add3A : i32
    %add3A_588 = arith.constant 96 : i32
    %add3A_589 = arith.addi %mul3A_587, %add3A_588 : i32
    %mul3A_590 = arith.constant 2 : i32
    %mul3A_591 = vector.broadcast %mul3A_590 : i32 to vector<16xi32>
    %mul3A_592 = arith.muli %mul3A_591, %add3A_585 : vector<16xi32>
    %add3A_593 = vector.broadcast %add3A_589 : i32 to vector<16xi32>
    %add3A_594 = arith.addi %add3A_593, %mul3A_592 : vector<16xi32>
    %ge3A_595 = arith.constant 4420 : i32
    %ge3A_596 = vector.broadcast %ge3A_595 : i32 to vector<16xi32>
    %ge3A_597 = arith.cmpi sge, %add3A_585, %ge3A_596 : vector<16xi32>
    %broadcast_in_dim3A_598 = arith.constant 8 : i32
    %broadcast_in_dim3A_599 = vector.broadcast %broadcast_in_dim3A_598 : i32 to vector<16xi32>
    %broadcast_in_dim3A_600 = arith.constant 0 : i32
    %broadcast_in_dim3A_601 = vector.broadcast %broadcast_in_dim3A_600 : i32 to vector<16xi32>
    %select_n3A_602 = arith.select %ge3A_597, %broadcast_in_dim3A_599, %broadcast_in_dim3A_601 : vector<16xi1>, vector<16xi32>
    %add3A_603 = arith.addi %add3A_594, %select_n3A_602 : vector<16xi32>
    %swap3A_604 = arith.constant 1 : i32
    %swap3A_605 = arith.index_cast %swap3A_604 : i32 to index
    %swap3A_606 = arith.constant 112 : index
    %swap3A_607 = tpu.vector_load %arg8[%swap3A_605, %swap3A_606] {strides = array<i32>} : memref<5x128xi32, #tpu.memory_space<vmem>>, vector<1x16xi32>,
    %swap3A_608 = vector.shape_cast %swap3A_607 : vector<1x16xi32> to vector<16xi32>
    %swap3A_609 = vector.shape_cast %add3A_603 : vector<16xi32> to vector<1x16xi32>
    tpu.vector_store %arg8[%swap3A_605, %swap3A_606], %swap3A_609 {strides = array<i32>} : memref<5x128xi32, #tpu.memory_space<vmem>>, vector<1x16xi32>,
    %mul3A_610 = arith.constant 17 : i32
    %mul3A_611 = vector.broadcast %mul3A_610 : i32 to vector<16xi32>
    %mul3A_612 = arith.muli %mul3A_611, %iota3A : vector<16xi32>
    %add3A_613 = arith.constant 4352 : i32
    %add3A_614 = vector.broadcast %add3A_613 : i32 to vector<16xi32>
    %add3A_615 = arith.addi %add3A_614, %mul3A_612 : vector<16xi32>
    %add3A_616 = arith.constant 16 : i32
    %add3A_617 = vector.broadcast %add3A_616 : i32 to vector<16xi32>
    %add3A_618 = arith.addi %add3A_615, %add3A_617 : vector<16xi32>
    %mul3A_619 = arith.constant 22016 : i32
    %mul3A_620 = arith.muli %mul3A_619, %add3A : i32
    %add3A_621 = arith.constant 96 : i32
    %add3A_622 = arith.addi %mul3A_620, %add3A_621 : i32
    %mul3A_623 = arith.constant 2 : i32
    %mul3A_624 = vector.broadcast %mul3A_623 : i32 to vector<16xi32>
    %mul3A_625 = arith.muli %mul3A_624, %add3A_618 : vector<16xi32>
    %add3A_626 = vector.broadcast %add3A_622 : i32 to vector<16xi32>
    %add3A_627 = arith.addi %add3A_626, %mul3A_625 : vector<16xi32>
    %ge3A_628 = arith.constant 4420 : i32
    %ge3A_629 = vector.broadcast %ge3A_628 : i32 to vector<16xi32>
    %ge3A_630 = arith.cmpi sge, %add3A_618, %ge3A_629 : vector<16xi32>
    %broadcast_in_dim3A_631 = arith.constant 8 : i32
    %broadcast_in_dim3A_632 = vector.broadcast %broadcast_in_dim3A_631 : i32 to vector<16xi32>
    %broadcast_in_dim3A_633 = arith.constant 0 : i32
    %broadcast_in_dim3A_634 = vector.broadcast %broadcast_in_dim3A_633 : i32 to vector<16xi32>
    %select_n3A_635 = arith.select %ge3A_630, %broadcast_in_dim3A_632, %broadcast_in_dim3A_634 : vector<16xi1>, vector<16xi32>
    %add3A_636 = arith.addi %add3A_627, %select_n3A_635 : vector<16xi32>
    %swap3A_637 = arith.constant 2 : i32
    %swap3A_638 = arith.index_cast %swap3A_637 : i32 to index
    %swap3A_639 = arith.constant 0 : index
    %swap3A_640 = tpu.vector_load %arg8[%swap3A_638, %swap3A_639] {strides = array<i32>} : memref<5x128xi32, #tpu.memory_space<vmem>>, vector<1x16xi32>,
    %swap3A_641 = vector.shape_cast %swap3A_640 : vector<1x16xi32> to vector<16xi32>
    %swap3A_642 = vector.shape_cast %add3A_636 : vector<16xi32> to vector<1x16xi32>
    tpu.vector_store %arg8[%swap3A_638, %swap3A_639], %swap3A_642 {strides = array<i32>} : memref<5x128xi32, #tpu.memory_space<vmem>>, vector<1x16xi32>,
    %mul3A_643 = arith.constant 17 : i32
    %mul3A_644 = vector.broadcast %mul3A_643 : i32 to vector<16xi32>
    %mul3A_645 = arith.muli %mul3A_644, %iota3A : vector<16xi32>
    %add3A_646 = arith.constant 4624 : i32
    %add3A_647 = vector.broadcast %add3A_646 : i32 to vector<16xi32>
    %add3A_648 = arith.addi %add3A_647, %mul3A_645 : vector<16xi32>
    %add3A_649 = arith.constant 16 : i32
    %add3A_650 = vector.broadcast %add3A_649 : i32 to vector<16xi32>
    %add3A_651 = arith.addi %add3A_648, %add3A_650 : vector<16xi32>
    %mul3A_652 = arith.constant 22016 : i32
    %mul3A_653 = arith.muli %mul3A_652, %add3A : i32
    %add3A_654 = arith.constant 104 : i32
    %add3A_655 = arith.addi %mul3A_653, %add3A_654 : i32
    %mul3A_656 = arith.constant 2 : i32
    %mul3A_657 = vector.broadcast %mul3A_656 : i32 to vector<16xi32>
    %mul3A_658 = arith.muli %mul3A_657, %add3A_651 : vector<16xi32>
    %add3A_659 = vector.broadcast %add3A_655 : i32 to vector<16xi32>
    %add3A_660 = arith.addi %add3A_659, %mul3A_658 : vector<16xi32>
    %ge3A_661 = arith.constant 4760 : i32
    %ge3A_662 = vector.broadcast %ge3A_661 : i32 to vector<16xi32>
    %ge3A_663 = arith.cmpi sge, %add3A_651, %ge3A_662 : vector<16xi32>
    %broadcast_in_dim3A_664 = arith.constant 8 : i32
    %broadcast_in_dim3A_665 = vector.broadcast %broadcast_in_dim3A_664 : i32 to vector<16xi32>
    %broadcast_in_dim3A_666 = arith.constant 0 : i32
    %broadcast_in_dim3A_667 = vector.broadcast %broadcast_in_dim3A_666 : i32 to vector<16xi32>
    %select_n3A_668 = arith.select %ge3A_663, %broadcast_in_dim3A_665, %broadcast_in_dim3A_667 : vector<16xi1>, vector<16xi32>
    %add3A_669 = arith.addi %add3A_660, %select_n3A_668 : vector<16xi32>
    %swap3A_670 = arith.constant 2 : i32
    %swap3A_671 = arith.index_cast %swap3A_670 : i32 to index
    %swap3A_672 = arith.constant 16 : index
    %swap3A_673 = tpu.vector_load %arg8[%swap3A_671, %swap3A_672] {strides = array<i32>} : memref<5x128xi32, #tpu.memory_space<vmem>>, vector<1x16xi32>,
    %swap3A_674 = vector.shape_cast %swap3A_673 : vector<1x16xi32> to vector<16xi32>
    %swap3A_675 = vector.shape_cast %add3A_669 : vector<16xi32> to vector<1x16xi32>
    tpu.vector_store %arg8[%swap3A_671, %swap3A_672], %swap3A_675 {strides = array<i32>} : memref<5x128xi32, #tpu.memory_space<vmem>>, vector<1x16xi32>,
    %mul3A_676 = arith.constant 17 : i32
    %mul3A_677 = vector.broadcast %mul3A_676 : i32 to vector<16xi32>
    %mul3A_678 = arith.muli %mul3A_677, %iota3A : vector<16xi32>
    %add3A_679 = arith.constant 4896 : i32
    %add3A_680 = vector.broadcast %add3A_679 : i32 to vector<16xi32>
    %add3A_681 = arith.addi %add3A_680, %mul3A_678 : vector<16xi32>
    %add3A_682 = arith.constant 16 : i32
    %add3A_683 = vector.broadcast %add3A_682 : i32 to vector<16xi32>
    %add3A_684 = arith.addi %add3A_681, %add3A_683 : vector<16xi32>
    %mul3A_685 = arith.constant 22016 : i32
    %mul3A_686 = arith.muli %mul3A_685, %add3A : i32
    %add3A_687 = arith.constant 112 : i32
    %add3A_688 = arith.addi %mul3A_686, %add3A_687 : i32
    %mul3A_689 = arith.constant 2 : i32
    %mul3A_690 = vector.broadcast %mul3A_689 : i32 to vector<16xi32>
    %mul3A_691 = arith.muli %mul3A_690, %add3A_684 : vector<16xi32>
    %add3A_692 = vector.broadcast %add3A_688 : i32 to vector<16xi32>
    %add3A_693 = arith.addi %add3A_692, %mul3A_691 : vector<16xi32>
    %ge3A_694 = arith.constant 5100 : i32
    %ge3A_695 = vector.broadcast %ge3A_694 : i32 to vector<16xi32>
    %ge3A_696 = arith.cmpi sge, %add3A_684, %ge3A_695 : vector<16xi32>
    %broadcast_in_dim3A_697 = arith.constant 8 : i32
    %broadcast_in_dim3A_698 = vector.broadcast %broadcast_in_dim3A_697 : i32 to vector<16xi32>
    %broadcast_in_dim3A_699 = arith.constant 0 : i32
    %broadcast_in_dim3A_700 = vector.broadcast %broadcast_in_dim3A_699 : i32 to vector<16xi32>
    %select_n3A_701 = arith.select %ge3A_696, %broadcast_in_dim3A_698, %broadcast_in_dim3A_700 : vector<16xi1>, vector<16xi32>
    %add3A_702 = arith.addi %add3A_693, %select_n3A_701 : vector<16xi32>
    %swap3A_703 = arith.constant 2 : i32
    %swap3A_704 = arith.index_cast %swap3A_703 : i32 to index
    %swap3A_705 = arith.constant 32 : index
    %swap3A_706 = tpu.vector_load %arg8[%swap3A_704, %swap3A_705] {strides = array<i32>} : memref<5x128xi32, #tpu.memory_space<vmem>>, vector<1x16xi32>,
    %swap3A_707 = vector.shape_cast %swap3A_706 : vector<1x16xi32> to vector<16xi32>
    %swap3A_708 = vector.shape_cast %add3A_702 : vector<16xi32> to vector<1x16xi32>
    tpu.vector_store %arg8[%swap3A_704, %swap3A_705], %swap3A_708 {strides = array<i32>} : memref<5x128xi32, #tpu.memory_space<vmem>>, vector<1x16xi32>,
    %mul3A_709 = arith.constant 17 : i32
    %mul3A_710 = vector.broadcast %mul3A_709 : i32 to vector<16xi32>
    %mul3A_711 = arith.muli %mul3A_710, %iota3A : vector<16xi32>
    %add3A_712 = arith.constant 5168 : i32
    %add3A_713 = vector.broadcast %add3A_712 : i32 to vector<16xi32>
    %add3A_714 = arith.addi %add3A_713, %mul3A_711 : vector<16xi32>
    %add3A_715 = arith.constant 16 : i32
    %add3A_716 = vector.broadcast %add3A_715 : i32 to vector<16xi32>
    %add3A_717 = arith.addi %add3A_714, %add3A_716 : vector<16xi32>
    %mul3A_718 = arith.constant 22016 : i32
    %mul3A_719 = arith.muli %mul3A_718, %add3A : i32
    %add3A_720 = arith.constant 120 : i32
    %add3A_721 = arith.addi %mul3A_719, %add3A_720 : i32
    %mul3A_722 = arith.constant 2 : i32
    %mul3A_723 = vector.broadcast %mul3A_722 : i32 to vector<16xi32>
    %mul3A_724 = arith.muli %mul3A_723, %add3A_717 : vector<16xi32>
    %add3A_725 = vector.broadcast %add3A_721 : i32 to vector<16xi32>
    %add3A_726 = arith.addi %add3A_725, %mul3A_724 : vector<16xi32>
    %ge3A_727 = arith.constant 5440 : i32
    %ge3A_728 = vector.broadcast %ge3A_727 : i32 to vector<16xi32>
    %ge3A_729 = arith.cmpi sge, %add3A_717, %ge3A_728 : vector<16xi32>
    %broadcast_in_dim3A_730 = arith.constant 8 : i32
    %broadcast_in_dim3A_731 = vector.broadcast %broadcast_in_dim3A_730 : i32 to vector<16xi32>
    %broadcast_in_dim3A_732 = arith.constant 0 : i32
    %broadcast_in_dim3A_733 = vector.broadcast %broadcast_in_dim3A_732 : i32 to vector<16xi32>
    %select_n3A_734 = arith.select %ge3A_729, %broadcast_in_dim3A_731, %broadcast_in_dim3A_733 : vector<16xi1>, vector<16xi32>
    %add3A_735 = arith.addi %add3A_726, %select_n3A_734 : vector<16xi32>
    %swap3A_736 = arith.constant 2 : i32
    %swap3A_737 = arith.index_cast %swap3A_736 : i32 to index
    %swap3A_738 = arith.constant 48 : index
    %swap3A_739 = tpu.vector_load %arg8[%swap3A_737, %swap3A_738] {strides = array<i32>} : memref<5x128xi32, #tpu.memory_space<vmem>>, vector<1x16xi32>,
    %swap3A_740 = vector.shape_cast %swap3A_739 : vector<1x16xi32> to vector<16xi32>
    %swap3A_741 = vector.shape_cast %add3A_735 : vector<16xi32> to vector<1x16xi32>
    tpu.vector_store %arg8[%swap3A_737, %swap3A_738], %swap3A_741 {strides = array<i32>} : memref<5x128xi32, #tpu.memory_space<vmem>>, vector<1x16xi32>,
    %mul3A_742 = arith.constant 17 : i32
    %mul3A_743 = vector.broadcast %mul3A_742 : i32 to vector<16xi32>
    %mul3A_744 = arith.muli %mul3A_743, %iota3A : vector<16xi32>
    %add3A_745 = arith.constant 5440 : i32
    %add3A_746 = vector.broadcast %add3A_745 : i32 to vector<16xi32>
    %add3A_747 = arith.addi %add3A_746, %mul3A_744 : vector<16xi32>
    %add3A_748 = arith.constant 16 : i32
    %add3A_749 = vector.broadcast %add3A_748 : i32 to vector<16xi32>
    %add3A_750 = arith.addi %add3A_747, %add3A_749 : vector<16xi32>
    %mul3A_751 = arith.constant 22016 : i32
    %mul3A_752 = arith.muli %mul3A_751, %add3A : i32
    %add3A_753 = arith.constant 128 : i32
    %add3A_754 = arith.addi %mul3A_752, %add3A_753 : i32
    %mul3A_755 = arith.constant 2 : i32
    %mul3A_756 = vector.broadcast %mul3A_755 : i32 to vector<16xi32>
    %mul3A_757 = arith.muli %mul3A_756, %add3A_750 : vector<16xi32>
    %add3A_758 = vector.broadcast %add3A_754 : i32 to vector<16xi32>
    %add3A_759 = arith.addi %add3A_758, %mul3A_757 : vector<16xi32>
    %ge3A_760 = arith.constant 5780 : i32
    %ge3A_761 = vector.broadcast %ge3A_760 : i32 to vector<16xi32>
    %ge3A_762 = arith.cmpi sge, %add3A_750, %ge3A_761 : vector<16xi32>
    %broadcast_in_dim3A_763 = arith.constant 8 : i32
    %broadcast_in_dim3A_764 = vector.broadcast %broadcast_in_dim3A_763 : i32 to vector<16xi32>
    %broadcast_in_dim3A_765 = arith.constant 0 : i32
    %broadcast_in_dim3A_766 = vector.broadcast %broadcast_in_dim3A_765 : i32 to vector<16xi32>
    %select_n3A_767 = arith.select %ge3A_762, %broadcast_in_dim3A_764, %broadcast_in_dim3A_766 : vector<16xi1>, vector<16xi32>
    %add3A_768 = arith.addi %add3A_759, %select_n3A_767 : vector<16xi32>
    %swap3A_769 = arith.constant 2 : i32
    %swap3A_770 = arith.index_cast %swap3A_769 : i32 to index
    %swap3A_771 = arith.constant 64 : index
    %swap3A_772 = tpu.vector_load %arg8[%swap3A_770, %swap3A_771] {strides = array<i32>} : memref<5x128xi32, #tpu.memory_space<vmem>>, vector<1x16xi32>,
    %swap3A_773 = vector.shape_cast %swap3A_772 : vector<1x16xi32> to vector<16xi32>
    %swap3A_774 = vector.shape_cast %add3A_768 : vector<16xi32> to vector<1x16xi32>
    tpu.vector_store %arg8[%swap3A_770, %swap3A_771], %swap3A_774 {strides = array<i32>} : memref<5x128xi32, #tpu.memory_space<vmem>>, vector<1x16xi32>,
    %mul3A_775 = arith.constant 17 : i32
    %mul3A_776 = vector.broadcast %mul3A_775 : i32 to vector<16xi32>
    %mul3A_777 = arith.muli %mul3A_776, %iota3A : vector<16xi32>
    %add3A_778 = arith.constant 5712 : i32
    %add3A_779 = vector.broadcast %add3A_778 : i32 to vector<16xi32>
    %add3A_780 = arith.addi %add3A_779, %mul3A_777 : vector<16xi32>
    %add3A_781 = arith.constant 16 : i32
    %add3A_782 = vector.broadcast %add3A_781 : i32 to vector<16xi32>
    %add3A_783 = arith.addi %add3A_780, %add3A_782 : vector<16xi32>
    %mul3A_784 = arith.constant 22016 : i32
    %mul3A_785 = arith.muli %mul3A_784, %add3A : i32
    %add3A_786 = arith.constant 128 : i32
    %add3A_787 = arith.addi %mul3A_785, %add3A_786 : i32
    %mul3A_788 = arith.constant 2 : i32
    %mul3A_789 = vector.broadcast %mul3A_788 : i32 to vector<16xi32>
    %mul3A_790 = arith.muli %mul3A_789, %add3A_783 : vector<16xi32>
    %add3A_791 = vector.broadcast %add3A_787 : i32 to vector<16xi32>
    %add3A_792 = arith.addi %add3A_791, %mul3A_790 : vector<16xi32>
    %ge3A_793 = arith.constant 5780 : i32
    %ge3A_794 = vector.broadcast %ge3A_793 : i32 to vector<16xi32>
    %ge3A_795 = arith.cmpi sge, %add3A_783, %ge3A_794 : vector<16xi32>
    %broadcast_in_dim3A_796 = arith.constant 8 : i32
    %broadcast_in_dim3A_797 = vector.broadcast %broadcast_in_dim3A_796 : i32 to vector<16xi32>
    %broadcast_in_dim3A_798 = arith.constant 0 : i32
    %broadcast_in_dim3A_799 = vector.broadcast %broadcast_in_dim3A_798 : i32 to vector<16xi32>
    %select_n3A_800 = arith.select %ge3A_795, %broadcast_in_dim3A_797, %broadcast_in_dim3A_799 : vector<16xi1>, vector<16xi32>
    %add3A_801 = arith.addi %add3A_792, %select_n3A_800 : vector<16xi32>
    %swap3A_802 = arith.constant 2 : i32
    %swap3A_803 = arith.index_cast %swap3A_802 : i32 to index
    %swap3A_804 = arith.constant 80 : index
    %swap3A_805 = tpu.vector_load %arg8[%swap3A_803, %swap3A_804] {strides = array<i32>} : memref<5x128xi32, #tpu.memory_space<vmem>>, vector<1x16xi32>,
    %swap3A_806 = vector.shape_cast %swap3A_805 : vector<1x16xi32> to vector<16xi32>
    %swap3A_807 = vector.shape_cast %add3A_801 : vector<16xi32> to vector<1x16xi32>
    tpu.vector_store %arg8[%swap3A_803, %swap3A_804], %swap3A_807 {strides = array<i32>} : memref<5x128xi32, #tpu.memory_space<vmem>>, vector<1x16xi32>,
    %mul3A_808 = arith.constant 17 : i32
    %mul3A_809 = vector.broadcast %mul3A_808 : i32 to vector<16xi32>
    %mul3A_810 = arith.muli %mul3A_809, %iota3A : vector<16xi32>
    %add3A_811 = arith.constant 5984 : i32
    %add3A_812 = vector.broadcast %add3A_811 : i32 to vector<16xi32>
    %add3A_813 = arith.addi %add3A_812, %mul3A_810 : vector<16xi32>
    %add3A_814 = arith.constant 16 : i32
    %add3A_815 = vector.broadcast %add3A_814 : i32 to vector<16xi32>
    %add3A_816 = arith.addi %add3A_813, %add3A_815 : vector<16xi32>
    %mul3A_817 = arith.constant 22016 : i32
    %mul3A_818 = arith.muli %mul3A_817, %add3A : i32
    %add3A_819 = arith.constant 136 : i32
    %add3A_820 = arith.addi %mul3A_818, %add3A_819 : i32
    %mul3A_821 = arith.constant 2 : i32
    %mul3A_822 = vector.broadcast %mul3A_821 : i32 to vector<16xi32>
    %mul3A_823 = arith.muli %mul3A_822, %add3A_816 : vector<16xi32>
    %add3A_824 = vector.broadcast %add3A_820 : i32 to vector<16xi32>
    %add3A_825 = arith.addi %add3A_824, %mul3A_823 : vector<16xi32>
    %ge3A_826 = arith.constant 6120 : i32
    %ge3A_827 = vector.broadcast %ge3A_826 : i32 to vector<16xi32>
    %ge3A_828 = arith.cmpi sge, %add3A_816, %ge3A_827 : vector<16xi32>
    %broadcast_in_dim3A_829 = arith.constant 8 : i32
    %broadcast_in_dim3A_830 = vector.broadcast %broadcast_in_dim3A_829 : i32 to vector<16xi32>
    %broadcast_in_dim3A_831 = arith.constant 0 : i32
    %broadcast_in_dim3A_832 = vector.broadcast %broadcast_in_dim3A_831 : i32 to vector<16xi32>
    %select_n3A_833 = arith.select %ge3A_828, %broadcast_in_dim3A_830, %broadcast_in_dim3A_832 : vector<16xi1>, vector<16xi32>
    %add3A_834 = arith.addi %add3A_825, %select_n3A_833 : vector<16xi32>
    %swap3A_835 = arith.constant 2 : i32
    %swap3A_836 = arith.index_cast %swap3A_835 : i32 to index
    %swap3A_837 = arith.constant 96 : index
    %swap3A_838 = tpu.vector_load %arg8[%swap3A_836, %swap3A_837] {strides = array<i32>} : memref<5x128xi32, #tpu.memory_space<vmem>>, vector<1x16xi32>,
    %swap3A_839 = vector.shape_cast %swap3A_838 : vector<1x16xi32> to vector<16xi32>
    %swap3A_840 = vector.shape_cast %add3A_834 : vector<16xi32> to vector<1x16xi32>
    tpu.vector_store %arg8[%swap3A_836, %swap3A_837], %swap3A_840 {strides = array<i32>} : memref<5x128xi32, #tpu.memory_space<vmem>>, vector<1x16xi32>,
    %mul3A_841 = arith.constant 17 : i32
    %mul3A_842 = vector.broadcast %mul3A_841 : i32 to vector<16xi32>
    %mul3A_843 = arith.muli %mul3A_842, %iota3A : vector<16xi32>
    %add3A_844 = arith.constant 6256 : i32
    %add3A_845 = vector.broadcast %add3A_844 : i32 to vector<16xi32>
    %add3A_846 = arith.addi %add3A_845, %mul3A_843 : vector<16xi32>
    %add3A_847 = arith.constant 16 : i32
    %add3A_848 = vector.broadcast %add3A_847 : i32 to vector<16xi32>
    %add3A_849 = arith.addi %add3A_846, %add3A_848 : vector<16xi32>
    %mul3A_850 = arith.constant 22016 : i32
    %mul3A_851 = arith.muli %mul3A_850, %add3A : i32
    %add3A_852 = arith.constant 144 : i32
    %add3A_853 = arith.addi %mul3A_851, %add3A_852 : i32
    %mul3A_854 = arith.constant 2 : i32
    %mul3A_855 = vector.broadcast %mul3A_854 : i32 to vector<16xi32>
    %mul3A_856 = arith.muli %mul3A_855, %add3A_849 : vector<16xi32>
    %add3A_857 = vector.broadcast %add3A_853 : i32 to vector<16xi32>
    %add3A_858 = arith.addi %add3A_857, %mul3A_856 : vector<16xi32>
    %ge3A_859 = arith.constant 6460 : i32
    %ge3A_860 = vector.broadcast %ge3A_859 : i32 to vector<16xi32>
    %ge3A_861 = arith.cmpi sge, %add3A_849, %ge3A_860 : vector<16xi32>
    %broadcast_in_dim3A_862 = arith.constant 8 : i32
    %broadcast_in_dim3A_863 = vector.broadcast %broadcast_in_dim3A_862 : i32 to vector<16xi32>
    %broadcast_in_dim3A_864 = arith.constant 0 : i32
    %broadcast_in_dim3A_865 = vector.broadcast %broadcast_in_dim3A_864 : i32 to vector<16xi32>
    %select_n3A_866 = arith.select %ge3A_861, %broadcast_in_dim3A_863, %broadcast_in_dim3A_865 : vector<16xi1>, vector<16xi32>
    %add3A_867 = arith.addi %add3A_858, %select_n3A_866 : vector<16xi32>
    %swap3A_868 = arith.constant 2 : i32
    %swap3A_869 = arith.index_cast %swap3A_868 : i32 to index
    %swap3A_870 = arith.constant 112 : index
    %swap3A_871 = tpu.vector_load %arg8[%swap3A_869, %swap3A_870] {strides = array<i32>} : memref<5x128xi32, #tpu.memory_space<vmem>>, vector<1x16xi32>,
    %swap3A_872 = vector.shape_cast %swap3A_871 : vector<1x16xi32> to vector<16xi32>
    %swap3A_873 = vector.shape_cast %add3A_867 : vector<16xi32> to vector<1x16xi32>
    tpu.vector_store %arg8[%swap3A_869, %swap3A_870], %swap3A_873 {strides = array<i32>} : memref<5x128xi32, #tpu.memory_space<vmem>>, vector<1x16xi32>,
    %mul3A_874 = arith.constant 17 : i32
    %mul3A_875 = vector.broadcast %mul3A_874 : i32 to vector<16xi32>
    %mul3A_876 = arith.muli %mul3A_875, %iota3A : vector<16xi32>
    %add3A_877 = arith.constant 6528 : i32
    %add3A_878 = vector.broadcast %add3A_877 : i32 to vector<16xi32>
    %add3A_879 = arith.addi %add3A_878, %mul3A_876 : vector<16xi32>
    %add3A_880 = arith.constant 16 : i32
    %add3A_881 = vector.broadcast %add3A_880 : i32 to vector<16xi32>
    %add3A_882 = arith.addi %add3A_879, %add3A_881 : vector<16xi32>
    %mul3A_883 = arith.constant 22016 : i32
    %mul3A_884 = arith.muli %mul3A_883, %add3A : i32
    %add3A_885 = arith.constant 152 : i32
    %add3A_886 = arith.addi %mul3A_884, %add3A_885 : i32
    %mul3A_887 = arith.constant 2 : i32
    %mul3A_888 = vector.broadcast %mul3A_887 : i32 to vector<16xi32>
    %mul3A_889 = arith.muli %mul3A_888, %add3A_882 : vector<16xi32>
    %add3A_890 = vector.broadcast %add3A_886 : i32 to vector<16xi32>
    %add3A_891 = arith.addi %add3A_890, %mul3A_889 : vector<16xi32>
    %ge3A_892 = arith.constant 6800 : i32
    %ge3A_893 = vector.broadcast %ge3A_892 : i32 to vector<16xi32>
    %ge3A_894 = arith.cmpi sge, %add3A_882, %ge3A_893 : vector<16xi32>
    %broadcast_in_dim3A_895 = arith.constant 8 : i32
    %broadcast_in_dim3A_896 = vector.broadcast %broadcast_in_dim3A_895 : i32 to vector<16xi32>
    %broadcast_in_dim3A_897 = arith.constant 0 : i32
    %broadcast_in_dim3A_898 = vector.broadcast %broadcast_in_dim3A_897 : i32 to vector<16xi32>
    %select_n3A_899 = arith.select %ge3A_894, %broadcast_in_dim3A_896, %broadcast_in_dim3A_898 : vector<16xi1>, vector<16xi32>
    %add3A_900 = arith.addi %add3A_891, %select_n3A_899 : vector<16xi32>
    %swap3A_901 = arith.constant 3 : i32
    %swap3A_902 = arith.index_cast %swap3A_901 : i32 to index
    %swap3A_903 = arith.constant 0 : index
    %swap3A_904 = tpu.vector_load %arg8[%swap3A_902, %swap3A_903] {strides = array<i32>} : memref<5x128xi32, #tpu.memory_space<vmem>>, vector<1x16xi32>,
    %swap3A_905 = vector.shape_cast %swap3A_904 : vector<1x16xi32> to vector<16xi32>
    %swap3A_906 = vector.shape_cast %add3A_900 : vector<16xi32> to vector<1x16xi32>
    tpu.vector_store %arg8[%swap3A_902, %swap3A_903], %swap3A_906 {strides = array<i32>} : memref<5x128xi32, #tpu.memory_space<vmem>>, vector<1x16xi32>,
    %mul3A_907 = arith.constant 17 : i32
    %mul3A_908 = vector.broadcast %mul3A_907 : i32 to vector<16xi32>
    %mul3A_909 = arith.muli %mul3A_908, %iota3A : vector<16xi32>
    %add3A_910 = arith.constant 6800 : i32
    %add3A_911 = vector.broadcast %add3A_910 : i32 to vector<16xi32>
    %add3A_912 = arith.addi %add3A_911, %mul3A_909 : vector<16xi32>
    %add3A_913 = arith.constant 16 : i32
    %add3A_914 = vector.broadcast %add3A_913 : i32 to vector<16xi32>
    %add3A_915 = arith.addi %add3A_912, %add3A_914 : vector<16xi32>
    %mul3A_916 = arith.constant 22016 : i32
    %mul3A_917 = arith.muli %mul3A_916, %add3A : i32
    %add3A_918 = arith.constant 160 : i32
    %add3A_919 = arith.addi %mul3A_917, %add3A_918 : i32
    %mul3A_920 = arith.constant 2 : i32
    %mul3A_921 = vector.broadcast %mul3A_920 : i32 to vector<16xi32>
    %mul3A_922 = arith.muli %mul3A_921, %add3A_915 : vector<16xi32>
    %add3A_923 = vector.broadcast %add3A_919 : i32 to vector<16xi32>
    %add3A_924 = arith.addi %add3A_923, %mul3A_922 : vector<16xi32>
    %ge3A_925 = arith.constant 7140 : i32
    %ge3A_926 = vector.broadcast %ge3A_925 : i32 to vector<16xi32>
    %ge3A_927 = arith.cmpi sge, %add3A_915, %ge3A_926 : vector<16xi32>
    %broadcast_in_dim3A_928 = arith.constant 8 : i32
    %broadcast_in_dim3A_929 = vector.broadcast %broadcast_in_dim3A_928 : i32 to vector<16xi32>
    %broadcast_in_dim3A_930 = arith.constant 0 : i32
    %broadcast_in_dim3A_931 = vector.broadcast %broadcast_in_dim3A_930 : i32 to vector<16xi32>
    %select_n3A_932 = arith.select %ge3A_927, %broadcast_in_dim3A_929, %broadcast_in_dim3A_931 : vector<16xi1>, vector<16xi32>
    %add3A_933 = arith.addi %add3A_924, %select_n3A_932 : vector<16xi32>
    %swap3A_934 = arith.constant 3 : i32
    %swap3A_935 = arith.index_cast %swap3A_934 : i32 to index
    %swap3A_936 = arith.constant 16 : index
    %swap3A_937 = tpu.vector_load %arg8[%swap3A_935, %swap3A_936] {strides = array<i32>} : memref<5x128xi32, #tpu.memory_space<vmem>>, vector<1x16xi32>,
    %swap3A_938 = vector.shape_cast %swap3A_937 : vector<1x16xi32> to vector<16xi32>
    %swap3A_939 = vector.shape_cast %add3A_933 : vector<16xi32> to vector<1x16xi32>
    tpu.vector_store %arg8[%swap3A_935, %swap3A_936], %swap3A_939 {strides = array<i32>} : memref<5x128xi32, #tpu.memory_space<vmem>>, vector<1x16xi32>,
    %mul3A_940 = arith.constant 17 : i32
    %mul3A_941 = vector.broadcast %mul3A_940 : i32 to vector<16xi32>
    %mul3A_942 = arith.muli %mul3A_941, %iota3A : vector<16xi32>
    %add3A_943 = arith.constant 7072 : i32
    %add3A_944 = vector.broadcast %add3A_943 : i32 to vector<16xi32>
    %add3A_945 = arith.addi %add3A_944, %mul3A_942 : vector<16xi32>
    %add3A_946 = arith.constant 16 : i32
    %add3A_947 = vector.broadcast %add3A_946 : i32 to vector<16xi32>
    %add3A_948 = arith.addi %add3A_945, %add3A_947 : vector<16xi32>
    %mul3A_949 = arith.constant 22016 : i32
    %mul3A_950 = arith.muli %mul3A_949, %add3A : i32
    %add3A_951 = arith.constant 160 : i32
    %add3A_952 = arith.addi %mul3A_950, %add3A_951 : i32
    %mul3A_953 = arith.constant 2 : i32
    %mul3A_954 = vector.broadcast %mul3A_953 : i32 to vector<16xi32>
    %mul3A_955 = arith.muli %mul3A_954, %add3A_948 : vector<16xi32>
    %add3A_956 = vector.broadcast %add3A_952 : i32 to vector<16xi32>
    %add3A_957 = arith.addi %add3A_956, %mul3A_955 : vector<16xi32>
    %ge3A_958 = arith.constant 7140 : i32
    %ge3A_959 = vector.broadcast %ge3A_958 : i32 to vector<16xi32>
    %ge3A_960 = arith.cmpi sge, %add3A_948, %ge3A_959 : vector<16xi32>
    %broadcast_in_dim3A_961 = arith.constant 8 : i32
    %broadcast_in_dim3A_962 = vector.broadcast %broadcast_in_dim3A_961 : i32 to vector<16xi32>
    %broadcast_in_dim3A_963 = arith.constant 0 : i32
    %broadcast_in_dim3A_964 = vector.broadcast %broadcast_in_dim3A_963 : i32 to vector<16xi32>
    %select_n3A_965 = arith.select %ge3A_960, %broadcast_in_dim3A_962, %broadcast_in_dim3A_964 : vector<16xi1>, vector<16xi32>
    %add3A_966 = arith.addi %add3A_957, %select_n3A_965 : vector<16xi32>
    %swap3A_967 = arith.constant 3 : i32
    %swap3A_968 = arith.index_cast %swap3A_967 : i32 to index
    %swap3A_969 = arith.constant 32 : index
    %swap3A_970 = tpu.vector_load %arg8[%swap3A_968, %swap3A_969] {strides = array<i32>} : memref<5x128xi32, #tpu.memory_space<vmem>>, vector<1x16xi32>,
    %swap3A_971 = vector.shape_cast %swap3A_970 : vector<1x16xi32> to vector<16xi32>
    %swap3A_972 = vector.shape_cast %add3A_966 : vector<16xi32> to vector<1x16xi32>
    tpu.vector_store %arg8[%swap3A_968, %swap3A_969], %swap3A_972 {strides = array<i32>} : memref<5x128xi32, #tpu.memory_space<vmem>>, vector<1x16xi32>,
    %mul3A_973 = arith.constant 17 : i32
    %mul3A_974 = vector.broadcast %mul3A_973 : i32 to vector<16xi32>
    %mul3A_975 = arith.muli %mul3A_974, %iota3A : vector<16xi32>
    %add3A_976 = arith.constant 7344 : i32
    %add3A_977 = vector.broadcast %add3A_976 : i32 to vector<16xi32>
    %add3A_978 = arith.addi %add3A_977, %mul3A_975 : vector<16xi32>
    %add3A_979 = arith.constant 16 : i32
    %add3A_980 = vector.broadcast %add3A_979 : i32 to vector<16xi32>
    %add3A_981 = arith.addi %add3A_978, %add3A_980 : vector<16xi32>
    %mul3A_982 = arith.constant 22016 : i32
    %mul3A_983 = arith.muli %mul3A_982, %add3A : i32
    %add3A_984 = arith.constant 168 : i32
    %add3A_985 = arith.addi %mul3A_983, %add3A_984 : i32
    %mul3A_986 = arith.constant 2 : i32
    %mul3A_987 = vector.broadcast %mul3A_986 : i32 to vector<16xi32>
    %mul3A_988 = arith.muli %mul3A_987, %add3A_981 : vector<16xi32>
    %add3A_989 = vector.broadcast %add3A_985 : i32 to vector<16xi32>
    %add3A_990 = arith.addi %add3A_989, %mul3A_988 : vector<16xi32>
    %ge3A_991 = arith.constant 7480 : i32
    %ge3A_992 = vector.broadcast %ge3A_991 : i32 to vector<16xi32>
    %ge3A_993 = arith.cmpi sge, %add3A_981, %ge3A_992 : vector<16xi32>
    %broadcast_in_dim3A_994 = arith.constant 8 : i32
    %broadcast_in_dim3A_995 = vector.broadcast %broadcast_in_dim3A_994 : i32 to vector<16xi32>
    %broadcast_in_dim3A_996 = arith.constant 0 : i32
    %broadcast_in_dim3A_997 = vector.broadcast %broadcast_in_dim3A_996 : i32 to vector<16xi32>
    %select_n3A_998 = arith.select %ge3A_993, %broadcast_in_dim3A_995, %broadcast_in_dim3A_997 : vector<16xi1>, vector<16xi32>
    %add3A_999 = arith.addi %add3A_990, %select_n3A_998 : vector<16xi32>
    %swap3A_1000 = arith.constant 3 : i32
    %swap3A_1001 = arith.index_cast %swap3A_1000 : i32 to index
    %swap3A_1002 = arith.constant 48 : index
    %swap3A_1003 = tpu.vector_load %arg8[%swap3A_1001, %swap3A_1002] {strides = array<i32>} : memref<5x128xi32, #tpu.memory_space<vmem>>, vector<1x16xi32>,
    %swap3A_1004 = vector.shape_cast %swap3A_1003 : vector<1x16xi32> to vector<16xi32>
    %swap3A_1005 = vector.shape_cast %add3A_999 : vector<16xi32> to vector<1x16xi32>
    tpu.vector_store %arg8[%swap3A_1001, %swap3A_1002], %swap3A_1005 {strides = array<i32>} : memref<5x128xi32, #tpu.memory_space<vmem>>, vector<1x16xi32>,
    %mul3A_1006 = arith.constant 17 : i32
    %mul3A_1007 = vector.broadcast %mul3A_1006 : i32 to vector<16xi32>
    %mul3A_1008 = arith.muli %mul3A_1007, %iota3A : vector<16xi32>
    %add3A_1009 = arith.constant 7616 : i32
    %add3A_1010 = vector.broadcast %add3A_1009 : i32 to vector<16xi32>
    %add3A_1011 = arith.addi %add3A_1010, %mul3A_1008 : vector<16xi32>
    %add3A_1012 = arith.constant 16 : i32
    %add3A_1013 = vector.broadcast %add3A_1012 : i32 to vector<16xi32>
    %add3A_1014 = arith.addi %add3A_1011, %add3A_1013 : vector<16xi32>
    %mul3A_1015 = arith.constant 22016 : i32
    %mul3A_1016 = arith.muli %mul3A_1015, %add3A : i32
    %add3A_1017 = arith.constant 176 : i32
    %add3A_1018 = arith.addi %mul3A_1016, %add3A_1017 : i32
    %mul3A_1019 = arith.constant 2 : i32
    %mul3A_1020 = vector.broadcast %mul3A_1019 : i32 to vector<16xi32>
    %mul3A_1021 = arith.muli %mul3A_1020, %add3A_1014 : vector<16xi32>
    %add3A_1022 = vector.broadcast %add3A_1018 : i32 to vector<16xi32>
    %add3A_1023 = arith.addi %add3A_1022, %mul3A_1021 : vector<16xi32>
    %ge3A_1024 = arith.constant 7820 : i32
    %ge3A_1025 = vector.broadcast %ge3A_1024 : i32 to vector<16xi32>
    %ge3A_1026 = arith.cmpi sge, %add3A_1014, %ge3A_1025 : vector<16xi32>
    %broadcast_in_dim3A_1027 = arith.constant 8 : i32
    %broadcast_in_dim3A_1028 = vector.broadcast %broadcast_in_dim3A_1027 : i32 to vector<16xi32>
    %broadcast_in_dim3A_1029 = arith.constant 0 : i32
    %broadcast_in_dim3A_1030 = vector.broadcast %broadcast_in_dim3A_1029 : i32 to vector<16xi32>
    %select_n3A_1031 = arith.select %ge3A_1026, %broadcast_in_dim3A_1028, %broadcast_in_dim3A_1030 : vector<16xi1>, vector<16xi32>
    %add3A_1032 = arith.addi %add3A_1023, %select_n3A_1031 : vector<16xi32>
    %swap3A_1033 = arith.constant 3 : i32
    %swap3A_1034 = arith.index_cast %swap3A_1033 : i32 to index
    %swap3A_1035 = arith.constant 64 : index
    %swap3A_1036 = tpu.vector_load %arg8[%swap3A_1034, %swap3A_1035] {strides = array<i32>} : memref<5x128xi32, #tpu.memory_space<vmem>>, vector<1x16xi32>,
    %swap3A_1037 = vector.shape_cast %swap3A_1036 : vector<1x16xi32> to vector<16xi32>
    %swap3A_1038 = vector.shape_cast %add3A_1032 : vector<16xi32> to vector<1x16xi32>
    tpu.vector_store %arg8[%swap3A_1034, %swap3A_1035], %swap3A_1038 {strides = array<i32>} : memref<5x128xi32, #tpu.memory_space<vmem>>, vector<1x16xi32>,
    %mul3A_1039 = arith.constant 17 : i32
    %mul3A_1040 = vector.broadcast %mul3A_1039 : i32 to vector<16xi32>
    %mul3A_1041 = arith.muli %mul3A_1040, %iota3A : vector<16xi32>
    %add3A_1042 = arith.constant 7888 : i32
    %add3A_1043 = vector.broadcast %add3A_1042 : i32 to vector<16xi32>
    %add3A_1044 = arith.addi %add3A_1043, %mul3A_1041 : vector<16xi32>
    %add3A_1045 = arith.constant 16 : i32
    %add3A_1046 = vector.broadcast %add3A_1045 : i32 to vector<16xi32>
    %add3A_1047 = arith.addi %add3A_1044, %add3A_1046 : vector<16xi32>
    %mul3A_1048 = arith.constant 22016 : i32
    %mul3A_1049 = arith.muli %mul3A_1048, %add3A : i32
    %add3A_1050 = arith.constant 184 : i32
    %add3A_1051 = arith.addi %mul3A_1049, %add3A_1050 : i32
    %mul3A_1052 = arith.constant 2 : i32
    %mul3A_1053 = vector.broadcast %mul3A_1052 : i32 to vector<16xi32>
    %mul3A_1054 = arith.muli %mul3A_1053, %add3A_1047 : vector<16xi32>
    %add3A_1055 = vector.broadcast %add3A_1051 : i32 to vector<16xi32>
    %add3A_1056 = arith.addi %add3A_1055, %mul3A_1054 : vector<16xi32>
    %ge3A_1057 = arith.constant 8160 : i32
    %ge3A_1058 = vector.broadcast %ge3A_1057 : i32 to vector<16xi32>
    %ge3A_1059 = arith.cmpi sge, %add3A_1047, %ge3A_1058 : vector<16xi32>
    %broadcast_in_dim3A_1060 = arith.constant 8 : i32
    %broadcast_in_dim3A_1061 = vector.broadcast %broadcast_in_dim3A_1060 : i32 to vector<16xi32>
    %broadcast_in_dim3A_1062 = arith.constant 0 : i32
    %broadcast_in_dim3A_1063 = vector.broadcast %broadcast_in_dim3A_1062 : i32 to vector<16xi32>
    %select_n3A_1064 = arith.select %ge3A_1059, %broadcast_in_dim3A_1061, %broadcast_in_dim3A_1063 : vector<16xi1>, vector<16xi32>
    %add3A_1065 = arith.addi %add3A_1056, %select_n3A_1064 : vector<16xi32>
    %swap3A_1066 = arith.constant 3 : i32
    %swap3A_1067 = arith.index_cast %swap3A_1066 : i32 to index
    %swap3A_1068 = arith.constant 80 : index
    %swap3A_1069 = tpu.vector_load %arg8[%swap3A_1067, %swap3A_1068] {strides = array<i32>} : memref<5x128xi32, #tpu.memory_space<vmem>>, vector<1x16xi32>,
    %swap3A_1070 = vector.shape_cast %swap3A_1069 : vector<1x16xi32> to vector<16xi32>
    %swap3A_1071 = vector.shape_cast %add3A_1065 : vector<16xi32> to vector<1x16xi32>
    tpu.vector_store %arg8[%swap3A_1067, %swap3A_1068], %swap3A_1071 {strides = array<i32>} : memref<5x128xi32, #tpu.memory_space<vmem>>, vector<1x16xi32>,
    %mul3A_1072 = arith.constant 17 : i32
    %mul3A_1073 = vector.broadcast %mul3A_1072 : i32 to vector<16xi32>
    %mul3A_1074 = arith.muli %mul3A_1073, %iota3A : vector<16xi32>
    %add3A_1075 = arith.constant 8160 : i32
    %add3A_1076 = vector.broadcast %add3A_1075 : i32 to vector<16xi32>
    %add3A_1077 = arith.addi %add3A_1076, %mul3A_1074 : vector<16xi32>
    %add3A_1078 = arith.constant 16 : i32
    %add3A_1079 = vector.broadcast %add3A_1078 : i32 to vector<16xi32>
    %add3A_1080 = arith.addi %add3A_1077, %add3A_1079 : vector<16xi32>
    %mul3A_1081 = arith.constant 22016 : i32
    %mul3A_1082 = arith.muli %mul3A_1081, %add3A : i32
    %add3A_1083 = arith.constant 192 : i32
    %add3A_1084 = arith.addi %mul3A_1082, %add3A_1083 : i32
    %mul3A_1085 = arith.constant 2 : i32
    %mul3A_1086 = vector.broadcast %mul3A_1085 : i32 to vector<16xi32>
    %mul3A_1087 = arith.muli %mul3A_1086, %add3A_1080 : vector<16xi32>
    %add3A_1088 = vector.broadcast %add3A_1084 : i32 to vector<16xi32>
    %add3A_1089 = arith.addi %add3A_1088, %mul3A_1087 : vector<16xi32>
    %ge3A_1090 = arith.constant 8500 : i32
    %ge3A_1091 = vector.broadcast %ge3A_1090 : i32 to vector<16xi32>
    %ge3A_1092 = arith.cmpi sge, %add3A_1080, %ge3A_1091 : vector<16xi32>
    %broadcast_in_dim3A_1093 = arith.constant 8 : i32
    %broadcast_in_dim3A_1094 = vector.broadcast %broadcast_in_dim3A_1093 : i32 to vector<16xi32>
    %broadcast_in_dim3A_1095 = arith.constant 0 : i32
    %broadcast_in_dim3A_1096 = vector.broadcast %broadcast_in_dim3A_1095 : i32 to vector<16xi32>
    %select_n3A_1097 = arith.select %ge3A_1092, %broadcast_in_dim3A_1094, %broadcast_in_dim3A_1096 : vector<16xi1>, vector<16xi32>
    %add3A_1098 = arith.addi %add3A_1089, %select_n3A_1097 : vector<16xi32>
    %swap3A_1099 = arith.constant 3 : i32
    %swap3A_1100 = arith.index_cast %swap3A_1099 : i32 to index
    %swap3A_1101 = arith.constant 96 : index
    %swap3A_1102 = tpu.vector_load %arg8[%swap3A_1100, %swap3A_1101] {strides = array<i32>} : memref<5x128xi32, #tpu.memory_space<vmem>>, vector<1x16xi32>,
    %swap3A_1103 = vector.shape_cast %swap3A_1102 : vector<1x16xi32> to vector<16xi32>
    %swap3A_1104 = vector.shape_cast %add3A_1098 : vector<16xi32> to vector<1x16xi32>
    tpu.vector_store %arg8[%swap3A_1100, %swap3A_1101], %swap3A_1104 {strides = array<i32>} : memref<5x128xi32, #tpu.memory_space<vmem>>, vector<1x16xi32>,
    %mul3A_1105 = arith.constant 17 : i32
    %mul3A_1106 = vector.broadcast %mul3A_1105 : i32 to vector<16xi32>
    %mul3A_1107 = arith.muli %mul3A_1106, %iota3A : vector<16xi32>
    %add3A_1108 = arith.constant 8432 : i32
    %add3A_1109 = vector.broadcast %add3A_1108 : i32 to vector<16xi32>
    %add3A_1110 = arith.addi %add3A_1109, %mul3A_1107 : vector<16xi32>
    %add3A_1111 = arith.constant 16 : i32
    %add3A_1112 = vector.broadcast %add3A_1111 : i32 to vector<16xi32>
    %add3A_1113 = arith.addi %add3A_1110, %add3A_1112 : vector<16xi32>
    %mul3A_1114 = arith.constant 22016 : i32
    %mul3A_1115 = arith.muli %mul3A_1114, %add3A : i32
    %add3A_1116 = arith.constant 192 : i32
    %add3A_1117 = arith.addi %mul3A_1115, %add3A_1116 : i32
    %mul3A_1118 = arith.constant 2 : i32
    %mul3A_1119 = vector.broadcast %mul3A_1118 : i32 to vector<16xi32>
    %mul3A_1120 = arith.muli %mul3A_1119, %add3A_1113 : vector<16xi32>
    %add3A_1121 = vector.broadcast %add3A_1117 : i32 to vector<16xi32>
    %add3A_1122 = arith.addi %add3A_1121, %mul3A_1120 : vector<16xi32>
    %ge3A_1123 = arith.constant 8500 : i32
    %ge3A_1124 = vector.broadcast %ge3A_1123 : i32 to vector<16xi32>
    %ge3A_1125 = arith.cmpi sge, %add3A_1113, %ge3A_1124 : vector<16xi32>
    %broadcast_in_dim3A_1126 = arith.constant 8 : i32
    %broadcast_in_dim3A_1127 = vector.broadcast %broadcast_in_dim3A_1126 : i32 to vector<16xi32>
    %broadcast_in_dim3A_1128 = arith.constant 0 : i32
    %broadcast_in_dim3A_1129 = vector.broadcast %broadcast_in_dim3A_1128 : i32 to vector<16xi32>
    %select_n3A_1130 = arith.select %ge3A_1125, %broadcast_in_dim3A_1127, %broadcast_in_dim3A_1129 : vector<16xi1>, vector<16xi32>
    %add3A_1131 = arith.addi %add3A_1122, %select_n3A_1130 : vector<16xi32>
    %swap3A_1132 = arith.constant 3 : i32
    %swap3A_1133 = arith.index_cast %swap3A_1132 : i32 to index
    %swap3A_1134 = arith.constant 112 : index
    %swap3A_1135 = tpu.vector_load %arg8[%swap3A_1133, %swap3A_1134] {strides = array<i32>} : memref<5x128xi32, #tpu.memory_space<vmem>>, vector<1x16xi32>,
    %swap3A_1136 = vector.shape_cast %swap3A_1135 : vector<1x16xi32> to vector<16xi32>
    %swap3A_1137 = vector.shape_cast %add3A_1131 : vector<16xi32> to vector<1x16xi32>
    tpu.vector_store %arg8[%swap3A_1133, %swap3A_1134], %swap3A_1137 {strides = array<i32>} : memref<5x128xi32, #tpu.memory_space<vmem>>, vector<1x16xi32>,
    %mul3A_1138 = arith.constant 17 : i32
    %mul3A_1139 = vector.broadcast %mul3A_1138 : i32 to vector<16xi32>
    %mul3A_1140 = arith.muli %mul3A_1139, %iota3A : vector<16xi32>
    %add3A_1141 = arith.constant 8704 : i32
    %add3A_1142 = vector.broadcast %add3A_1141 : i32 to vector<16xi32>
    %add3A_1143 = arith.addi %add3A_1142, %mul3A_1140 : vector<16xi32>
    %add3A_1144 = arith.constant 16 : i32
    %add3A_1145 = vector.broadcast %add3A_1144 : i32 to vector<16xi32>
    %add3A_1146 = arith.addi %add3A_1143, %add3A_1145 : vector<16xi32>
    %mul3A_1147 = arith.constant 22016 : i32
    %mul3A_1148 = arith.muli %mul3A_1147, %add3A : i32
    %add3A_1149 = arith.constant 200 : i32
    %add3A_1150 = arith.addi %mul3A_1148, %add3A_1149 : i32
    %mul3A_1151 = arith.constant 2 : i32
    %mul3A_1152 = vector.broadcast %mul3A_1151 : i32 to vector<16xi32>
    %mul3A_1153 = arith.muli %mul3A_1152, %add3A_1146 : vector<16xi32>
    %add3A_1154 = vector.broadcast %add3A_1150 : i32 to vector<16xi32>
    %add3A_1155 = arith.addi %add3A_1154, %mul3A_1153 : vector<16xi32>
    %ge3A_1156 = arith.constant 8840 : i32
    %ge3A_1157 = vector.broadcast %ge3A_1156 : i32 to vector<16xi32>
    %ge3A_1158 = arith.cmpi sge, %add3A_1146, %ge3A_1157 : vector<16xi32>
    %broadcast_in_dim3A_1159 = arith.constant 8 : i32
    %broadcast_in_dim3A_1160 = vector.broadcast %broadcast_in_dim3A_1159 : i32 to vector<16xi32>
    %broadcast_in_dim3A_1161 = arith.constant 0 : i32
    %broadcast_in_dim3A_1162 = vector.broadcast %broadcast_in_dim3A_1161 : i32 to vector<16xi32>
    %select_n3A_1163 = arith.select %ge3A_1158, %broadcast_in_dim3A_1160, %broadcast_in_dim3A_1162 : vector<16xi1>, vector<16xi32>
    %add3A_1164 = arith.addi %add3A_1155, %select_n3A_1163 : vector<16xi32>
    %swap3A_1165 = arith.constant 4 : i32
    %swap3A_1166 = arith.index_cast %swap3A_1165 : i32 to index
    %swap3A_1167 = arith.constant 0 : index
    %swap3A_1168 = tpu.vector_load %arg8[%swap3A_1166, %swap3A_1167] {strides = array<i32>} : memref<5x128xi32, #tpu.memory_space<vmem>>, vector<1x16xi32>,
    %swap3A_1169 = vector.shape_cast %swap3A_1168 : vector<1x16xi32> to vector<16xi32>
    %swap3A_1170 = vector.shape_cast %add3A_1164 : vector<16xi32> to vector<1x16xi32>
    tpu.vector_store %arg8[%swap3A_1166, %swap3A_1167], %swap3A_1170 {strides = array<i32>} : memref<5x128xi32, #tpu.memory_space<vmem>>, vector<1x16xi32>,
    %mul3A_1171 = arith.constant 17 : i32
    %mul3A_1172 = vector.broadcast %mul3A_1171 : i32 to vector<16xi32>
    %mul3A_1173 = arith.muli %mul3A_1172, %iota3A : vector<16xi32>
    %add3A_1174 = arith.constant 8976 : i32
    %add3A_1175 = vector.broadcast %add3A_1174 : i32 to vector<16xi32>
    %add3A_1176 = arith.addi %add3A_1175, %mul3A_1173 : vector<16xi32>
    %add3A_1177 = arith.constant 16 : i32
    %add3A_1178 = vector.broadcast %add3A_1177 : i32 to vector<16xi32>
    %add3A_1179 = arith.addi %add3A_1176, %add3A_1178 : vector<16xi32>
    %mul3A_1180 = arith.constant 22016 : i32
    %mul3A_1181 = arith.muli %mul3A_1180, %add3A : i32
    %add3A_1182 = arith.constant 208 : i32
    %add3A_1183 = arith.addi %mul3A_1181, %add3A_1182 : i32
    %mul3A_1184 = arith.constant 2 : i32
    %mul3A_1185 = vector.broadcast %mul3A_1184 : i32 to vector<16xi32>
    %mul3A_1186 = arith.muli %mul3A_1185, %add3A_1179 : vector<16xi32>
    %add3A_1187 = vector.broadcast %add3A_1183 : i32 to vector<16xi32>
    %add3A_1188 = arith.addi %add3A_1187, %mul3A_1186 : vector<16xi32>
    %ge3A_1189 = arith.constant 9180 : i32
    %ge3A_1190 = vector.broadcast %ge3A_1189 : i32 to vector<16xi32>
    %ge3A_1191 = arith.cmpi sge, %add3A_1179, %ge3A_1190 : vector<16xi32>
    %broadcast_in_dim3A_1192 = arith.constant 8 : i32
    %broadcast_in_dim3A_1193 = vector.broadcast %broadcast_in_dim3A_1192 : i32 to vector<16xi32>
    %broadcast_in_dim3A_1194 = arith.constant 0 : i32
    %broadcast_in_dim3A_1195 = vector.broadcast %broadcast_in_dim3A_1194 : i32 to vector<16xi32>
    %select_n3A_1196 = arith.select %ge3A_1191, %broadcast_in_dim3A_1193, %broadcast_in_dim3A_1195 : vector<16xi1>, vector<16xi32>
    %add3A_1197 = arith.addi %add3A_1188, %select_n3A_1196 : vector<16xi32>
    %swap3A_1198 = arith.constant 4 : i32
    %swap3A_1199 = arith.index_cast %swap3A_1198 : i32 to index
    %swap3A_1200 = arith.constant 16 : index
    %swap3A_1201 = tpu.vector_load %arg8[%swap3A_1199, %swap3A_1200] {strides = array<i32>} : memref<5x128xi32, #tpu.memory_space<vmem>>, vector<1x16xi32>,
    %swap3A_1202 = vector.shape_cast %swap3A_1201 : vector<1x16xi32> to vector<16xi32>
    %swap3A_1203 = vector.shape_cast %add3A_1197 : vector<16xi32> to vector<1x16xi32>
    tpu.vector_store %arg8[%swap3A_1199, %swap3A_1200], %swap3A_1203 {strides = array<i32>} : memref<5x128xi32, #tpu.memory_space<vmem>>, vector<1x16xi32>,
    %mul3A_1204 = arith.constant 17 : i32
    %mul3A_1205 = vector.broadcast %mul3A_1204 : i32 to vector<16xi32>
    %mul3A_1206 = arith.muli %mul3A_1205, %iota3A : vector<16xi32>
    %add3A_1207 = arith.constant 9248 : i32
    %add3A_1208 = vector.broadcast %add3A_1207 : i32 to vector<16xi32>
    %add3A_1209 = arith.addi %add3A_1208, %mul3A_1206 : vector<16xi32>
    %add3A_1210 = arith.constant 16 : i32
    %add3A_1211 = vector.broadcast %add3A_1210 : i32 to vector<16xi32>
    %add3A_1212 = arith.addi %add3A_1209, %add3A_1211 : vector<16xi32>
    %mul3A_1213 = arith.constant 22016 : i32
    %mul3A_1214 = arith.muli %mul3A_1213, %add3A : i32
    %add3A_1215 = arith.constant 216 : i32
    %add3A_1216 = arith.addi %mul3A_1214, %add3A_1215 : i32
    %mul3A_1217 = arith.constant 2 : i32
    %mul3A_1218 = vector.broadcast %mul3A_1217 : i32 to vector<16xi32>
    %mul3A_1219 = arith.muli %mul3A_1218, %add3A_1212 : vector<16xi32>
    %add3A_1220 = vector.broadcast %add3A_1216 : i32 to vector<16xi32>
    %add3A_1221 = arith.addi %add3A_1220, %mul3A_1219 : vector<16xi32>
    %ge3A_1222 = arith.constant 9520 : i32
    %ge3A_1223 = vector.broadcast %ge3A_1222 : i32 to vector<16xi32>
    %ge3A_1224 = arith.cmpi sge, %add3A_1212, %ge3A_1223 : vector<16xi32>
    %broadcast_in_dim3A_1225 = arith.constant 8 : i32
    %broadcast_in_dim3A_1226 = vector.broadcast %broadcast_in_dim3A_1225 : i32 to vector<16xi32>
    %broadcast_in_dim3A_1227 = arith.constant 0 : i32
    %broadcast_in_dim3A_1228 = vector.broadcast %broadcast_in_dim3A_1227 : i32 to vector<16xi32>
    %select_n3A_1229 = arith.select %ge3A_1224, %broadcast_in_dim3A_1226, %broadcast_in_dim3A_1228 : vector<16xi1>, vector<16xi32>
    %add3A_1230 = arith.addi %add3A_1221, %select_n3A_1229 : vector<16xi32>
    %swap3A_1231 = arith.constant 4 : i32
    %swap3A_1232 = arith.index_cast %swap3A_1231 : i32 to index
    %swap3A_1233 = arith.constant 32 : index
    %swap3A_1234 = tpu.vector_load %arg8[%swap3A_1232, %swap3A_1233] {strides = array<i32>} : memref<5x128xi32, #tpu.memory_space<vmem>>, vector<1x16xi32>,
    %swap3A_1235 = vector.shape_cast %swap3A_1234 : vector<1x16xi32> to vector<16xi32>
    %swap3A_1236 = vector.shape_cast %add3A_1230 : vector<16xi32> to vector<1x16xi32>
    tpu.vector_store %arg8[%swap3A_1232, %swap3A_1233], %swap3A_1236 {strides = array<i32>} : memref<5x128xi32, #tpu.memory_space<vmem>>, vector<1x16xi32>,
    %mul3A_1237 = arith.constant 17 : i32
    %mul3A_1238 = vector.broadcast %mul3A_1237 : i32 to vector<16xi32>
    %mul3A_1239 = arith.muli %mul3A_1238, %iota3A : vector<16xi32>
    %add3A_1240 = arith.constant 9520 : i32
    %add3A_1241 = vector.broadcast %add3A_1240 : i32 to vector<16xi32>
    %add3A_1242 = arith.addi %add3A_1241, %mul3A_1239 : vector<16xi32>
    %add3A_1243 = arith.constant 16 : i32
    %add3A_1244 = vector.broadcast %add3A_1243 : i32 to vector<16xi32>
    %add3A_1245 = arith.addi %add3A_1242, %add3A_1244 : vector<16xi32>
    %mul3A_1246 = arith.constant 22016 : i32
    %mul3A_1247 = arith.muli %mul3A_1246, %add3A : i32
    %add3A_1248 = arith.constant 224 : i32
    %add3A_1249 = arith.addi %mul3A_1247, %add3A_1248 : i32
    %mul3A_1250 = arith.constant 2 : i32
    %mul3A_1251 = vector.broadcast %mul3A_1250 : i32 to vector<16xi32>
    %mul3A_1252 = arith.muli %mul3A_1251, %add3A_1245 : vector<16xi32>
    %add3A_1253 = vector.broadcast %add3A_1249 : i32 to vector<16xi32>
    %add3A_1254 = arith.addi %add3A_1253, %mul3A_1252 : vector<16xi32>
    %ge3A_1255 = arith.constant 9860 : i32
    %ge3A_1256 = vector.broadcast %ge3A_1255 : i32 to vector<16xi32>
    %ge3A_1257 = arith.cmpi sge, %add3A_1245, %ge3A_1256 : vector<16xi32>
    %broadcast_in_dim3A_1258 = arith.constant 8 : i32
    %broadcast_in_dim3A_1259 = vector.broadcast %broadcast_in_dim3A_1258 : i32 to vector<16xi32>
    %broadcast_in_dim3A_1260 = arith.constant 0 : i32
    %broadcast_in_dim3A_1261 = vector.broadcast %broadcast_in_dim3A_1260 : i32 to vector<16xi32>
    %select_n3A_1262 = arith.select %ge3A_1257, %broadcast_in_dim3A_1259, %broadcast_in_dim3A_1261 : vector<16xi1>, vector<16xi32>
    %add3A_1263 = arith.addi %add3A_1254, %select_n3A_1262 : vector<16xi32>
    %swap3A_1264 = arith.constant 4 : i32
    %swap3A_1265 = arith.index_cast %swap3A_1264 : i32 to index
    %swap3A_1266 = arith.constant 48 : index
    %swap3A_1267 = tpu.vector_load %arg8[%swap3A_1265, %swap3A_1266] {strides = array<i32>} : memref<5x128xi32, #tpu.memory_space<vmem>>, vector<1x16xi32>,
    %swap3A_1268 = vector.shape_cast %swap3A_1267 : vector<1x16xi32> to vector<16xi32>
    %swap3A_1269 = vector.shape_cast %add3A_1263 : vector<16xi32> to vector<1x16xi32>
    tpu.vector_store %arg8[%swap3A_1265, %swap3A_1266], %swap3A_1269 {strides = array<i32>} : memref<5x128xi32, #tpu.memory_space<vmem>>, vector<1x16xi32>,
    %mul3A_1270 = arith.constant 17 : i32
    %mul3A_1271 = vector.broadcast %mul3A_1270 : i32 to vector<16xi32>
    %mul3A_1272 = arith.muli %mul3A_1271, %iota3A : vector<16xi32>
    %add3A_1273 = arith.constant 9792 : i32
    %add3A_1274 = vector.broadcast %add3A_1273 : i32 to vector<16xi32>
    %add3A_1275 = arith.addi %add3A_1274, %mul3A_1272 : vector<16xi32>
    %add3A_1276 = arith.constant 16 : i32
    %add3A_1277 = vector.broadcast %add3A_1276 : i32 to vector<16xi32>
    %add3A_1278 = arith.addi %add3A_1275, %add3A_1277 : vector<16xi32>
    %mul3A_1279 = arith.constant 22016 : i32
    %mul3A_1280 = arith.muli %mul3A_1279, %add3A : i32
    %add3A_1281 = arith.constant 224 : i32
    %add3A_1282 = arith.addi %mul3A_1280, %add3A_1281 : i32
    %mul3A_1283 = arith.constant 2 : i32
    %mul3A_1284 = vector.broadcast %mul3A_1283 : i32 to vector<16xi32>
    %mul3A_1285 = arith.muli %mul3A_1284, %add3A_1278 : vector<16xi32>
    %add3A_1286 = vector.broadcast %add3A_1282 : i32 to vector<16xi32>
    %add3A_1287 = arith.addi %add3A_1286, %mul3A_1285 : vector<16xi32>
    %ge3A_1288 = arith.constant 9860 : i32
    %ge3A_1289 = vector.broadcast %ge3A_1288 : i32 to vector<16xi32>
    %ge3A_1290 = arith.cmpi sge, %add3A_1278, %ge3A_1289 : vector<16xi32>
    %broadcast_in_dim3A_1291 = arith.constant 8 : i32
    %broadcast_in_dim3A_1292 = vector.broadcast %broadcast_in_dim3A_1291 : i32 to vector<16xi32>
    %broadcast_in_dim3A_1293 = arith.constant 0 : i32
    %broadcast_in_dim3A_1294 = vector.broadcast %broadcast_in_dim3A_1293 : i32 to vector<16xi32>
    %select_n3A_1295 = arith.select %ge3A_1290, %broadcast_in_dim3A_1292, %broadcast_in_dim3A_1294 : vector<16xi1>, vector<16xi32>
    %add3A_1296 = arith.addi %add3A_1287, %select_n3A_1295 : vector<16xi32>
    %swap3A_1297 = arith.constant 4 : i32
    %swap3A_1298 = arith.index_cast %swap3A_1297 : i32 to index
    %swap3A_1299 = arith.constant 64 : index
    %swap3A_1300 = tpu.vector_load %arg8[%swap3A_1298, %swap3A_1299] {strides = array<i32>} : memref<5x128xi32, #tpu.memory_space<vmem>>, vector<1x16xi32>,
    %swap3A_1301 = vector.shape_cast %swap3A_1300 : vector<1x16xi32> to vector<16xi32>
    %swap3A_1302 = vector.shape_cast %add3A_1296 : vector<16xi32> to vector<1x16xi32>
    tpu.vector_store %arg8[%swap3A_1298, %swap3A_1299], %swap3A_1302 {strides = array<i32>} : memref<5x128xi32, #tpu.memory_space<vmem>>, vector<1x16xi32>,
    %mul3A_1303 = arith.constant 17 : i32
    %mul3A_1304 = vector.broadcast %mul3A_1303 : i32 to vector<16xi32>
    %mul3A_1305 = arith.muli %mul3A_1304, %iota3A : vector<16xi32>
    %add3A_1306 = arith.constant 10064 : i32
    %add3A_1307 = vector.broadcast %add3A_1306 : i32 to vector<16xi32>
    %add3A_1308 = arith.addi %add3A_1307, %mul3A_1305 : vector<16xi32>
    %add3A_1309 = arith.constant 16 : i32
    %add3A_1310 = vector.broadcast %add3A_1309 : i32 to vector<16xi32>
    %add3A_1311 = arith.addi %add3A_1308, %add3A_1310 : vector<16xi32>
    %mul3A_1312 = arith.constant 22016 : i32
    %mul3A_1313 = arith.muli %mul3A_1312, %add3A : i32
    %add3A_1314 = arith.constant 232 : i32
    %add3A_1315 = arith.addi %mul3A_1313, %add3A_1314 : i32
    %mul3A_1316 = arith.constant 2 : i32
    %mul3A_1317 = vector.broadcast %mul3A_1316 : i32 to vector<16xi32>
    %mul3A_1318 = arith.muli %mul3A_1317, %add3A_1311 : vector<16xi32>
    %add3A_1319 = vector.broadcast %add3A_1315 : i32 to vector<16xi32>
    %add3A_1320 = arith.addi %add3A_1319, %mul3A_1318 : vector<16xi32>
    %ge3A_1321 = arith.constant 10200 : i32
    %ge3A_1322 = vector.broadcast %ge3A_1321 : i32 to vector<16xi32>
    %ge3A_1323 = arith.cmpi sge, %add3A_1311, %ge3A_1322 : vector<16xi32>
    %broadcast_in_dim3A_1324 = arith.constant 8 : i32
    %broadcast_in_dim3A_1325 = vector.broadcast %broadcast_in_dim3A_1324 : i32 to vector<16xi32>
    %broadcast_in_dim3A_1326 = arith.constant 0 : i32
    %broadcast_in_dim3A_1327 = vector.broadcast %broadcast_in_dim3A_1326 : i32 to vector<16xi32>
    %select_n3A_1328 = arith.select %ge3A_1323, %broadcast_in_dim3A_1325, %broadcast_in_dim3A_1327 : vector<16xi1>, vector<16xi32>
    %add3A_1329 = arith.addi %add3A_1320, %select_n3A_1328 : vector<16xi32>
    %swap3A_1330 = arith.constant 4 : i32
    %swap3A_1331 = arith.index_cast %swap3A_1330 : i32 to index
    %swap3A_1332 = arith.constant 80 : index
    %swap3A_1333 = tpu.vector_load %arg8[%swap3A_1331, %swap3A_1332] {strides = array<i32>} : memref<5x128xi32, #tpu.memory_space<vmem>>, vector<1x16xi32>,
    %swap3A_1334 = vector.shape_cast %swap3A_1333 : vector<1x16xi32> to vector<16xi32>
    %swap3A_1335 = vector.shape_cast %add3A_1329 : vector<16xi32> to vector<1x16xi32>
    tpu.vector_store %arg8[%swap3A_1331, %swap3A_1332], %swap3A_1335 {strides = array<i32>} : memref<5x128xi32, #tpu.memory_space<vmem>>, vector<1x16xi32>,
    %mul3A_1336 = arith.constant 17 : i32
    %mul3A_1337 = vector.broadcast %mul3A_1336 : i32 to vector<16xi32>
    %mul3A_1338 = arith.muli %mul3A_1337, %iota3A : vector<16xi32>
    %add3A_1339 = arith.constant 10336 : i32
    %add3A_1340 = vector.broadcast %add3A_1339 : i32 to vector<16xi32>
    %add3A_1341 = arith.addi %add3A_1340, %mul3A_1338 : vector<16xi32>
    %add3A_1342 = arith.constant 16 : i32
    %add3A_1343 = vector.broadcast %add3A_1342 : i32 to vector<16xi32>
    %add3A_1344 = arith.addi %add3A_1341, %add3A_1343 : vector<16xi32>
    %mul3A_1345 = arith.constant 22016 : i32
    %mul3A_1346 = arith.muli %mul3A_1345, %add3A : i32
    %add3A_1347 = arith.constant 240 : i32
    %add3A_1348 = arith.addi %mul3A_1346, %add3A_1347 : i32
    %mul3A_1349 = arith.constant 2 : i32
    %mul3A_1350 = vector.broadcast %mul3A_1349 : i32 to vector<16xi32>
    %mul3A_1351 = arith.muli %mul3A_1350, %add3A_1344 : vector<16xi32>
    %add3A_1352 = vector.broadcast %add3A_1348 : i32 to vector<16xi32>
    %add3A_1353 = arith.addi %add3A_1352, %mul3A_1351 : vector<16xi32>
    %ge3A_1354 = arith.constant 10540 : i32
    %ge3A_1355 = vector.broadcast %ge3A_1354 : i32 to vector<16xi32>
    %ge3A_1356 = arith.cmpi sge, %add3A_1344, %ge3A_1355 : vector<16xi32>
    %broadcast_in_dim3A_1357 = arith.constant 8 : i32
    %broadcast_in_dim3A_1358 = vector.broadcast %broadcast_in_dim3A_1357 : i32 to vector<16xi32>
    %broadcast_in_dim3A_1359 = arith.constant 0 : i32
    %broadcast_in_dim3A_1360 = vector.broadcast %broadcast_in_dim3A_1359 : i32 to vector<16xi32>
    %select_n3A_1361 = arith.select %ge3A_1356, %broadcast_in_dim3A_1358, %broadcast_in_dim3A_1360 : vector<16xi1>, vector<16xi32>
    %add3A_1362 = arith.addi %add3A_1353, %select_n3A_1361 : vector<16xi32>
    %swap3A_1363 = arith.constant 4 : i32
    %swap3A_1364 = arith.index_cast %swap3A_1363 : i32 to index
    %swap3A_1365 = arith.constant 96 : index
    %swap3A_1366 = tpu.vector_load %arg8[%swap3A_1364, %swap3A_1365] {strides = array<i32>} : memref<5x128xi32, #tpu.memory_space<vmem>>, vector<1x16xi32>,
    %swap3A_1367 = vector.shape_cast %swap3A_1366 : vector<1x16xi32> to vector<16xi32>
    %swap3A_1368 = vector.shape_cast %add3A_1362 : vector<16xi32> to vector<1x16xi32>
    tpu.vector_store %arg8[%swap3A_1364, %swap3A_1365], %swap3A_1368 {strides = array<i32>} : memref<5x128xi32, #tpu.memory_space<vmem>>, vector<1x16xi32>,
    %mul3A_1369 = arith.constant 17 : i32
    %mul3A_1370 = vector.broadcast %mul3A_1369 : i32 to vector<16xi32>
    %mul3A_1371 = arith.muli %mul3A_1370, %iota3A : vector<16xi32>
    %add3A_1372 = arith.constant 10608 : i32
    %add3A_1373 = vector.broadcast %add3A_1372 : i32 to vector<16xi32>
    %add3A_1374 = arith.addi %add3A_1373, %mul3A_1371 : vector<16xi32>
    %add3A_1375 = arith.constant 16 : i32
    %add3A_1376 = vector.broadcast %add3A_1375 : i32 to vector<16xi32>
    %add3A_1377 = arith.addi %add3A_1374, %add3A_1376 : vector<16xi32>
    %mul3A_1378 = arith.constant 22016 : i32
    %mul3A_1379 = arith.muli %mul3A_1378, %add3A : i32
    %add3A_1380 = arith.constant 248 : i32
    %add3A_1381 = arith.addi %mul3A_1379, %add3A_1380 : i32
    %mul3A_1382 = arith.constant 2 : i32
    %mul3A_1383 = vector.broadcast %mul3A_1382 : i32 to vector<16xi32>
    %mul3A_1384 = arith.muli %mul3A_1383, %add3A_1377 : vector<16xi32>
    %add3A_1385 = vector.broadcast %add3A_1381 : i32 to vector<16xi32>
    %add3A_1386 = arith.addi %add3A_1385, %mul3A_1384 : vector<16xi32>
    %ge3A_1387 = arith.constant 10880 : i32
    %ge3A_1388 = vector.broadcast %ge3A_1387 : i32 to vector<16xi32>
    %ge3A_1389 = arith.cmpi sge, %add3A_1377, %ge3A_1388 : vector<16xi32>
    %broadcast_in_dim3A_1390 = arith.constant 8 : i32
    %broadcast_in_dim3A_1391 = vector.broadcast %broadcast_in_dim3A_1390 : i32 to vector<16xi32>
    %broadcast_in_dim3A_1392 = arith.constant 0 : i32
    %broadcast_in_dim3A_1393 = vector.broadcast %broadcast_in_dim3A_1392 : i32 to vector<16xi32>
    %select_n3A_1394 = arith.select %ge3A_1389, %broadcast_in_dim3A_1391, %broadcast_in_dim3A_1393 : vector<16xi1>, vector<16xi32>
    %add3A_1395 = arith.addi %add3A_1386, %select_n3A_1394 : vector<16xi32>
    %swap3A_1396 = arith.constant 4 : i32
    %swap3A_1397 = arith.index_cast %swap3A_1396 : i32 to index
    %swap3A_1398 = arith.constant 112 : index
    %swap3A_1399 = tpu.vector_load %arg8[%swap3A_1397, %swap3A_1398] {strides = array<i32>} : memref<5x128xi32, #tpu.memory_space<vmem>>, vector<1x16xi32>,
    %swap3A_1400 = vector.shape_cast %swap3A_1399 : vector<1x16xi32> to vector<16xi32>
    %swap3A_1401 = vector.shape_cast %add3A_1395 : vector<16xi32> to vector<1x16xi32>
    tpu.vector_store %arg8[%swap3A_1397, %swap3A_1398], %swap3A_1401 {strides = array<i32>} : memref<5x128xi32, #tpu.memory_space<vmem>>, vector<1x16xi32>,
    %scan3A_1402 = arith.constant 0 : i32
    %scan3A_1403 = arith.constant 0 : i32
    %scan3A_1404 = arith.constant 11 : i32
    %scan3A_1405 = arith.addi %scan3A_1403, %scan3A_1404 : i32
    %scan3A_1406 = arith.constant 1 : i32
    scf.for %scan3A_2013 = %scan3A_1403 to %scan3A_1405 step %scan3A_1406  : i32 {
      %dma_wait3A_2014 = arith.constant 0 : i32
      %dma_wait3A_2015 = arith.constant 0 : i32
      %dma_wait3A_2016 = arith.constant 0 : i32
      %dma_wait3A_2017 = tpu.memref_slice %arg10[%dma_wait3A_2014, %dma_wait3A_2015, %dma_wait3A_2016] : memref<7x128x64xf32, #tpu.memory_space<vmem>> -> memref<1x128x64xf32, #tpu.memory_space<vmem>>
      %dma_wait3A_2018 = tpu.memref_squeeze %dma_wait3A_2017 : memref<1x128x64xf32, #tpu.memory_space<vmem>> -> memref<128x64xf32, #tpu.memory_space<vmem>>
      %dma_wait3A_2019 = arith.constant 0 : i32
      %dma_wait3A_2020 = arith.constant 0 : i32
      %dma_wait3A_2021 = tpu.memref_slice %arg5[%dma_wait3A_2019, %dma_wait3A_2020] : memref<704512x64xf32, #tpu.memory_space<hbm>> -> memref<128x64xf32, #tpu.memory_space<hbm>>
      %dma_wait3A_2022 = arith.constant 0 : i32
      %dma_wait3A_2023 = arith.constant 0 : i32
      %dma_wait3A_2024 = tpu.memref_slice %arg10[%dma_wait3A_2014, %dma_wait3A_2022, %dma_wait3A_2023] : memref<7x128x64xf32, #tpu.memory_space<vmem>> -> memref<1x128x64xf32, #tpu.memory_space<vmem>>
      %dma_wait3A_2025 = tpu.memref_squeeze %dma_wait3A_2024 : memref<1x128x64xf32, #tpu.memory_space<vmem>> -> memref<128x64xf32, #tpu.memory_space<vmem>>
      %dma_wait3A_2026 = arith.constant 0 : i32
      %dma_wait3A_2027 = arith.constant 0 : i32
      %dma_wait3A_2028 = tpu.memref_slice %arg5[%dma_wait3A_2026, %dma_wait3A_2027] : memref<704512x64xf32, #tpu.memory_space<hbm>> -> memref<128x64xf32, #tpu.memory_space<hbm>>
      tpu.wait_dma2 semaphore(%arg12 : memref<!tpu.dma_semaphore, #tpu.memory_space<semaphore_mem>>) src(%dma_wait3A_2028 : memref<128x64xf32, #tpu.memory_space<hbm>>) dst(%dma_wait3A_2025 : memref<128x64xf32, #tpu.memory_space<vmem>>)
      %mul3A_2029 = arith.constant 7 : i32
      %mul3A_2030 = arith.muli %scan3A_2013, %mul3A_2029 : i32
      %add3A_2031 = arith.constant 0 : i32
      %add3A_2032 = arith.addi %mul3A_2030, %add3A_2031 : i32
      %dma_start3A_2033 = arith.constant 0 : i32
      %dma_start3A_2034 = arith.constant 0 : i32
      %dma_start3A_2035 = arith.constant 0 : i32
      %dma_start3A_2036 = tpu.memref_slice %arg10[%dma_start3A_2033, %dma_start3A_2034, %dma_start3A_2035] : memref<7x128x64xf32, #tpu.memory_space<vmem>> -> memref<1x128x64xf32, #tpu.memory_space<vmem>>
      %dma_start3A_2037 = tpu.memref_squeeze %dma_start3A_2036 : memref<1x128x64xf32, #tpu.memory_space<vmem>> -> memref<128x64xf32, #tpu.memory_space<vmem>>
      %dma_start3A_2038 = arith.constant 0 : i32
      %dma_start3A_2039 = tpu.memref_slice %arg9[%add3A_2032, %dma_start3A_2038] : memref<85x128xi32, #tpu.memory_space<vmem>> -> memref<1x128xi32, #tpu.memory_space<vmem>>
      %dma_start3A_2040 = tpu.memref_squeeze %dma_start3A_2039 : memref<1x128xi32, #tpu.memory_space<vmem>> -> memref<128xi32, #tpu.memory_space<vmem>>
      %dma_start3A_2041 = arith.constant 0 : i32
      %dma_start3A_2042 = arith.constant 0 : i32
      %dma_start3A_2043 = tpu.memref_slice %arg5[%dma_start3A_2041, %dma_start3A_2042] : memref<704512x64xf32, #tpu.memory_space<hbm>> -> memref<704512x64xf32, #tpu.memory_space<hbm>>
      tpu.enqueue_indirect_dma source(%dma_start3A_2037 : memref<128x64xf32, #tpu.memory_space<vmem>>) target(%dma_start3A_2043 : memref<704512x64xf32, #tpu.memory_space<hbm>>) offsets(%dma_start3A_2040 : memref<128xi32, #tpu.memory_space<vmem>>) semaphore(%arg19 : memref<!tpu.dma_semaphore, #tpu.memory_space<semaphore_mem>>)
      %dma_wait3A_2044 = arith.constant 1 : i32
      %dma_wait3A_2045 = arith.constant 0 : i32
      %dma_wait3A_2046 = arith.constant 0 : i32
      %dma_wait3A_2047 = tpu.memref_slice %arg10[%dma_wait3A_2044, %dma_wait3A_2045, %dma_wait3A_2046] : memref<7x128x64xf32, #tpu.memory_space<vmem>> -> memref<1x128x64xf32, #tpu.memory_space<vmem>>
      %dma_wait3A_2048 = tpu.memref_squeeze %dma_wait3A_2047 : memref<1x128x64xf32, #tpu.memory_space<vmem>> -> memref<128x64xf32, #tpu.memory_space<vmem>>
      %dma_wait3A_2049 = arith.constant 0 : i32
      %dma_wait3A_2050 = arith.constant 0 : i32
      %dma_wait3A_2051 = tpu.memref_slice %arg5[%dma_wait3A_2049, %dma_wait3A_2050] : memref<704512x64xf32, #tpu.memory_space<hbm>> -> memref<128x64xf32, #tpu.memory_space<hbm>>
      %dma_wait3A_2052 = arith.constant 0 : i32
      %dma_wait3A_2053 = arith.constant 0 : i32
      %dma_wait3A_2054 = tpu.memref_slice %arg10[%dma_wait3A_2044, %dma_wait3A_2052, %dma_wait3A_2053] : memref<7x128x64xf32, #tpu.memory_space<vmem>> -> memref<1x128x64xf32, #tpu.memory_space<vmem>>
      %dma_wait3A_2055 = tpu.memref_squeeze %dma_wait3A_2054 : memref<1x128x64xf32, #tpu.memory_space<vmem>> -> memref<128x64xf32, #tpu.memory_space<vmem>>
      %dma_wait3A_2056 = arith.constant 0 : i32
      %dma_wait3A_2057 = arith.constant 0 : i32
      %dma_wait3A_2058 = tpu.memref_slice %arg5[%dma_wait3A_2056, %dma_wait3A_2057] : memref<704512x64xf32, #tpu.memory_space<hbm>> -> memref<128x64xf32, #tpu.memory_space<hbm>>
      tpu.wait_dma2 semaphore(%arg13 : memref<!tpu.dma_semaphore, #tpu.memory_space<semaphore_mem>>) src(%dma_wait3A_2058 : memref<128x64xf32, #tpu.memory_space<hbm>>) dst(%dma_wait3A_2055 : memref<128x64xf32, #tpu.memory_space<vmem>>)
      %mul3A_2059 = arith.constant 7 : i32
      %mul3A_2060 = arith.muli %scan3A_2013, %mul3A_2059 : i32
      %add3A_2061 = arith.constant 1 : i32
      %add3A_2062 = arith.addi %mul3A_2060, %add3A_2061 : i32
      %dma_start3A_2063 = arith.constant 1 : i32
      %dma_start3A_2064 = arith.constant 0 : i32
      %dma_start3A_2065 = arith.constant 0 : i32
      %dma_start3A_2066 = tpu.memref_slice %arg10[%dma_start3A_2063, %dma_start3A_2064, %dma_start3A_2065] : memref<7x128x64xf32, #tpu.memory_space<vmem>> -> memref<1x128x64xf32, #tpu.memory_space<vmem>>
      %dma_start3A_2067 = tpu.memref_squeeze %dma_start3A_2066 : memref<1x128x64xf32, #tpu.memory_space<vmem>> -> memref<128x64xf32, #tpu.memory_space<vmem>>
      %dma_start3A_2068 = arith.constant 0 : i32
      %dma_start3A_2069 = tpu.memref_slice %arg9[%add3A_2062, %dma_start3A_2068] : memref<85x128xi32, #tpu.memory_space<vmem>> -> memref<1x128xi32, #tpu.memory_space<vmem>>
      %dma_start3A_2070 = tpu.memref_squeeze %dma_start3A_2069 : memref<1x128xi32, #tpu.memory_space<vmem>> -> memref<128xi32, #tpu.memory_space<vmem>>
      %dma_start3A_2071 = arith.constant 0 : i32
      %dma_start3A_2072 = arith.constant 0 : i32
      %dma_start3A_2073 = tpu.memref_slice %arg5[%dma_start3A_2071, %dma_start3A_2072] : memref<704512x64xf32, #tpu.memory_space<hbm>> -> memref<704512x64xf32, #tpu.memory_space<hbm>>
      tpu.enqueue_indirect_dma source(%dma_start3A_2067 : memref<128x64xf32, #tpu.memory_space<vmem>>) target(%dma_start3A_2073 : memref<704512x64xf32, #tpu.memory_space<hbm>>) offsets(%dma_start3A_2070 : memref<128xi32, #tpu.memory_space<vmem>>) semaphore(%arg20 : memref<!tpu.dma_semaphore, #tpu.memory_space<semaphore_mem>>)
      %dma_wait3A_2074 = arith.constant 2 : i32
      %dma_wait3A_2075 = arith.constant 0 : i32
      %dma_wait3A_2076 = arith.constant 0 : i32
      %dma_wait3A_2077 = tpu.memref_slice %arg10[%dma_wait3A_2074, %dma_wait3A_2075, %dma_wait3A_2076] : memref<7x128x64xf32, #tpu.memory_space<vmem>> -> memref<1x128x64xf32, #tpu.memory_space<vmem>>
      %dma_wait3A_2078 = tpu.memref_squeeze %dma_wait3A_2077 : memref<1x128x64xf32, #tpu.memory_space<vmem>> -> memref<128x64xf32, #tpu.memory_space<vmem>>
      %dma_wait3A_2079 = arith.constant 0 : i32
      %dma_wait3A_2080 = arith.constant 0 : i32
      %dma_wait3A_2081 = tpu.memref_slice %arg5[%dma_wait3A_2079, %dma_wait3A_2080] : memref<704512x64xf32, #tpu.memory_space<hbm>> -> memref<128x64xf32, #tpu.memory_space<hbm>>
      %dma_wait3A_2082 = arith.constant 0 : i32
      %dma_wait3A_2083 = arith.constant 0 : i32
      %dma_wait3A_2084 = tpu.memref_slice %arg10[%dma_wait3A_2074, %dma_wait3A_2082, %dma_wait3A_2083] : memref<7x128x64xf32, #tpu.memory_space<vmem>> -> memref<1x128x64xf32, #tpu.memory_space<vmem>>
      %dma_wait3A_2085 = tpu.memref_squeeze %dma_wait3A_2084 : memref<1x128x64xf32, #tpu.memory_space<vmem>> -> memref<128x64xf32, #tpu.memory_space<vmem>>
      %dma_wait3A_2086 = arith.constant 0 : i32
      %dma_wait3A_2087 = arith.constant 0 : i32
      %dma_wait3A_2088 = tpu.memref_slice %arg5[%dma_wait3A_2086, %dma_wait3A_2087] : memref<704512x64xf32, #tpu.memory_space<hbm>> -> memref<128x64xf32, #tpu.memory_space<hbm>>
      tpu.wait_dma2 semaphore(%arg14 : memref<!tpu.dma_semaphore, #tpu.memory_space<semaphore_mem>>) src(%dma_wait3A_2088 : memref<128x64xf32, #tpu.memory_space<hbm>>) dst(%dma_wait3A_2085 : memref<128x64xf32, #tpu.memory_space<vmem>>)
      %mul3A_2089 = arith.constant 7 : i32
      %mul3A_2090 = arith.muli %scan3A_2013, %mul3A_2089 : i32
      %add3A_2091 = arith.constant 2 : i32
      %add3A_2092 = arith.addi %mul3A_2090, %add3A_2091 : i32
      %dma_start3A_2093 = arith.constant 2 : i32
      %dma_start3A_2094 = arith.constant 0 : i32
      %dma_start3A_2095 = arith.constant 0 : i32
      %dma_start3A_2096 = tpu.memref_slice %arg10[%dma_start3A_2093, %dma_start3A_2094, %dma_start3A_2095] : memref<7x128x64xf32, #tpu.memory_space<vmem>> -> memref<1x128x64xf32, #tpu.memory_space<vmem>>
      %dma_start3A_2097 = tpu.memref_squeeze %dma_start3A_2096 : memref<1x128x64xf32, #tpu.memory_space<vmem>> -> memref<128x64xf32, #tpu.memory_space<vmem>>
      %dma_start3A_2098 = arith.constant 0 : i32
      %dma_start3A_2099 = tpu.memref_slice %arg9[%add3A_2092, %dma_start3A_2098] : memref<85x128xi32, #tpu.memory_space<vmem>> -> memref<1x128xi32, #tpu.memory_space<vmem>>
      %dma_start3A_2100 = tpu.memref_squeeze %dma_start3A_2099 : memref<1x128xi32, #tpu.memory_space<vmem>> -> memref<128xi32, #tpu.memory_space<vmem>>
      %dma_start3A_2101 = arith.constant 0 : i32
      %dma_start3A_2102 = arith.constant 0 : i32
      %dma_start3A_2103 = tpu.memref_slice %arg5[%dma_start3A_2101, %dma_start3A_2102] : memref<704512x64xf32, #tpu.memory_space<hbm>> -> memref<704512x64xf32, #tpu.memory_space<hbm>>
      tpu.enqueue_indirect_dma source(%dma_start3A_2097 : memref<128x64xf32, #tpu.memory_space<vmem>>) target(%dma_start3A_2103 : memref<704512x64xf32, #tpu.memory_space<hbm>>) offsets(%dma_start3A_2100 : memref<128xi32, #tpu.memory_space<vmem>>) semaphore(%arg21 : memref<!tpu.dma_semaphore, #tpu.memory_space<semaphore_mem>>)
      %dma_wait3A_2104 = arith.constant 3 : i32
      %dma_wait3A_2105 = arith.constant 0 : i32
      %dma_wait3A_2106 = arith.constant 0 : i32
      %dma_wait3A_2107 = tpu.memref_slice %arg10[%dma_wait3A_2104, %dma_wait3A_2105, %dma_wait3A_2106] : memref<7x128x64xf32, #tpu.memory_space<vmem>> -> memref<1x128x64xf32, #tpu.memory_space<vmem>>
      %dma_wait3A_2108 = tpu.memref_squeeze %dma_wait3A_2107 : memref<1x128x64xf32, #tpu.memory_space<vmem>> -> memref<128x64xf32, #tpu.memory_space<vmem>>
      %dma_wait3A_2109 = arith.constant 0 : i32
      %dma_wait3A_2110 = arith.constant 0 : i32
      %dma_wait3A_2111 = tpu.memref_slice %arg5[%dma_wait3A_2109, %dma_wait3A_2110] : memref<704512x64xf32, #tpu.memory_space<hbm>> -> memref<128x64xf32, #tpu.memory_space<hbm>>
      %dma_wait3A_2112 = arith.constant 0 : i32
      %dma_wait3A_2113 = arith.constant 0 : i32
      %dma_wait3A_2114 = tpu.memref_slice %arg10[%dma_wait3A_2104, %dma_wait3A_2112, %dma_wait3A_2113] : memref<7x128x64xf32, #tpu.memory_space<vmem>> -> memref<1x128x64xf32, #tpu.memory_space<vmem>>
      %dma_wait3A_2115 = tpu.memref_squeeze %dma_wait3A_2114 : memref<1x128x64xf32, #tpu.memory_space<vmem>> -> memref<128x64xf32, #tpu.memory_space<vmem>>
      %dma_wait3A_2116 = arith.constant 0 : i32
      %dma_wait3A_2117 = arith.constant 0 : i32
      %dma_wait3A_2118 = tpu.memref_slice %arg5[%dma_wait3A_2116, %dma_wait3A_2117] : memref<704512x64xf32, #tpu.memory_space<hbm>> -> memref<128x64xf32, #tpu.memory_space<hbm>>
      tpu.wait_dma2 semaphore(%arg15 : memref<!tpu.dma_semaphore, #tpu.memory_space<semaphore_mem>>) src(%dma_wait3A_2118 : memref<128x64xf32, #tpu.memory_space<hbm>>) dst(%dma_wait3A_2115 : memref<128x64xf32, #tpu.memory_space<vmem>>)
      %mul3A_2119 = arith.constant 7 : i32
      %mul3A_2120 = arith.muli %scan3A_2013, %mul3A_2119 : i32
      %add3A_2121 = arith.constant 3 : i32
      %add3A_2122 = arith.addi %mul3A_2120, %add3A_2121 : i32
      %dma_start3A_2123 = arith.constant 3 : i32
      %dma_start3A_2124 = arith.constant 0 : i32
      %dma_start3A_2125 = arith.constant 0 : i32
      %dma_start3A_2126 = tpu.memref_slice %arg10[%dma_start3A_2123, %dma_start3A_2124, %dma_start3A_2125] : memref<7x128x64xf32, #tpu.memory_space<vmem>> -> memref<1x128x64xf32, #tpu.memory_space<vmem>>
      %dma_start3A_2127 = tpu.memref_squeeze %dma_start3A_2126 : memref<1x128x64xf32, #tpu.memory_space<vmem>> -> memref<128x64xf32, #tpu.memory_space<vmem>>
      %dma_start3A_2128 = arith.constant 0 : i32
      %dma_start3A_2129 = tpu.memref_slice %arg9[%add3A_2122, %dma_start3A_2128] : memref<85x128xi32, #tpu.memory_space<vmem>> -> memref<1x128xi32, #tpu.memory_space<vmem>>
      %dma_start3A_2130 = tpu.memref_squeeze %dma_start3A_2129 : memref<1x128xi32, #tpu.memory_space<vmem>> -> memref<128xi32, #tpu.memory_space<vmem>>
      %dma_start3A_2131 = arith.constant 0 : i32
      %dma_start3A_2132 = arith.constant 0 : i32
      %dma_start3A_2133 = tpu.memref_slice %arg5[%dma_start3A_2131, %dma_start3A_2132] : memref<704512x64xf32, #tpu.memory_space<hbm>> -> memref<704512x64xf32, #tpu.memory_space<hbm>>
      tpu.enqueue_indirect_dma source(%dma_start3A_2127 : memref<128x64xf32, #tpu.memory_space<vmem>>) target(%dma_start3A_2133 : memref<704512x64xf32, #tpu.memory_space<hbm>>) offsets(%dma_start3A_2130 : memref<128xi32, #tpu.memory_space<vmem>>) semaphore(%arg22 : memref<!tpu.dma_semaphore, #tpu.memory_space<semaphore_mem>>)
      %dma_wait3A_2134 = arith.constant 4 : i32
      %dma_wait3A_2135 = arith.constant 0 : i32
      %dma_wait3A_2136 = arith.constant 0 : i32
      %dma_wait3A_2137 = tpu.memref_slice %arg10[%dma_wait3A_2134, %dma_wait3A_2135, %dma_wait3A_2136] : memref<7x128x64xf32, #tpu.memory_space<vmem>> -> memref<1x128x64xf32, #tpu.memory_space<vmem>>
      %dma_wait3A_2138 = tpu.memref_squeeze %dma_wait3A_2137 : memref<1x128x64xf32, #tpu.memory_space<vmem>> -> memref<128x64xf32, #tpu.memory_space<vmem>>
      %dma_wait3A_2139 = arith.constant 0 : i32
      %dma_wait3A_2140 = arith.constant 0 : i32
      %dma_wait3A_2141 = tpu.memref_slice %arg5[%dma_wait3A_2139, %dma_wait3A_2140] : memref<704512x64xf32, #tpu.memory_space<hbm>> -> memref<128x64xf32, #tpu.memory_space<hbm>>
      %dma_wait3A_2142 = arith.constant 0 : i32
      %dma_wait3A_2143 = arith.constant 0 : i32
      %dma_wait3A_2144 = tpu.memref_slice %arg10[%dma_wait3A_2134, %dma_wait3A_2142, %dma_wait3A_2143] : memref<7x128x64xf32, #tpu.memory_space<vmem>> -> memref<1x128x64xf32, #tpu.memory_space<vmem>>
      %dma_wait3A_2145 = tpu.memref_squeeze %dma_wait3A_2144 : memref<1x128x64xf32, #tpu.memory_space<vmem>> -> memref<128x64xf32, #tpu.memory_space<vmem>>
      %dma_wait3A_2146 = arith.constant 0 : i32
      %dma_wait3A_2147 = arith.constant 0 : i32
      %dma_wait3A_2148 = tpu.memref_slice %arg5[%dma_wait3A_2146, %dma_wait3A_2147] : memref<704512x64xf32, #tpu.memory_space<hbm>> -> memref<128x64xf32, #tpu.memory_space<hbm>>
      tpu.wait_dma2 semaphore(%arg16 : memref<!tpu.dma_semaphore, #tpu.memory_space<semaphore_mem>>) src(%dma_wait3A_2148 : memref<128x64xf32, #tpu.memory_space<hbm>>) dst(%dma_wait3A_2145 : memref<128x64xf32, #tpu.memory_space<vmem>>)
      %mul3A_2149 = arith.constant 7 : i32
      %mul3A_2150 = arith.muli %scan3A_2013, %mul3A_2149 : i32
      %add3A_2151 = arith.constant 4 : i32
      %add3A_2152 = arith.addi %mul3A_2150, %add3A_2151 : i32
      %dma_start3A_2153 = arith.constant 4 : i32
      %dma_start3A_2154 = arith.constant 0 : i32
      %dma_start3A_2155 = arith.constant 0 : i32
      %dma_start3A_2156 = tpu.memref_slice %arg10[%dma_start3A_2153, %dma_start3A_2154, %dma_start3A_2155] : memref<7x128x64xf32, #tpu.memory_space<vmem>> -> memref<1x128x64xf32, #tpu.memory_space<vmem>>
      %dma_start3A_2157 = tpu.memref_squeeze %dma_start3A_2156 : memref<1x128x64xf32, #tpu.memory_space<vmem>> -> memref<128x64xf32, #tpu.memory_space<vmem>>
      %dma_start3A_2158 = arith.constant 0 : i32
      %dma_start3A_2159 = tpu.memref_slice %arg9[%add3A_2152, %dma_start3A_2158] : memref<85x128xi32, #tpu.memory_space<vmem>> -> memref<1x128xi32, #tpu.memory_space<vmem>>
      %dma_start3A_2160 = tpu.memref_squeeze %dma_start3A_2159 : memref<1x128xi32, #tpu.memory_space<vmem>> -> memref<128xi32, #tpu.memory_space<vmem>>
      %dma_start3A_2161 = arith.constant 0 : i32
      %dma_start3A_2162 = arith.constant 0 : i32
      %dma_start3A_2163 = tpu.memref_slice %arg5[%dma_start3A_2161, %dma_start3A_2162] : memref<704512x64xf32, #tpu.memory_space<hbm>> -> memref<704512x64xf32, #tpu.memory_space<hbm>>
      tpu.enqueue_indirect_dma source(%dma_start3A_2157 : memref<128x64xf32, #tpu.memory_space<vmem>>) target(%dma_start3A_2163 : memref<704512x64xf32, #tpu.memory_space<hbm>>) offsets(%dma_start3A_2160 : memref<128xi32, #tpu.memory_space<vmem>>) semaphore(%arg23 : memref<!tpu.dma_semaphore, #tpu.memory_space<semaphore_mem>>)
      %dma_wait3A_2164 = arith.constant 5 : i32
      %dma_wait3A_2165 = arith.constant 0 : i32
      %dma_wait3A_2166 = arith.constant 0 : i32
      %dma_wait3A_2167 = tpu.memref_slice %arg10[%dma_wait3A_2164, %dma_wait3A_2165, %dma_wait3A_2166] : memref<7x128x64xf32, #tpu.memory_space<vmem>> -> memref<1x128x64xf32, #tpu.memory_space<vmem>>
      %dma_wait3A_2168 = tpu.memref_squeeze %dma_wait3A_2167 : memref<1x128x64xf32, #tpu.memory_space<vmem>> -> memref<128x64xf32, #tpu.memory_space<vmem>>
      %dma_wait3A_2169 = arith.constant 0 : i32
      %dma_wait3A_2170 = arith.constant 0 : i32
      %dma_wait3A_2171 = tpu.memref_slice %arg5[%dma_wait3A_2169, %dma_wait3A_2170] : memref<704512x64xf32, #tpu.memory_space<hbm>> -> memref<128x64xf32, #tpu.memory_space<hbm>>
      %dma_wait3A_2172 = arith.constant 0 : i32
      %dma_wait3A_2173 = arith.constant 0 : i32
      %dma_wait3A_2174 = tpu.memref_slice %arg10[%dma_wait3A_2164, %dma_wait3A_2172, %dma_wait3A_2173] : memref<7x128x64xf32, #tpu.memory_space<vmem>> -> memref<1x128x64xf32, #tpu.memory_space<vmem>>
      %dma_wait3A_2175 = tpu.memref_squeeze %dma_wait3A_2174 : memref<1x128x64xf32, #tpu.memory_space<vmem>> -> memref<128x64xf32, #tpu.memory_space<vmem>>
      %dma_wait3A_2176 = arith.constant 0 : i32
      %dma_wait3A_2177 = arith.constant 0 : i32
      %dma_wait3A_2178 = tpu.memref_slice %arg5[%dma_wait3A_2176, %dma_wait3A_2177] : memref<704512x64xf32, #tpu.memory_space<hbm>> -> memref<128x64xf32, #tpu.memory_space<hbm>>
      tpu.wait_dma2 semaphore(%arg17 : memref<!tpu.dma_semaphore, #tpu.memory_space<semaphore_mem>>) src(%dma_wait3A_2178 : memref<128x64xf32, #tpu.memory_space<hbm>>) dst(%dma_wait3A_2175 : memref<128x64xf32, #tpu.memory_space<vmem>>)
      %mul3A_2179 = arith.constant 7 : i32
      %mul3A_2180 = arith.muli %scan3A_2013, %mul3A_2179 : i32
      %add3A_2181 = arith.constant 5 : i32
      %add3A_2182 = arith.addi %mul3A_2180, %add3A_2181 : i32
      %dma_start3A_2183 = arith.constant 5 : i32
      %dma_start3A_2184 = arith.constant 0 : i32
      %dma_start3A_2185 = arith.constant 0 : i32
      %dma_start3A_2186 = tpu.memref_slice %arg10[%dma_start3A_2183, %dma_start3A_2184, %dma_start3A_2185] : memref<7x128x64xf32, #tpu.memory_space<vmem>> -> memref<1x128x64xf32, #tpu.memory_space<vmem>>
      %dma_start3A_2187 = tpu.memref_squeeze %dma_start3A_2186 : memref<1x128x64xf32, #tpu.memory_space<vmem>> -> memref<128x64xf32, #tpu.memory_space<vmem>>
      %dma_start3A_2188 = arith.constant 0 : i32
      %dma_start3A_2189 = tpu.memref_slice %arg9[%add3A_2182, %dma_start3A_2188] : memref<85x128xi32, #tpu.memory_space<vmem>> -> memref<1x128xi32, #tpu.memory_space<vmem>>
      %dma_start3A_2190 = tpu.memref_squeeze %dma_start3A_2189 : memref<1x128xi32, #tpu.memory_space<vmem>> -> memref<128xi32, #tpu.memory_space<vmem>>
      %dma_start3A_2191 = arith.constant 0 : i32
      %dma_start3A_2192 = arith.constant 0 : i32
      %dma_start3A_2193 = tpu.memref_slice %arg5[%dma_start3A_2191, %dma_start3A_2192] : memref<704512x64xf32, #tpu.memory_space<hbm>> -> memref<704512x64xf32, #tpu.memory_space<hbm>>
      tpu.enqueue_indirect_dma source(%dma_start3A_2187 : memref<128x64xf32, #tpu.memory_space<vmem>>) target(%dma_start3A_2193 : memref<704512x64xf32, #tpu.memory_space<hbm>>) offsets(%dma_start3A_2190 : memref<128xi32, #tpu.memory_space<vmem>>) semaphore(%arg24 : memref<!tpu.dma_semaphore, #tpu.memory_space<semaphore_mem>>)
      %dma_wait3A_2194 = arith.constant 6 : i32
      %dma_wait3A_2195 = arith.constant 0 : i32
      %dma_wait3A_2196 = arith.constant 0 : i32
      %dma_wait3A_2197 = tpu.memref_slice %arg10[%dma_wait3A_2194, %dma_wait3A_2195, %dma_wait3A_2196] : memref<7x128x64xf32, #tpu.memory_space<vmem>> -> memref<1x128x64xf32, #tpu.memory_space<vmem>>
      %dma_wait3A_2198 = tpu.memref_squeeze %dma_wait3A_2197 : memref<1x128x64xf32, #tpu.memory_space<vmem>> -> memref<128x64xf32, #tpu.memory_space<vmem>>
      %dma_wait3A_2199 = arith.constant 0 : i32
      %dma_wait3A_2200 = arith.constant 0 : i32
      %dma_wait3A_2201 = tpu.memref_slice %arg5[%dma_wait3A_2199, %dma_wait3A_2200] : memref<704512x64xf32, #tpu.memory_space<hbm>> -> memref<128x64xf32, #tpu.memory_space<hbm>>
      %dma_wait3A_2202 = arith.constant 0 : i32
      %dma_wait3A_2203 = arith.constant 0 : i32
      %dma_wait3A_2204 = tpu.memref_slice %arg10[%dma_wait3A_2194, %dma_wait3A_2202, %dma_wait3A_2203] : memref<7x128x64xf32, #tpu.memory_space<vmem>> -> memref<1x128x64xf32, #tpu.memory_space<vmem>>
      %dma_wait3A_2205 = tpu.memref_squeeze %dma_wait3A_2204 : memref<1x128x64xf32, #tpu.memory_space<vmem>> -> memref<128x64xf32, #tpu.memory_space<vmem>>
      %dma_wait3A_2206 = arith.constant 0 : i32
      %dma_wait3A_2207 = arith.constant 0 : i32
      %dma_wait3A_2208 = tpu.memref_slice %arg5[%dma_wait3A_2206, %dma_wait3A_2207] : memref<704512x64xf32, #tpu.memory_space<hbm>> -> memref<128x64xf32, #tpu.memory_space<hbm>>
      tpu.wait_dma2 semaphore(%arg18 : memref<!tpu.dma_semaphore, #tpu.memory_space<semaphore_mem>>) src(%dma_wait3A_2208 : memref<128x64xf32, #tpu.memory_space<hbm>>) dst(%dma_wait3A_2205 : memref<128x64xf32, #tpu.memory_space<vmem>>)
      %mul3A_2209 = arith.constant 7 : i32
      %mul3A_2210 = arith.muli %scan3A_2013, %mul3A_2209 : i32
      %add3A_2211 = arith.constant 6 : i32
      %add3A_2212 = arith.addi %mul3A_2210, %add3A_2211 : i32
      %dma_start3A_2213 = arith.constant 6 : i32
      %dma_start3A_2214 = arith.constant 0 : i32
      %dma_start3A_2215 = arith.constant 0 : i32
      %dma_start3A_2216 = tpu.memref_slice %arg10[%dma_start3A_2213, %dma_start3A_2214, %dma_start3A_2215] : memref<7x128x64xf32, #tpu.memory_space<vmem>> -> memref<1x128x64xf32, #tpu.memory_space<vmem>>
      %dma_start3A_2217 = tpu.memref_squeeze %dma_start3A_2216 : memref<1x128x64xf32, #tpu.memory_space<vmem>> -> memref<128x64xf32, #tpu.memory_space<vmem>>
      %dma_start3A_2218 = arith.constant 0 : i32
      %dma_start3A_2219 = tpu.memref_slice %arg9[%add3A_2212, %dma_start3A_2218] : memref<85x128xi32, #tpu.memory_space<vmem>> -> memref<1x128xi32, #tpu.memory_space<vmem>>
      %dma_start3A_2220 = tpu.memref_squeeze %dma_start3A_2219 : memref<1x128xi32, #tpu.memory_space<vmem>> -> memref<128xi32, #tpu.memory_space<vmem>>
      %dma_start3A_2221 = arith.constant 0 : i32
      %dma_start3A_2222 = arith.constant 0 : i32
      %dma_start3A_2223 = tpu.memref_slice %arg5[%dma_start3A_2221, %dma_start3A_2222] : memref<704512x64xf32, #tpu.memory_space<hbm>> -> memref<704512x64xf32, #tpu.memory_space<hbm>>
      tpu.enqueue_indirect_dma source(%dma_start3A_2217 : memref<128x64xf32, #tpu.memory_space<vmem>>) target(%dma_start3A_2223 : memref<704512x64xf32, #tpu.memory_space<hbm>>) offsets(%dma_start3A_2220 : memref<128xi32, #tpu.memory_space<vmem>>) semaphore(%arg25 : memref<!tpu.dma_semaphore, #tpu.memory_space<semaphore_mem>>)
      %dma_wait3A_2224 = arith.constant 0 : i32
      %dma_wait3A_2225 = arith.constant 0 : i32
      %dma_wait3A_2226 = arith.constant 0 : i32
      %dma_wait3A_2227 = tpu.memref_slice %arg10[%dma_wait3A_2224, %dma_wait3A_2225, %dma_wait3A_2226] : memref<7x128x64xf32, #tpu.memory_space<vmem>> -> memref<1x128x64xf32, #tpu.memory_space<vmem>>
      %dma_wait3A_2228 = tpu.memref_squeeze %dma_wait3A_2227 : memref<1x128x64xf32, #tpu.memory_space<vmem>> -> memref<128x64xf32, #tpu.memory_space<vmem>>
      %dma_wait3A_2229 = arith.constant 0 : i32
      %dma_wait3A_2230 = arith.constant 0 : i32
      %dma_wait3A_2231 = tpu.memref_slice %arg5[%dma_wait3A_2229, %dma_wait3A_2230] : memref<704512x64xf32, #tpu.memory_space<hbm>> -> memref<128x64xf32, #tpu.memory_space<hbm>>
      %dma_wait3A_2232 = arith.constant 0 : i32
      %dma_wait3A_2233 = arith.constant 0 : i32
      %dma_wait3A_2234 = tpu.memref_slice %arg5[%dma_wait3A_2232, %dma_wait3A_2233] : memref<704512x64xf32, #tpu.memory_space<hbm>> -> memref<128x64xf32, #tpu.memory_space<hbm>>
      %dma_wait3A_2235 = arith.constant 0 : i32
      %dma_wait3A_2236 = arith.constant 0 : i32
      %dma_wait3A_2237 = tpu.memref_slice %arg10[%dma_wait3A_2224, %dma_wait3A_2235, %dma_wait3A_2236] : memref<7x128x64xf32, #tpu.memory_space<vmem>> -> memref<1x128x64xf32, #tpu.memory_space<vmem>>
      %dma_wait3A_2238 = tpu.memref_squeeze %dma_wait3A_2237 : memref<1x128x64xf32, #tpu.memory_space<vmem>> -> memref<128x64xf32, #tpu.memory_space<vmem>>
      tpu.wait_dma2 semaphore(%arg19 : memref<!tpu.dma_semaphore, #tpu.memory_space<semaphore_mem>>) src(%dma_wait3A_2238 : memref<128x64xf32, #tpu.memory_space<vmem>>) dst(%dma_wait3A_2234 : memref<128x64xf32, #tpu.memory_space<hbm>>)
      %add3A_2239 = arith.constant 1 : i32
      %add3A_2240 = arith.addi %scan3A_2013, %add3A_2239 : i32
      %mul3A_2241 = arith.constant 7 : i32
      %mul3A_2242 = arith.muli %add3A_2240, %mul3A_2241 : i32
      %add3A_2243 = arith.constant 0 : i32
      %add3A_2244 = arith.addi %mul3A_2242, %add3A_2243 : i32
      %mul3A_2245 = arith.constant 128 : i32
      %mul3A_2246 = arith.muli %add3A_2244, %mul3A_2245 : i32
      %dma_start3A_2247 = arith.constant 0 : i32
      %dma_start3A_2248 = arith.constant 0 : i32
      %dma_start3A_2249 = arith.constant 0 : i32
      %dma_start3A_2250 = tpu.memref_slice %arg10[%dma_start3A_2247, %dma_start3A_2248, %dma_start3A_2249] : memref<7x128x64xf32, #tpu.memory_space<vmem>> -> memref<1x128x64xf32, #tpu.memory_space<vmem>>
      %dma_start3A_2251 = tpu.memref_squeeze %dma_start3A_2250 : memref<1x128x64xf32, #tpu.memory_space<vmem>> -> memref<128x64xf32, #tpu.memory_space<vmem>>
      %dma_start3A_2252 = tpu.memref_slice %arg6[%mul3A_2246] : memref<10880xi32, #tpu.memory_space<vmem>> -> memref<128xi32, #tpu.memory_space<vmem>>
      %dma_start3A_2253 = arith.constant 0 : i32
      %dma_start3A_2254 = arith.constant 0 : i32
      %dma_start3A_2255 = tpu.memref_slice %arg3[%dma_start3A_2253, %dma_start3A_2254] : memref<100000x64xf32, #tpu.memory_space<hbm>> -> memref<100000x64xf32, #tpu.memory_space<hbm>>
      tpu.enqueue_indirect_dma source(%dma_start3A_2255 : memref<100000x64xf32, #tpu.memory_space<hbm>>) target(%dma_start3A_2251 : memref<128x64xf32, #tpu.memory_space<vmem>>) offsets(%dma_start3A_2252 : memref<128xi32, #tpu.memory_space<vmem>>) semaphore(%arg12 : memref<!tpu.dma_semaphore, #tpu.memory_space<semaphore_mem>>)
      %dma_wait3A_2256 = arith.constant 1 : i32
      %dma_wait3A_2257 = arith.constant 0 : i32
      %dma_wait3A_2258 = arith.constant 0 : i32
      %dma_wait3A_2259 = tpu.memref_slice %arg10[%dma_wait3A_2256, %dma_wait3A_2257, %dma_wait3A_2258] : memref<7x128x64xf32, #tpu.memory_space<vmem>> -> memref<1x128x64xf32, #tpu.memory_space<vmem>>
      %dma_wait3A_2260 = tpu.memref_squeeze %dma_wait3A_2259 : memref<1x128x64xf32, #tpu.memory_space<vmem>> -> memref<128x64xf32, #tpu.memory_space<vmem>>
      %dma_wait3A_2261 = arith.constant 0 : i32
      %dma_wait3A_2262 = arith.constant 0 : i32
      %dma_wait3A_2263 = tpu.memref_slice %arg5[%dma_wait3A_2261, %dma_wait3A_2262] : memref<704512x64xf32, #tpu.memory_space<hbm>> -> memref<128x64xf32, #tpu.memory_space<hbm>>
      %dma_wait3A_2264 = arith.constant 0 : i32
      %dma_wait3A_2265 = arith.constant 0 : i32
      %dma_wait3A_2266 = tpu.memref_slice %arg5[%dma_wait3A_2264, %dma_wait3A_2265] : memref<704512x64xf32, #tpu.memory_space<hbm>> -> memref<128x64xf32, #tpu.memory_space<hbm>>
      %dma_wait3A_2267 = arith.constant 0 : i32
      %dma_wait3A_2268 = arith.constant 0 : i32
      %dma_wait3A_2269 = tpu.memref_slice %arg10[%dma_wait3A_2256, %dma_wait3A_2267, %dma_wait3A_2268] : memref<7x128x64xf32, #tpu.memory_space<vmem>> -> memref<1x128x64xf32, #tpu.memory_space<vmem>>
      %dma_wait3A_2270 = tpu.memref_squeeze %dma_wait3A_2269 : memref<1x128x64xf32, #tpu.memory_space<vmem>> -> memref<128x64xf32, #tpu.memory_space<vmem>>
      tpu.wait_dma2 semaphore(%arg20 : memref<!tpu.dma_semaphore, #tpu.memory_space<semaphore_mem>>) src(%dma_wait3A_2270 : memref<128x64xf32, #tpu.memory_space<vmem>>) dst(%dma_wait3A_2266 : memref<128x64xf32, #tpu.memory_space<hbm>>)
      %add3A_2271 = arith.constant 1 : i32
      %add3A_2272 = arith.addi %scan3A_2013, %add3A_2271 : i32
      %mul3A_2273 = arith.constant 7 : i32
      %mul3A_2274 = arith.muli %add3A_2272, %mul3A_2273 : i32
      %add3A_2275 = arith.constant 1 : i32
      %add3A_2276 = arith.addi %mul3A_2274, %add3A_2275 : i32
      %mul3A_2277 = arith.constant 128 : i32
      %mul3A_2278 = arith.muli %add3A_2276, %mul3A_2277 : i32
      %dma_start3A_2279 = arith.constant 1 : i32
      %dma_start3A_2280 = arith.constant 0 : i32
      %dma_start3A_2281 = arith.constant 0 : i32
      %dma_start3A_2282 = tpu.memref_slice %arg10[%dma_start3A_2279, %dma_start3A_2280, %dma_start3A_2281] : memref<7x128x64xf32, #tpu.memory_space<vmem>> -> memref<1x128x64xf32, #tpu.memory_space<vmem>>
      %dma_start3A_2283 = tpu.memref_squeeze %dma_start3A_2282 : memref<1x128x64xf32, #tpu.memory_space<vmem>> -> memref<128x64xf32, #tpu.memory_space<vmem>>
      %dma_start3A_2284 = tpu.memref_slice %arg6[%mul3A_2278] : memref<10880xi32, #tpu.memory_space<vmem>> -> memref<128xi32, #tpu.memory_space<vmem>>
      %dma_start3A_2285 = arith.constant 0 : i32
      %dma_start3A_2286 = arith.constant 0 : i32
      %dma_start3A_2287 = tpu.memref_slice %arg3[%dma_start3A_2285, %dma_start3A_2286] : memref<100000x64xf32, #tpu.memory_space<hbm>> -> memref<100000x64xf32, #tpu.memory_space<hbm>>
      tpu.enqueue_indirect_dma source(%dma_start3A_2287 : memref<100000x64xf32, #tpu.memory_space<hbm>>) target(%dma_start3A_2283 : memref<128x64xf32, #tpu.memory_space<vmem>>) offsets(%dma_start3A_2284 : memref<128xi32, #tpu.memory_space<vmem>>) semaphore(%arg13 : memref<!tpu.dma_semaphore, #tpu.memory_space<semaphore_mem>>)
      %dma_wait3A_2288 = arith.constant 2 : i32
      %dma_wait3A_2289 = arith.constant 0 : i32
      %dma_wait3A_2290 = arith.constant 0 : i32
      %dma_wait3A_2291 = tpu.memref_slice %arg10[%dma_wait3A_2288, %dma_wait3A_2289, %dma_wait3A_2290] : memref<7x128x64xf32, #tpu.memory_space<vmem>> -> memref<1x128x64xf32, #tpu.memory_space<vmem>>
      %dma_wait3A_2292 = tpu.memref_squeeze %dma_wait3A_2291 : memref<1x128x64xf32, #tpu.memory_space<vmem>> -> memref<128x64xf32, #tpu.memory_space<vmem>>
      %dma_wait3A_2293 = arith.constant 0 : i32
      %dma_wait3A_2294 = arith.constant 0 : i32
      %dma_wait3A_2295 = tpu.memref_slice %arg5[%dma_wait3A_2293, %dma_wait3A_2294] : memref<704512x64xf32, #tpu.memory_space<hbm>> -> memref<128x64xf32, #tpu.memory_space<hbm>>
      %dma_wait3A_2296 = arith.constant 0 : i32
      %dma_wait3A_2297 = arith.constant 0 : i32
      %dma_wait3A_2298 = tpu.memref_slice %arg5[%dma_wait3A_2296, %dma_wait3A_2297] : memref<704512x64xf32, #tpu.memory_space<hbm>> -> memref<128x64xf32, #tpu.memory_space<hbm>>
      %dma_wait3A_2299 = arith.constant 0 : i32
      %dma_wait3A_2300 = arith.constant 0 : i32
      %dma_wait3A_2301 = tpu.memref_slice %arg10[%dma_wait3A_2288, %dma_wait3A_2299, %dma_wait3A_2300] : memref<7x128x64xf32, #tpu.memory_space<vmem>> -> memref<1x128x64xf32, #tpu.memory_space<vmem>>
      %dma_wait3A_2302 = tpu.memref_squeeze %dma_wait3A_2301 : memref<1x128x64xf32, #tpu.memory_space<vmem>> -> memref<128x64xf32, #tpu.memory_space<vmem>>
      tpu.wait_dma2 semaphore(%arg21 : memref<!tpu.dma_semaphore, #tpu.memory_space<semaphore_mem>>) src(%dma_wait3A_2302 : memref<128x64xf32, #tpu.memory_space<vmem>>) dst(%dma_wait3A_2298 : memref<128x64xf32, #tpu.memory_space<hbm>>)
      %add3A_2303 = arith.constant 1 : i32
      %add3A_2304 = arith.addi %scan3A_2013, %add3A_2303 : i32
      %mul3A_2305 = arith.constant 7 : i32
      %mul3A_2306 = arith.muli %add3A_2304, %mul3A_2305 : i32
      %add3A_2307 = arith.constant 2 : i32
      %add3A_2308 = arith.addi %mul3A_2306, %add3A_2307 : i32
      %mul3A_2309 = arith.constant 128 : i32
      %mul3A_2310 = arith.muli %add3A_2308, %mul3A_2309 : i32
      %dma_start3A_2311 = arith.constant 2 : i32
      %dma_start3A_2312 = arith.constant 0 : i32
      %dma_start3A_2313 = arith.constant 0 : i32
      %dma_start3A_2314 = tpu.memref_slice %arg10[%dma_start3A_2311, %dma_start3A_2312, %dma_start3A_2313] : memref<7x128x64xf32, #tpu.memory_space<vmem>> -> memref<1x128x64xf32, #tpu.memory_space<vmem>>
      %dma_start3A_2315 = tpu.memref_squeeze %dma_start3A_2314 : memref<1x128x64xf32, #tpu.memory_space<vmem>> -> memref<128x64xf32, #tpu.memory_space<vmem>>
      %dma_start3A_2316 = tpu.memref_slice %arg6[%mul3A_2310] : memref<10880xi32, #tpu.memory_space<vmem>> -> memref<128xi32, #tpu.memory_space<vmem>>
      %dma_start3A_2317 = arith.constant 0 : i32
      %dma_start3A_2318 = arith.constant 0 : i32
      %dma_start3A_2319 = tpu.memref_slice %arg3[%dma_start3A_2317, %dma_start3A_2318] : memref<100000x64xf32, #tpu.memory_space<hbm>> -> memref<100000x64xf32, #tpu.memory_space<hbm>>
      tpu.enqueue_indirect_dma source(%dma_start3A_2319 : memref<100000x64xf32, #tpu.memory_space<hbm>>) target(%dma_start3A_2315 : memref<128x64xf32, #tpu.memory_space<vmem>>) offsets(%dma_start3A_2316 : memref<128xi32, #tpu.memory_space<vmem>>) semaphore(%arg14 : memref<!tpu.dma_semaphore, #tpu.memory_space<semaphore_mem>>)
      %dma_wait3A_2320 = arith.constant 3 : i32
      %dma_wait3A_2321 = arith.constant 0 : i32
      %dma_wait3A_2322 = arith.constant 0 : i32
      %dma_wait3A_2323 = tpu.memref_slice %arg10[%dma_wait3A_2320, %dma_wait3A_2321, %dma_wait3A_2322] : memref<7x128x64xf32, #tpu.memory_space<vmem>> -> memref<1x128x64xf32, #tpu.memory_space<vmem>>
      %dma_wait3A_2324 = tpu.memref_squeeze %dma_wait3A_2323 : memref<1x128x64xf32, #tpu.memory_space<vmem>> -> memref<128x64xf32, #tpu.memory_space<vmem>>
      %dma_wait3A_2325 = arith.constant 0 : i32
      %dma_wait3A_2326 = arith.constant 0 : i32
      %dma_wait3A_2327 = tpu.memref_slice %arg5[%dma_wait3A_2325, %dma_wait3A_2326] : memref<704512x64xf32, #tpu.memory_space<hbm>> -> memref<128x64xf32, #tpu.memory_space<hbm>>
      %dma_wait3A_2328 = arith.constant 0 : i32
      %dma_wait3A_2329 = arith.constant 0 : i32
      %dma_wait3A_2330 = tpu.memref_slice %arg5[%dma_wait3A_2328, %dma_wait3A_2329] : memref<704512x64xf32, #tpu.memory_space<hbm>> -> memref<128x64xf32, #tpu.memory_space<hbm>>
      %dma_wait3A_2331 = arith.constant 0 : i32
      %dma_wait3A_2332 = arith.constant 0 : i32
      %dma_wait3A_2333 = tpu.memref_slice %arg10[%dma_wait3A_2320, %dma_wait3A_2331, %dma_wait3A_2332] : memref<7x128x64xf32, #tpu.memory_space<vmem>> -> memref<1x128x64xf32, #tpu.memory_space<vmem>>
      %dma_wait3A_2334 = tpu.memref_squeeze %dma_wait3A_2333 : memref<1x128x64xf32, #tpu.memory_space<vmem>> -> memref<128x64xf32, #tpu.memory_space<vmem>>
      tpu.wait_dma2 semaphore(%arg22 : memref<!tpu.dma_semaphore, #tpu.memory_space<semaphore_mem>>) src(%dma_wait3A_2334 : memref<128x64xf32, #tpu.memory_space<vmem>>) dst(%dma_wait3A_2330 : memref<128x64xf32, #tpu.memory_space<hbm>>)
      %add3A_2335 = arith.constant 1 : i32
      %add3A_2336 = arith.addi %scan3A_2013, %add3A_2335 : i32
      %mul3A_2337 = arith.constant 7 : i32
      %mul3A_2338 = arith.muli %add3A_2336, %mul3A_2337 : i32
      %add3A_2339 = arith.constant 3 : i32
      %add3A_2340 = arith.addi %mul3A_2338, %add3A_2339 : i32
      %mul3A_2341 = arith.constant 128 : i32
      %mul3A_2342 = arith.muli %add3A_2340, %mul3A_2341 : i32
      %dma_start3A_2343 = arith.constant 3 : i32
      %dma_start3A_2344 = arith.constant 0 : i32
      %dma_start3A_2345 = arith.constant 0 : i32
      %dma_start3A_2346 = tpu.memref_slice %arg10[%dma_start3A_2343, %dma_start3A_2344, %dma_start3A_2345] : memref<7x128x64xf32, #tpu.memory_space<vmem>> -> memref<1x128x64xf32, #tpu.memory_space<vmem>>
      %dma_start3A_2347 = tpu.memref_squeeze %dma_start3A_2346 : memref<1x128x64xf32, #tpu.memory_space<vmem>> -> memref<128x64xf32, #tpu.memory_space<vmem>>
      %dma_start3A_2348 = tpu.memref_slice %arg6[%mul3A_2342] : memref<10880xi32, #tpu.memory_space<vmem>> -> memref<128xi32, #tpu.memory_space<vmem>>
      %dma_start3A_2349 = arith.constant 0 : i32
      %dma_start3A_2350 = arith.constant 0 : i32
      %dma_start3A_2351 = tpu.memref_slice %arg3[%dma_start3A_2349, %dma_start3A_2350] : memref<100000x64xf32, #tpu.memory_space<hbm>> -> memref<100000x64xf32, #tpu.memory_space<hbm>>
      tpu.enqueue_indirect_dma source(%dma_start3A_2351 : memref<100000x64xf32, #tpu.memory_space<hbm>>) target(%dma_start3A_2347 : memref<128x64xf32, #tpu.memory_space<vmem>>) offsets(%dma_start3A_2348 : memref<128xi32, #tpu.memory_space<vmem>>) semaphore(%arg15 : memref<!tpu.dma_semaphore, #tpu.memory_space<semaphore_mem>>)
      %dma_wait3A_2352 = arith.constant 4 : i32
      %dma_wait3A_2353 = arith.constant 0 : i32
      %dma_wait3A_2354 = arith.constant 0 : i32
      %dma_wait3A_2355 = tpu.memref_slice %arg10[%dma_wait3A_2352, %dma_wait3A_2353, %dma_wait3A_2354] : memref<7x128x64xf32, #tpu.memory_space<vmem>> -> memref<1x128x64xf32, #tpu.memory_space<vmem>>
      %dma_wait3A_2356 = tpu.memref_squeeze %dma_wait3A_2355 : memref<1x128x64xf32, #tpu.memory_space<vmem>> -> memref<128x64xf32, #tpu.memory_space<vmem>>
      %dma_wait3A_2357 = arith.constant 0 : i32
      %dma_wait3A_2358 = arith.constant 0 : i32
      %dma_wait3A_2359 = tpu.memref_slice %arg5[%dma_wait3A_2357, %dma_wait3A_2358] : memref<704512x64xf32, #tpu.memory_space<hbm>> -> memref<128x64xf32, #tpu.memory_space<hbm>>
      %dma_wait3A_2360 = arith.constant 0 : i32
      %dma_wait3A_2361 = arith.constant 0 : i32
      %dma_wait3A_2362 = tpu.memref_slice %arg5[%dma_wait3A_2360, %dma_wait3A_2361] : memref<704512x64xf32, #tpu.memory_space<hbm>> -> memref<128x64xf32, #tpu.memory_space<hbm>>
      %dma_wait3A_2363 = arith.constant 0 : i32
      %dma_wait3A_2364 = arith.constant 0 : i32
      %dma_wait3A_2365 = tpu.memref_slice %arg10[%dma_wait3A_2352, %dma_wait3A_2363, %dma_wait3A_2364] : memref<7x128x64xf32, #tpu.memory_space<vmem>> -> memref<1x128x64xf32, #tpu.memory_space<vmem>>
      %dma_wait3A_2366 = tpu.memref_squeeze %dma_wait3A_2365 : memref<1x128x64xf32, #tpu.memory_space<vmem>> -> memref<128x64xf32, #tpu.memory_space<vmem>>
      tpu.wait_dma2 semaphore(%arg23 : memref<!tpu.dma_semaphore, #tpu.memory_space<semaphore_mem>>) src(%dma_wait3A_2366 : memref<128x64xf32, #tpu.memory_space<vmem>>) dst(%dma_wait3A_2362 : memref<128x64xf32, #tpu.memory_space<hbm>>)
      %add3A_2367 = arith.constant 1 : i32
      %add3A_2368 = arith.addi %scan3A_2013, %add3A_2367 : i32
      %mul3A_2369 = arith.constant 7 : i32
      %mul3A_2370 = arith.muli %add3A_2368, %mul3A_2369 : i32
      %add3A_2371 = arith.constant 4 : i32
      %add3A_2372 = arith.addi %mul3A_2370, %add3A_2371 : i32
      %mul3A_2373 = arith.constant 128 : i32
      %mul3A_2374 = arith.muli %add3A_2372, %mul3A_2373 : i32
      %dma_start3A_2375 = arith.constant 4 : i32
      %dma_start3A_2376 = arith.constant 0 : i32
      %dma_start3A_2377 = arith.constant 0 : i32
      %dma_start3A_2378 = tpu.memref_slice %arg10[%dma_start3A_2375, %dma_start3A_2376, %dma_start3A_2377] : memref<7x128x64xf32, #tpu.memory_space<vmem>> -> memref<1x128x64xf32, #tpu.memory_space<vmem>>
      %dma_start3A_2379 = tpu.memref_squeeze %dma_start3A_2378 : memref<1x128x64xf32, #tpu.memory_space<vmem>> -> memref<128x64xf32, #tpu.memory_space<vmem>>
      %dma_start3A_2380 = tpu.memref_slice %arg6[%mul3A_2374] : memref<10880xi32, #tpu.memory_space<vmem>> -> memref<128xi32, #tpu.memory_space<vmem>>
      %dma_start3A_2381 = arith.constant 0 : i32
      %dma_start3A_2382 = arith.constant 0 : i32
      %dma_start3A_2383 = tpu.memref_slice %arg3[%dma_start3A_2381, %dma_start3A_2382] : memref<100000x64xf32, #tpu.memory_space<hbm>> -> memref<100000x64xf32, #tpu.memory_space<hbm>>
      tpu.enqueue_indirect_dma source(%dma_start3A_2383 : memref<100000x64xf32, #tpu.memory_space<hbm>>) target(%dma_start3A_2379 : memref<128x64xf32, #tpu.memory_space<vmem>>) offsets(%dma_start3A_2380 : memref<128xi32, #tpu.memory_space<vmem>>) semaphore(%arg16 : memref<!tpu.dma_semaphore, #tpu.memory_space<semaphore_mem>>)
      %dma_wait3A_2384 = arith.constant 5 : i32
      %dma_wait3A_2385 = arith.constant 0 : i32
      %dma_wait3A_2386 = arith.constant 0 : i32
      %dma_wait3A_2387 = tpu.memref_slice %arg10[%dma_wait3A_2384, %dma_wait3A_2385, %dma_wait3A_2386] : memref<7x128x64xf32, #tpu.memory_space<vmem>> -> memref<1x128x64xf32, #tpu.memory_space<vmem>>
      %dma_wait3A_2388 = tpu.memref_squeeze %dma_wait3A_2387 : memref<1x128x64xf32, #tpu.memory_space<vmem>> -> memref<128x64xf32, #tpu.memory_space<vmem>>
      %dma_wait3A_2389 = arith.constant 0 : i32
      %dma_wait3A_2390 = arith.constant 0 : i32
      %dma_wait3A_2391 = tpu.memref_slice %arg5[%dma_wait3A_2389, %dma_wait3A_2390] : memref<704512x64xf32, #tpu.memory_space<hbm>> -> memref<128x64xf32, #tpu.memory_space<hbm>>
      %dma_wait3A_2392 = arith.constant 0 : i32
      %dma_wait3A_2393 = arith.constant 0 : i32
      %dma_wait3A_2394 = tpu.memref_slice %arg5[%dma_wait3A_2392, %dma_wait3A_2393] : memref<704512x64xf32, #tpu.memory_space<hbm>> -> memref<128x64xf32, #tpu.memory_space<hbm>>
      %dma_wait3A_2395 = arith.constant 0 : i32
      %dma_wait3A_2396 = arith.constant 0 : i32
      %dma_wait3A_2397 = tpu.memref_slice %arg10[%dma_wait3A_2384, %dma_wait3A_2395, %dma_wait3A_2396] : memref<7x128x64xf32, #tpu.memory_space<vmem>> -> memref<1x128x64xf32, #tpu.memory_space<vmem>>
      %dma_wait3A_2398 = tpu.memref_squeeze %dma_wait3A_2397 : memref<1x128x64xf32, #tpu.memory_space<vmem>> -> memref<128x64xf32, #tpu.memory_space<vmem>>
      tpu.wait_dma2 semaphore(%arg24 : memref<!tpu.dma_semaphore, #tpu.memory_space<semaphore_mem>>) src(%dma_wait3A_2398 : memref<128x64xf32, #tpu.memory_space<vmem>>) dst(%dma_wait3A_2394 : memref<128x64xf32, #tpu.memory_space<hbm>>)
      %add3A_2399 = arith.constant 1 : i32
      %add3A_2400 = arith.addi %scan3A_2013, %add3A_2399 : i32
      %mul3A_2401 = arith.constant 7 : i32
      %mul3A_2402 = arith.muli %add3A_2400, %mul3A_2401 : i32
      %add3A_2403 = arith.constant 5 : i32
      %add3A_2404 = arith.addi %mul3A_2402, %add3A_2403 : i32
      %mul3A_2405 = arith.constant 128 : i32
      %mul3A_2406 = arith.muli %add3A_2404, %mul3A_2405 : i32
      %dma_start3A_2407 = arith.constant 5 : i32
      %dma_start3A_2408 = arith.constant 0 : i32
      %dma_start3A_2409 = arith.constant 0 : i32
      %dma_start3A_2410 = tpu.memref_slice %arg10[%dma_start3A_2407, %dma_start3A_2408, %dma_start3A_2409] : memref<7x128x64xf32, #tpu.memory_space<vmem>> -> memref<1x128x64xf32, #tpu.memory_space<vmem>>
      %dma_start3A_2411 = tpu.memref_squeeze %dma_start3A_2410 : memref<1x128x64xf32, #tpu.memory_space<vmem>> -> memref<128x64xf32, #tpu.memory_space<vmem>>
      %dma_start3A_2412 = tpu.memref_slice %arg6[%mul3A_2406] : memref<10880xi32, #tpu.memory_space<vmem>> -> memref<128xi32, #tpu.memory_space<vmem>>
      %dma_start3A_2413 = arith.constant 0 : i32
      %dma_start3A_2414 = arith.constant 0 : i32
      %dma_start3A_2415 = tpu.memref_slice %arg3[%dma_start3A_2413, %dma_start3A_2414] : memref<100000x64xf32, #tpu.memory_space<hbm>> -> memref<100000x64xf32, #tpu.memory_space<hbm>>
      tpu.enqueue_indirect_dma source(%dma_start3A_2415 : memref<100000x64xf32, #tpu.memory_space<hbm>>) target(%dma_start3A_2411 : memref<128x64xf32, #tpu.memory_space<vmem>>) offsets(%dma_start3A_2412 : memref<128xi32, #tpu.memory_space<vmem>>) semaphore(%arg17 : memref<!tpu.dma_semaphore, #tpu.memory_space<semaphore_mem>>)
      %dma_wait3A_2416 = arith.constant 6 : i32
      %dma_wait3A_2417 = arith.constant 0 : i32
      %dma_wait3A_2418 = arith.constant 0 : i32
      %dma_wait3A_2419 = tpu.memref_slice %arg10[%dma_wait3A_2416, %dma_wait3A_2417, %dma_wait3A_2418] : memref<7x128x64xf32, #tpu.memory_space<vmem>> -> memref<1x128x64xf32, #tpu.memory_space<vmem>>
      %dma_wait3A_2420 = tpu.memref_squeeze %dma_wait3A_2419 : memref<1x128x64xf32, #tpu.memory_space<vmem>> -> memref<128x64xf32, #tpu.memory_space<vmem>>
      %dma_wait3A_2421 = arith.constant 0 : i32
      %dma_wait3A_2422 = arith.constant 0 : i32
      %dma_wait3A_2423 = tpu.memref_slice %arg5[%dma_wait3A_2421, %dma_wait3A_2422] : memref<704512x64xf32, #tpu.memory_space<hbm>> -> memref<128x64xf32, #tpu.memory_space<hbm>>
      %dma_wait3A_2424 = arith.constant 0 : i32
      %dma_wait3A_2425 = arith.constant 0 : i32
      %dma_wait3A_2426 = tpu.memref_slice %arg5[%dma_wait3A_2424, %dma_wait3A_2425] : memref<704512x64xf32, #tpu.memory_space<hbm>> -> memref<128x64xf32, #tpu.memory_space<hbm>>
      %dma_wait3A_2427 = arith.constant 0 : i32
      %dma_wait3A_2428 = arith.constant 0 : i32
      %dma_wait3A_2429 = tpu.memref_slice %arg10[%dma_wait3A_2416, %dma_wait3A_2427, %dma_wait3A_2428] : memref<7x128x64xf32, #tpu.memory_space<vmem>> -> memref<1x128x64xf32, #tpu.memory_space<vmem>>
      %dma_wait3A_2430 = tpu.memref_squeeze %dma_wait3A_2429 : memref<1x128x64xf32, #tpu.memory_space<vmem>> -> memref<128x64xf32, #tpu.memory_space<vmem>>
      tpu.wait_dma2 semaphore(%arg25 : memref<!tpu.dma_semaphore, #tpu.memory_space<semaphore_mem>>) src(%dma_wait3A_2430 : memref<128x64xf32, #tpu.memory_space<vmem>>) dst(%dma_wait3A_2426 : memref<128x64xf32, #tpu.memory_space<hbm>>)
      %add3A_2431 = arith.constant 1 : i32
      %add3A_2432 = arith.addi %scan3A_2013, %add3A_2431 : i32
      %mul3A_2433 = arith.constant 7 : i32
      %mul3A_2434 = arith.muli %add3A_2432, %mul3A_2433 : i32
      %add3A_2435 = arith.constant 6 : i32
      %add3A_2436 = arith.addi %mul3A_2434, %add3A_2435 : i32
      %mul3A_2437 = arith.constant 128 : i32
      %mul3A_2438 = arith.muli %add3A_2436, %mul3A_2437 : i32
      %dma_start3A_2439 = arith.constant 6 : i32
      %dma_start3A_2440 = arith.constant 0 : i32
      %dma_start3A_2441 = arith.constant 0 : i32
      %dma_start3A_2442 = tpu.memref_slice %arg10[%dma_start3A_2439, %dma_start3A_2440, %dma_start3A_2441] : memref<7x128x64xf32, #tpu.memory_space<vmem>> -> memref<1x128x64xf32, #tpu.memory_space<vmem>>
      %dma_start3A_2443 = tpu.memref_squeeze %dma_start3A_2442 : memref<1x128x64xf32, #tpu.memory_space<vmem>> -> memref<128x64xf32, #tpu.memory_space<vmem>>
      %dma_start3A_2444 = tpu.memref_slice %arg6[%mul3A_2438] : memref<10880xi32, #tpu.memory_space<vmem>> -> memref<128xi32, #tpu.memory_space<vmem>>
      %dma_start3A_2445 = arith.constant 0 : i32
      %dma_start3A_2446 = arith.constant 0 : i32
      %dma_start3A_2447 = tpu.memref_slice %arg3[%dma_start3A_2445, %dma_start3A_2446] : memref<100000x64xf32, #tpu.memory_space<hbm>> -> memref<100000x64xf32, #tpu.memory_space<hbm>>
      tpu.enqueue_indirect_dma source(%dma_start3A_2447 : memref<100000x64xf32, #tpu.memory_space<hbm>>) target(%dma_start3A_2443 : memref<128x64xf32, #tpu.memory_space<vmem>>) offsets(%dma_start3A_2444 : memref<128xi32, #tpu.memory_space<vmem>>) semaphore(%arg18 : memref<!tpu.dma_semaphore, #tpu.memory_space<semaphore_mem>>)
    }
    %scan3A_1407 = arith.constant 11 : i32
    %dma_start3A_1408 = arith.constant 0 : i32
    %dma_start3A_1409 = arith.constant 0 : i32
    %dma_start3A_1410 = arith.constant 0 : i32
    %dma_start3A_1411 = tpu.memref_slice %arg11[%dma_start3A_1408, %dma_start3A_1409, %dma_start3A_1410] : memref<5x128x64xf32, #tpu.memory_space<vmem>> -> memref<1x128x64xf32, #tpu.memory_space<vmem>>
    %dma_start3A_1412 = tpu.memref_squeeze %dma_start3A_1411 : memref<1x128x64xf32, #tpu.memory_space<vmem>> -> memref<128x64xf32, #tpu.memory_space<vmem>>
    %dma_start3A_1413 = arith.constant 0 : i32
    %dma_start3A_1414 = tpu.memref_slice %arg7[%dma_start3A_1413] : memref<640xi32, #tpu.memory_space<vmem>> -> memref<128xi32, #tpu.memory_space<vmem>>
    %dma_start3A_1415 = arith.constant 0 : i32
    %dma_start3A_1416 = arith.constant 0 : i32
    %dma_start3A_1417 = tpu.memref_slice %arg4[%dma_start3A_1415, %dma_start3A_1416] : memref<100000x64xf32, #tpu.memory_space<hbm>> -> memref<100000x64xf32, #tpu.memory_space<hbm>>
    tpu.enqueue_indirect_dma source(%dma_start3A_1417 : memref<100000x64xf32, #tpu.memory_space<hbm>>) target(%dma_start3A_1412 : memref<128x64xf32, #tpu.memory_space<vmem>>) offsets(%dma_start3A_1414 : memref<128xi32, #tpu.memory_space<vmem>>) semaphore(%arg26 : memref<!tpu.dma_semaphore, #tpu.memory_space<semaphore_mem>>)
    %dma_start3A_1418 = arith.constant 1 : i32
    %dma_start3A_1419 = arith.constant 0 : i32
    %dma_start3A_1420 = arith.constant 0 : i32
    %dma_start3A_1421 = tpu.memref_slice %arg11[%dma_start3A_1418, %dma_start3A_1419, %dma_start3A_1420] : memref<5x128x64xf32, #tpu.memory_space<vmem>> -> memref<1x128x64xf32, #tpu.memory_space<vmem>>
    %dma_start3A_1422 = tpu.memref_squeeze %dma_start3A_1421 : memref<1x128x64xf32, #tpu.memory_space<vmem>> -> memref<128x64xf32, #tpu.memory_space<vmem>>
    %dma_start3A_1423 = arith.constant 128 : i32
    %dma_start3A_1424 = tpu.memref_slice %arg7[%dma_start3A_1423] : memref<640xi32, #tpu.memory_space<vmem>> -> memref<128xi32, #tpu.memory_space<vmem>>
    %dma_start3A_1425 = arith.constant 0 : i32
    %dma_start3A_1426 = arith.constant 0 : i32
    %dma_start3A_1427 = tpu.memref_slice %arg4[%dma_start3A_1425, %dma_start3A_1426] : memref<100000x64xf32, #tpu.memory_space<hbm>> -> memref<100000x64xf32, #tpu.memory_space<hbm>>
    tpu.enqueue_indirect_dma source(%dma_start3A_1427 : memref<100000x64xf32, #tpu.memory_space<hbm>>) target(%dma_start3A_1422 : memref<128x64xf32, #tpu.memory_space<vmem>>) offsets(%dma_start3A_1424 : memref<128xi32, #tpu.memory_space<vmem>>) semaphore(%arg26 : memref<!tpu.dma_semaphore, #tpu.memory_space<semaphore_mem>>)
    %dma_start3A_1428 = arith.constant 2 : i32
    %dma_start3A_1429 = arith.constant 0 : i32
    %dma_start3A_1430 = arith.constant 0 : i32
    %dma_start3A_1431 = tpu.memref_slice %arg11[%dma_start3A_1428, %dma_start3A_1429, %dma_start3A_1430] : memref<5x128x64xf32, #tpu.memory_space<vmem>> -> memref<1x128x64xf32, #tpu.memory_space<vmem>>
    %dma_start3A_1432 = tpu.memref_squeeze %dma_start3A_1431 : memref<1x128x64xf32, #tpu.memory_space<vmem>> -> memref<128x64xf32, #tpu.memory_space<vmem>>
    %dma_start3A_1433 = arith.constant 256 : i32
    %dma_start3A_1434 = tpu.memref_slice %arg7[%dma_start3A_1433] : memref<640xi32, #tpu.memory_space<vmem>> -> memref<128xi32, #tpu.memory_space<vmem>>
    %dma_start3A_1435 = arith.constant 0 : i32
    %dma_start3A_1436 = arith.constant 0 : i32
    %dma_start3A_1437 = tpu.memref_slice %arg4[%dma_start3A_1435, %dma_start3A_1436] : memref<100000x64xf32, #tpu.memory_space<hbm>> -> memref<100000x64xf32, #tpu.memory_space<hbm>>
    tpu.enqueue_indirect_dma source(%dma_start3A_1437 : memref<100000x64xf32, #tpu.memory_space<hbm>>) target(%dma_start3A_1432 : memref<128x64xf32, #tpu.memory_space<vmem>>) offsets(%dma_start3A_1434 : memref<128xi32, #tpu.memory_space<vmem>>) semaphore(%arg26 : memref<!tpu.dma_semaphore, #tpu.memory_space<semaphore_mem>>)
    %dma_start3A_1438 = arith.constant 3 : i32
    %dma_start3A_1439 = arith.constant 0 : i32
    %dma_start3A_1440 = arith.constant 0 : i32
    %dma_start3A_1441 = tpu.memref_slice %arg11[%dma_start3A_1438, %dma_start3A_1439, %dma_start3A_1440] : memref<5x128x64xf32, #tpu.memory_space<vmem>> -> memref<1x128x64xf32, #tpu.memory_space<vmem>>
    %dma_start3A_1442 = tpu.memref_squeeze %dma_start3A_1441 : memref<1x128x64xf32, #tpu.memory_space<vmem>> -> memref<128x64xf32, #tpu.memory_space<vmem>>
    %dma_start3A_1443 = arith.constant 384 : i32
    %dma_start3A_1444 = tpu.memref_slice %arg7[%dma_start3A_1443] : memref<640xi32, #tpu.memory_space<vmem>> -> memref<128xi32, #tpu.memory_space<vmem>>
    %dma_start3A_1445 = arith.constant 0 : i32
    %dma_start3A_1446 = arith.constant 0 : i32
    %dma_start3A_1447 = tpu.memref_slice %arg4[%dma_start3A_1445, %dma_start3A_1446] : memref<100000x64xf32, #tpu.memory_space<hbm>> -> memref<100000x64xf32, #tpu.memory_space<hbm>>
    tpu.enqueue_indirect_dma source(%dma_start3A_1447 : memref<100000x64xf32, #tpu.memory_space<hbm>>) target(%dma_start3A_1442 : memref<128x64xf32, #tpu.memory_space<vmem>>) offsets(%dma_start3A_1444 : memref<128xi32, #tpu.memory_space<vmem>>) semaphore(%arg26 : memref<!tpu.dma_semaphore, #tpu.memory_space<semaphore_mem>>)
    %dma_start3A_1448 = arith.constant 4 : i32
    %dma_start3A_1449 = arith.constant 0 : i32
    %dma_start3A_1450 = arith.constant 0 : i32
    %dma_start3A_1451 = tpu.memref_slice %arg11[%dma_start3A_1448, %dma_start3A_1449, %dma_start3A_1450] : memref<5x128x64xf32, #tpu.memory_space<vmem>> -> memref<1x128x64xf32, #tpu.memory_space<vmem>>
    %dma_start3A_1452 = tpu.memref_squeeze %dma_start3A_1451 : memref<1x128x64xf32, #tpu.memory_space<vmem>> -> memref<128x64xf32, #tpu.memory_space<vmem>>
    %dma_start3A_1453 = arith.constant 512 : i32
    %dma_start3A_1454 = tpu.memref_slice %arg7[%dma_start3A_1453] : memref<640xi32, #tpu.memory_space<vmem>> -> memref<128xi32, #tpu.memory_space<vmem>>
    %dma_start3A_1455 = arith.constant 0 : i32
    %dma_start3A_1456 = arith.constant 0 : i32
    %dma_start3A_1457 = tpu.memref_slice %arg4[%dma_start3A_1455, %dma_start3A_1456] : memref<100000x64xf32, #tpu.memory_space<hbm>> -> memref<100000x64xf32, #tpu.memory_space<hbm>>
    tpu.enqueue_indirect_dma source(%dma_start3A_1457 : memref<100000x64xf32, #tpu.memory_space<hbm>>) target(%dma_start3A_1452 : memref<128x64xf32, #tpu.memory_space<vmem>>) offsets(%dma_start3A_1454 : memref<128xi32, #tpu.memory_space<vmem>>) semaphore(%arg26 : memref<!tpu.dma_semaphore, #tpu.memory_space<semaphore_mem>>)
    %dma_wait3A = arith.constant 0 : i32
    %dma_wait3A_1458 = arith.constant 0 : i32
    %dma_wait3A_1459 = arith.constant 0 : i32
    %dma_wait3A_1460 = tpu.memref_slice %arg10[%dma_wait3A, %dma_wait3A_1458, %dma_wait3A_1459] : memref<7x128x64xf32, #tpu.memory_space<vmem>> -> memref<1x128x64xf32, #tpu.memory_space<vmem>>
    %dma_wait3A_1461 = tpu.memref_squeeze %dma_wait3A_1460 : memref<1x128x64xf32, #tpu.memory_space<vmem>> -> memref<128x64xf32, #tpu.memory_space<vmem>>
    %dma_wait3A_1462 = arith.constant 0 : i32
    %dma_wait3A_1463 = arith.constant 0 : i32
    %dma_wait3A_1464 = tpu.memref_slice %arg5[%dma_wait3A_1462, %dma_wait3A_1463] : memref<704512x64xf32, #tpu.memory_space<hbm>> -> memref<128x64xf32, #tpu.memory_space<hbm>>
    %dma_wait3A_1465 = arith.constant 0 : i32
    %dma_wait3A_1466 = arith.constant 0 : i32
    %dma_wait3A_1467 = tpu.memref_slice %arg10[%dma_wait3A, %dma_wait3A_1465, %dma_wait3A_1466] : memref<7x128x64xf32, #tpu.memory_space<vmem>> -> memref<1x128x64xf32, #tpu.memory_space<vmem>>
    %dma_wait3A_1468 = tpu.memref_squeeze %dma_wait3A_1467 : memref<1x128x64xf32, #tpu.memory_space<vmem>> -> memref<128x64xf32, #tpu.memory_space<vmem>>
    %dma_wait3A_1469 = arith.constant 0 : i32
    %dma_wait3A_1470 = arith.constant 0 : i32
    %dma_wait3A_1471 = tpu.memref_slice %arg5[%dma_wait3A_1469, %dma_wait3A_1470] : memref<704512x64xf32, #tpu.memory_space<hbm>> -> memref<128x64xf32, #tpu.memory_space<hbm>>
    tpu.wait_dma2 semaphore(%arg12 : memref<!tpu.dma_semaphore, #tpu.memory_space<semaphore_mem>>) src(%dma_wait3A_1471 : memref<128x64xf32, #tpu.memory_space<hbm>>) dst(%dma_wait3A_1468 : memref<128x64xf32, #tpu.memory_space<vmem>>)
    %dma_start3A_1472 = arith.constant 0 : i32
    %dma_start3A_1473 = arith.constant 77 : i32
    %dma_start3A_1474 = arith.constant 0 : i32
    %dma_start3A_1475 = arith.constant 0 : i32
    %dma_start3A_1476 = tpu.memref_slice %arg10[%dma_start3A_1472, %dma_start3A_1474, %dma_start3A_1475] : memref<7x128x64xf32, #tpu.memory_space<vmem>> -> memref<1x128x64xf32, #tpu.memory_space<vmem>>
    %dma_start3A_1477 = tpu.memref_squeeze %dma_start3A_1476 : memref<1x128x64xf32, #tpu.memory_space<vmem>> -> memref<128x64xf32, #tpu.memory_space<vmem>>
    %dma_start3A_1478 = arith.constant 0 : i32
    %dma_start3A_1479 = tpu.memref_slice %arg9[%dma_start3A_1473, %dma_start3A_1478] : memref<85x128xi32, #tpu.memory_space<vmem>> -> memref<1x128xi32, #tpu.memory_space<vmem>>
    %dma_start3A_1480 = tpu.memref_squeeze %dma_start3A_1479 : memref<1x128xi32, #tpu.memory_space<vmem>> -> memref<128xi32, #tpu.memory_space<vmem>>
    %dma_start3A_1481 = arith.constant 0 : i32
    %dma_start3A_1482 = arith.constant 0 : i32
    %dma_start3A_1483 = tpu.memref_slice %arg5[%dma_start3A_1481, %dma_start3A_1482] : memref<704512x64xf32, #tpu.memory_space<hbm>> -> memref<704512x64xf32, #tpu.memory_space<hbm>>
    tpu.enqueue_indirect_dma source(%dma_start3A_1477 : memref<128x64xf32, #tpu.memory_space<vmem>>) target(%dma_start3A_1483 : memref<704512x64xf32, #tpu.memory_space<hbm>>) offsets(%dma_start3A_1480 : memref<128xi32, #tpu.memory_space<vmem>>) semaphore(%arg19 : memref<!tpu.dma_semaphore, #tpu.memory_space<semaphore_mem>>)
    %dma_wait3A_1484 = arith.constant 1 : i32
    %dma_wait3A_1485 = arith.constant 0 : i32
    %dma_wait3A_1486 = arith.constant 0 : i32
    %dma_wait3A_1487 = tpu.memref_slice %arg10[%dma_wait3A_1484, %dma_wait3A_1485, %dma_wait3A_1486] : memref<7x128x64xf32, #tpu.memory_space<vmem>> -> memref<1x128x64xf32, #tpu.memory_space<vmem>>
    %dma_wait3A_1488 = tpu.memref_squeeze %dma_wait3A_1487 : memref<1x128x64xf32, #tpu.memory_space<vmem>> -> memref<128x64xf32, #tpu.memory_space<vmem>>
    %dma_wait3A_1489 = arith.constant 0 : i32
    %dma_wait3A_1490 = arith.constant 0 : i32
    %dma_wait3A_1491 = tpu.memref_slice %arg5[%dma_wait3A_1489, %dma_wait3A_1490] : memref<704512x64xf32, #tpu.memory_space<hbm>> -> memref<128x64xf32, #tpu.memory_space<hbm>>
    %dma_wait3A_1492 = arith.constant 0 : i32
    %dma_wait3A_1493 = arith.constant 0 : i32
    %dma_wait3A_1494 = tpu.memref_slice %arg10[%dma_wait3A_1484, %dma_wait3A_1492, %dma_wait3A_1493] : memref<7x128x64xf32, #tpu.memory_space<vmem>> -> memref<1x128x64xf32, #tpu.memory_space<vmem>>
    %dma_wait3A_1495 = tpu.memref_squeeze %dma_wait3A_1494 : memref<1x128x64xf32, #tpu.memory_space<vmem>> -> memref<128x64xf32, #tpu.memory_space<vmem>>
    %dma_wait3A_1496 = arith.constant 0 : i32
    %dma_wait3A_1497 = arith.constant 0 : i32
    %dma_wait3A_1498 = tpu.memref_slice %arg5[%dma_wait3A_1496, %dma_wait3A_1497] : memref<704512x64xf32, #tpu.memory_space<hbm>> -> memref<128x64xf32, #tpu.memory_space<hbm>>
    tpu.wait_dma2 semaphore(%arg13 : memref<!tpu.dma_semaphore, #tpu.memory_space<semaphore_mem>>) src(%dma_wait3A_1498 : memref<128x64xf32, #tpu.memory_space<hbm>>) dst(%dma_wait3A_1495 : memref<128x64xf32, #tpu.memory_space<vmem>>)
    %dma_start3A_1499 = arith.constant 1 : i32
    %dma_start3A_1500 = arith.constant 78 : i32
    %dma_start3A_1501 = arith.constant 0 : i32
    %dma_start3A_1502 = arith.constant 0 : i32
    %dma_start3A_1503 = tpu.memref_slice %arg10[%dma_start3A_1499, %dma_start3A_1501, %dma_start3A_1502] : memref<7x128x64xf32, #tpu.memory_space<vmem>> -> memref<1x128x64xf32, #tpu.memory_space<vmem>>
    %dma_start3A_1504 = tpu.memref_squeeze %dma_start3A_1503 : memref<1x128x64xf32, #tpu.memory_space<vmem>> -> memref<128x64xf32, #tpu.memory_space<vmem>>
    %dma_start3A_1505 = arith.constant 0 : i32
    %dma_start3A_1506 = tpu.memref_slice %arg9[%dma_start3A_1500, %dma_start3A_1505] : memref<85x128xi32, #tpu.memory_space<vmem>> -> memref<1x128xi32, #tpu.memory_space<vmem>>
    %dma_start3A_1507 = tpu.memref_squeeze %dma_start3A_1506 : memref<1x128xi32, #tpu.memory_space<vmem>> -> memref<128xi32, #tpu.memory_space<vmem>>
    %dma_start3A_1508 = arith.constant 0 : i32
    %dma_start3A_1509 = arith.constant 0 : i32
    %dma_start3A_1510 = tpu.memref_slice %arg5[%dma_start3A_1508, %dma_start3A_1509] : memref<704512x64xf32, #tpu.memory_space<hbm>> -> memref<704512x64xf32, #tpu.memory_space<hbm>>
    tpu.enqueue_indirect_dma source(%dma_start3A_1504 : memref<128x64xf32, #tpu.memory_space<vmem>>) target(%dma_start3A_1510 : memref<704512x64xf32, #tpu.memory_space<hbm>>) offsets(%dma_start3A_1507 : memref<128xi32, #tpu.memory_space<vmem>>) semaphore(%arg20 : memref<!tpu.dma_semaphore, #tpu.memory_space<semaphore_mem>>)
    %dma_wait3A_1511 = arith.constant 2 : i32
    %dma_wait3A_1512 = arith.constant 0 : i32
    %dma_wait3A_1513 = arith.constant 0 : i32
    %dma_wait3A_1514 = tpu.memref_slice %arg10[%dma_wait3A_1511, %dma_wait3A_1512, %dma_wait3A_1513] : memref<7x128x64xf32, #tpu.memory_space<vmem>> -> memref<1x128x64xf32, #tpu.memory_space<vmem>>
    %dma_wait3A_1515 = tpu.memref_squeeze %dma_wait3A_1514 : memref<1x128x64xf32, #tpu.memory_space<vmem>> -> memref<128x64xf32, #tpu.memory_space<vmem>>
    %dma_wait3A_1516 = arith.constant 0 : i32
    %dma_wait3A_1517 = arith.constant 0 : i32
    %dma_wait3A_1518 = tpu.memref_slice %arg5[%dma_wait3A_1516, %dma_wait3A_1517] : memref<704512x64xf32, #tpu.memory_space<hbm>> -> memref<128x64xf32, #tpu.memory_space<hbm>>
    %dma_wait3A_1519 = arith.constant 0 : i32
    %dma_wait3A_1520 = arith.constant 0 : i32
    %dma_wait3A_1521 = tpu.memref_slice %arg10[%dma_wait3A_1511, %dma_wait3A_1519, %dma_wait3A_1520] : memref<7x128x64xf32, #tpu.memory_space<vmem>> -> memref<1x128x64xf32, #tpu.memory_space<vmem>>
    %dma_wait3A_1522 = tpu.memref_squeeze %dma_wait3A_1521 : memref<1x128x64xf32, #tpu.memory_space<vmem>> -> memref<128x64xf32, #tpu.memory_space<vmem>>
    %dma_wait3A_1523 = arith.constant 0 : i32
    %dma_wait3A_1524 = arith.constant 0 : i32
    %dma_wait3A_1525 = tpu.memref_slice %arg5[%dma_wait3A_1523, %dma_wait3A_1524] : memref<704512x64xf32, #tpu.memory_space<hbm>> -> memref<128x64xf32, #tpu.memory_space<hbm>>
    tpu.wait_dma2 semaphore(%arg14 : memref<!tpu.dma_semaphore, #tpu.memory_space<semaphore_mem>>) src(%dma_wait3A_1525 : memref<128x64xf32, #tpu.memory_space<hbm>>) dst(%dma_wait3A_1522 : memref<128x64xf32, #tpu.memory_space<vmem>>)
    %dma_start3A_1526 = arith.constant 2 : i32
    %dma_start3A_1527 = arith.constant 79 : i32
    %dma_start3A_1528 = arith.constant 0 : i32
    %dma_start3A_1529 = arith.constant 0 : i32
    %dma_start3A_1530 = tpu.memref_slice %arg10[%dma_start3A_1526, %dma_start3A_1528, %dma_start3A_1529] : memref<7x128x64xf32, #tpu.memory_space<vmem>> -> memref<1x128x64xf32, #tpu.memory_space<vmem>>
    %dma_start3A_1531 = tpu.memref_squeeze %dma_start3A_1530 : memref<1x128x64xf32, #tpu.memory_space<vmem>> -> memref<128x64xf32, #tpu.memory_space<vmem>>
    %dma_start3A_1532 = arith.constant 0 : i32
    %dma_start3A_1533 = tpu.memref_slice %arg9[%dma_start3A_1527, %dma_start3A_1532] : memref<85x128xi32, #tpu.memory_space<vmem>> -> memref<1x128xi32, #tpu.memory_space<vmem>>
    %dma_start3A_1534 = tpu.memref_squeeze %dma_start3A_1533 : memref<1x128xi32, #tpu.memory_space<vmem>> -> memref<128xi32, #tpu.memory_space<vmem>>
    %dma_start3A_1535 = arith.constant 0 : i32
    %dma_start3A_1536 = arith.constant 0 : i32
    %dma_start3A_1537 = tpu.memref_slice %arg5[%dma_start3A_1535, %dma_start3A_1536] : memref<704512x64xf32, #tpu.memory_space<hbm>> -> memref<704512x64xf32, #tpu.memory_space<hbm>>
    tpu.enqueue_indirect_dma source(%dma_start3A_1531 : memref<128x64xf32, #tpu.memory_space<vmem>>) target(%dma_start3A_1537 : memref<704512x64xf32, #tpu.memory_space<hbm>>) offsets(%dma_start3A_1534 : memref<128xi32, #tpu.memory_space<vmem>>) semaphore(%arg21 : memref<!tpu.dma_semaphore, #tpu.memory_space<semaphore_mem>>)
    %dma_wait3A_1538 = arith.constant 3 : i32
    %dma_wait3A_1539 = arith.constant 0 : i32
    %dma_wait3A_1540 = arith.constant 0 : i32
    %dma_wait3A_1541 = tpu.memref_slice %arg10[%dma_wait3A_1538, %dma_wait3A_1539, %dma_wait3A_1540] : memref<7x128x64xf32, #tpu.memory_space<vmem>> -> memref<1x128x64xf32, #tpu.memory_space<vmem>>
    %dma_wait3A_1542 = tpu.memref_squeeze %dma_wait3A_1541 : memref<1x128x64xf32, #tpu.memory_space<vmem>> -> memref<128x64xf32, #tpu.memory_space<vmem>>
    %dma_wait3A_1543 = arith.constant 0 : i32
    %dma_wait3A_1544 = arith.constant 0 : i32
    %dma_wait3A_1545 = tpu.memref_slice %arg5[%dma_wait3A_1543, %dma_wait3A_1544] : memref<704512x64xf32, #tpu.memory_space<hbm>> -> memref<128x64xf32, #tpu.memory_space<hbm>>
    %dma_wait3A_1546 = arith.constant 0 : i32
    %dma_wait3A_1547 = arith.constant 0 : i32
    %dma_wait3A_1548 = tpu.memref_slice %arg10[%dma_wait3A_1538, %dma_wait3A_1546, %dma_wait3A_1547] : memref<7x128x64xf32, #tpu.memory_space<vmem>> -> memref<1x128x64xf32, #tpu.memory_space<vmem>>
    %dma_wait3A_1549 = tpu.memref_squeeze %dma_wait3A_1548 : memref<1x128x64xf32, #tpu.memory_space<vmem>> -> memref<128x64xf32, #tpu.memory_space<vmem>>
    %dma_wait3A_1550 = arith.constant 0 : i32
    %dma_wait3A_1551 = arith.constant 0 : i32
    %dma_wait3A_1552 = tpu.memref_slice %arg5[%dma_wait3A_1550, %dma_wait3A_1551] : memref<704512x64xf32, #tpu.memory_space<hbm>> -> memref<128x64xf32, #tpu.memory_space<hbm>>
    tpu.wait_dma2 semaphore(%arg15 : memref<!tpu.dma_semaphore, #tpu.memory_space<semaphore_mem>>) src(%dma_wait3A_1552 : memref<128x64xf32, #tpu.memory_space<hbm>>) dst(%dma_wait3A_1549 : memref<128x64xf32, #tpu.memory_space<vmem>>)
    %dma_start3A_1553 = arith.constant 3 : i32
    %dma_start3A_1554 = arith.constant 80 : i32
    %dma_start3A_1555 = arith.constant 0 : i32
    %dma_start3A_1556 = arith.constant 0 : i32
    %dma_start3A_1557 = tpu.memref_slice %arg10[%dma_start3A_1553, %dma_start3A_1555, %dma_start3A_1556] : memref<7x128x64xf32, #tpu.memory_space<vmem>> -> memref<1x128x64xf32, #tpu.memory_space<vmem>>
    %dma_start3A_1558 = tpu.memref_squeeze %dma_start3A_1557 : memref<1x128x64xf32, #tpu.memory_space<vmem>> -> memref<128x64xf32, #tpu.memory_space<vmem>>
    %dma_start3A_1559 = arith.constant 0 : i32
    %dma_start3A_1560 = tpu.memref_slice %arg9[%dma_start3A_1554, %dma_start3A_1559] : memref<85x128xi32, #tpu.memory_space<vmem>> -> memref<1x128xi32, #tpu.memory_space<vmem>>
    %dma_start3A_1561 = tpu.memref_squeeze %dma_start3A_1560 : memref<1x128xi32, #tpu.memory_space<vmem>> -> memref<128xi32, #tpu.memory_space<vmem>>
    %dma_start3A_1562 = arith.constant 0 : i32
    %dma_start3A_1563 = arith.constant 0 : i32
    %dma_start3A_1564 = tpu.memref_slice %arg5[%dma_start3A_1562, %dma_start3A_1563] : memref<704512x64xf32, #tpu.memory_space<hbm>> -> memref<704512x64xf32, #tpu.memory_space<hbm>>
    tpu.enqueue_indirect_dma source(%dma_start3A_1558 : memref<128x64xf32, #tpu.memory_space<vmem>>) target(%dma_start3A_1564 : memref<704512x64xf32, #tpu.memory_space<hbm>>) offsets(%dma_start3A_1561 : memref<128xi32, #tpu.memory_space<vmem>>) semaphore(%arg22 : memref<!tpu.dma_semaphore, #tpu.memory_space<semaphore_mem>>)
    %dma_wait3A_1565 = arith.constant 4 : i32
    %dma_wait3A_1566 = arith.constant 0 : i32
    %dma_wait3A_1567 = arith.constant 0 : i32
    %dma_wait3A_1568 = tpu.memref_slice %arg10[%dma_wait3A_1565, %dma_wait3A_1566, %dma_wait3A_1567] : memref<7x128x64xf32, #tpu.memory_space<vmem>> -> memref<1x128x64xf32, #tpu.memory_space<vmem>>
    %dma_wait3A_1569 = tpu.memref_squeeze %dma_wait3A_1568 : memref<1x128x64xf32, #tpu.memory_space<vmem>> -> memref<128x64xf32, #tpu.memory_space<vmem>>
    %dma_wait3A_1570 = arith.constant 0 : i32
    %dma_wait3A_1571 = arith.constant 0 : i32
    %dma_wait3A_1572 = tpu.memref_slice %arg5[%dma_wait3A_1570, %dma_wait3A_1571] : memref<704512x64xf32, #tpu.memory_space<hbm>> -> memref<128x64xf32, #tpu.memory_space<hbm>>
    %dma_wait3A_1573 = arith.constant 0 : i32
    %dma_wait3A_1574 = arith.constant 0 : i32
    %dma_wait3A_1575 = tpu.memref_slice %arg10[%dma_wait3A_1565, %dma_wait3A_1573, %dma_wait3A_1574] : memref<7x128x64xf32, #tpu.memory_space<vmem>> -> memref<1x128x64xf32, #tpu.memory_space<vmem>>
    %dma_wait3A_1576 = tpu.memref_squeeze %dma_wait3A_1575 : memref<1x128x64xf32, #tpu.memory_space<vmem>> -> memref<128x64xf32, #tpu.memory_space<vmem>>
    %dma_wait3A_1577 = arith.constant 0 : i32
    %dma_wait3A_1578 = arith.constant 0 : i32
    %dma_wait3A_1579 = tpu.memref_slice %arg5[%dma_wait3A_1577, %dma_wait3A_1578] : memref<704512x64xf32, #tpu.memory_space<hbm>> -> memref<128x64xf32, #tpu.memory_space<hbm>>
    tpu.wait_dma2 semaphore(%arg16 : memref<!tpu.dma_semaphore, #tpu.memory_space<semaphore_mem>>) src(%dma_wait3A_1579 : memref<128x64xf32, #tpu.memory_space<hbm>>) dst(%dma_wait3A_1576 : memref<128x64xf32, #tpu.memory_space<vmem>>)
    %dma_start3A_1580 = arith.constant 4 : i32
    %dma_start3A_1581 = arith.constant 81 : i32
    %dma_start3A_1582 = arith.constant 0 : i32
    %dma_start3A_1583 = arith.constant 0 : i32
    %dma_start3A_1584 = tpu.memref_slice %arg10[%dma_start3A_1580, %dma_start3A_1582, %dma_start3A_1583] : memref<7x128x64xf32, #tpu.memory_space<vmem>> -> memref<1x128x64xf32, #tpu.memory_space<vmem>>
    %dma_start3A_1585 = tpu.memref_squeeze %dma_start3A_1584 : memref<1x128x64xf32, #tpu.memory_space<vmem>> -> memref<128x64xf32, #tpu.memory_space<vmem>>
    %dma_start3A_1586 = arith.constant 0 : i32
    %dma_start3A_1587 = tpu.memref_slice %arg9[%dma_start3A_1581, %dma_start3A_1586] : memref<85x128xi32, #tpu.memory_space<vmem>> -> memref<1x128xi32, #tpu.memory_space<vmem>>
    %dma_start3A_1588 = tpu.memref_squeeze %dma_start3A_1587 : memref<1x128xi32, #tpu.memory_space<vmem>> -> memref<128xi32, #tpu.memory_space<vmem>>
    %dma_start3A_1589 = arith.constant 0 : i32
    %dma_start3A_1590 = arith.constant 0 : i32
    %dma_start3A_1591 = tpu.memref_slice %arg5[%dma_start3A_1589, %dma_start3A_1590] : memref<704512x64xf32, #tpu.memory_space<hbm>> -> memref<704512x64xf32, #tpu.memory_space<hbm>>
    tpu.enqueue_indirect_dma source(%dma_start3A_1585 : memref<128x64xf32, #tpu.memory_space<vmem>>) target(%dma_start3A_1591 : memref<704512x64xf32, #tpu.memory_space<hbm>>) offsets(%dma_start3A_1588 : memref<128xi32, #tpu.memory_space<vmem>>) semaphore(%arg23 : memref<!tpu.dma_semaphore, #tpu.memory_space<semaphore_mem>>)
    %dma_wait3A_1592 = arith.constant 5 : i32
    %dma_wait3A_1593 = arith.constant 0 : i32
    %dma_wait3A_1594 = arith.constant 0 : i32
    %dma_wait3A_1595 = tpu.memref_slice %arg10[%dma_wait3A_1592, %dma_wait3A_1593, %dma_wait3A_1594] : memref<7x128x64xf32, #tpu.memory_space<vmem>> -> memref<1x128x64xf32, #tpu.memory_space<vmem>>
    %dma_wait3A_1596 = tpu.memref_squeeze %dma_wait3A_1595 : memref<1x128x64xf32, #tpu.memory_space<vmem>> -> memref<128x64xf32, #tpu.memory_space<vmem>>
    %dma_wait3A_1597 = arith.constant 0 : i32
    %dma_wait3A_1598 = arith.constant 0 : i32
    %dma_wait3A_1599 = tpu.memref_slice %arg5[%dma_wait3A_1597, %dma_wait3A_1598] : memref<704512x64xf32, #tpu.memory_space<hbm>> -> memref<128x64xf32, #tpu.memory_space<hbm>>
    %dma_wait3A_1600 = arith.constant 0 : i32
    %dma_wait3A_1601 = arith.constant 0 : i32
    %dma_wait3A_1602 = tpu.memref_slice %arg10[%dma_wait3A_1592, %dma_wait3A_1600, %dma_wait3A_1601] : memref<7x128x64xf32, #tpu.memory_space<vmem>> -> memref<1x128x64xf32, #tpu.memory_space<vmem>>
    %dma_wait3A_1603 = tpu.memref_squeeze %dma_wait3A_1602 : memref<1x128x64xf32, #tpu.memory_space<vmem>> -> memref<128x64xf32, #tpu.memory_space<vmem>>
    %dma_wait3A_1604 = arith.constant 0 : i32
    %dma_wait3A_1605 = arith.constant 0 : i32
    %dma_wait3A_1606 = tpu.memref_slice %arg5[%dma_wait3A_1604, %dma_wait3A_1605] : memref<704512x64xf32, #tpu.memory_space<hbm>> -> memref<128x64xf32, #tpu.memory_space<hbm>>
    tpu.wait_dma2 semaphore(%arg17 : memref<!tpu.dma_semaphore, #tpu.memory_space<semaphore_mem>>) src(%dma_wait3A_1606 : memref<128x64xf32, #tpu.memory_space<hbm>>) dst(%dma_wait3A_1603 : memref<128x64xf32, #tpu.memory_space<vmem>>)
    %dma_start3A_1607 = arith.constant 5 : i32
    %dma_start3A_1608 = arith.constant 82 : i32
    %dma_start3A_1609 = arith.constant 0 : i32
    %dma_start3A_1610 = arith.constant 0 : i32
    %dma_start3A_1611 = tpu.memref_slice %arg10[%dma_start3A_1607, %dma_start3A_1609, %dma_start3A_1610] : memref<7x128x64xf32, #tpu.memory_space<vmem>> -> memref<1x128x64xf32, #tpu.memory_space<vmem>>
    %dma_start3A_1612 = tpu.memref_squeeze %dma_start3A_1611 : memref<1x128x64xf32, #tpu.memory_space<vmem>> -> memref<128x64xf32, #tpu.memory_space<vmem>>
    %dma_start3A_1613 = arith.constant 0 : i32
    %dma_start3A_1614 = tpu.memref_slice %arg9[%dma_start3A_1608, %dma_start3A_1613] : memref<85x128xi32, #tpu.memory_space<vmem>> -> memref<1x128xi32, #tpu.memory_space<vmem>>
    %dma_start3A_1615 = tpu.memref_squeeze %dma_start3A_1614 : memref<1x128xi32, #tpu.memory_space<vmem>> -> memref<128xi32, #tpu.memory_space<vmem>>
    %dma_start3A_1616 = arith.constant 0 : i32
    %dma_start3A_1617 = arith.constant 0 : i32
    %dma_start3A_1618 = tpu.memref_slice %arg5[%dma_start3A_1616, %dma_start3A_1617] : memref<704512x64xf32, #tpu.memory_space<hbm>> -> memref<704512x64xf32, #tpu.memory_space<hbm>>
    tpu.enqueue_indirect_dma source(%dma_start3A_1612 : memref<128x64xf32, #tpu.memory_space<vmem>>) target(%dma_start3A_1618 : memref<704512x64xf32, #tpu.memory_space<hbm>>) offsets(%dma_start3A_1615 : memref<128xi32, #tpu.memory_space<vmem>>) semaphore(%arg24 : memref<!tpu.dma_semaphore, #tpu.memory_space<semaphore_mem>>)
    %dma_wait3A_1619 = arith.constant 6 : i32
    %dma_wait3A_1620 = arith.constant 0 : i32
    %dma_wait3A_1621 = arith.constant 0 : i32
    %dma_wait3A_1622 = tpu.memref_slice %arg10[%dma_wait3A_1619, %dma_wait3A_1620, %dma_wait3A_1621] : memref<7x128x64xf32, #tpu.memory_space<vmem>> -> memref<1x128x64xf32, #tpu.memory_space<vmem>>
    %dma_wait3A_1623 = tpu.memref_squeeze %dma_wait3A_1622 : memref<1x128x64xf32, #tpu.memory_space<vmem>> -> memref<128x64xf32, #tpu.memory_space<vmem>>
    %dma_wait3A_1624 = arith.constant 0 : i32
    %dma_wait3A_1625 = arith.constant 0 : i32
    %dma_wait3A_1626 = tpu.memref_slice %arg5[%dma_wait3A_1624, %dma_wait3A_1625] : memref<704512x64xf32, #tpu.memory_space<hbm>> -> memref<128x64xf32, #tpu.memory_space<hbm>>
    %dma_wait3A_1627 = arith.constant 0 : i32
    %dma_wait3A_1628 = arith.constant 0 : i32
    %dma_wait3A_1629 = tpu.memref_slice %arg10[%dma_wait3A_1619, %dma_wait3A_1627, %dma_wait3A_1628] : memref<7x128x64xf32, #tpu.memory_space<vmem>> -> memref<1x128x64xf32, #tpu.memory_space<vmem>>
    %dma_wait3A_1630 = tpu.memref_squeeze %dma_wait3A_1629 : memref<1x128x64xf32, #tpu.memory_space<vmem>> -> memref<128x64xf32, #tpu.memory_space<vmem>>
    %dma_wait3A_1631 = arith.constant 0 : i32
    %dma_wait3A_1632 = arith.constant 0 : i32
    %dma_wait3A_1633 = tpu.memref_slice %arg5[%dma_wait3A_1631, %dma_wait3A_1632] : memref<704512x64xf32, #tpu.memory_space<hbm>> -> memref<128x64xf32, #tpu.memory_space<hbm>>
    tpu.wait_dma2 semaphore(%arg18 : memref<!tpu.dma_semaphore, #tpu.memory_space<semaphore_mem>>) src(%dma_wait3A_1633 : memref<128x64xf32, #tpu.memory_space<hbm>>) dst(%dma_wait3A_1630 : memref<128x64xf32, #tpu.memory_space<vmem>>)
    %dma_start3A_1634 = arith.constant 6 : i32
    %dma_start3A_1635 = arith.constant 83 : i32
    %dma_start3A_1636 = arith.constant 0 : i32
    %dma_start3A_1637 = arith.constant 0 : i32
    %dma_start3A_1638 = tpu.memref_slice %arg10[%dma_start3A_1634, %dma_start3A_1636, %dma_start3A_1637] : memref<7x128x64xf32, #tpu.memory_space<vmem>> -> memref<1x128x64xf32, #tpu.memory_space<vmem>>
    %dma_start3A_1639 = tpu.memref_squeeze %dma_start3A_1638 : memref<1x128x64xf32, #tpu.memory_space<vmem>> -> memref<128x64xf32, #tpu.memory_space<vmem>>
    %dma_start3A_1640 = arith.constant 0 : i32
    %dma_start3A_1641 = tpu.memref_slice %arg9[%dma_start3A_1635, %dma_start3A_1640] : memref<85x128xi32, #tpu.memory_space<vmem>> -> memref<1x128xi32, #tpu.memory_space<vmem>>
    %dma_start3A_1642 = tpu.memref_squeeze %dma_start3A_1641 : memref<1x128xi32, #tpu.memory_space<vmem>> -> memref<128xi32, #tpu.memory_space<vmem>>
    %dma_start3A_1643 = arith.constant 0 : i32
    %dma_start3A_1644 = arith.constant 0 : i32
    %dma_start3A_1645 = tpu.memref_slice %arg5[%dma_start3A_1643, %dma_start3A_1644] : memref<704512x64xf32, #tpu.memory_space<hbm>> -> memref<704512x64xf32, #tpu.memory_space<hbm>>
    tpu.enqueue_indirect_dma source(%dma_start3A_1639 : memref<128x64xf32, #tpu.memory_space<vmem>>) target(%dma_start3A_1645 : memref<704512x64xf32, #tpu.memory_space<hbm>>) offsets(%dma_start3A_1642 : memref<128xi32, #tpu.memory_space<vmem>>) semaphore(%arg25 : memref<!tpu.dma_semaphore, #tpu.memory_space<semaphore_mem>>)
    %dma_wait3A_1646 = arith.constant 0 : i32
    %dma_wait3A_1647 = arith.constant 0 : i32
    %dma_wait3A_1648 = arith.constant 0 : i32
    %dma_wait3A_1649 = tpu.memref_slice %arg10[%dma_wait3A_1646, %dma_wait3A_1647, %dma_wait3A_1648] : memref<7x128x64xf32, #tpu.memory_space<vmem>> -> memref<1x128x64xf32, #tpu.memory_space<vmem>>
    %dma_wait3A_1650 = tpu.memref_squeeze %dma_wait3A_1649 : memref<1x128x64xf32, #tpu.memory_space<vmem>> -> memref<128x64xf32, #tpu.memory_space<vmem>>
    %dma_wait3A_1651 = arith.constant 0 : i32
    %dma_wait3A_1652 = arith.constant 0 : i32
    %dma_wait3A_1653 = tpu.memref_slice %arg5[%dma_wait3A_1651, %dma_wait3A_1652] : memref<704512x64xf32, #tpu.memory_space<hbm>> -> memref<128x64xf32, #tpu.memory_space<hbm>>
    %dma_wait3A_1654 = arith.constant 0 : i32
    %dma_wait3A_1655 = arith.constant 0 : i32
    %dma_wait3A_1656 = tpu.memref_slice %arg5[%dma_wait3A_1654, %dma_wait3A_1655] : memref<704512x64xf32, #tpu.memory_space<hbm>> -> memref<128x64xf32, #tpu.memory_space<hbm>>
    %dma_wait3A_1657 = arith.constant 0 : i32
    %dma_wait3A_1658 = arith.constant 0 : i32
    %dma_wait3A_1659 = tpu.memref_slice %arg10[%dma_wait3A_1646, %dma_wait3A_1657, %dma_wait3A_1658] : memref<7x128x64xf32, #tpu.memory_space<vmem>> -> memref<1x128x64xf32, #tpu.memory_space<vmem>>
    %dma_wait3A_1660 = tpu.memref_squeeze %dma_wait3A_1659 : memref<1x128x64xf32, #tpu.memory_space<vmem>> -> memref<128x64xf32, #tpu.memory_space<vmem>>
    tpu.wait_dma2 semaphore(%arg19 : memref<!tpu.dma_semaphore, #tpu.memory_space<semaphore_mem>>) src(%dma_wait3A_1660 : memref<128x64xf32, #tpu.memory_space<vmem>>) dst(%dma_wait3A_1656 : memref<128x64xf32, #tpu.memory_space<hbm>>)
    %dma_start3A_1661 = arith.constant 0 : i32
    %dma_start3A_1662 = arith.constant 0 : i32
    %dma_start3A_1663 = arith.constant 0 : i32
    %dma_start3A_1664 = tpu.memref_slice %arg10[%dma_start3A_1661, %dma_start3A_1662, %dma_start3A_1663] : memref<7x128x64xf32, #tpu.memory_space<vmem>> -> memref<1x128x64xf32, #tpu.memory_space<vmem>>
    %dma_start3A_1665 = tpu.memref_squeeze %dma_start3A_1664 : memref<1x128x64xf32, #tpu.memory_space<vmem>> -> memref<128x64xf32, #tpu.memory_space<vmem>>
    %dma_start3A_1666 = arith.constant 10752 : i32
    %dma_start3A_1667 = tpu.memref_slice %arg6[%dma_start3A_1666] : memref<10880xi32, #tpu.memory_space<vmem>> -> memref<128xi32, #tpu.memory_space<vmem>>
    %dma_start3A_1668 = arith.constant 0 : i32
    %dma_start3A_1669 = arith.constant 0 : i32
    %dma_start3A_1670 = tpu.memref_slice %arg3[%dma_start3A_1668, %dma_start3A_1669] : memref<100000x64xf32, #tpu.memory_space<hbm>> -> memref<100000x64xf32, #tpu.memory_space<hbm>>
    tpu.enqueue_indirect_dma source(%dma_start3A_1670 : memref<100000x64xf32, #tpu.memory_space<hbm>>) target(%dma_start3A_1665 : memref<128x64xf32, #tpu.memory_space<vmem>>) offsets(%dma_start3A_1667 : memref<128xi32, #tpu.memory_space<vmem>>) semaphore(%arg12 : memref<!tpu.dma_semaphore, #tpu.memory_space<semaphore_mem>>)
    %dma_wait3A_1671 = arith.constant 0 : i32
    %dma_wait3A_1672 = arith.constant 0 : i32
    %dma_wait3A_1673 = arith.constant 0 : i32
    %dma_wait3A_1674 = tpu.memref_slice %arg10[%dma_wait3A_1671, %dma_wait3A_1672, %dma_wait3A_1673] : memref<7x128x64xf32, #tpu.memory_space<vmem>> -> memref<1x128x64xf32, #tpu.memory_space<vmem>>
    %dma_wait3A_1675 = tpu.memref_squeeze %dma_wait3A_1674 : memref<1x128x64xf32, #tpu.memory_space<vmem>> -> memref<128x64xf32, #tpu.memory_space<vmem>>
    %dma_wait3A_1676 = arith.constant 0 : i32
    %dma_wait3A_1677 = arith.constant 0 : i32
    %dma_wait3A_1678 = tpu.memref_slice %arg5[%dma_wait3A_1676, %dma_wait3A_1677] : memref<704512x64xf32, #tpu.memory_space<hbm>> -> memref<128x64xf32, #tpu.memory_space<hbm>>
    %dma_wait3A_1679 = arith.constant 0 : i32
    %dma_wait3A_1680 = arith.constant 0 : i32
    %dma_wait3A_1681 = tpu.memref_slice %arg10[%dma_wait3A_1671, %dma_wait3A_1679, %dma_wait3A_1680] : memref<7x128x64xf32, #tpu.memory_space<vmem>> -> memref<1x128x64xf32, #tpu.memory_space<vmem>>
    %dma_wait3A_1682 = tpu.memref_squeeze %dma_wait3A_1681 : memref<1x128x64xf32, #tpu.memory_space<vmem>> -> memref<128x64xf32, #tpu.memory_space<vmem>>
    %dma_wait3A_1683 = arith.constant 0 : i32
    %dma_wait3A_1684 = arith.constant 0 : i32
    %dma_wait3A_1685 = tpu.memref_slice %arg5[%dma_wait3A_1683, %dma_wait3A_1684] : memref<704512x64xf32, #tpu.memory_space<hbm>> -> memref<128x64xf32, #tpu.memory_space<hbm>>
    tpu.wait_dma2 semaphore(%arg12 : memref<!tpu.dma_semaphore, #tpu.memory_space<semaphore_mem>>) src(%dma_wait3A_1685 : memref<128x64xf32, #tpu.memory_space<hbm>>) dst(%dma_wait3A_1682 : memref<128x64xf32, #tpu.memory_space<vmem>>)
    %dma_start3A_1686 = arith.constant 0 : i32
    %dma_start3A_1687 = arith.constant 84 : i32
    %dma_start3A_1688 = arith.constant 0 : i32
    %dma_start3A_1689 = arith.constant 0 : i32
    %dma_start3A_1690 = tpu.memref_slice %arg10[%dma_start3A_1686, %dma_start3A_1688, %dma_start3A_1689] : memref<7x128x64xf32, #tpu.memory_space<vmem>> -> memref<1x128x64xf32, #tpu.memory_space<vmem>>
    %dma_start3A_1691 = tpu.memref_squeeze %dma_start3A_1690 : memref<1x128x64xf32, #tpu.memory_space<vmem>> -> memref<128x64xf32, #tpu.memory_space<vmem>>
    %dma_start3A_1692 = arith.constant 0 : i32
    %dma_start3A_1693 = tpu.memref_slice %arg9[%dma_start3A_1687, %dma_start3A_1692] : memref<85x128xi32, #tpu.memory_space<vmem>> -> memref<1x128xi32, #tpu.memory_space<vmem>>
    %dma_start3A_1694 = tpu.memref_squeeze %dma_start3A_1693 : memref<1x128xi32, #tpu.memory_space<vmem>> -> memref<128xi32, #tpu.memory_space<vmem>>
    %dma_start3A_1695 = arith.constant 0 : i32
    %dma_start3A_1696 = arith.constant 0 : i32
    %dma_start3A_1697 = tpu.memref_slice %arg5[%dma_start3A_1695, %dma_start3A_1696] : memref<704512x64xf32, #tpu.memory_space<hbm>> -> memref<704512x64xf32, #tpu.memory_space<hbm>>
    tpu.enqueue_indirect_dma source(%dma_start3A_1691 : memref<128x64xf32, #tpu.memory_space<vmem>>) target(%dma_start3A_1697 : memref<704512x64xf32, #tpu.memory_space<hbm>>) offsets(%dma_start3A_1694 : memref<128xi32, #tpu.memory_space<vmem>>) semaphore(%arg19 : memref<!tpu.dma_semaphore, #tpu.memory_space<semaphore_mem>>)
    %dma_wait3A_1698 = arith.constant 1 : i32
    %dma_wait3A_1699 = arith.constant 0 : i32
    %dma_wait3A_1700 = arith.constant 0 : i32
    %dma_wait3A_1701 = tpu.memref_slice %arg10[%dma_wait3A_1698, %dma_wait3A_1699, %dma_wait3A_1700] : memref<7x128x64xf32, #tpu.memory_space<vmem>> -> memref<1x128x64xf32, #tpu.memory_space<vmem>>
    %dma_wait3A_1702 = tpu.memref_squeeze %dma_wait3A_1701 : memref<1x128x64xf32, #tpu.memory_space<vmem>> -> memref<128x64xf32, #tpu.memory_space<vmem>>
    %dma_wait3A_1703 = arith.constant 0 : i32
    %dma_wait3A_1704 = arith.constant 0 : i32
    %dma_wait3A_1705 = tpu.memref_slice %arg5[%dma_wait3A_1703, %dma_wait3A_1704] : memref<704512x64xf32, #tpu.memory_space<hbm>> -> memref<128x64xf32, #tpu.memory_space<hbm>>
    %dma_wait3A_1706 = arith.constant 0 : i32
    %dma_wait3A_1707 = arith.constant 0 : i32
    %dma_wait3A_1708 = tpu.memref_slice %arg5[%dma_wait3A_1706, %dma_wait3A_1707] : memref<704512x64xf32, #tpu.memory_space<hbm>> -> memref<128x64xf32, #tpu.memory_space<hbm>>
    %dma_wait3A_1709 = arith.constant 0 : i32
    %dma_wait3A_1710 = arith.constant 0 : i32
    %dma_wait3A_1711 = tpu.memref_slice %arg10[%dma_wait3A_1698, %dma_wait3A_1709, %dma_wait3A_1710] : memref<7x128x64xf32, #tpu.memory_space<vmem>> -> memref<1x128x64xf32, #tpu.memory_space<vmem>>
    %dma_wait3A_1712 = tpu.memref_squeeze %dma_wait3A_1711 : memref<1x128x64xf32, #tpu.memory_space<vmem>> -> memref<128x64xf32, #tpu.memory_space<vmem>>
    tpu.wait_dma2 semaphore(%arg20 : memref<!tpu.dma_semaphore, #tpu.memory_space<semaphore_mem>>) src(%dma_wait3A_1712 : memref<128x64xf32, #tpu.memory_space<vmem>>) dst(%dma_wait3A_1708 : memref<128x64xf32, #tpu.memory_space<hbm>>)
    %dma_wait3A_1713 = arith.constant 2 : i32
    %dma_wait3A_1714 = arith.constant 0 : i32
    %dma_wait3A_1715 = arith.constant 0 : i32
    %dma_wait3A_1716 = tpu.memref_slice %arg10[%dma_wait3A_1713, %dma_wait3A_1714, %dma_wait3A_1715] : memref<7x128x64xf32, #tpu.memory_space<vmem>> -> memref<1x128x64xf32, #tpu.memory_space<vmem>>
    %dma_wait3A_1717 = tpu.memref_squeeze %dma_wait3A_1716 : memref<1x128x64xf32, #tpu.memory_space<vmem>> -> memref<128x64xf32, #tpu.memory_space<vmem>>
    %dma_wait3A_1718 = arith.constant 0 : i32
    %dma_wait3A_1719 = arith.constant 0 : i32
    %dma_wait3A_1720 = tpu.memref_slice %arg5[%dma_wait3A_1718, %dma_wait3A_1719] : memref<704512x64xf32, #tpu.memory_space<hbm>> -> memref<128x64xf32, #tpu.memory_space<hbm>>
    %dma_wait3A_1721 = arith.constant 0 : i32
    %dma_wait3A_1722 = arith.constant 0 : i32
    %dma_wait3A_1723 = tpu.memref_slice %arg5[%dma_wait3A_1721, %dma_wait3A_1722] : memref<704512x64xf32, #tpu.memory_space<hbm>> -> memref<128x64xf32, #tpu.memory_space<hbm>>
    %dma_wait3A_1724 = arith.constant 0 : i32
    %dma_wait3A_1725 = arith.constant 0 : i32
    %dma_wait3A_1726 = tpu.memref_slice %arg10[%dma_wait3A_1713, %dma_wait3A_1724, %dma_wait3A_1725] : memref<7x128x64xf32, #tpu.memory_space<vmem>> -> memref<1x128x64xf32, #tpu.memory_space<vmem>>
    %dma_wait3A_1727 = tpu.memref_squeeze %dma_wait3A_1726 : memref<1x128x64xf32, #tpu.memory_space<vmem>> -> memref<128x64xf32, #tpu.memory_space<vmem>>
    tpu.wait_dma2 semaphore(%arg21 : memref<!tpu.dma_semaphore, #tpu.memory_space<semaphore_mem>>) src(%dma_wait3A_1727 : memref<128x64xf32, #tpu.memory_space<vmem>>) dst(%dma_wait3A_1723 : memref<128x64xf32, #tpu.memory_space<hbm>>)
    %dma_wait3A_1728 = arith.constant 3 : i32
    %dma_wait3A_1729 = arith.constant 0 : i32
    %dma_wait3A_1730 = arith.constant 0 : i32
    %dma_wait3A_1731 = tpu.memref_slice %arg10[%dma_wait3A_1728, %dma_wait3A_1729, %dma_wait3A_1730] : memref<7x128x64xf32, #tpu.memory_space<vmem>> -> memref<1x128x64xf32, #tpu.memory_space<vmem>>
    %dma_wait3A_1732 = tpu.memref_squeeze %dma_wait3A_1731 : memref<1x128x64xf32, #tpu.memory_space<vmem>> -> memref<128x64xf32, #tpu.memory_space<vmem>>
    %dma_wait3A_1733 = arith.constant 0 : i32
    %dma_wait3A_1734 = arith.constant 0 : i32
    %dma_wait3A_1735 = tpu.memref_slice %arg5[%dma_wait3A_1733, %dma_wait3A_1734] : memref<704512x64xf32, #tpu.memory_space<hbm>> -> memref<128x64xf32, #tpu.memory_space<hbm>>
    %dma_wait3A_1736 = arith.constant 0 : i32
    %dma_wait3A_1737 = arith.constant 0 : i32
    %dma_wait3A_1738 = tpu.memref_slice %arg5[%dma_wait3A_1736, %dma_wait3A_1737] : memref<704512x64xf32, #tpu.memory_space<hbm>> -> memref<128x64xf32, #tpu.memory_space<hbm>>
    %dma_wait3A_1739 = arith.constant 0 : i32
    %dma_wait3A_1740 = arith.constant 0 : i32
    %dma_wait3A_1741 = tpu.memref_slice %arg10[%dma_wait3A_1728, %dma_wait3A_1739, %dma_wait3A_1740] : memref<7x128x64xf32, #tpu.memory_space<vmem>> -> memref<1x128x64xf32, #tpu.memory_space<vmem>>
    %dma_wait3A_1742 = tpu.memref_squeeze %dma_wait3A_1741 : memref<1x128x64xf32, #tpu.memory_space<vmem>> -> memref<128x64xf32, #tpu.memory_space<vmem>>
    tpu.wait_dma2 semaphore(%arg22 : memref<!tpu.dma_semaphore, #tpu.memory_space<semaphore_mem>>) src(%dma_wait3A_1742 : memref<128x64xf32, #tpu.memory_space<vmem>>) dst(%dma_wait3A_1738 : memref<128x64xf32, #tpu.memory_space<hbm>>)
    %dma_wait3A_1743 = arith.constant 4 : i32
    %dma_wait3A_1744 = arith.constant 0 : i32
    %dma_wait3A_1745 = arith.constant 0 : i32
    %dma_wait3A_1746 = tpu.memref_slice %arg10[%dma_wait3A_1743, %dma_wait3A_1744, %dma_wait3A_1745] : memref<7x128x64xf32, #tpu.memory_space<vmem>> -> memref<1x128x64xf32, #tpu.memory_space<vmem>>
    %dma_wait3A_1747 = tpu.memref_squeeze %dma_wait3A_1746 : memref<1x128x64xf32, #tpu.memory_space<vmem>> -> memref<128x64xf32, #tpu.memory_space<vmem>>
    %dma_wait3A_1748 = arith.constant 0 : i32
    %dma_wait3A_1749 = arith.constant 0 : i32
    %dma_wait3A_1750 = tpu.memref_slice %arg5[%dma_wait3A_1748, %dma_wait3A_1749] : memref<704512x64xf32, #tpu.memory_space<hbm>> -> memref<128x64xf32, #tpu.memory_space<hbm>>
    %dma_wait3A_1751 = arith.constant 0 : i32
    %dma_wait3A_1752 = arith.constant 0 : i32
    %dma_wait3A_1753 = tpu.memref_slice %arg5[%dma_wait3A_1751, %dma_wait3A_1752] : memref<704512x64xf32, #tpu.memory_space<hbm>> -> memref<128x64xf32, #tpu.memory_space<hbm>>
    %dma_wait3A_1754 = arith.constant 0 : i32
    %dma_wait3A_1755 = arith.constant 0 : i32
    %dma_wait3A_1756 = tpu.memref_slice %arg10[%dma_wait3A_1743, %dma_wait3A_1754, %dma_wait3A_1755] : memref<7x128x64xf32, #tpu.memory_space<vmem>> -> memref<1x128x64xf32, #tpu.memory_space<vmem>>
    %dma_wait3A_1757 = tpu.memref_squeeze %dma_wait3A_1756 : memref<1x128x64xf32, #tpu.memory_space<vmem>> -> memref<128x64xf32, #tpu.memory_space<vmem>>
    tpu.wait_dma2 semaphore(%arg23 : memref<!tpu.dma_semaphore, #tpu.memory_space<semaphore_mem>>) src(%dma_wait3A_1757 : memref<128x64xf32, #tpu.memory_space<vmem>>) dst(%dma_wait3A_1753 : memref<128x64xf32, #tpu.memory_space<hbm>>)
    %dma_wait3A_1758 = arith.constant 5 : i32
    %dma_wait3A_1759 = arith.constant 0 : i32
    %dma_wait3A_1760 = arith.constant 0 : i32
    %dma_wait3A_1761 = tpu.memref_slice %arg10[%dma_wait3A_1758, %dma_wait3A_1759, %dma_wait3A_1760] : memref<7x128x64xf32, #tpu.memory_space<vmem>> -> memref<1x128x64xf32, #tpu.memory_space<vmem>>
    %dma_wait3A_1762 = tpu.memref_squeeze %dma_wait3A_1761 : memref<1x128x64xf32, #tpu.memory_space<vmem>> -> memref<128x64xf32, #tpu.memory_space<vmem>>
    %dma_wait3A_1763 = arith.constant 0 : i32
    %dma_wait3A_1764 = arith.constant 0 : i32
    %dma_wait3A_1765 = tpu.memref_slice %arg5[%dma_wait3A_1763, %dma_wait3A_1764] : memref<704512x64xf32, #tpu.memory_space<hbm>> -> memref<128x64xf32, #tpu.memory_space<hbm>>
    %dma_wait3A_1766 = arith.constant 0 : i32
    %dma_wait3A_1767 = arith.constant 0 : i32
    %dma_wait3A_1768 = tpu.memref_slice %arg5[%dma_wait3A_1766, %dma_wait3A_1767] : memref<704512x64xf32, #tpu.memory_space<hbm>> -> memref<128x64xf32, #tpu.memory_space<hbm>>
    %dma_wait3A_1769 = arith.constant 0 : i32
    %dma_wait3A_1770 = arith.constant 0 : i32
    %dma_wait3A_1771 = tpu.memref_slice %arg10[%dma_wait3A_1758, %dma_wait3A_1769, %dma_wait3A_1770] : memref<7x128x64xf32, #tpu.memory_space<vmem>> -> memref<1x128x64xf32, #tpu.memory_space<vmem>>
    %dma_wait3A_1772 = tpu.memref_squeeze %dma_wait3A_1771 : memref<1x128x64xf32, #tpu.memory_space<vmem>> -> memref<128x64xf32, #tpu.memory_space<vmem>>
    tpu.wait_dma2 semaphore(%arg24 : memref<!tpu.dma_semaphore, #tpu.memory_space<semaphore_mem>>) src(%dma_wait3A_1772 : memref<128x64xf32, #tpu.memory_space<vmem>>) dst(%dma_wait3A_1768 : memref<128x64xf32, #tpu.memory_space<hbm>>)
    %dma_wait3A_1773 = arith.constant 6 : i32
    %dma_wait3A_1774 = arith.constant 0 : i32
    %dma_wait3A_1775 = arith.constant 0 : i32
    %dma_wait3A_1776 = tpu.memref_slice %arg10[%dma_wait3A_1773, %dma_wait3A_1774, %dma_wait3A_1775] : memref<7x128x64xf32, #tpu.memory_space<vmem>> -> memref<1x128x64xf32, #tpu.memory_space<vmem>>
    %dma_wait3A_1777 = tpu.memref_squeeze %dma_wait3A_1776 : memref<1x128x64xf32, #tpu.memory_space<vmem>> -> memref<128x64xf32, #tpu.memory_space<vmem>>
    %dma_wait3A_1778 = arith.constant 0 : i32
    %dma_wait3A_1779 = arith.constant 0 : i32
    %dma_wait3A_1780 = tpu.memref_slice %arg5[%dma_wait3A_1778, %dma_wait3A_1779] : memref<704512x64xf32, #tpu.memory_space<hbm>> -> memref<128x64xf32, #tpu.memory_space<hbm>>
    %dma_wait3A_1781 = arith.constant 0 : i32
    %dma_wait3A_1782 = arith.constant 0 : i32
    %dma_wait3A_1783 = tpu.memref_slice %arg5[%dma_wait3A_1781, %dma_wait3A_1782] : memref<704512x64xf32, #tpu.memory_space<hbm>> -> memref<128x64xf32, #tpu.memory_space<hbm>>
    %dma_wait3A_1784 = arith.constant 0 : i32
    %dma_wait3A_1785 = arith.constant 0 : i32
    %dma_wait3A_1786 = tpu.memref_slice %arg10[%dma_wait3A_1773, %dma_wait3A_1784, %dma_wait3A_1785] : memref<7x128x64xf32, #tpu.memory_space<vmem>> -> memref<1x128x64xf32, #tpu.memory_space<vmem>>
    %dma_wait3A_1787 = tpu.memref_squeeze %dma_wait3A_1786 : memref<1x128x64xf32, #tpu.memory_space<vmem>> -> memref<128x64xf32, #tpu.memory_space<vmem>>
    tpu.wait_dma2 semaphore(%arg25 : memref<!tpu.dma_semaphore, #tpu.memory_space<semaphore_mem>>) src(%dma_wait3A_1787 : memref<128x64xf32, #tpu.memory_space<vmem>>) dst(%dma_wait3A_1783 : memref<128x64xf32, #tpu.memory_space<hbm>>)
    %dma_wait3A_1788 = arith.constant 0 : i32
    %dma_wait3A_1789 = arith.constant 0 : i32
    %dma_wait3A_1790 = arith.constant 0 : i32
    %dma_wait3A_1791 = tpu.memref_slice %arg10[%dma_wait3A_1788, %dma_wait3A_1789, %dma_wait3A_1790] : memref<7x128x64xf32, #tpu.memory_space<vmem>> -> memref<1x128x64xf32, #tpu.memory_space<vmem>>
    %dma_wait3A_1792 = tpu.memref_squeeze %dma_wait3A_1791 : memref<1x128x64xf32, #tpu.memory_space<vmem>> -> memref<128x64xf32, #tpu.memory_space<vmem>>
    %dma_wait3A_1793 = arith.constant 0 : i32
    %dma_wait3A_1794 = arith.constant 0 : i32
    %dma_wait3A_1795 = tpu.memref_slice %arg5[%dma_wait3A_1793, %dma_wait3A_1794] : memref<704512x64xf32, #tpu.memory_space<hbm>> -> memref<128x64xf32, #tpu.memory_space<hbm>>
    %dma_wait3A_1796 = arith.constant 0 : i32
    %dma_wait3A_1797 = arith.constant 0 : i32
    %dma_wait3A_1798 = tpu.memref_slice %arg5[%dma_wait3A_1796, %dma_wait3A_1797] : memref<704512x64xf32, #tpu.memory_space<hbm>> -> memref<128x64xf32, #tpu.memory_space<hbm>>
    %dma_wait3A_1799 = arith.constant 0 : i32
    %dma_wait3A_1800 = arith.constant 0 : i32
    %dma_wait3A_1801 = tpu.memref_slice %arg10[%dma_wait3A_1788, %dma_wait3A_1799, %dma_wait3A_1800] : memref<7x128x64xf32, #tpu.memory_space<vmem>> -> memref<1x128x64xf32, #tpu.memory_space<vmem>>
    %dma_wait3A_1802 = tpu.memref_squeeze %dma_wait3A_1801 : memref<1x128x64xf32, #tpu.memory_space<vmem>> -> memref<128x64xf32, #tpu.memory_space<vmem>>
    tpu.wait_dma2 semaphore(%arg19 : memref<!tpu.dma_semaphore, #tpu.memory_space<semaphore_mem>>) src(%dma_wait3A_1802 : memref<128x64xf32, #tpu.memory_space<vmem>>) dst(%dma_wait3A_1798 : memref<128x64xf32, #tpu.memory_space<hbm>>)
    %dma_wait3A_1803 = arith.constant 0 : i32
    %dma_wait3A_1804 = arith.constant 0 : i32
    %dma_wait3A_1805 = arith.constant 0 : i32
    %dma_wait3A_1806 = tpu.memref_slice %arg11[%dma_wait3A_1803, %dma_wait3A_1804, %dma_wait3A_1805] : memref<5x128x64xf32, #tpu.memory_space<vmem>> -> memref<1x128x64xf32, #tpu.memory_space<vmem>>
    %dma_wait3A_1807 = tpu.memref_squeeze %dma_wait3A_1806 : memref<1x128x64xf32, #tpu.memory_space<vmem>> -> memref<128x64xf32, #tpu.memory_space<vmem>>
    %dma_wait3A_1808 = arith.constant 0 : i32
    %dma_wait3A_1809 = arith.constant 0 : i32
    %dma_wait3A_1810 = tpu.memref_slice %arg5[%dma_wait3A_1808, %dma_wait3A_1809] : memref<704512x64xf32, #tpu.memory_space<hbm>> -> memref<128x64xf32, #tpu.memory_space<hbm>>
    %dma_wait3A_1811 = arith.constant 0 : i32
    %dma_wait3A_1812 = arith.constant 0 : i32
    %dma_wait3A_1813 = tpu.memref_slice %arg11[%dma_wait3A_1803, %dma_wait3A_1811, %dma_wait3A_1812] : memref<5x128x64xf32, #tpu.memory_space<vmem>> -> memref<1x128x64xf32, #tpu.memory_space<vmem>>
    %dma_wait3A_1814 = tpu.memref_squeeze %dma_wait3A_1813 : memref<1x128x64xf32, #tpu.memory_space<vmem>> -> memref<128x64xf32, #tpu.memory_space<vmem>>
    %dma_wait3A_1815 = arith.constant 0 : i32
    %dma_wait3A_1816 = arith.constant 0 : i32
    %dma_wait3A_1817 = tpu.memref_slice %arg5[%dma_wait3A_1815, %dma_wait3A_1816] : memref<704512x64xf32, #tpu.memory_space<hbm>> -> memref<128x64xf32, #tpu.memory_space<hbm>>
    tpu.wait_dma2 semaphore(%arg26 : memref<!tpu.dma_semaphore, #tpu.memory_space<semaphore_mem>>) src(%dma_wait3A_1817 : memref<128x64xf32, #tpu.memory_space<hbm>>) dst(%dma_wait3A_1814 : memref<128x64xf32, #tpu.memory_space<vmem>>)
    %dma_wait3A_1818 = arith.constant 1 : i32
    %dma_wait3A_1819 = arith.constant 0 : i32
    %dma_wait3A_1820 = arith.constant 0 : i32
    %dma_wait3A_1821 = tpu.memref_slice %arg11[%dma_wait3A_1818, %dma_wait3A_1819, %dma_wait3A_1820] : memref<5x128x64xf32, #tpu.memory_space<vmem>> -> memref<1x128x64xf32, #tpu.memory_space<vmem>>
    %dma_wait3A_1822 = tpu.memref_squeeze %dma_wait3A_1821 : memref<1x128x64xf32, #tpu.memory_space<vmem>> -> memref<128x64xf32, #tpu.memory_space<vmem>>
    %dma_wait3A_1823 = arith.constant 0 : i32
    %dma_wait3A_1824 = arith.constant 0 : i32
    %dma_wait3A_1825 = tpu.memref_slice %arg5[%dma_wait3A_1823, %dma_wait3A_1824] : memref<704512x64xf32, #tpu.memory_space<hbm>> -> memref<128x64xf32, #tpu.memory_space<hbm>>
    %dma_wait3A_1826 = arith.constant 0 : i32
    %dma_wait3A_1827 = arith.constant 0 : i32
    %dma_wait3A_1828 = tpu.memref_slice %arg11[%dma_wait3A_1818, %dma_wait3A_1826, %dma_wait3A_1827] : memref<5x128x64xf32, #tpu.memory_space<vmem>> -> memref<1x128x64xf32, #tpu.memory_space<vmem>>
    %dma_wait3A_1829 = tpu.memref_squeeze %dma_wait3A_1828 : memref<1x128x64xf32, #tpu.memory_space<vmem>> -> memref<128x64xf32, #tpu.memory_space<vmem>>
    %dma_wait3A_1830 = arith.constant 0 : i32
    %dma_wait3A_1831 = arith.constant 0 : i32
    %dma_wait3A_1832 = tpu.memref_slice %arg5[%dma_wait3A_1830, %dma_wait3A_1831] : memref<704512x64xf32, #tpu.memory_space<hbm>> -> memref<128x64xf32, #tpu.memory_space<hbm>>
    tpu.wait_dma2 semaphore(%arg26 : memref<!tpu.dma_semaphore, #tpu.memory_space<semaphore_mem>>) src(%dma_wait3A_1832 : memref<128x64xf32, #tpu.memory_space<hbm>>) dst(%dma_wait3A_1829 : memref<128x64xf32, #tpu.memory_space<vmem>>)
    %dma_wait3A_1833 = arith.constant 2 : i32
    %dma_wait3A_1834 = arith.constant 0 : i32
    %dma_wait3A_1835 = arith.constant 0 : i32
    %dma_wait3A_1836 = tpu.memref_slice %arg11[%dma_wait3A_1833, %dma_wait3A_1834, %dma_wait3A_1835] : memref<5x128x64xf32, #tpu.memory_space<vmem>> -> memref<1x128x64xf32, #tpu.memory_space<vmem>>
    %dma_wait3A_1837 = tpu.memref_squeeze %dma_wait3A_1836 : memref<1x128x64xf32, #tpu.memory_space<vmem>> -> memref<128x64xf32, #tpu.memory_space<vmem>>
    %dma_wait3A_1838 = arith.constant 0 : i32
    %dma_wait3A_1839 = arith.constant 0 : i32
    %dma_wait3A_1840 = tpu.memref_slice %arg5[%dma_wait3A_1838, %dma_wait3A_1839] : memref<704512x64xf32, #tpu.memory_space<hbm>> -> memref<128x64xf32, #tpu.memory_space<hbm>>
    %dma_wait3A_1841 = arith.constant 0 : i32
    %dma_wait3A_1842 = arith.constant 0 : i32
    %dma_wait3A_1843 = tpu.memref_slice %arg11[%dma_wait3A_1833, %dma_wait3A_1841, %dma_wait3A_1842] : memref<5x128x64xf32, #tpu.memory_space<vmem>> -> memref<1x128x64xf32, #tpu.memory_space<vmem>>
    %dma_wait3A_1844 = tpu.memref_squeeze %dma_wait3A_1843 : memref<1x128x64xf32, #tpu.memory_space<vmem>> -> memref<128x64xf32, #tpu.memory_space<vmem>>
    %dma_wait3A_1845 = arith.constant 0 : i32
    %dma_wait3A_1846 = arith.constant 0 : i32
    %dma_wait3A_1847 = tpu.memref_slice %arg5[%dma_wait3A_1845, %dma_wait3A_1846] : memref<704512x64xf32, #tpu.memory_space<hbm>> -> memref<128x64xf32, #tpu.memory_space<hbm>>
    tpu.wait_dma2 semaphore(%arg26 : memref<!tpu.dma_semaphore, #tpu.memory_space<semaphore_mem>>) src(%dma_wait3A_1847 : memref<128x64xf32, #tpu.memory_space<hbm>>) dst(%dma_wait3A_1844 : memref<128x64xf32, #tpu.memory_space<vmem>>)
    %dma_wait3A_1848 = arith.constant 3 : i32
    %dma_wait3A_1849 = arith.constant 0 : i32
    %dma_wait3A_1850 = arith.constant 0 : i32
    %dma_wait3A_1851 = tpu.memref_slice %arg11[%dma_wait3A_1848, %dma_wait3A_1849, %dma_wait3A_1850] : memref<5x128x64xf32, #tpu.memory_space<vmem>> -> memref<1x128x64xf32, #tpu.memory_space<vmem>>
    %dma_wait3A_1852 = tpu.memref_squeeze %dma_wait3A_1851 : memref<1x128x64xf32, #tpu.memory_space<vmem>> -> memref<128x64xf32, #tpu.memory_space<vmem>>
    %dma_wait3A_1853 = arith.constant 0 : i32
    %dma_wait3A_1854 = arith.constant 0 : i32
    %dma_wait3A_1855 = tpu.memref_slice %arg5[%dma_wait3A_1853, %dma_wait3A_1854] : memref<704512x64xf32, #tpu.memory_space<hbm>> -> memref<128x64xf32, #tpu.memory_space<hbm>>
    %dma_wait3A_1856 = arith.constant 0 : i32
    %dma_wait3A_1857 = arith.constant 0 : i32
    %dma_wait3A_1858 = tpu.memref_slice %arg11[%dma_wait3A_1848, %dma_wait3A_1856, %dma_wait3A_1857] : memref<5x128x64xf32, #tpu.memory_space<vmem>> -> memref<1x128x64xf32, #tpu.memory_space<vmem>>
    %dma_wait3A_1859 = tpu.memref_squeeze %dma_wait3A_1858 : memref<1x128x64xf32, #tpu.memory_space<vmem>> -> memref<128x64xf32, #tpu.memory_space<vmem>>
    %dma_wait3A_1860 = arith.constant 0 : i32
    %dma_wait3A_1861 = arith.constant 0 : i32
    %dma_wait3A_1862 = tpu.memref_slice %arg5[%dma_wait3A_1860, %dma_wait3A_1861] : memref<704512x64xf32, #tpu.memory_space<hbm>> -> memref<128x64xf32, #tpu.memory_space<hbm>>
    tpu.wait_dma2 semaphore(%arg26 : memref<!tpu.dma_semaphore, #tpu.memory_space<semaphore_mem>>) src(%dma_wait3A_1862 : memref<128x64xf32, #tpu.memory_space<hbm>>) dst(%dma_wait3A_1859 : memref<128x64xf32, #tpu.memory_space<vmem>>)
    %dma_wait3A_1863 = arith.constant 4 : i32
    %dma_wait3A_1864 = arith.constant 0 : i32
    %dma_wait3A_1865 = arith.constant 0 : i32
    %dma_wait3A_1866 = tpu.memref_slice %arg11[%dma_wait3A_1863, %dma_wait3A_1864, %dma_wait3A_1865] : memref<5x128x64xf32, #tpu.memory_space<vmem>> -> memref<1x128x64xf32, #tpu.memory_space<vmem>>
    %dma_wait3A_1867 = tpu.memref_squeeze %dma_wait3A_1866 : memref<1x128x64xf32, #tpu.memory_space<vmem>> -> memref<128x64xf32, #tpu.memory_space<vmem>>
    %dma_wait3A_1868 = arith.constant 0 : i32
    %dma_wait3A_1869 = arith.constant 0 : i32
    %dma_wait3A_1870 = tpu.memref_slice %arg5[%dma_wait3A_1868, %dma_wait3A_1869] : memref<704512x64xf32, #tpu.memory_space<hbm>> -> memref<128x64xf32, #tpu.memory_space<hbm>>
    %dma_wait3A_1871 = arith.constant 0 : i32
    %dma_wait3A_1872 = arith.constant 0 : i32
    %dma_wait3A_1873 = tpu.memref_slice %arg11[%dma_wait3A_1863, %dma_wait3A_1871, %dma_wait3A_1872] : memref<5x128x64xf32, #tpu.memory_space<vmem>> -> memref<1x128x64xf32, #tpu.memory_space<vmem>>
    %dma_wait3A_1874 = tpu.memref_squeeze %dma_wait3A_1873 : memref<1x128x64xf32, #tpu.memory_space<vmem>> -> memref<128x64xf32, #tpu.memory_space<vmem>>
    %dma_wait3A_1875 = arith.constant 0 : i32
    %dma_wait3A_1876 = arith.constant 0 : i32
    %dma_wait3A_1877 = tpu.memref_slice %arg5[%dma_wait3A_1875, %dma_wait3A_1876] : memref<704512x64xf32, #tpu.memory_space<hbm>> -> memref<128x64xf32, #tpu.memory_space<hbm>>
    tpu.wait_dma2 semaphore(%arg26 : memref<!tpu.dma_semaphore, #tpu.memory_space<semaphore_mem>>) src(%dma_wait3A_1877 : memref<128x64xf32, #tpu.memory_space<hbm>>) dst(%dma_wait3A_1874 : memref<128x64xf32, #tpu.memory_space<vmem>>)
    %dma_start3A_1878 = arith.constant 0 : i32
    %dma_start3A_1879 = arith.constant 0 : i32
    %dma_start3A_1880 = arith.constant 0 : i32
    %dma_start3A_1881 = arith.constant 0 : i32
    %dma_start3A_1882 = tpu.memref_slice %arg11[%dma_start3A_1878, %dma_start3A_1880, %dma_start3A_1881] : memref<5x128x64xf32, #tpu.memory_space<vmem>> -> memref<1x128x64xf32, #tpu.memory_space<vmem>>
    %dma_start3A_1883 = tpu.memref_squeeze %dma_start3A_1882 : memref<1x128x64xf32, #tpu.memory_space<vmem>> -> memref<128x64xf32, #tpu.memory_space<vmem>>
    %dma_start3A_1884 = arith.constant 0 : i32
    %dma_start3A_1885 = tpu.memref_slice %arg8[%dma_start3A_1879, %dma_start3A_1884] : memref<5x128xi32, #tpu.memory_space<vmem>> -> memref<1x128xi32, #tpu.memory_space<vmem>>
    %dma_start3A_1886 = tpu.memref_squeeze %dma_start3A_1885 : memref<1x128xi32, #tpu.memory_space<vmem>> -> memref<128xi32, #tpu.memory_space<vmem>>
    %dma_start3A_1887 = arith.constant 0 : i32
    %dma_start3A_1888 = arith.constant 0 : i32
    %dma_start3A_1889 = tpu.memref_slice %arg5[%dma_start3A_1887, %dma_start3A_1888] : memref<704512x64xf32, #tpu.memory_space<hbm>> -> memref<704512x64xf32, #tpu.memory_space<hbm>>
    tpu.enqueue_indirect_dma source(%dma_start3A_1883 : memref<128x64xf32, #tpu.memory_space<vmem>>) target(%dma_start3A_1889 : memref<704512x64xf32, #tpu.memory_space<hbm>>) offsets(%dma_start3A_1886 : memref<128xi32, #tpu.memory_space<vmem>>) semaphore(%arg26 : memref<!tpu.dma_semaphore, #tpu.memory_space<semaphore_mem>>)
    %dma_start3A_1890 = arith.constant 1 : i32
    %dma_start3A_1891 = arith.constant 1 : i32
    %dma_start3A_1892 = arith.constant 0 : i32
    %dma_start3A_1893 = arith.constant 0 : i32
    %dma_start3A_1894 = tpu.memref_slice %arg11[%dma_start3A_1890, %dma_start3A_1892, %dma_start3A_1893] : memref<5x128x64xf32, #tpu.memory_space<vmem>> -> memref<1x128x64xf32, #tpu.memory_space<vmem>>
    %dma_start3A_1895 = tpu.memref_squeeze %dma_start3A_1894 : memref<1x128x64xf32, #tpu.memory_space<vmem>> -> memref<128x64xf32, #tpu.memory_space<vmem>>
    %dma_start3A_1896 = arith.constant 0 : i32
    %dma_start3A_1897 = tpu.memref_slice %arg8[%dma_start3A_1891, %dma_start3A_1896] : memref<5x128xi32, #tpu.memory_space<vmem>> -> memref<1x128xi32, #tpu.memory_space<vmem>>
    %dma_start3A_1898 = tpu.memref_squeeze %dma_start3A_1897 : memref<1x128xi32, #tpu.memory_space<vmem>> -> memref<128xi32, #tpu.memory_space<vmem>>
    %dma_start3A_1899 = arith.constant 0 : i32
    %dma_start3A_1900 = arith.constant 0 : i32
    %dma_start3A_1901 = tpu.memref_slice %arg5[%dma_start3A_1899, %dma_start3A_1900] : memref<704512x64xf32, #tpu.memory_space<hbm>> -> memref<704512x64xf32, #tpu.memory_space<hbm>>
    tpu.enqueue_indirect_dma source(%dma_start3A_1895 : memref<128x64xf32, #tpu.memory_space<vmem>>) target(%dma_start3A_1901 : memref<704512x64xf32, #tpu.memory_space<hbm>>) offsets(%dma_start3A_1898 : memref<128xi32, #tpu.memory_space<vmem>>) semaphore(%arg26 : memref<!tpu.dma_semaphore, #tpu.memory_space<semaphore_mem>>)
    %dma_start3A_1902 = arith.constant 2 : i32
    %dma_start3A_1903 = arith.constant 2 : i32
    %dma_start3A_1904 = arith.constant 0 : i32
    %dma_start3A_1905 = arith.constant 0 : i32
    %dma_start3A_1906 = tpu.memref_slice %arg11[%dma_start3A_1902, %dma_start3A_1904, %dma_start3A_1905] : memref<5x128x64xf32, #tpu.memory_space<vmem>> -> memref<1x128x64xf32, #tpu.memory_space<vmem>>
    %dma_start3A_1907 = tpu.memref_squeeze %dma_start3A_1906 : memref<1x128x64xf32, #tpu.memory_space<vmem>> -> memref<128x64xf32, #tpu.memory_space<vmem>>
    %dma_start3A_1908 = arith.constant 0 : i32
    %dma_start3A_1909 = tpu.memref_slice %arg8[%dma_start3A_1903, %dma_start3A_1908] : memref<5x128xi32, #tpu.memory_space<vmem>> -> memref<1x128xi32, #tpu.memory_space<vmem>>
    %dma_start3A_1910 = tpu.memref_squeeze %dma_start3A_1909 : memref<1x128xi32, #tpu.memory_space<vmem>> -> memref<128xi32, #tpu.memory_space<vmem>>
    %dma_start3A_1911 = arith.constant 0 : i32
    %dma_start3A_1912 = arith.constant 0 : i32
    %dma_start3A_1913 = tpu.memref_slice %arg5[%dma_start3A_1911, %dma_start3A_1912] : memref<704512x64xf32, #tpu.memory_space<hbm>> -> memref<704512x64xf32, #tpu.memory_space<hbm>>
    tpu.enqueue_indirect_dma source(%dma_start3A_1907 : memref<128x64xf32, #tpu.memory_space<vmem>>) target(%dma_start3A_1913 : memref<704512x64xf32, #tpu.memory_space<hbm>>) offsets(%dma_start3A_1910 : memref<128xi32, #tpu.memory_space<vmem>>) semaphore(%arg26 : memref<!tpu.dma_semaphore, #tpu.memory_space<semaphore_mem>>)
    %dma_start3A_1914 = arith.constant 3 : i32
    %dma_start3A_1915 = arith.constant 3 : i32
    %dma_start3A_1916 = arith.constant 0 : i32
    %dma_start3A_1917 = arith.constant 0 : i32
    %dma_start3A_1918 = tpu.memref_slice %arg11[%dma_start3A_1914, %dma_start3A_1916, %dma_start3A_1917] : memref<5x128x64xf32, #tpu.memory_space<vmem>> -> memref<1x128x64xf32, #tpu.memory_space<vmem>>
    %dma_start3A_1919 = tpu.memref_squeeze %dma_start3A_1918 : memref<1x128x64xf32, #tpu.memory_space<vmem>> -> memref<128x64xf32, #tpu.memory_space<vmem>>
    %dma_start3A_1920 = arith.constant 0 : i32
    %dma_start3A_1921 = tpu.memref_slice %arg8[%dma_start3A_1915, %dma_start3A_1920] : memref<5x128xi32, #tpu.memory_space<vmem>> -> memref<1x128xi32, #tpu.memory_space<vmem>>
    %dma_start3A_1922 = tpu.memref_squeeze %dma_start3A_1921 : memref<1x128xi32, #tpu.memory_space<vmem>> -> memref<128xi32, #tpu.memory_space<vmem>>
    %dma_start3A_1923 = arith.constant 0 : i32
    %dma_start3A_1924 = arith.constant 0 : i32
    %dma_start3A_1925 = tpu.memref_slice %arg5[%dma_start3A_1923, %dma_start3A_1924] : memref<704512x64xf32, #tpu.memory_space<hbm>> -> memref<704512x64xf32, #tpu.memory_space<hbm>>
    tpu.enqueue_indirect_dma source(%dma_start3A_1919 : memref<128x64xf32, #tpu.memory_space<vmem>>) target(%dma_start3A_1925 : memref<704512x64xf32, #tpu.memory_space<hbm>>) offsets(%dma_start3A_1922 : memref<128xi32, #tpu.memory_space<vmem>>) semaphore(%arg26 : memref<!tpu.dma_semaphore, #tpu.memory_space<semaphore_mem>>)
    %dma_start3A_1926 = arith.constant 4 : i32
    %dma_start3A_1927 = arith.constant 4 : i32
    %dma_start3A_1928 = arith.constant 0 : i32
    %dma_start3A_1929 = arith.constant 0 : i32
    %dma_start3A_1930 = tpu.memref_slice %arg11[%dma_start3A_1926, %dma_start3A_1928, %dma_start3A_1929] : memref<5x128x64xf32, #tpu.memory_space<vmem>> -> memref<1x128x64xf32, #tpu.memory_space<vmem>>
    %dma_start3A_1931 = tpu.memref_squeeze %dma_start3A_1930 : memref<1x128x64xf32, #tpu.memory_space<vmem>> -> memref<128x64xf32, #tpu.memory_space<vmem>>
    %dma_start3A_1932 = arith.constant 0 : i32
    %dma_start3A_1933 = tpu.memref_slice %arg8[%dma_start3A_1927, %dma_start3A_1932] : memref<5x128xi32, #tpu.memory_space<vmem>> -> memref<1x128xi32, #tpu.memory_space<vmem>>
    %dma_start3A_1934 = tpu.memref_squeeze %dma_start3A_1933 : memref<1x128xi32, #tpu.memory_space<vmem>> -> memref<128xi32, #tpu.memory_space<vmem>>
    %dma_start3A_1935 = arith.constant 0 : i32
    %dma_start3A_1936 = arith.constant 0 : i32
    %dma_start3A_1937 = tpu.memref_slice %arg5[%dma_start3A_1935, %dma_start3A_1936] : memref<704512x64xf32, #tpu.memory_space<hbm>> -> memref<704512x64xf32, #tpu.memory_space<hbm>>
    tpu.enqueue_indirect_dma source(%dma_start3A_1931 : memref<128x64xf32, #tpu.memory_space<vmem>>) target(%dma_start3A_1937 : memref<704512x64xf32, #tpu.memory_space<hbm>>) offsets(%dma_start3A_1934 : memref<128xi32, #tpu.memory_space<vmem>>) semaphore(%arg26 : memref<!tpu.dma_semaphore, #tpu.memory_space<semaphore_mem>>)
    %dma_wait3A_1938 = arith.constant 0 : i32
    %dma_wait3A_1939 = arith.constant 0 : i32
    %dma_wait3A_1940 = arith.constant 0 : i32
    %dma_wait3A_1941 = tpu.memref_slice %arg11[%dma_wait3A_1938, %dma_wait3A_1939, %dma_wait3A_1940] : memref<5x128x64xf32, #tpu.memory_space<vmem>> -> memref<1x128x64xf32, #tpu.memory_space<vmem>>
    %dma_wait3A_1942 = tpu.memref_squeeze %dma_wait3A_1941 : memref<1x128x64xf32, #tpu.memory_space<vmem>> -> memref<128x64xf32, #tpu.memory_space<vmem>>
    %dma_wait3A_1943 = arith.constant 0 : i32
    %dma_wait3A_1944 = arith.constant 0 : i32
    %dma_wait3A_1945 = tpu.memref_slice %arg5[%dma_wait3A_1943, %dma_wait3A_1944] : memref<704512x64xf32, #tpu.memory_space<hbm>> -> memref<128x64xf32, #tpu.memory_space<hbm>>
    %dma_wait3A_1946 = arith.constant 0 : i32
    %dma_wait3A_1947 = arith.constant 0 : i32
    %dma_wait3A_1948 = tpu.memref_slice %arg5[%dma_wait3A_1946, %dma_wait3A_1947] : memref<704512x64xf32, #tpu.memory_space<hbm>> -> memref<128x64xf32, #tpu.memory_space<hbm>>
    %dma_wait3A_1949 = arith.constant 0 : i32
    %dma_wait3A_1950 = arith.constant 0 : i32
    %dma_wait3A_1951 = tpu.memref_slice %arg11[%dma_wait3A_1938, %dma_wait3A_1949, %dma_wait3A_1950] : memref<5x128x64xf32, #tpu.memory_space<vmem>> -> memref<1x128x64xf32, #tpu.memory_space<vmem>>
    %dma_wait3A_1952 = tpu.memref_squeeze %dma_wait3A_1951 : memref<1x128x64xf32, #tpu.memory_space<vmem>> -> memref<128x64xf32, #tpu.memory_space<vmem>>
    tpu.wait_dma2 semaphore(%arg26 : memref<!tpu.dma_semaphore, #tpu.memory_space<semaphore_mem>>) src(%dma_wait3A_1952 : memref<128x64xf32, #tpu.memory_space<vmem>>) dst(%dma_wait3A_1948 : memref<128x64xf32, #tpu.memory_space<hbm>>)
    %dma_wait3A_1953 = arith.constant 1 : i32
    %dma_wait3A_1954 = arith.constant 0 : i32
    %dma_wait3A_1955 = arith.constant 0 : i32
    %dma_wait3A_1956 = tpu.memref_slice %arg11[%dma_wait3A_1953, %dma_wait3A_1954, %dma_wait3A_1955] : memref<5x128x64xf32, #tpu.memory_space<vmem>> -> memref<1x128x64xf32, #tpu.memory_space<vmem>>
    %dma_wait3A_1957 = tpu.memref_squeeze %dma_wait3A_1956 : memref<1x128x64xf32, #tpu.memory_space<vmem>> -> memref<128x64xf32, #tpu.memory_space<vmem>>
    %dma_wait3A_1958 = arith.constant 0 : i32
    %dma_wait3A_1959 = arith.constant 0 : i32
    %dma_wait3A_1960 = tpu.memref_slice %arg5[%dma_wait3A_1958, %dma_wait3A_1959] : memref<704512x64xf32, #tpu.memory_space<hbm>> -> memref<128x64xf32, #tpu.memory_space<hbm>>
    %dma_wait3A_1961 = arith.constant 0 : i32
    %dma_wait3A_1962 = arith.constant 0 : i32
    %dma_wait3A_1963 = tpu.memref_slice %arg5[%dma_wait3A_1961, %dma_wait3A_1962] : memref<704512x64xf32, #tpu.memory_space<hbm>> -> memref<128x64xf32, #tpu.memory_space<hbm>>
    %dma_wait3A_1964 = arith.constant 0 : i32
    %dma_wait3A_1965 = arith.constant 0 : i32
    %dma_wait3A_1966 = tpu.memref_slice %arg11[%dma_wait3A_1953, %dma_wait3A_1964, %dma_wait3A_1965] : memref<5x128x64xf32, #tpu.memory_space<vmem>> -> memref<1x128x64xf32, #tpu.memory_space<vmem>>
    %dma_wait3A_1967 = tpu.memref_squeeze %dma_wait3A_1966 : memref<1x128x64xf32, #tpu.memory_space<vmem>> -> memref<128x64xf32, #tpu.memory_space<vmem>>
    tpu.wait_dma2 semaphore(%arg26 : memref<!tpu.dma_semaphore, #tpu.memory_space<semaphore_mem>>) src(%dma_wait3A_1967 : memref<128x64xf32, #tpu.memory_space<vmem>>) dst(%dma_wait3A_1963 : memref<128x64xf32, #tpu.memory_space<hbm>>)
    %dma_wait3A_1968 = arith.constant 2 : i32
    %dma_wait3A_1969 = arith.constant 0 : i32
    %dma_wait3A_1970 = arith.constant 0 : i32
    %dma_wait3A_1971 = tpu.memref_slice %arg11[%dma_wait3A_1968, %dma_wait3A_1969, %dma_wait3A_1970] : memref<5x128x64xf32, #tpu.memory_space<vmem>> -> memref<1x128x64xf32, #tpu.memory_space<vmem>>
    %dma_wait3A_1972 = tpu.memref_squeeze %dma_wait3A_1971 : memref<1x128x64xf32, #tpu.memory_space<vmem>> -> memref<128x64xf32, #tpu.memory_space<vmem>>
    %dma_wait3A_1973 = arith.constant 0 : i32
    %dma_wait3A_1974 = arith.constant 0 : i32
    %dma_wait3A_1975 = tpu.memref_slice %arg5[%dma_wait3A_1973, %dma_wait3A_1974] : memref<704512x64xf32, #tpu.memory_space<hbm>> -> memref<128x64xf32, #tpu.memory_space<hbm>>
    %dma_wait3A_1976 = arith.constant 0 : i32
    %dma_wait3A_1977 = arith.constant 0 : i32
    %dma_wait3A_1978 = tpu.memref_slice %arg5[%dma_wait3A_1976, %dma_wait3A_1977] : memref<704512x64xf32, #tpu.memory_space<hbm>> -> memref<128x64xf32, #tpu.memory_space<hbm>>
    %dma_wait3A_1979 = arith.constant 0 : i32
    %dma_wait3A_1980 = arith.constant 0 : i32
    %dma_wait3A_1981 = tpu.memref_slice %arg11[%dma_wait3A_1968, %dma_wait3A_1979, %dma_wait3A_1980] : memref<5x128x64xf32, #tpu.memory_space<vmem>> -> memref<1x128x64xf32, #tpu.memory_space<vmem>>
    %dma_wait3A_1982 = tpu.memref_squeeze %dma_wait3A_1981 : memref<1x128x64xf32, #tpu.memory_space<vmem>> -> memref<128x64xf32, #tpu.memory_space<vmem>>
    tpu.wait_dma2 semaphore(%arg26 : memref<!tpu.dma_semaphore, #tpu.memory_space<semaphore_mem>>) src(%dma_wait3A_1982 : memref<128x64xf32, #tpu.memory_space<vmem>>) dst(%dma_wait3A_1978 : memref<128x64xf32, #tpu.memory_space<hbm>>)
    %dma_wait3A_1983 = arith.constant 3 : i32
    %dma_wait3A_1984 = arith.constant 0 : i32
    %dma_wait3A_1985 = arith.constant 0 : i32
    %dma_wait3A_1986 = tpu.memref_slice %arg11[%dma_wait3A_1983, %dma_wait3A_1984, %dma_wait3A_1985] : memref<5x128x64xf32, #tpu.memory_space<vmem>> -> memref<1x128x64xf32, #tpu.memory_space<vmem>>
    %dma_wait3A_1987 = tpu.memref_squeeze %dma_wait3A_1986 : memref<1x128x64xf32, #tpu.memory_space<vmem>> -> memref<128x64xf32, #tpu.memory_space<vmem>>
    %dma_wait3A_1988 = arith.constant 0 : i32
    %dma_wait3A_1989 = arith.constant 0 : i32
    %dma_wait3A_1990 = tpu.memref_slice %arg5[%dma_wait3A_1988, %dma_wait3A_1989] : memref<704512x64xf32, #tpu.memory_space<hbm>> -> memref<128x64xf32, #tpu.memory_space<hbm>>
    %dma_wait3A_1991 = arith.constant 0 : i32
    %dma_wait3A_1992 = arith.constant 0 : i32
    %dma_wait3A_1993 = tpu.memref_slice %arg5[%dma_wait3A_1991, %dma_wait3A_1992] : memref<704512x64xf32, #tpu.memory_space<hbm>> -> memref<128x64xf32, #tpu.memory_space<hbm>>
    %dma_wait3A_1994 = arith.constant 0 : i32
    %dma_wait3A_1995 = arith.constant 0 : i32
    %dma_wait3A_1996 = tpu.memref_slice %arg11[%dma_wait3A_1983, %dma_wait3A_1994, %dma_wait3A_1995] : memref<5x128x64xf32, #tpu.memory_space<vmem>> -> memref<1x128x64xf32, #tpu.memory_space<vmem>>
    %dma_wait3A_1997 = tpu.memref_squeeze %dma_wait3A_1996 : memref<1x128x64xf32, #tpu.memory_space<vmem>> -> memref<128x64xf32, #tpu.memory_space<vmem>>
    tpu.wait_dma2 semaphore(%arg26 : memref<!tpu.dma_semaphore, #tpu.memory_space<semaphore_mem>>) src(%dma_wait3A_1997 : memref<128x64xf32, #tpu.memory_space<vmem>>) dst(%dma_wait3A_1993 : memref<128x64xf32, #tpu.memory_space<hbm>>)
    %dma_wait3A_1998 = arith.constant 4 : i32
    %dma_wait3A_1999 = arith.constant 0 : i32
    %dma_wait3A_2000 = arith.constant 0 : i32
    %dma_wait3A_2001 = tpu.memref_slice %arg11[%dma_wait3A_1998, %dma_wait3A_1999, %dma_wait3A_2000] : memref<5x128x64xf32, #tpu.memory_space<vmem>> -> memref<1x128x64xf32, #tpu.memory_space<vmem>>
    %dma_wait3A_2002 = tpu.memref_squeeze %dma_wait3A_2001 : memref<1x128x64xf32, #tpu.memory_space<vmem>> -> memref<128x64xf32, #tpu.memory_space<vmem>>
    %dma_wait3A_2003 = arith.constant 0 : i32
    %dma_wait3A_2004 = arith.constant 0 : i32
    %dma_wait3A_2005 = tpu.memref_slice %arg5[%dma_wait3A_2003, %dma_wait3A_2004] : memref<704512x64xf32, #tpu.memory_space<hbm>> -> memref<128x64xf32, #tpu.memory_space<hbm>>
    %dma_wait3A_2006 = arith.constant 0 : i32
    %dma_wait3A_2007 = arith.constant 0 : i32
    %dma_wait3A_2008 = tpu.memref_slice %arg5[%dma_wait3A_2006, %dma_wait3A_2007] : memref<704512x64xf32, #tpu.memory_space<hbm>> -> memref<128x64xf32, #tpu.memory_space<hbm>>
    %dma_wait3A_2009 = arith.constant 0 : i32
    %dma_wait3A_2010 = arith.constant 0 : i32
    %dma_wait3A_2011 = tpu.memref_slice %arg11[%dma_wait3A_1998, %dma_wait3A_2009, %dma_wait3A_2010] : memref<5x128x64xf32, #tpu.memory_space<vmem>> -> memref<1x128x64xf32, #tpu.memory_space<vmem>>
    %dma_wait3A_2012 = tpu.memref_squeeze %dma_wait3A_2011 : memref<1x128x64xf32, #tpu.memory_space<vmem>> -> memref<128x64xf32, #tpu.memory_space<vmem>>
    tpu.wait_dma2 semaphore(%arg26 : memref<!tpu.dma_semaphore, #tpu.memory_space<semaphore_mem>>) src(%dma_wait3A_2012 : memref<128x64xf32, #tpu.memory_space<vmem>>) dst(%dma_wait3A_2008 : memref<128x64xf32, #tpu.memory_space<hbm>>)
    return
  }
}

</mosaic_0001>

<sc_bundles>
// kernel: kernel.3.cloned.1.call-start
scs
__scs_entry_jumppad:
0x0: {  	(pc) =	sbr.rel $0x88, $3  }
0x1: {  	(tag) =	ssettag $0x0;
	lr =	simm.s32 $0x1  }
0x2: {  	[smem:$0x3F9E] =	sst lr;
	_ =	strace $0xD0000000  }
0x3: {  	_ = 	snop  }
0x4: {  	_ = 	snop  }
0x5: {  	_ = 	snop  }
0x6: {  	_ = 	snop  }
0x7: {  	_ = 	snop  }
__scs_overlays_trampoline_lowered:
0x8: {  	[smem:$0x3FAD] =	sst s0  }
0x9: {  	[smem:$0x3FAE] =	sst s1  }
0xa: {  	[smem:$0x3FAF] =	sst s2  }
0xb: {  	[smem:$0x3FB0] =	sst s3  }
0xc: {  	[smem:$0x3FB1] =	sst s4  }
0xd: {  	[smem:$0x3FB2] =	sst s5  }
0xe: {  	[smem:$0x3FB3] =	sst s6  }
0xf: {  	[smem:$0x3FB4] =	sst s7  }
0x10: {  	[smem:$0x3FB5] =	sst s8  }
0x11: {  	[smem:$0x3FB6] =	sst s9;
	s0 =	simm.s32 @!p0 $0x0  }
0x12: {  	s1 =	sld [smem:$0x3F9C];
	s0 =	simm.s32 @p0 $0x1  }
0x13: {  	[smem:$0x3FB7] =	sst s0;
	s0 =	simm.s32 @!p1 $0x0  }
0x14: {  	s2 =	sld [smem:$0x3F9B];
	s0 =	simm.s32 @p1 $0x1  }
0x15: {  	[smem:$0x3FB8] =	sst s0;
	s0 =	simm.s32 @!p2 $0x0  }
0x16: {  	s3 =	sld [smem:$0x3FDB];
	s0 =	simm.s32 @p2 $0x1  }
0x17: {  	s4 =	simm.s32 $0x1BF5;
	[smem:$0x3FBA] =	sst s0  }
0x18: {  	s0 =	sld [smem:$0x3F9D];
	_ =	swait.ge [sflag:s4], $0x0  }
0x19: {  	s7 =	sld [smem:$0x3F9E]  }
0x1a: {  	s8 =	sadd.s32 $0xFFFFE003, lr  }
0x1b: {  	s9 =	sadd.s32 $0xFFFFFEF7, lr;
	s5 =	simm.s32 $0xFFFFFFFF;
	p2 =	slt.u32 s8, $0xFFFFF086  }
0x1c: {  	p1 =	slt.u32 s9, $0xF7A;
	s5 =	simm.s32 @!p2 $0x0  }
0x1d: {  	s5 =	simm.s32 @p1 $0x1;
	p0 =	seq.s32 s7, s2  }
0x1e: {  	s7 =	smul.u32 @!p0 $0xF7A, s2;
	p2 =	seq.s32 @!p0 s5, $0x0  }
0x1f: {  	s9 =	smul.u32 $0xF7A, s1;
	s8 =	simm.s32 @!p0 $0x1BF5;
	p2 =	por !p2, p0  }
0x20: {  	[sflag:s8] =	ssyncset.s32 @!p0 $0xFFFFF086;
	s6 =	sadd.s32 @!p0 s3, s7;
	s7 =	simm.s32 @!p0 $0x108  }
0x21: {  	s3 =	sadd.s32 s3, s9;
	s6 =	sadd.s32 @!p0 $0x88, s6;
	s7 =	simm.s32 @p2 $0x1082  }
0x22: {  	[simem:s7], [sflag:s8] =	dma.local @!p0 [hbm:s6], $0xF7A  }
0x23: {  	s9 =	sor.u32 $0xD0000000, s2;
	s6 =	simm.s32 $0x108;
	_ =	swait.ge @!p0 [sflag:s8], $0x0  }
0x24: {  	s3 =	sadd.s32 $0x88, s3;
	s6 =	simm.s32 @!p1 $0x1082;
	[sflag:s4] =	ssyncset.s32 $0xFFFFF086  }
0x25: {  	[simem:s6], [sflag:s4] =	dma.local [hbm:s3], $0xF7A  }
0x26: {  	[smem:$0x3F9E] =	sst s1;
	(tag) =	ssettag s2;
	_ =	strace s9  }
0x27: {  	s1 =	sld [smem:$0x3FAE]  }
0x28: {  	s2 =	sld [smem:$0x3FAF]  }
0x29: {  	s4 =	sld [smem:$0x3FB1]  }
0x2a: {  	p0 =	seq.s32 s5, $0x0;
	s5 =	sld [smem:$0x3FB2]  }
0x2b: {  	s6 =	sld [smem:$0x3FB3]  }
0x2c: {  	s7 =	sld [smem:$0x3FB4]  }
0x2d: {  	s3 =	simm.s32 $0x108;
	s8 =	sld [smem:$0x3FB5]  }
0x2e: {  	s3 =	simm.s32 @!p0 $0x1082;
	s9 =	sld [smem:$0x3FB6]  }
0x2f: {  	lr =	sadd.s32 s0, s3;
	s0 =	sld [smem:$0x3FAD]  }
0x30: {  	s3 =	sld [smem:$0x3FB0]  }
0x31: {  	[smem:$0x3FB9] =	sst s10  }
0x32: {  	s10 =	sld [smem:$0x3FB7];
	_ =	sdelay $0x3  }
0x33: {  	p0 =	seq.s32 s10, $0x1;
	s10 =	sld [smem:$0x3FB9];
	_ =	sdelay $0x3  }
0x34: {  	[smem:$0x3FB9] =	sst s10  }
0x35: {  	s10 =	sld [smem:$0x3FB8];
	_ =	sdelay $0x3  }
0x36: {  	p1 =	seq.s32 s10, $0x1;
	s10 =	sld [smem:$0x3FB9];
	_ =	sdelay $0x3  }
0x37: {  	[smem:$0x3FB9] =	sst s10  }
0x38: {  	s10 =	sld [smem:$0x3FBA]  }
0x39: {  	_ = 	snop;
	(pc) =	sbr.ind lr, $3  }
0x3a: {  	_ = 	snop  }
0x3b: {  	_ = 	snop  }
0x3c: {  	p2 =	seq.s32 s10, $0x1;
	s10 =	sld [smem:$0x3FB9]  }
0x3d: {  	_ =	shalt  }
0x3e: {  	_ =	shalt  }
0x3f: {  	_ =	shalt  }
0x40: {  	_ =	shalt  }
0x41: {  	_ =	shalt  }
0x42: {  	_ =	shalt  }
0x43: {  	_ =	shalt  }
0x44: {  	_ =	shalt  }
0x45: {  	_ =	shalt  }
0x46: {  	_ =	shalt  }
0x47: {  	_ =	shalt  }
0x48: {  	_ =	shalt  }
0x49: {  	_ =	shalt  }
0x4a: {  	_ =	shalt  }
0x4b: {  	_ =	shalt  }
0x4c: {  	_ =	shalt  }
0x4d: {  	_ =	shalt  }
0x4e: {  	_ =	shalt  }
0x4f: {  	_ =	shalt  }
0x50: {  	_ =	shalt  }
0x51: {  	_ =	shalt  }
0x52: {  	_ =	shalt  }
0x53: {  	_ =	shalt  }
0x54: {  	_ =	shalt  }
0x55: {  	_ =	shalt  }
0x56: {  	_ =	shalt  }
0x57: {  	_ =	shalt  }
0x58: {  	_ =	shalt  }
0x59: {  	_ =	shalt  }
0x5a: {  	_ =	shalt  }
0x5b: {  	_ =	shalt  }
0x5c: {  	_ =	shalt  }
0x5d: {  	_ =	shalt  }
0x5e: {  	_ =	shalt  }
0x5f: {  	_ =	shalt  }
0x60: {  	_ =	shalt  }
0x61: {  	_ =	shalt  }
0x62: {  	_ =	shalt  }
0x63: {  	_ =	shalt  }
0x64: {  	_ =	shalt  }
0x65: {  	_ =	shalt  }
0x66: {  	_ =	shalt  }
0x67: {  	_ =	shalt  }
0x68: {  	_ =	shalt  }
0x69: {  	_ =	shalt  }
0x6a: {  	_ =	shalt  }
0x6b: {  	_ =	shalt  }
0x6c: {  	_ =	shalt  }
0x6d: {  	_ =	shalt  }
0x6e: {  	_ =	shalt  }
0x6f: {  	_ =	shalt  }
0x70: {  	_ =	shalt  }
0x71: {  	_ =	shalt  }
0x72: {  	_ =	shalt  }
0x73: {  	_ =	shalt  }
0x74: {  	_ =	shalt  }
0x75: {  	_ =	shalt  }
0x76: {  	_ =	shalt  }
0x77: {  	_ =	shalt  }
0x78: {  	_ =	shalt  }
0x79: {  	_ =	shalt  }
0x7a: {  	_ =	shalt  }
0x7b: {  	_ =	shalt  }
0x7c: {  	_ =	shalt  }
0x7d: {  	_ =	shalt  }
0x7e: {  	_ =	shalt  }
0x7f: {  	_ =	shalt  }
0x80: {  	_ =	shalt  }
0x81: {  	_ =	shalt  }
0x82: {  	_ =	shalt  }
0x83: {  	_ =	shalt  }
0x84: {  	_ =	shalt  }
0x85: {  	_ =	shalt  }
0x86: {  	_ =	shalt  }
0x87: {  	_ =	shalt  }
.Lfunc_end0:
.L_simem_size_0:
called_computation.1_lowered:
.L_overlay_start_0:
0x88: {  	s2 =	sld [smem:$0x3FD9]  }
0x89: {  	s3 =	sld [smem:$0x3FFE];
	_ =	sdelay $0x1  }
0x8a: {  	s1 =	srdreg.scid  }
0x8b: {  	s0 =	sand.u32 $0x1, s1  }
0x8c: {  	s16 =	sshll.u32 s0, $0xA;
	s2 =	sadd.s32 s3, s2  }
0x8d: {  	s2 =	sadd.s32 s2, s16  }
0x8e: {  	[smem:$0x3FC5] =	sst s2  }
0x8f: {  	_ = 	snop  }
0x90: {  	(tm) =	ssettm $0x1  }
0x91: {  	s17 =	sld [smem:$0x3FFB];
	_ =	sdelay $0x3  }
0x92: {  	_ =	strace s17  }
0x93: {  	s2 =	sld [smem:$0x3FFC];
	_ =	sdelay $0x3  }
0x94: {  	_ =	strace s2  }
0x95: {  	s2 =	sld [smem:$0x3FFD];
	_ =	sdelay $0x3  }
0x96: {  	_ =	strace s2  }
0x97: {  	_ =	strace $0x8FFFFFFF  }
0x98: {  	s18 =	sld [smem:$0x3FDB];
	_ =	sdelay $0x1  }
0x99: {  	s19 =	simm.s32 $_scs_section_size  }
0x9a: {  	s4 =	simm.s32 $_size__tile_overlayer_lowered;
	s5 =	simm.s32 $_tile_overlayer_lowered  }
0x9b: {  	s22 =	simm.s32 $0x1BFF;
	s21 =	sshll.u32 s5, $0x1;
	s2 =	sadd.s32 s19, s18  }
0x9c: {  	s6 =	simm.s32 $0x0;
	s20 =	sshll.u32 s4, $0x1;
	s4 =	sadd.s32 s21, s2  }
0x9d: {  	[timem:s6], [sflag:s22] =	dma.local [hbm:s4], s20  }
0x9e: {  	_ =	swait.ge [sflag:s22], s20  }
0x9f: {  	s3 =	ssub.s32 $0x0, s20;
	[sflag:s22] =	ssyncset.done $0x0  }
0xa0: {  	[sflag:s22] =	ssyncadd.s32 s3;
	_ =	sdelay $0x1  }
0xa1: {  	s23 =	simm.s32 $0x1B8B  }
0xa2: {  	_ =	swait.ge [sflag:s23], $0x1  }
0xa3: {  	[sflag:s23] =	ssyncset.done $0x0  }
0xa4: {  	s25 =	simm.s32 $0x1B8E;
	s24 =	sld [smem:$0x3FFE];
	[sflag:s23] =	ssyncadd.s32 $0xFFFFFFFF  }
0xa5: {  	s26 =	simm.s32 $execute0_lowered;
	[smem:$0x3FD2] =	sst s25  }
0xa6: {  	s4 =	sshll.u32 s26, $0x1;
	_ =	strace $0x80000046;
	[dreg:$0x1] =	wrdreg $0xFFFFFFFF  }
0xa7: {  	s28 =	simm.s32 $_size_execute0_lowered;
	s2 =	sadd.s32 s2, s4;
	[dreg:$0x0] =	wrdreg $0x0  }
0xa8: {  	s4 =	sshll.u32 s28, $0x1;
	[dreg:$0x2] =	wrdreg s2  }
0xa9: {  	[dreg:$0x3] =	wrdreg s4  }
0xaa: {  	[dreg:$0x4] =	wrdreg $0xC0  }
0xab: {  	_ =	task [dreg:s6], $0x5FFFF  }
0xac: {  	[dreg:$0x1] =	wrdreg $0xFFFFFFFF  }
0xad: {  	[dreg:$0x0] =	wrdreg $0x60  }
0xae: {  	[dreg:$0x2] =	wrdreg s24  }
0xaf: {  	[dreg:$0x3] =	wrdreg $0x9  }
0xb0: {  	_ =	task.clear_ibuf [dreg:s6], $0x4FFFF;
	_ =	strace $0x90000046  }
0xb1: {  	s29 =	simm.s32 $0x9;
	_ =	strace $0x80000048  }
0xb2: {  	_ =	swait.ge [sflag:s29], $0x1  }
0xb3: {  	[sflag:s29] =	ssyncadd.s32 $0xFFFFFFFF  }
0xb4: {  	_ =	strace $0x90000048  }
0xb5: {  	_ =	sfence  }
0xb6: {  	s30 =	sld [smem:$0x0];
	_ =	sdelay $0x2  }
0xb7: {  	s31 =	sshll.u32 s1, $0xD;
	s1 =	sshrl.u32 s1, $0x2  }
0xb8: {  	s3 =	sand.u32 $0x4000, s31;
	s1 =	sadd.s32 s1, s30  }
0xb9: {  	s0 =	sor.u32 s3, s0;
	s1 =	sshll.u32 s1, $0x11  }
0xba: {  	s0 =	sor.u32 s1, s0  }
0xbb: {  	s0 =	sadd.s32 $0x8F2B, s0  }
0xbc: {  	[sflag:s0] =	ssyncadd.remote.s32 $0x1  }
0xbd: {  	_ =	sfence.sel $0xFFFF  }
0xbe: {  	[dreg:$0x0] =	wrdreg $0xFFFFFFFF;
	(pc) =	sbr.abs _section_cstart, $3  }
0xbf: {  	[dreg:$0x1] =	wrdreg $0xFFFFFFFF  }
0xc0: {  	_ =	task.clear_ibuf [dreg:s6], $0x2FFFF;
	_ =	strace $0x9FFFFFFF  }
0xc1: {  	(tm) =	ssettm $0x7FFFFFFF  }
tec
execute0_lowered:
.L_overlay_start_1:
0x0: {  	(tag) =	ssettag $0x1  }
0x1: {  	v0 =	vimm.s32 $0x446;
	vm14 =	vcmask $0x300  }
0x2: {  	vm13 =	vcmask $0x704;
	vm11 =	vcmask $0xB08;
	vm12 =	vcmask $0xF0C  }
0x3: {  	vm10 =	vcmask $0x1310;
	vm9 =	vcmask $0x1714;
	vm7 =	vcmask $0x1B18  }
0x4: {  	s0 =	srdreg.scid;
	s1 =	stileid.u32;
	vm6 =	vcmask $0x1F1C;
	v3 =	vimm.s32 $0x886;
	v0 =	vsel vm14, $0x240, v0  }
0x5: {  	vm0 =	vcmask $0x2320;
	s3 =	sand.u32 $0x1, s0;
	s12 =	sshll.u32 s1, $0x1;
	v1 =	vsel vm13, $0x262, v0;
	v0 =	vlaneseq.u32  }
0x6: {  	vm1 =	vcmask $0x2724;
	vm2 =	vcmask $0x2B28;
	s1 =	sor.u32 s3, s12;
	v38 =	vmul.u32 $0x22, v0  }
0x7: {  	vm3 =	vcmask $0x2F2C;
	vm4 =	vcmask $0x3330;
	vm5 =	vcmask $0x3734;
	s0 =	smul.u32 $0x5600, s1  }
0x8: {  	vm8 =	vcmask $0x3B38;
	v7 =	vimm.s32 $0xEE6;
	v2 =	vadd.s32 $0x20, v38  }
0x9: {  	v8 =	vimm.s32 $0x1326;
	v12 =	vimm.s32 $0x1BA6;
	v2 =	vadd.s32 s0, v2  }
0xa: {  	v13 =	vimm.s32 $0x1DC6;
	v17 =	vimm.s32 $0x2646;
	[tilespmem:$0x1FF70] =	vst v2;
	v2 =	vimm.s32 $0x666  }
0xb: {  	v18 =	vimm.s32 $0x2866;
	v1 =	vsel vm11, $0x284, v1;
	v2 =	vsel vm14, $0x460, v2  }
0xc: {  	v22 =	vimm.s32 $0x2EC6;
	v1 =	vsel vm12, $0x2A6, v1;
	v2 =	vsel vm13, $0x482, v2  }
0xd: {  	v23 =	vimm.s32 $0x3306;
	v1 =	vsel vm10, $0x2D0, v1;
	v2 =	vsel vm11, $0x4A4, v2  }
0xe: {  	v27 =	vimm.s32 $0x3B86;
	v1 =	vsel vm9, $0x2F2, v1;
	v2 =	vsel vm12, $0x4C6, v2  }
0xf: {  	v28 =	vimm.s32 $0x3DA6;
	v1 =	vsel vm7, $0x314, v1;
	v2 =	vsel vm10, $0x4E8, v2  }
0x10: {  	v32 =	vimm.s32 $0x4626;
	v1 =	vsel vm6, $0x336, v1;
	v2 =	vsel vm9, $0x50A, v2  }
0x11: {  	v33 =	vimm.s32 $0x4846;
	v1 =	vsel vm0, $0x358, v1;
	v2 =	vsel vm7, $0x52C, v2  }
0x12: {  	v37 =	vimm.s32 $0x4EA6;
	v1 =	vsel vm1, $0x37A, v1;
	v2 =	vsel vm6, $0x54E, v2  }
0x13: {  	v62 =	vimm.s32 $0x50C6;
	v1 =	vsel vm2, $0x39C, v1;
	v2 =	vsel vm0, $0x578, v2  }
0x14: {  	v39 =	vimm.s32 $0x52E6;
	v1 =	vsel vm3, $0x3BE, v1;
	v2 =	vsel vm1, $0x59A, v2  }
0x15: {  	v42 =	vimm.s32 $0x0;
	v1 =	vsel vm4, $0x3E0, v1;
	v2 =	vsel vm2, $0x5BC, v2  }
0x16: {  	v3 =	vsel vm14, $0x680, v3;
	v1 =	vsel vm5, $0x402, v1;
	v2 =	vsel vm3, $0x5DE, v2  }
0x17: {  	v8 =	vsel vm14, $0x1120, v8;
	v1 =	vsel vm8, $0x424, v1;
	v2 =	vsel vm4, $0x600, v2  }
0x18: {  	v12 =	vsel vm14, $0x19A0, v12;
	v1 =	vadd.s32 s0, v1;
	v4 =	vsel vm5, $0x622, v2  }
0x19: {  	v13 =	vsel vm14, $0x1BC0, v13;
	v17 =	vsel vm14, $0x2440, v17;
	s2 =	sor.u32 $0x8, s0;
	[tilespmem:$0x1FF80] =	vst v1;
	v1 =	vsel vm8, $0x644, v4  }
0x1a: {  	v18 =	vsel vm14, $0x2660, v18;
	v23 =	vsel vm14, $0x3100, v23;
	v1 =	vadd.s32 s2, v1  }
0x1b: {  	v27 =	vsel vm14, $0x3980, v27;
	v28 =	vsel vm14, $0x3BA0, v28;
	s13 =	sor.u32 $0x18, s0;
	[tilespmem:$0x1FF90] =	vst v1;
	v1 =	vadd.s32 $0x8A0, v38  }
0x1c: {  	v32 =	vsel vm14, $0x4420, v32;
	s14 =	sor.u32 $0x20, s0;
	v5 =	vadd.s32 s13, v1;
	v1 =	vadd.s32 $0xAC0, v38  }
0x1d: {  	v6 =	vadd.s32 s14, v1;
	v1 =	vsel vm14, $0xCE0, v7;
	v7 =	vimm.s32 $0x1106  }
0x1e: {  	v33 =	vsel vm14, $0x4640, v33;
	v1 =	vsel vm13, $0xD02, v1;
	v7 =	vsel vm14, $0xF00, v7  }
0x1f: {  	v39 =	vsel vm14, $0x50E0, v39;
	v1 =	vsel vm11, $0xD24, v1;
	v7 =	vsel vm13, $0xF22, v7  }
0x20: {  	v8 =	vsel vm13, $0x1142, v8;
	v1 =	vsel vm12, $0xD46, v1;
	v7 =	vsel vm11, $0xF44, v7  }
0x21: {  	v8 =	vsel vm11, $0x1164, v8;
	v1 =	vsel vm10, $0xD70, v1;
	v7 =	vsel vm12, $0xF66, v7  }
0x22: {  	v8 =	vsel vm12, $0x1186, v8;
	v1 =	vsel vm9, $0xD92, v1;
	v7 =	vsel vm10, $0xF88, v7  }
0x23: {  	v8 =	vsel vm10, $0x11A8, v8;
	v1 =	vsel vm7, $0xDB4, v1;
	v7 =	vsel vm9, $0xFAA, v7  }
0x24: {  	v8 =	vsel vm9, $0x11CA, v8;
	v1 =	vsel vm6, $0xDD6, v1;
	v7 =	vsel vm7, $0xFCC, v7  }
0x25: {  	v8 =	vsel vm7, $0x11EC, v8;
	v1 =	vsel vm0, $0xDF8, v1;
	v7 =	vsel vm6, $0xFEE, v7  }
0x26: {  	v8 =	vsel vm6, $0x120E, v8;
	v1 =	vsel vm1, $0xE1A, v1;
	v7 =	vsel vm0, $0x1018, v7  }
0x27: {  	v8 =	vsel vm0, $0x1230, v8;
	v1 =	vsel vm2, $0xE3C, v1;
	v7 =	vsel vm1, $0x103A, v7  }
0x28: {  	v8 =	vsel vm1, $0x1252, v8;
	v1 =	vsel vm3, $0xE5E, v1;
	v7 =	vsel vm2, $0x105C, v7  }
0x29: {  	v8 =	vsel vm2, $0x1274, v8;
	v1 =	vsel vm4, $0xE80, v1;
	v7 =	vsel vm3, $0x107E, v7  }
0x2a: {  	v8 =	vsel vm3, $0x1296, v8;
	v1 =	vsel vm5, $0xEA2, v1;
	v7 =	vsel vm4, $0x10A0, v7  }
0x2b: {  	v8 =	vsel vm4, $0x12C0, v8;
	v1 =	vsel vm8, $0xEC4, v1;
	v9 =	vsel vm5, $0x10C2, v7  }
0x2c: {  	s15 =	sor.u32 $0x28, s0;
	v7 =	vadd.s32 s14, v1;
	v1 =	vsel vm8, $0x10E4, v9;
	v9 =	vsel vm5, $0x12E2, v8  }
0x2d: {  	v3 =	vsel vm13, $0x6A2, v3;
	s16 =	sor.u32 $0x30, s0;
	v8 =	vadd.s32 s15, v1;
	v1 =	vsel vm8, $0x1304, v9  }
0x2e: {  	v12 =	vsel vm13, $0x19C2, v12;
	s18 =	sor.u32 $0x40, s0;
	v9 =	vadd.s32 s16, v1;
	v1 =	vadd.s32 $0x1560, v38  }
0x2f: {  	v13 =	vsel vm13, $0x1BE2, v13;
	v11 =	vadd.s32 s18, v1;
	v1 =	vimm.s32 $0x1986  }
0x30: {  	v17 =	vsel vm13, $0x2462, v17;
	v18 =	vsel vm13, $0x2682, v18;
	v1 =	vsel vm14, $0x1780, v1  }
0x31: {  	v23 =	vsel vm13, $0x3122, v23;
	v27 =	vsel vm13, $0x39A2, v27;
	v1 =	vsel vm13, $0x17A2, v1  }
0x32: {  	v3 =	vsel vm11, $0x6C4, v3;
	v12 =	vsel vm11, $0x19E4, v12;
	v1 =	vsel vm11, $0x17C4, v1  }
0x33: {  	v13 =	vsel vm11, $0x1C04, v13;
	v17 =	vsel vm11, $0x2484, v17;
	v1 =	vsel vm12, $0x17E6, v1  }
0x34: {  	v12 =	vsel vm12, $0x1A06, v12;
	v13 =	vsel vm12, $0x1C26, v13;
	v1 =	vsel vm10, $0x1810, v1  }
0x35: {  	v12 =	vsel vm10, $0x1A28, v12;
	v13 =	vsel vm10, $0x1C48, v13;
	v1 =	vsel vm9, $0x1832, v1  }
0x36: {  	v12 =	vsel vm9, $0x1A4A, v12;
	v13 =	vsel vm9, $0x1C6A, v13;
	v1 =	vsel vm7, $0x1854, v1  }
0x37: {  	v12 =	vsel vm7, $0x1A6C, v12;
	v13 =	vsel vm7, $0x1C8C, v13;
	v1 =	vsel vm6, $0x1876, v1  }
0x38: {  	v12 =	vsel vm6, $0x1A8E, v12;
	v13 =	vsel vm6, $0x1CAE, v13;
	v1 =	vsel vm0, $0x1898, v1  }
0x39: {  	v12 =	vsel vm0, $0x1AB8, v12;
	v13 =	vsel vm0, $0x1CD0, v13;
	v1 =	vsel vm1, $0x18BA, v1  }
0x3a: {  	v12 =	vsel vm1, $0x1ADA, v12;
	v13 =	vsel vm1, $0x1CF2, v13;
	v1 =	vsel vm2, $0x18DC, v1  }
0x3b: {  	v12 =	vsel vm2, $0x1AFC, v12;
	v13 =	vsel vm2, $0x1D14, v13;
	v1 =	vsel vm3, $0x18FE, v1  }
0x3c: {  	v12 =	vsel vm3, $0x1B1E, v12;
	v13 =	vsel vm3, $0x1D36, v13;
	v1 =	vsel vm4, $0x1920, v1  }
0x3d: {  	v12 =	vsel vm4, $0x1B40, v12;
	v13 =	vsel vm4, $0x1D60, v13;
	v1 =	vsel vm5, $0x1942, v1  }
0x3e: {  	v12 =	vsel vm5, $0x1B62, v12;
	v15 =	vsel vm5, $0x1D82, v13;
	v1 =	vsel vm8, $0x1964, v1  }
0x3f: {  	s19 =	sor.u32 $0x48, s0;
	s20 =	sor.u32 $0x50, s0;
	v14 =	vsel vm8, $0x1B84, v12;
	v12 =	vadd.s32 s18, v1;
	v1 =	vsel vm8, $0x1DA4, v15  }
0x40: {  	s21 =	sor.u32 $0x58, s0;
	v13 =	vadd.s32 s19, v14;
	v14 =	vadd.s32 s20, v1;
	v1 =	vadd.s32 $0x1DE0, v38  }
0x41: {  	v18 =	vsel vm11, $0x26A4, v18;
	v15 =	vadd.s32 s21, v1;
	v1 =	vimm.s32 $0x2426  }
0x42: {  	v23 =	vsel vm11, $0x3144, v23;
	v3 =	vsel vm12, $0x6E6, v3;
	v1 =	vsel vm14, $0x2220, v1  }
0x43: {  	v17 =	vsel vm12, $0x24A6, v17;
	v18 =	vsel vm12, $0x26C6, v18;
	v1 =	vsel vm13, $0x2242, v1  }
0x44: {  	v23 =	vsel vm12, $0x3166, v23;
	v3 =	vsel vm10, $0x708, v3;
	v1 =	vsel vm11, $0x2264, v1  }
0x45: {  	v17 =	vsel vm10, $0x24C8, v17;
	v18 =	vsel vm10, $0x26E8, v18;
	v1 =	vsel vm12, $0x2286, v1  }
0x46: {  	v23 =	vsel vm10, $0x3188, v23;
	v3 =	vsel vm9, $0x72A, v3;
	v1 =	vsel vm10, $0x22B0, v1  }
0x47: {  	v17 =	vsel vm9, $0x24EA, v17;
	v18 =	vsel vm9, $0x270A, v18;
	v1 =	vsel vm9, $0x22D2, v1  }
0x48: {  	v23 =	vsel vm9, $0x31AA, v23;
	v3 =	vsel vm7, $0x74C, v3;
	v1 =	vsel vm7, $0x22F4, v1  }
0x49: {  	v17 =	vsel vm7, $0x250C, v17;
	v18 =	vsel vm7, $0x272C, v18;
	v1 =	vsel vm6, $0x2316, v1  }
0x4a: {  	v23 =	vsel vm7, $0x31CC, v23;
	v17 =	vsel vm6, $0x252E, v17;
	v1 =	vsel vm0, $0x2338, v1  }
0x4b: {  	v18 =	vsel vm6, $0x274E, v18;
	v17 =	vsel vm0, $0x2558, v17;
	v1 =	vsel vm1, $0x235A, v1  }
0x4c: {  	v18 =	vsel vm0, $0x2770, v18;
	v17 =	vsel vm1, $0x257A, v17;
	v1 =	vsel vm2, $0x237C, v1  }
0x4d: {  	v18 =	vsel vm1, $0x2792, v18;
	v17 =	vsel vm2, $0x259C, v17;
	v1 =	vsel vm3, $0x239E, v1  }
0x4e: {  	v18 =	vsel vm2, $0x27B4, v18;
	v17 =	vsel vm3, $0x25BE, v17;
	v1 =	vsel vm4, $0x23C0, v1  }
0x4f: {  	v18 =	vsel vm3, $0x27D6, v18;
	v17 =	vsel vm4, $0x25E0, v17;
	v1 =	vsel vm5, $0x23E2, v1  }
0x50: {  	s22 =	sor.u32 $0x60, s0;
	v18 =	vsel vm4, $0x2800, v18;
	v19 =	vsel vm5, $0x2602, v17;
	v1 =	vsel vm8, $0x2404, v1  }
0x51: {  	s23 =	sor.u32 $0x68, s0;
	v18 =	vsel vm5, $0x2822, v18;
	v17 =	vadd.s32 s22, v1;
	v1 =	vsel vm8, $0x2624, v19  }
0x52: {  	s25 =	sor.u32 $0x78, s0;
	v19 =	vsel vm8, $0x2844, v18;
	v18 =	vadd.s32 s23, v1;
	v1 =	vadd.s32 $0x2880, v38  }
0x53: {  	s26 =	sor.u32 $0x80, s0;
	v3 =	vsel vm6, $0x76E, v3;
	v20 =	vadd.s32 s25, v1;
	v1 =	vadd.s32 $0x2AA0, v38  }
0x54: {  	v21 =	vadd.s32 s26, v1;
	v1 =	vsel vm14, $0x2CC0, v22;
	v22 =	vimm.s32 $0x30E6  }
0x55: {  	v23 =	vsel vm6, $0x31EE, v23;
	v1 =	vsel vm13, $0x2CE2, v1;
	v22 =	vsel vm14, $0x2EE0, v22  }
0x56: {  	v3 =	vsel vm0, $0x790, v3;
	v1 =	vsel vm11, $0x2D04, v1;
	v22 =	vsel vm13, $0x2F02, v22  }
0x57: {  	v23 =	vsel vm0, $0x3210, v23;
	v1 =	vsel vm12, $0x2D26, v1;
	v22 =	vsel vm11, $0x2F24, v22  }
0x58: {  	v3 =	vsel vm1, $0x7B2, v3;
	v1 =	vsel vm10, $0x2D50, v1;
	v22 =	vsel vm12, $0x2F46, v22  }
0x59: {  	v23 =	vsel vm1, $0x3232, v23;
	v1 =	vsel vm9, $0x2D72, v1;
	v22 =	vsel vm10, $0x2F68, v22  }
0x5a: {  	v3 =	vsel vm2, $0x7D4, v3;
	v1 =	vsel vm7, $0x2D94, v1;
	v22 =	vsel vm9, $0x2F8A, v22  }
0x5b: {  	v23 =	vsel vm2, $0x3254, v23;
	v1 =	vsel vm6, $0x2DB6, v1;
	v22 =	vsel vm7, $0x2FAC, v22  }
0x5c: {  	v3 =	vsel vm3, $0x7F6, v3;
	v1 =	vsel vm0, $0x2DD8, v1;
	v22 =	vsel vm6, $0x2FCE, v22  }
0x5d: {  	v23 =	vsel vm3, $0x3276, v23;
	v1 =	vsel vm1, $0x2DFA, v1;
	v22 =	vsel vm0, $0x2FF8, v22  }
0x5e: {  	v3 =	vsel vm4, $0x820, v3;
	v1 =	vsel vm2, $0x2E1C, v1;
	v22 =	vsel vm1, $0x301A, v22  }
0x5f: {  	v23 =	vsel vm4, $0x32A0, v23;
	v1 =	vsel vm3, $0x2E3E, v1;
	v22 =	vsel vm2, $0x303C, v22  }
0x60: {  	v3 =	vsel vm5, $0x842, v3;
	v1 =	vsel vm4, $0x2E60, v1;
	v22 =	vsel vm3, $0x305E, v22  }
0x61: {  	s4 =	sor.u32 $0x10, s0;
	v4 =	vsel vm8, $0x864, v3;
	v1 =	vsel vm5, $0x2E82, v1;
	v22 =	vsel vm4, $0x3080, v22  }
0x62: {  	v4 =	vadd.s32 s4, v4;
	v1 =	vsel vm8, $0x2EA4, v1;
	v24 =	vsel vm5, $0x30A2, v22  }
0x63: {  	s4 =	sor.u32 $0x88, s0;
	v22 =	vadd.s32 s26, v1;
	v1 =	vsel vm8, $0x30C4, v24;
	v24 =	vsel vm5, $0x32C2, v23  }
0x64: {  	v28 =	vsel vm13, $0x3BC2, v28;
	s5 =	sor.u32 $0x90, s0;
	v23 =	vadd.s32 s4, v1;
	v1 =	vsel vm8, $0x32E4, v24  }
0x65: {  	v32 =	vsel vm13, $0x4442, v32;
	s7 =	sor.u32 $0xA0, s0;
	v24 =	vadd.s32 s5, v1;
	v1 =	vadd.s32 $0x3540, v38  }
0x66: {  	v33 =	vsel vm13, $0x4662, v33;
	v26 =	vadd.s32 s7, v1;
	v1 =	vimm.s32 $0x3966  }
0x67: {  	v39 =	vsel vm13, $0x5102, v39;
	v27 =	vsel vm11, $0x39C4, v27;
	v1 =	vsel vm14, $0x3760, v1  }
0x68: {  	v28 =	vsel vm11, $0x3BE4, v28;
	v32 =	vsel vm11, $0x4464, v32;
	v1 =	vsel vm13, $0x3782, v1  }
0x69: {  	v33 =	vsel vm11, $0x4684, v33;
	v39 =	vsel vm11, $0x5124, v39;
	v1 =	vsel vm11, $0x37A4, v1  }
0x6a: {  	v43 =	vor.u32 $0x10, v0;
	v45 =	vor.u32 $0x20, v0;
	v1 =	vsel vm12, $0x37C6, v1  }
0x6b: {  	v27 =	vsel vm12, $0x39E6, v27;
	v28 =	vsel vm12, $0x3C06, v28;
	v1 =	vsel vm10, $0x37F0, v1  }
0x6c: {  	v27 =	vsel vm10, $0x3A08, v27;
	v28 =	vsel vm10, $0x3C28, v28;
	v1 =	vsel vm9, $0x3812, v1  }
0x6d: {  	v27 =	vsel vm9, $0x3A2A, v27;
	v28 =	vsel vm9, $0x3C4A, v28;
	v1 =	vsel vm7, $0x3834, v1  }
0x6e: {  	v27 =	vsel vm7, $0x3A4C, v27;
	v28 =	vsel vm7, $0x3C6C, v28;
	v1 =	vsel vm6, $0x3856, v1  }
0x6f: {  	v27 =	vsel vm6, $0x3A6E, v27;
	v28 =	vsel vm6, $0x3C8E, v28;
	v1 =	vsel vm0, $0x3878, v1  }
0x70: {  	v27 =	vsel vm0, $0x3A98, v27;
	v28 =	vsel vm0, $0x3CB0, v28;
	v1 =	vsel vm1, $0x389A, v1  }
0x71: {  	v27 =	vsel vm1, $0x3ABA, v27;
	v28 =	vsel vm1, $0x3CD2, v28;
	v1 =	vsel vm2, $0x38BC, v1  }
0x72: {  	v27 =	vsel vm2, $0x3ADC, v27;
	v28 =	vsel vm2, $0x3CF4, v28;
	v1 =	vsel vm3, $0x38DE, v1  }
0x73: {  	v27 =	vsel vm3, $0x3AFE, v27;
	v28 =	vsel vm3, $0x3D16, v28;
	v1 =	vsel vm4, $0x3900, v1  }
0x74: {  	v27 =	vsel vm4, $0x3B20, v27;
	v28 =	vsel vm4, $0x3D40, v28;
	v1 =	vsel vm5, $0x3922, v1  }
0x75: {  	v27 =	vsel vm5, $0x3B42, v27;
	v30 =	vsel vm5, $0x3D62, v28;
	v1 =	vsel vm8, $0x3944, v1  }
0x76: {  	s8 =	sor.u32 $0xA8, s0;
	s9 =	sor.u32 $0xB0, s0;
	v29 =	vsel vm8, $0x3B64, v27;
	v27 =	vadd.s32 s7, v1;
	v1 =	vsel vm8, $0x3D84, v30  }
0x77: {  	s10 =	sor.u32 $0xB8, s0;
	v28 =	vadd.s32 s8, v29;
	v29 =	vadd.s32 s9, v1;
	v1 =	vadd.s32 $0x3DC0, v38  }
0x78: {  	v47 =	vor.u32 $0x30, v0;
	v30 =	vadd.s32 s10, v1;
	v1 =	vimm.s32 $0x4406  }
0x79: {  	v49 =	vor.u32 $0x40, v0;
	v51 =	vor.u32 $0x50, v0;
	v1 =	vsel vm14, $0x4200, v1  }
0x7a: {  	v53 =	vor.u32 $0x60, v0;
	v55 =	vor.u32 $0x70, v0;
	v1 =	vsel vm13, $0x4222, v1  }
0x7b: {  	v32 =	vsel vm12, $0x4486, v32;
	v33 =	vsel vm12, $0x46A6, v33;
	v1 =	vsel vm11, $0x4244, v1  }
0x7c: {  	v39 =	vsel vm12, $0x5146, v39;
	v10 =	vadd.s32 $0x1340, v38;
	v1 =	vsel vm12, $0x4266, v1  }
0x7d: {  	v16 =	vor.u32 $0x2000, v38;
	v25 =	vadd.s32 $0x3320, v38;
	v1 =	vsel vm10, $0x4290, v1  }
0x7e: {  	v31 =	vadd.s32 $0x3FE0, v38;
	v32 =	vsel vm10, $0x44A8, v32;
	v1 =	vsel vm9, $0x42B2, v1  }
0x7f: {  	v33 =	vsel vm10, $0x46C8, v33;
	v32 =	vsel vm9, $0x44CA, v32;
	v1 =	vsel vm7, $0x42D4, v1  }
0x80: {  	v33 =	vsel vm9, $0x46EA, v33;
	v32 =	vsel vm7, $0x44EC, v32;
	v1 =	vsel vm6, $0x42F6, v1  }
0x81: {  	v33 =	vsel vm7, $0x470C, v33;
	v32 =	vsel vm6, $0x450E, v32;
	v1 =	vsel vm0, $0x4318, v1  }
0x82: {  	v33 =	vsel vm6, $0x472E, v33;
	v32 =	vsel vm0, $0x4538, v32;
	v1 =	vsel vm1, $0x433A, v1  }
0x83: {  	v33 =	vsel vm0, $0x4750, v33;
	v32 =	vsel vm1, $0x455A, v32;
	v1 =	vsel vm2, $0x435C, v1  }
0x84: {  	v33 =	vsel vm1, $0x4772, v33;
	v32 =	vsel vm2, $0x457C, v32;
	v1 =	vsel vm3, $0x437E, v1  }
0x85: {  	v33 =	vsel vm2, $0x4794, v33;
	v32 =	vsel vm3, $0x459E, v32;
	v1 =	vsel vm4, $0x43A0, v1  }
0x86: {  	v33 =	vsel vm3, $0x47B6, v33;
	v32 =	vsel vm4, $0x45C0, v32;
	v1 =	vsel vm5, $0x43C2, v1  }
0x87: {  	s11 =	sor.u32 $0xC0, s0;
	v33 =	vsel vm4, $0x47E0, v33;
	v34 =	vsel vm5, $0x45E2, v32;
	v1 =	vsel vm8, $0x43E4, v1  }
0x88: {  	s12 =	sor.u32 $0xC8, s0;
	v33 =	vsel vm5, $0x4802, v33;
	v32 =	vadd.s32 s11, v1;
	v1 =	vsel vm8, $0x4604, v34  }
0x89: {  	s6 =	sor.u32 $0x98, s0;
	v61 =	vsel vm8, $0x4824, v33;
	s14 =	sor.u32 $0xD8, s0;
	v33 =	vadd.s32 s12, v1;
	v1 =	vadd.s32 $0x4860, v38  }
0x8a: {  	v25 =	vadd.s32 s6, v25;
	s6 =	sor.u32 $0xE0, s0;
	v35 =	vadd.s32 s14, v1;
	v1 =	vadd.s32 $0x4A80, v38  }
0x8b: {  	v39 =	vsel vm10, $0x5168, v39;
	v36 =	vadd.s32 s6, v1;
	v1 =	vsel vm14, $0x4CA0, v37  }
0x8c: {  	s17 =	sor.u32 $0x38, s0;
	v41 =	vadd.s32 $0x5300, v38;
	v37 =	vsel vm14, $0x4EC0, v62;
	v1 =	vsel vm13, $0x4CC2, v1  }
0x8d: {  	v10 =	vadd.s32 s17, v10;
	v37 =	vsel vm13, $0x4EE2, v37;
	v1 =	vsel vm11, $0x4CE4, v1  }
0x8e: {  	v16 =	vadd.s32 s22, v16;
	v37 =	vsel vm11, $0x4F04, v37;
	v1 =	vsel vm12, $0x4D06, v1  }
0x8f: {  	v31 =	vadd.s32 s11, v31;
	v37 =	vsel vm12, $0x4F26, v37;
	v1 =	vsel vm10, $0x4D30, v1  }
0x90: {  	v39 =	vsel vm9, $0x518A, v39;
	v37 =	vsel vm10, $0x4F48, v37;
	v1 =	vsel vm9, $0x4D52, v1  }
0x91: {  	v39 =	vsel vm7, $0x51AC, v39;
	v37 =	vsel vm9, $0x4F6A, v37;
	v1 =	vsel vm7, $0x4D74, v1  }
0x92: {  	v39 =	vsel vm6, $0x51CE, v39;
	v37 =	vsel vm7, $0x4F8C, v37;
	v1 =	vsel vm6, $0x4D96, v1  }
0x93: {  	v39 =	vsel vm0, $0x51F0, v39;
	v37 =	vsel vm6, $0x4FAE, v37;
	v1 =	vsel vm0, $0x4DB8, v1  }
0x94: {  	v39 =	vsel vm1, $0x5212, v39;
	v37 =	vsel vm0, $0x4FD8, v37;
	v1 =	vsel vm1, $0x4DDA, v1  }
0x95: {  	v39 =	vsel vm2, $0x5234, v39;
	v37 =	vsel vm1, $0x4FFA, v37;
	v1 =	vsel vm2, $0x4DFC, v1  }
0x96: {  	v39 =	vsel vm3, $0x5256, v39;
	v37 =	vsel vm2, $0x501C, v37;
	v1 =	vsel vm3, $0x4E1E, v1  }
0x97: {  	v39 =	vsel vm4, $0x5280, v39;
	v37 =	vsel vm3, $0x503E, v37;
	v1 =	vsel vm4, $0x4E40, v1  }
0x98: {  	s24 =	sor.u32 $0x70, s0;
	v39 =	vsel vm5, $0x52A2, v39;
	s19 =	sor.u32 $0xE8, s0;
	v37 =	vsel vm4, $0x5060, v37;
	v1 =	vsel vm5, $0x4E62, v1  }
0x99: {  	v63 =	vsel vm8, $0x52C4, v39;
	s13 =	sor.u32 $0xD0, s0;
	s21 =	sor.u32 $0xF0, s0;
	s0 =	sor.u32 $0xF8, s0;
	v40 =	vsel vm5, $0x5082, v37;
	v1 =	vsel vm8, $0x4E84, v1  }
0x9a: {  	s28 =	simm.s32 $0x5;
	s29 =	simm.s32 $0x6;
	s30 =	simm.s32 $0x7;
	v41 =	vadd.s32 s0, v41;
	v37 =	vadd.s32 s6, v1;
	v1 =	vsel vm8, $0x50A4, v40  }
0x9b: {  	s31 =	simm.s32 $0x8;
	s15 =	rddreg [dreg:$0x0];
	s16 =	simm.s32 $0x0;
	vm0 =	vmmov $0x1;
	v39 =	vadd.s32 s19, v1;
	v1 =	vimm.s32 $0x0  }
0x9c: {  	s17 =	smul.u32 $0x550, s1;
	s1 =	sshll.u32 s1, $0x5;
	[smem:$0x7FF] =	sst s16;
	v19 =	vadd.s32 s24, v19;
	v38 =	vmul.u32 $0x2, v0;
	v1 =	vsel vm0, $0xFFFFFFFF, v1  }
0x9d: {  	s16 =	simm.s32 $0xBA00;
	_ =	strace $0x80000047;
	[dreg:$0x4] =	wrdreg s1;
	v34 =	vadd.s32 s13, v61;
	vm1 =	vmmov $0x3;
	[tilespmem:$0x1FFA0] =	vst v1;
	v1 =	vimm.s32 $0x0  }
0x9e: {  	s1 =	simm.s32 $0xA;
	s20 =	simm.s32 $0xFA00;
	s0 =	simm.s32 $0x9;
	vm14 =	vmmov $0x7fff;
	v44 =	vor.u32 $0x20, v38;
	v1 =	vsel vm1, $0xFFFFFFFF, v1  }
0x9f: {  	s22 =	simm.s32 $0x11A00;
	s23 =	simm.s32 $0x1;
	s24 =	simm.s32 $0x2;
	v46 =	vor.u32 $0x40, v38;
	vm2 =	vmmov $0x7;
	[tilespmem:$0x1FFB0] =	vst v1;
	v1 =	vimm.s32 $0x0  }
0xa0: {  	s25 =	simm.s32 $0x3;
	s26 =	simm.s32 $0x4;
	s4 =	sadd.s32 s17, s15;
	v48 =	vor.u32 $0x60, v38;
	v50 =	vor.u32 $0x80, v38;
	v1 =	vsel vm2, $0xFFFFFFFF, v1  }
0xa1: {  	s17 =	simm.s32 $0xD;
	s5 =	sadd.s32 $0xD0400, s15;
	s7 =	ssub.s32 $0x2, s3;
	v52 =	vor.u32 $0xA0, v38;
	vm3 =	vmmov $0xf;
	[tilespmem:$0x1FFC0] =	vst v1;
	v1 =	vimm.s32 $0x0  }
0xa2: {  	s4 =	sadd.s32 $0x2400, s4;
	[dreg:$0x2] =	wrdreg s5;
	s8 =	sshrl.u32 s7, $0x1;
	v54 =	vor.u32 $0xC0, v38;
	v56 =	vor.u32 $0xE0, v38;
	v1 =	vsel vm3, $0xFFFFFFFF, v1  }
0xa3: {  	s5 =	sadd.s32 $0x193A00, s15;
	[dreg:$0x3] =	wrdreg s4;
	s18 =	ssub.s32 s7, s8;
	vm13 =	vmmov $0x3fff;
	vm4 =	vmmov $0x1f;
	[tilespmem:$0x1FFD0] =	vst v1;
	v1 =	vimm.s32 $0x0  }
0xa4: {  	s3 =	sadd.s32 $0xCE00, s15;
	s15 =	simm.s32 $0xC;
	s2 =	smax.u32 s18, $0x1;
	vm11 =	vmmov $0xfff;
	vm12 =	vmmov $0x1fff;
	v1 =	vsel vm4, $0xFFFFFFFF, v1  }
0xa5: {  	s10 =	simm.s32 $0x80;
	s18 =	simm.s32 $0xDA00;
	[dreg:$0x5] =	wrdreg s2;
	vm10 =	vmmov $0x7ff;
	vm5 =	vmmov $0x3f;
	[tilespmem:$0x1FFE0] =	vst v1;
	v1 =	vimm.s32 $0x0  }
0xa6: {  	s11 =	simm.s32 $0x5A00;
	s13 =	simm.s32 $0xB;
	s12 =	simm.s32 $0x7A00;
	vm9 =	vmmov $0x3ff;
	vm7 =	vmmov $0xff;
	v1 =	vsel vm5, $0xFFFFFFFF, v1  }
0xa7: {  	s14 =	simm.s32 $0x9A00;
	vm6 =	vmmov $0x7f;
	v40 =	vadd.s32 s21, v63;
	vm8 =	vmmov $0x1ff;
	s6 =	simm.s32 $0x0;
	s19 =	simm.s32 $0xE;
	[tilespmem:$0x1FFF0] =	vst v1  }
.LBB2_1:
0xa8: {  	[dreg:$0x6] =	wrdreg s6  }
0xa9: {  	s2 =	simm.s32 $0x0;
	s4 =	rddreg [dreg:$0x3];
	s9 =	simm.s32 $0x10  }
0xaa: {  	[tilespmem:s2], [sflag:$0x10] =	stream.linear.gather [hbm4b:s4+s2], $0x2A80, $0x38;
	[tilespmem:$0x1DA00] =	vst v63  }
0xab: {  	_ =	swait.ge [sflag:s9], $0x2A80  }
0xac: {  	[sflag:s9] =	ssyncset.done $0x0  }
0xad: {  	[sflag:s9] =	ssyncadd.s32 $0xFFFFD580  }
0xae: {  	[tilespmem:s11], [sflag:$0x1] =	stream.indirect.gather [hbm4b:s3+s10], $0x40, s2, s10, $0xb8;
	[tilespmem:$0x1DA00] =	vst v63  }
0xaf: {  	_ = 	snop  }
0xb0: {  	[tilespmem:s12], [sflag:$0x2] =	stream.indirect.gather [hbm4b:s3+s10], $0x40, s10, s10, $0xb8;
	[tilespmem:$0x1DA00] =	vst v63  }
0xb1: {  	s21 =	simm.s32 $0x100  }
0xb2: {  	[tilespmem:s14], [sflag:$0x3] =	stream.indirect.gather [hbm4b:s3+s10], $0x40, s21, s10, $0xb8;
	[tilespmem:$0x1DA00] =	vst v63  }
0xb3: {  	s6 =	simm.s32 $0x180;
	v1 =	vadd.s32 s2, v0;
	v57 =	vadd.s32 s2, v43;
	v58 =	vadd.s32 s2, v45  }
0xb4: {  	v59 =	vadd.s32 s2, v47;
	v60 =	vadd.s32 s2, v49;
	v61 =	vadd.s32 s2, v51;
	[tilespmem:s16], [sflag:$0x4] =	stream.indirect.gather [hbm4b:s3+s10], $0x40, s6, s10, $0xb8;
	[tilespmem:$0x1DA00] =	vst v63  }
0xb5: {  	s7 =	simm.s32 $0x200;
	v62 =	vadd.s32 s2, v55;
	vm0 =	vgt.s32 v1, $0x153;
	v1 =	vadd.s32 s2, v53  }
0xb6: {  	vm15 =	vgt.s32 v57, $0x153;
	vm1 =	vgt.s32 v58, $0x153;
	vm2 =	vgt.s32 v59, $0x153;
	[tilespmem:s18], [sflag:$0x5] =	stream.indirect.gather [hbm4b:s3+s10], $0x40, s7, s10, $0xb8;
	[tilespmem:$0x1DA00] =	vst v63  }
0xb7: {  	s8 =	simm.s32 $0x280;
	vm5 =	vgt.s32 v60, $0x153;
	vm3 =	vgt.s32 v61, $0x153;
	vm4 =	vgt.s32 v1, $0x153;
	s7 =	rddreg [dreg:$0x4]  }
0xb8: {  	s4 =	simm.s32 $0x0;
	v1 =	vsel vm0, $0x8, v42;
	v63 =	vsel vm15, $0x8, v42;
	vm15 =	vgt.s32 v62, $0x153;
	s21 =	simm.s32 $0x300;
	s9 =	smul.u32 $0x2B0, s7  }
0xb9: {  	v62 =	vsel vm1, $0x8, v42;
	v61 =	vsel vm2, $0x8, v42;
	v59 =	vsel vm5, $0x8, v42;
	[tilespmem:s20], [sflag:$0x6] =	stream.indirect.gather [hbm4b:s3+s10], $0x40, s8, s10, $0xb8;
	[tilespmem:$0x1DA00] =	vst v63  }
0xba: {  	v60 =	vsel vm3, $0x8, v42;
	v58 =	vsel vm4, $0x8, v42;
	v57 =	vsel vm15, $0x8, v42;
	s6 =	simm.s32 $0x200;
	s2 =	sadd.s32 $0x0, s9;
	s9 =	simm.s32 $0x0  }
0xbb: {  	[tilespmem:s22], [sflag:$0x7] =	stream.indirect.gather [hbm4b:s3+s10], $0x40, s21, s10, $0xb8;
	v1 =	vadd.s32 s2, v1;
	v63 =	vadd.s32 s2, v63;
	v62 =	vadd.s32 s2, v62;
	[tilespmem:$0x1DA00] =	vst v63  }
.LBB2_2:
0xbc: {  	p0 =	sne.s32 s6, $0xA800;
	v61 =	vadd.s32 s2, v61;
	v59 =	vadd.s32 s2, v59;
	v60 =	vadd.s32 s2, v60  }
0xbd: {  	v1 =	vadd.s32 v38, v1;
	s21 =	sshra.s32 s9, $0x2;
	v58 =	vadd.s32 s2, v58;
	v57 =	vadd.s32 s2, v57;
	s2 =	sadd.s32 $0x80, s4;
	s9 =	smov.u32 s6  }
0xbe: {  	v62 =	vadd.s32 v46, v62;
	s4 =	simm.s32 $0x1;
	s8 =	simm.s32 $0xFFFFFEAC;
	v61 =	vadd.s32 v48, v61;
	p1 =	sgt.s32 s2, $0x153;
	[tilespmem:s21+$0x2F80] =	vst v1;
	v1 =	vadd.s32 v44, v63  }
0xbf: {  	v58 =	vadd.s32 v54, v58;
	s4 =	simm.s32 @!p1 $0x0;
	s8 =	simm.s32 @!p1 $0x0;
	[tilespmem:s21+$0x2F90] =	vst v1;
	v1 =	vadd.s32 v50, v59;
	v59 =	vadd.s32 v52, v60  }
0xc0: {  	v57 =	vadd.s32 v56, v57;
	s7 =	sadd.s32 s4, s7;
	s4 =	sadd.s32 s2, s8;
	[tilespmem:s21+$0x2FA0] =	vst v62  }
0xc1: {  	s2 =	smul.u32 $0x2B0, s7;
	s8 =	sshll.u32 s4, $0x1;
	v60 =	vadd.s32 s4, v0;
	v62 =	vadd.s32 s4, v43;
	v63 =	vadd.s32 s4, v45;
	[tilespmem:s21+$0x2FB0] =	vst v61  }
0xc2: {  	v2 =	vadd.s32 s4, v49;
	v3 =	vadd.s32 s4, v51;
	v61 =	vadd.s32 s4, v47;
	[tilespmem:s21+$0x2FC0] =	vst v1  }
0xc3: {  	vm15 =	vgt.s32 v60, $0x153;
	v60 =	vadd.s32 s4, v55;
	s2 =	sadd.s32 s2, s8;
	v1 =	vadd.s32 s4, v53;
	[tilespmem:s21+$0x2FD0] =	vst v59  }
0xc4: {  	vm0 =	vgt.s32 v62, $0x153;
	vm1 =	vgt.s32 v63, $0x153;
	vm2 =	vgt.s32 v61, $0x153;
	[tilespmem:s21+$0x2FE0] =	vst v58  }
.Ltmp0:
0xc5: {  	vm3 =	vgt.s32 v2, $0x153;
	vm4 =	vgt.s32 v3, $0x153;
	vm5 =	vgt.s32 v1, $0x153;
	[tilespmem:s21+$0x2FF0] =	vst v57;
	(pc) =	sbr.rel @p0 .LBB2_2-.Ltmp0, $4  }
0xc6: {  	v2 =	vsel vm0, $0x8, v42;
	vm0 =	vgt.s32 v60, $0x153;
	v1 =	vsel vm15, $0x8, v42  }
0xc7: {  	v3 =	vsel vm1, $0x8, v42;
	v61 =	vsel vm2, $0x8, v42;
	v59 =	vsel vm3, $0x8, v42  }
0xc8: {  	v60 =	vsel vm4, $0x8, v42;
	v58 =	vsel vm5, $0x8, v42;
	v57 =	vsel vm0, $0x8, v42  }
0xc9: {  	s6 =	sadd.s32 $0x200, s6;
	v63 =	vadd.s32 s2, v2;
	v62 =	vadd.s32 s2, v3;
	v1 =	vadd.s32 s2, v1  }
0xca: {  	v1 =	vadd.s32 v38, v1;
	s4 =	sshra.s32 s9, $0x2  }
0xcb: {  	[tilespmem:s4+$0x2F80] =	vst v1;
	v1 =	vadd.s32 v44, v63  }
0xcc: {  	[tilespmem:s4+$0x2F90] =	vst v1;
	v1 =	vadd.s32 s2, v59  }
0xcd: {  	v1 =	vadd.s32 v50, v1  }
0xce: {  	[tilespmem:s4+$0x2FC0] =	vst v1;
	v1 =	vadd.s32 s2, v57  }
0xcf: {  	v1 =	vadd.s32 v56, v1  }
0xd0: {  	[tilespmem:s4+$0x2FF0] =	vst v1;
	v1 =	vld [tilespmem:$0x1FFA0];
	_ =	sdelay $0x4  }
0xd1: {  	vm0 =	vnez.u8 v1;
	v1 =	vld [tilespmem:$0x1FFB0];
	_ =	sdelay $0x4  }
0xd2: {  	vm1 =	vnez.u8 v1;
	v1 =	vld [tilespmem:$0x1FFC0];
	_ =	sdelay $0x4  }
0xd3: {  	vm2 =	vnez.u8 v1;
	v1 =	vld [tilespmem:$0x1FFD0];
	_ =	sdelay $0x4  }
0xd4: {  	vm3 =	vnez.u8 v1;
	v1 =	vld [tilespmem:$0x1FFE0];
	_ =	sdelay $0x3  }
0xd5: {  	v2 =	vadd.s32 s2, v61;
	v3 =	vadd.s32 v46, v62  }
0xd6: {  	v2 =	vadd.s32 v48, v2;
	[tilespmem:s4+$0x2FA0] =	vst v3;
	v3 =	vadd.s32 s2, v60;
	vm4 =	vnez.u8 v1;
	v1 =	vld [tilespmem:$0x1FFF0]  }
0xd7: {  	[tilespmem:s4+$0x2FB0] =	vst v2;
	v2 =	vadd.s32 s2, v58;
	v3 =	vadd.s32 v52, v3  }
0xd8: {  	v2 =	vadd.s32 v54, v2;
	[tilespmem:s4+$0x2FD0] =	vst v3  }
0xd9: {  	s9 =	simm.s32 $0x80;
	[tilespmem:s4+$0x2FE0] =	vst v2  }
0xda: {  	v57 =	vld [tilespmem:s9+$0xFFFFFFA0]  }
0xdb: {  	s6 =	simm.s32 $0x0;
	s2 =	simm.s32 $0x40;
	v58 =	vld [tilespmem:s9+$0xFFFFFF90];
	vm5 =	vnez.u8 v1  }
.LBB2_4:
0xdc: {  	p0 =	sne.s32 s2, $0x9C0;
	v1 =	vld [tilespmem:s9+$0xFFFFFFB0]  }
0xdd: {  	v2 =	vld [tilespmem:s9+$0xFFFFFFC0]  }
0xde: {  	v3 =	vld [tilespmem:s9+$0xFFFFFFD0]  }
0xdf: {  	v59 =	vld [tilespmem:s9+$0xFFFFFFE0]  }
0xe0: {  	v57 =	vsel vm0, v58, v57;
	v58 =	vld [tilespmem:s9+$0xFFFFFFF0]  }
0xe1: {  	v1 =	vsel vm1, v57, v1;
	v57 =	vld [tilespmem:s9+$0x0]  }
0xe2: {  	v1 =	vsel vm2, v1, v2;
	v2 =	vld [tilespmem:s9+$0x10]  }
0xe3: {  	v1 =	vsel vm3, v1, v3;
	v3 =	vld [tilespmem:s9+$0x20]  }
0xe4: {  	v1 =	vsel vm4, v1, v59;
	v59 =	vld [tilespmem:s9+$0x30]  }
0xe5: {  	v1 =	vsel vm5, v1, v58;
	v58 =	vld [tilespmem:s9+$0x40]  }
0xe6: {  	v1 =	vsel vm6, v1, v57;
	v57 =	vld [tilespmem:s9+$0x50]  }
0xe7: {  	v1 =	vsel vm7, v1, v2;
	v2 =	vld [tilespmem:s9+$0x60]  }
0xe8: {  	v1 =	vsel vm8, v1, v3;
	v3 =	vld [tilespmem:s9+$0x70]  }
0xe9: {  	v1 =	vsel vm9, v1, v59;
	v59 =	vld [tilespmem:s9+$0x80]  }
0xea: {  	v1 =	vsel vm10, v1, v58  }
0xeb: {  	v1 =	vsel vm11, v1, v57  }
0xec: {  	v1 =	vsel vm12, v1, v2  }
.Ltmp1:
0xed: {  	v1 =	vsel vm13, v1, v3;
	(pc) =	sbr.rel @p0 .LBB2_4-.Ltmp1, $4  }
0xee: {  	s4 =	sshra.s32 s6, $0x2;
	s6 =	smov.u32 s2;
	v1 =	vsel vm14, v1, v59  }
0xef: {  	s9 =	sadd.s32 $0x110, s9;
	[tilespmem:s4+$0x2A80] =	vst v1  }
0xf0: {  	v57 =	vld [tilespmem:s9+$0xFFFFFFA0]  }
0xf1: {  	s2 =	sadd.s32 $0x40, s2;
	v58 =	vld [tilespmem:s9+$0xFFFFFF90]  }
0xf2: {  	v1 =	vld [tilespmem:s9+$0xFFFFFFB0]  }
0xf3: {  	v2 =	vld [tilespmem:s9+$0xFFFFFFC0]  }
0xf4: {  	v3 =	vld [tilespmem:s9+$0xFFFFFFD0]  }
0xf5: {  	v59 =	vld [tilespmem:s9+$0xFFFFFFE0]  }
0xf6: {  	v62 =	vld [tilespmem:s9+$0xFFFFFFF0];
	v57 =	vsel vm0, v58, v57  }
0xf7: {  	v63 =	vld [tilespmem:s9+$0x0];
	v1 =	vsel vm1, v57, v1  }
0xf8: {  	v1 =	vsel vm2, v1, v2;
	v2 =	vld [tilespmem:s9+$0x10]  }
0xf9: {  	v1 =	vsel vm3, v1, v3;
	v3 =	vld [tilespmem:s9+$0x20]  }
0xfa: {  	v60 =	vld [tilespmem:s9+$0x30];
	v1 =	vsel vm4, v1, v59  }
0xfb: {  	v61 =	vld [tilespmem:s9+$0x40];
	v1 =	vsel vm5, v1, v62  }
0xfc: {  	v62 =	vld [tilespmem:s9+$0x50];
	v1 =	vsel vm6, v1, v63  }
0xfd: {  	v1 =	vsel vm7, v1, v2;
	v2 =	vld [tilespmem:s9+$0x60]  }
0xfe: {  	v1 =	vsel vm8, v1, v3;
	v3 =	vld [tilespmem:s9+$0x70]  }
0xff: {  	v63 =	vld [tilespmem:s9+$0x80];
	v1 =	vsel vm9, v1, v60  }
0x100: {  	v1 =	vsel vm10, v1, v61  }
0x101: {  	v1 =	vsel vm11, v1, v62  }
0x102: {  	v1 =	vsel vm12, v1, v2  }
0x103: {  	v1 =	vsel vm13, v1, v3  }
0x104: {  	s2 =	sshra.s32 s6, $0x2;
	v1 =	vsel vm14, v1, v63  }
0x105: {  	[tilespmem:s2+$0x2A80] =	vst v1  }
0x106: {  	[tilespmem:$0x2D30] =	vst v4  }
0x107: {  	[tilespmem:$0x2D40] =	vst v5  }
0x108: {  	[tilespmem:$0x2D50] =	vst v6  }
0x109: {  	[tilespmem:$0x2D60] =	vst v7  }
0x10a: {  	[tilespmem:$0x2D70] =	vst v8  }
0x10b: {  	[tilespmem:$0x2D80] =	vst v9  }
0x10c: {  	[tilespmem:$0x2D90] =	vst v10  }
0x10d: {  	[tilespmem:$0x2DA0] =	vst v11  }
0x10e: {  	[tilespmem:$0x2DB0] =	vst v12  }
0x10f: {  	[tilespmem:$0x2DC0] =	vst v13  }
0x110: {  	[tilespmem:$0x2DD0] =	vst v14  }
0x111: {  	[tilespmem:$0x2DE0] =	vst v15  }
0x112: {  	[tilespmem:$0x2DF0] =	vst v16  }
0x113: {  	[tilespmem:$0x2E00] =	vst v17  }
0x114: {  	[tilespmem:$0x2E10] =	vst v18  }
0x115: {  	[tilespmem:$0x2E20] =	vst v19  }
0x116: {  	[tilespmem:$0x2E30] =	vst v20  }
0x117: {  	[tilespmem:$0x2E40] =	vst v21  }
0x118: {  	[tilespmem:$0x2E50] =	vst v22  }
0x119: {  	[tilespmem:$0x2E60] =	vst v23  }
0x11a: {  	[tilespmem:$0x2E70] =	vst v24  }
0x11b: {  	[tilespmem:$0x2E80] =	vst v25  }
0x11c: {  	[tilespmem:$0x2E90] =	vst v26  }
0x11d: {  	[tilespmem:$0x2EA0] =	vst v27  }
0x11e: {  	v1 =	vld [tilespmem:$0x1FF70];
	[tilespmem:$0x2EB0] =	vst v28  }
0x11f: {  	[tilespmem:$0x2EC0] =	vst v29  }
0x120: {  	[tilespmem:$0x2ED0] =	vst v30  }
0x121: {  	[tilespmem:$0x2EE0] =	vst v31  }
0x122: {  	[tilespmem:$0x2EF0] =	vst v32  }
0x123: {  	[tilespmem:$0x2D00] =	vst v1;
	v1 =	vld [tilespmem:$0x1FF80]  }
0x124: {  	[tilespmem:$0x2F00] =	vst v33  }
0x125: {  	[tilespmem:$0x2F10] =	vst v34  }
0x126: {  	[tilespmem:$0x2F20] =	vst v35  }
0x127: {  	[tilespmem:$0x2F30] =	vst v36  }
0x128: {  	[tilespmem:$0x2D10] =	vst v1;
	v1 =	vld [tilespmem:$0x1FF90]  }
0x129: {  	[tilespmem:$0x2F40] =	vst v37  }
0x12a: {  	[tilespmem:$0x2F50] =	vst v39  }
0x12b: {  	[tilespmem:$0x2F60] =	vst v40  }
0x12c: {  	[tilespmem:$0x2F70] =	vst v41  }
0x12d: {  	[tilespmem:$0x2D20] =	vst v1  }
0x12e: {  	_ =	swait.ge [sflag:s23], $0x2000  }
0x12f: {  	[sflag:s23] =	ssyncset.done $0x0  }
0x130: {  	s21 =	simm.s32 $0x2F80;
	[sflag:s23] =	ssyncadd.s32 $0xFFFFE000  }
0x131: {  	[hbm4b:s5+s10] =	stream.indirect.scatter [tilespmem:s11], [sflag:$0x8], $0x40, s21, s10, $0xb8;
	[tilespmem:$0x1DA00] =	vst v63  }
0x132: {  	_ =	swait.ge [sflag:s24], $0x2000  }
0x133: {  	[sflag:s24] =	ssyncset.done $0x0  }
0x134: {  	s4 =	simm.s32 $0x3000;
	[sflag:s24] =	ssyncadd.s32 $0xFFFFE000  }
0x135: {  	[hbm4b:s5+s10] =	stream.indirect.scatter [tilespmem:s12], [sflag:$0x9], $0x40, s4, s10, $0xb8;
	[tilespmem:$0x1DA00] =	vst v63  }
0x136: {  	_ =	swait.ge [sflag:s25], $0x2000  }
0x137: {  	[sflag:s25] =	ssyncset.done $0x0  }
0x138: {  	s6 =	simm.s32 $0x3080;
	[sflag:s25] =	ssyncadd.s32 $0xFFFFE000  }
0x139: {  	[hbm4b:s5+s10] =	stream.indirect.scatter [tilespmem:s14], [sflag:$0xA], $0x40, s6, s10, $0xb8;
	[tilespmem:$0x1DA00] =	vst v63  }
0x13a: {  	_ =	swait.ge [sflag:s26], $0x2000  }
0x13b: {  	[sflag:s26] =	ssyncset.done $0x0  }
0x13c: {  	s7 =	simm.s32 $0x3100;
	[sflag:s26] =	ssyncadd.s32 $0xFFFFE000  }
0x13d: {  	[hbm4b:s5+s10] =	stream.indirect.scatter [tilespmem:s16], [sflag:$0xB], $0x40, s7, s10, $0xb8;
	[tilespmem:$0x1DA00] =	vst v63  }
0x13e: {  	_ =	swait.ge [sflag:s28], $0x2000  }
0x13f: {  	[sflag:s28] =	ssyncset.done $0x0  }
0x140: {  	s8 =	simm.s32 $0x3180;
	[sflag:s28] =	ssyncadd.s32 $0xFFFFE000  }
0x141: {  	[hbm4b:s5+s10] =	stream.indirect.scatter [tilespmem:s18], [sflag:$0xC], $0x40, s8, s10, $0xb8;
	[tilespmem:$0x1DA00] =	vst v63  }
0x142: {  	_ =	swait.ge [sflag:s29], $0x2000  }
0x143: {  	[sflag:s29] =	ssyncset.done $0x0  }
0x144: {  	s9 =	simm.s32 $0x3200;
	[sflag:s29] =	ssyncadd.s32 $0xFFFFE000  }
0x145: {  	[hbm4b:s5+s10] =	stream.indirect.scatter [tilespmem:s20], [sflag:$0xD], $0x40, s9, s10, $0xb8;
	[tilespmem:$0x1DA00] =	vst v63  }
0x146: {  	_ =	swait.ge [sflag:s30], $0x2000  }
0x147: {  	[sflag:s30] =	ssyncset.done $0x0  }
0x148: {  	s21 =	simm.s32 $0x3280;
	[sflag:s30] =	ssyncadd.s32 $0xFFFFE000  }
0x149: {  	[hbm4b:s5+s10] =	stream.indirect.scatter [tilespmem:s22], [sflag:$0xE], $0x40, s21, s10, $0xb8;
	[tilespmem:$0x1DA00] =	vst v63  }
0x14a: {  	_ =	swait.ge [sflag:s31], $0x2000  }
0x14b: {  	[sflag:s31] =	ssyncset.done $0x0  }
0x14c: {  	s4 =	simm.s32 $0x380;
	[sflag:s31] =	ssyncadd.s32 $0xFFFFE000  }
0x14d: {  	[tilespmem:s11], [sflag:$0x1] =	stream.indirect.gather [hbm4b:s3+s10], $0x40, s4, s10, $0xb8;
	[tilespmem:$0x1DA00] =	vst v63  }
0x14e: {  	_ =	swait.ge [sflag:s0], $0x2000  }
0x14f: {  	[sflag:s0] =	ssyncset.done $0x0  }
0x150: {  	s6 =	simm.s32 $0x400;
	[sflag:s0] =	ssyncadd.s32 $0xFFFFE000  }
0x151: {  	[tilespmem:s12], [sflag:$0x2] =	stream.indirect.gather [hbm4b:s3+s10], $0x40, s6, s10, $0xb8;
	[tilespmem:$0x1DA00] =	vst v63  }
0x152: {  	_ =	swait.ge [sflag:s1], $0x2000  }
0x153: {  	[sflag:s1] =	ssyncset.done $0x0  }
0x154: {  	s7 =	simm.s32 $0x480;
	[sflag:s1] =	ssyncadd.s32 $0xFFFFE000  }
0x155: {  	[tilespmem:s14], [sflag:$0x3] =	stream.indirect.gather [hbm4b:s3+s10], $0x40, s7, s10, $0xb8;
	[tilespmem:$0x1DA00] =	vst v63  }
0x156: {  	_ =	swait.ge [sflag:s13], $0x2000  }
0x157: {  	[sflag:s13] =	ssyncset.done $0x0  }
0x158: {  	s8 =	simm.s32 $0x500;
	[sflag:s13] =	ssyncadd.s32 $0xFFFFE000  }
0x159: {  	[tilespmem:s16], [sflag:$0x4] =	stream.indirect.gather [hbm4b:s3+s10], $0x40, s8, s10, $0xb8;
	[tilespmem:$0x1DA00] =	vst v63  }
0x15a: {  	_ =	swait.ge [sflag:s15], $0x2000  }
0x15b: {  	[sflag:s15] =	ssyncset.done $0x0  }
0x15c: {  	s9 =	simm.s32 $0x580;
	[sflag:s15] =	ssyncadd.s32 $0xFFFFE000  }
0x15d: {  	[tilespmem:s18], [sflag:$0x5] =	stream.indirect.gather [hbm4b:s3+s10], $0x40, s9, s10, $0xb8;
	[tilespmem:$0x1DA00] =	vst v63  }
0x15e: {  	_ =	swait.ge [sflag:s17], $0x2000  }
0x15f: {  	[sflag:s17] =	ssyncset.done $0x0  }
0x160: {  	s21 =	simm.s32 $0x600;
	[sflag:s17] =	ssyncadd.s32 $0xFFFFE000  }
0x161: {  	[tilespmem:s20], [sflag:$0x6] =	stream.indirect.gather [hbm4b:s3+s10], $0x40, s21, s10, $0xb8;
	[tilespmem:$0x1DA00] =	vst v63  }
0x162: {  	_ =	swait.ge [sflag:s19], $0x2000  }
0x163: {  	[sflag:s19] =	ssyncset.done $0x0  }
0x164: {  	s2 =	simm.s32 $0x680;
	s6 =	simm.s32 $0xE00;
	[sflag:s19] =	ssyncadd.s32 $0xFFFFE000  }
.LBB2_6:
0x165: {  	[tilespmem:s22], [sflag:$0x7] =	stream.indirect.gather [hbm4b:s3+s10], $0x40, s2, s10, $0xb8;
	[tilespmem:$0x1DA00] =	vst v63  }
0x166: {  	s2 =	smov.u32 s6  }
0x167: {  	p0 =	sne.s32 s6, $0x8C00;
	s6 =	sadd.s32 $0xE00, s6;
	_ =	swait.ge [sflag:s23], $0x2000  }
0x168: {  	s9 =	sshra.s32 s2, $0x2;
	[sflag:s23] =	ssyncset.done $0x0  }
0x169: {  	s2 =	sadd.s32 $0x2F80, s9;
	[sflag:s23] =	ssyncadd.s32 $0xFFFFE000  }
0x16a: {  	[hbm4b:s5+s10] =	stream.indirect.scatter [tilespmem:s11], [sflag:$0x8], $0x40, s2, s10, $0xb8;
	[tilespmem:$0x1DA00] =	vst v63  }
0x16b: {  	_ =	swait.ge [sflag:s24], $0x2000  }
0x16c: {  	[sflag:s24] =	ssyncset.done $0x0  }
0x16d: {  	s2 =	sadd.s32 $0x3000, s9;
	[sflag:s24] =	ssyncadd.s32 $0xFFFFE000  }
0x16e: {  	[hbm4b:s5+s10] =	stream.indirect.scatter [tilespmem:s12], [sflag:$0x9], $0x40, s2, s10, $0xb8;
	[tilespmem:$0x1DA00] =	vst v63  }
0x16f: {  	_ =	swait.ge [sflag:s25], $0x2000  }
0x170: {  	[sflag:s25] =	ssyncset.done $0x0  }
0x171: {  	s2 =	sadd.s32 $0x3080, s9;
	[sflag:s25] =	ssyncadd.s32 $0xFFFFE000  }
0x172: {  	[hbm4b:s5+s10] =	stream.indirect.scatter [tilespmem:s14], [sflag:$0xA], $0x40, s2, s10, $0xb8;
	[tilespmem:$0x1DA00] =	vst v63  }
0x173: {  	_ =	swait.ge [sflag:s26], $0x2000  }
0x174: {  	[sflag:s26] =	ssyncset.done $0x0  }
0x175: {  	s2 =	sadd.s32 $0x3100, s9;
	[sflag:s26] =	ssyncadd.s32 $0xFFFFE000  }
0x176: {  	[hbm4b:s5+s10] =	stream.indirect.scatter [tilespmem:s16], [sflag:$0xB], $0x40, s2, s10, $0xb8;
	[tilespmem:$0x1DA00] =	vst v63  }
0x177: {  	_ =	swait.ge [sflag:s28], $0x2000  }
0x178: {  	[sflag:s28] =	ssyncset.done $0x0  }
0x179: {  	s2 =	sadd.s32 $0x3180, s9;
	[sflag:s28] =	ssyncadd.s32 $0xFFFFE000  }
0x17a: {  	[hbm4b:s5+s10] =	stream.indirect.scatter [tilespmem:s18], [sflag:$0xC], $0x40, s2, s10, $0xb8;
	[tilespmem:$0x1DA00] =	vst v63  }
0x17b: {  	_ =	swait.ge [sflag:s29], $0x2000  }
0x17c: {  	[sflag:s29] =	ssyncset.done $0x0  }
0x17d: {  	s2 =	sadd.s32 $0x3200, s9;
	[sflag:s29] =	ssyncadd.s32 $0xFFFFE000  }
0x17e: {  	[hbm4b:s5+s10] =	stream.indirect.scatter [tilespmem:s20], [sflag:$0xD], $0x40, s2, s10, $0xb8;
	[tilespmem:$0x1DA00] =	vst v63  }
0x17f: {  	_ =	swait.ge [sflag:s30], $0x2000  }
0x180: {  	[sflag:s30] =	ssyncset.done $0x0  }
0x181: {  	s2 =	sadd.s32 $0x3280, s9;
	[sflag:s30] =	ssyncadd.s32 $0xFFFFE000  }
0x182: {  	[hbm4b:s5+s10] =	stream.indirect.scatter [tilespmem:s22], [sflag:$0xE], $0x40, s2, s10, $0xb8;
	[tilespmem:$0x1DA00] =	vst v63  }
0x183: {  	_ =	swait.ge [sflag:s31], $0x2000  }
0x184: {  	[sflag:s31] =	ssyncset.done $0x0  }
0x185: {  	s2 =	sadd.s32 $0x380, s9;
	[sflag:s31] =	ssyncadd.s32 $0xFFFFE000  }
0x186: {  	[tilespmem:s11], [sflag:$0x1] =	stream.indirect.gather [hbm4b:s3+s10], $0x40, s2, s10, $0xb8;
	[tilespmem:$0x1DA00] =	vst v63  }
0x187: {  	_ =	swait.ge [sflag:s0], $0x2000  }
0x188: {  	[sflag:s0] =	ssyncset.done $0x0  }
0x189: {  	s2 =	sadd.s32 $0x400, s9;
	[sflag:s0] =	ssyncadd.s32 $0xFFFFE000  }
0x18a: {  	[tilespmem:s12], [sflag:$0x2] =	stream.indirect.gather [hbm4b:s3+s10], $0x40, s2, s10, $0xb8;
	[tilespmem:$0x1DA00] =	vst v63  }
0x18b: {  	_ =	swait.ge [sflag:s1], $0x2000  }
0x18c: {  	[sflag:s1] =	ssyncset.done $0x0  }
0x18d: {  	s2 =	sadd.s32 $0x480, s9;
	[sflag:s1] =	ssyncadd.s32 $0xFFFFE000  }
0x18e: {  	[tilespmem:s14], [sflag:$0x3] =	stream.indirect.gather [hbm4b:s3+s10], $0x40, s2, s10, $0xb8;
	[tilespmem:$0x1DA00] =	vst v63  }
0x18f: {  	_ =	swait.ge [sflag:s13], $0x2000  }
0x190: {  	[sflag:s13] =	ssyncset.done $0x0  }
0x191: {  	s2 =	sadd.s32 $0x500, s9;
	[sflag:s13] =	ssyncadd.s32 $0xFFFFE000  }
0x192: {  	[tilespmem:s16], [sflag:$0x4] =	stream.indirect.gather [hbm4b:s3+s10], $0x40, s2, s10, $0xb8;
	[tilespmem:$0x1DA00] =	vst v63  }
0x193: {  	_ =	swait.ge [sflag:s15], $0x2000  }
0x194: {  	[sflag:s15] =	ssyncset.done $0x0  }
0x195: {  	s2 =	sadd.s32 $0x580, s9;
	[sflag:s15] =	ssyncadd.s32 $0xFFFFE000  }
0x196: {  	[tilespmem:s18], [sflag:$0x5] =	stream.indirect.gather [hbm4b:s3+s10], $0x40, s2, s10, $0xb8;
	[tilespmem:$0x1DA00] =	vst v63  }
0x197: {  	_ =	swait.ge [sflag:s17], $0x2000  }
0x198: {  	[sflag:s17] =	ssyncset.done $0x0  }
.Ltmp2:
0x199: {  	s2 =	sadd.s32 $0x600, s9;
	[sflag:s17] =	ssyncadd.s32 $0xFFFFE000;
	(pc) =	sbr.rel @p0 .LBB2_6-.Ltmp2, $4  }
0x19a: {  	[tilespmem:s20], [sflag:$0x6] =	stream.indirect.gather [hbm4b:s3+s10], $0x40, s2, s10, $0xb8;
	[tilespmem:$0x1DA00] =	vst v63  }
0x19b: {  	_ =	swait.ge [sflag:s19], $0x2000  }
0x19c: {  	[sflag:s19] =	ssyncset.done $0x0  }
0x19d: {  	s2 =	sadd.s32 $0x680, s9;
	[sflag:s19] =	ssyncadd.s32 $0xFFFFE000  }
0x19e: {  	[tilespmem:s22], [sflag:$0x7] =	stream.indirect.gather [hbm4b:s3+s10], $0x40, s2, s10, $0xb8;
	[tilespmem:$0x1DA00] =	vst v63  }
0x19f: {  	s2 =	rddreg [dreg:$0x2];
	s4 =	simm.s32 $0x2A80;
	s6 =	simm.s32 $0x13A00  }
0x1a0: {  	[tilespmem:s6], [sflag:$0xF] =	stream.indirect.gather [hbm4b:s2+s10], $0x40, s4, s10, $0xb8;
	[tilespmem:$0x1DA00] =	vst v63  }
0x1a1: {  	s8 =	simm.s32 $0x2B00;
	s7 =	simm.s32 $0x15A00  }
0x1a2: {  	[tilespmem:s7], [sflag:$0xF] =	stream.indirect.gather [hbm4b:s2+s10], $0x40, s8, s10, $0xb8;
	[tilespmem:$0x1DA00] =	vst v63  }
0x1a3: {  	s9 =	simm.s32 $0x2B80;
	s8 =	simm.s32 $0x17A00  }
0x1a4: {  	[tilespmem:s8], [sflag:$0xF] =	stream.indirect.gather [hbm4b:s2+s10], $0x40, s9, s10, $0xb8;
	[tilespmem:$0x1DA00] =	vst v63  }
0x1a5: {  	s21 =	simm.s32 $0x2C00;
	s9 =	simm.s32 $0x19A00  }
0x1a6: {  	[tilespmem:s9], [sflag:$0xF] =	stream.indirect.gather [hbm4b:s2+s10], $0x40, s21, s10, $0xb8;
	[tilespmem:$0x1DA00] =	vst v63  }
0x1a7: {  	s4 =	simm.s32 $0x2C80;
	s21 =	simm.s32 $0x1BA00  }
0x1a8: {  	[tilespmem:s21], [sflag:$0xF] =	stream.indirect.gather [hbm4b:s2+s10], $0x40, s4, s10, $0xb8;
	[tilespmem:$0x1DA00] =	vst v63  }
0x1a9: {  	_ =	swait.ge [sflag:s23], $0x2000  }
0x1aa: {  	[sflag:s23] =	ssyncset.done $0x0  }
0x1ab: {  	s4 =	simm.s32 $0x5600;
	[sflag:s23] =	ssyncadd.s32 $0xFFFFE000  }
0x1ac: {  	[hbm4b:s5+s10] =	stream.indirect.scatter [tilespmem:s11], [sflag:$0x8], $0x40, s4, s10, $0xb8;
	[tilespmem:$0x1DA00] =	vst v63  }
0x1ad: {  	_ =	swait.ge [sflag:s24], $0x2000  }
0x1ae: {  	[sflag:s24] =	ssyncset.done $0x0  }
0x1af: {  	s4 =	simm.s32 $0x5680;
	[sflag:s24] =	ssyncadd.s32 $0xFFFFE000  }
0x1b0: {  	[hbm4b:s5+s10] =	stream.indirect.scatter [tilespmem:s12], [sflag:$0x9], $0x40, s4, s10, $0xb8;
	[tilespmem:$0x1DA00] =	vst v63  }
0x1b1: {  	_ =	swait.ge [sflag:s25], $0x2000  }
0x1b2: {  	[sflag:s25] =	ssyncset.done $0x0  }
0x1b3: {  	s4 =	simm.s32 $0x5700;
	[sflag:s25] =	ssyncadd.s32 $0xFFFFE000  }
0x1b4: {  	[hbm4b:s5+s10] =	stream.indirect.scatter [tilespmem:s14], [sflag:$0xA], $0x40, s4, s10, $0xb8;
	[tilespmem:$0x1DA00] =	vst v63  }
0x1b5: {  	_ =	swait.ge [sflag:s26], $0x2000  }
0x1b6: {  	[sflag:s26] =	ssyncset.done $0x0  }
0x1b7: {  	s4 =	simm.s32 $0x5780;
	[sflag:s26] =	ssyncadd.s32 $0xFFFFE000  }
0x1b8: {  	[hbm4b:s5+s10] =	stream.indirect.scatter [tilespmem:s16], [sflag:$0xB], $0x40, s4, s10, $0xb8;
	[tilespmem:$0x1DA00] =	vst v63  }
0x1b9: {  	_ =	swait.ge [sflag:s28], $0x2000  }
0x1ba: {  	[sflag:s28] =	ssyncset.done $0x0  }
0x1bb: {  	s4 =	simm.s32 $0x5800;
	[sflag:s28] =	ssyncadd.s32 $0xFFFFE000  }
0x1bc: {  	[hbm4b:s5+s10] =	stream.indirect.scatter [tilespmem:s18], [sflag:$0xC], $0x40, s4, s10, $0xb8;
	[tilespmem:$0x1DA00] =	vst v63  }
0x1bd: {  	_ =	swait.ge [sflag:s29], $0x2000  }
0x1be: {  	[sflag:s29] =	ssyncset.done $0x0  }
0x1bf: {  	s4 =	simm.s32 $0x5880;
	[sflag:s29] =	ssyncadd.s32 $0xFFFFE000  }
0x1c0: {  	[hbm4b:s5+s10] =	stream.indirect.scatter [tilespmem:s20], [sflag:$0xD], $0x40, s4, s10, $0xb8;
	[tilespmem:$0x1DA00] =	vst v63  }
0x1c1: {  	_ =	swait.ge [sflag:s30], $0x2000  }
0x1c2: {  	[sflag:s30] =	ssyncset.done $0x0  }
0x1c3: {  	s4 =	simm.s32 $0x5900;
	[sflag:s30] =	ssyncadd.s32 $0xFFFFE000  }
0x1c4: {  	[hbm4b:s5+s10] =	stream.indirect.scatter [tilespmem:s22], [sflag:$0xE], $0x40, s4, s10, $0xb8;
	[tilespmem:$0x1DA00] =	vst v63  }
0x1c5: {  	_ =	swait.ge [sflag:s31], $0x2000  }
0x1c6: {  	[sflag:s31] =	ssyncset.done $0x0  }
0x1c7: {  	s4 =	simm.s32 $0x2A00;
	[sflag:s31] =	ssyncadd.s32 $0xFFFFE000  }
0x1c8: {  	[tilespmem:s11], [sflag:$0x1] =	stream.indirect.gather [hbm4b:s3+s10], $0x40, s4, s10, $0xb8;
	[tilespmem:$0x1DA00] =	vst v63  }
0x1c9: {  	_ =	swait.ge [sflag:s23], $0x2000  }
0x1ca: {  	[sflag:s23] =	ssyncset.done $0x0  }
0x1cb: {  	s4 =	simm.s32 $0x5980;
	[sflag:s23] =	ssyncadd.s32 $0xFFFFE000  }
0x1cc: {  	[hbm4b:s5+s10] =	stream.indirect.scatter [tilespmem:s11], [sflag:$0x8], $0x40, s4, s10, $0xb8;
	[tilespmem:$0x1DA00] =	vst v63  }
0x1cd: {  	_ =	swait.ge [sflag:s0], $0x2000  }
0x1ce: {  	[sflag:s0] =	ssyncset.done $0x0  }
0x1cf: {  	[sflag:s0] =	ssyncadd.s32 $0xFFFFE000  }
0x1d0: {  	_ =	swait.ge [sflag:s1], $0x2000  }
0x1d1: {  	[sflag:s1] =	ssyncset.done $0x0  }
0x1d2: {  	[sflag:s1] =	ssyncadd.s32 $0xFFFFE000  }
0x1d3: {  	_ =	swait.ge [sflag:s13], $0x2000  }
0x1d4: {  	[sflag:s13] =	ssyncset.done $0x0  }
0x1d5: {  	[sflag:s13] =	ssyncadd.s32 $0xFFFFE000  }
0x1d6: {  	_ =	swait.ge [sflag:s15], $0x2000  }
0x1d7: {  	[sflag:s15] =	ssyncset.done $0x0  }
0x1d8: {  	[sflag:s15] =	ssyncadd.s32 $0xFFFFE000  }
0x1d9: {  	_ =	swait.ge [sflag:s17], $0x2000  }
0x1da: {  	[sflag:s17] =	ssyncset.done $0x0  }
0x1db: {  	[sflag:s17] =	ssyncadd.s32 $0xFFFFE000  }
0x1dc: {  	_ =	swait.ge [sflag:s19], $0x2000  }
0x1dd: {  	[sflag:s19] =	ssyncset.done $0x0  }
0x1de: {  	[sflag:s19] =	ssyncadd.s32 $0xFFFFE000  }
0x1df: {  	_ =	swait.ge [sflag:s31], $0x2000  }
0x1e0: {  	[sflag:s31] =	ssyncset.done $0x0  }
0x1e1: {  	s4 =	simm.s32 $0xF;
	[sflag:s31] =	ssyncadd.s32 $0xFFFFE000  }
0x1e2: {  	_ =	swait.ge [sflag:s4], $0x2000  }
0x1e3: {  	[sflag:s4] =	ssyncset.done $0x0  }
0x1e4: {  	[sflag:s4] =	ssyncadd.s32 $0xFFFFE000  }
0x1e5: {  	_ =	swait.ge [sflag:s4], $0x2000  }
0x1e6: {  	[sflag:s4] =	ssyncset.done $0x0  }
0x1e7: {  	[sflag:s4] =	ssyncadd.s32 $0xFFFFE000  }
0x1e8: {  	_ =	swait.ge [sflag:s4], $0x2000  }
0x1e9: {  	[sflag:s4] =	ssyncset.done $0x0  }
0x1ea: {  	[sflag:s4] =	ssyncadd.s32 $0xFFFFE000  }
0x1eb: {  	_ =	swait.ge [sflag:s4], $0x2000  }
0x1ec: {  	[sflag:s4] =	ssyncset.done $0x0  }
0x1ed: {  	[sflag:s4] =	ssyncadd.s32 $0xFFFFE000  }
0x1ee: {  	_ =	swait.ge [sflag:s4], $0x2000  }
0x1ef: {  	[sflag:s4] =	ssyncset.done $0x0  }
0x1f0: {  	s2 =	simm.s32 $0x2D00;
	[sflag:s4] =	ssyncadd.s32 $0xFFFFE000  }
0x1f1: {  	[hbm4b:s5+s10] =	stream.indirect.scatter [tilespmem:s6], [sflag:$0xF], $0x40, s2, s10, $0xb8;
	[tilespmem:$0x1DA00] =	vst v63  }
0x1f2: {  	s6 =	simm.s32 $0x2D80  }
0x1f3: {  	[hbm4b:s5+s10] =	stream.indirect.scatter [tilespmem:s7], [sflag:$0xF], $0x40, s6, s10, $0xb8;
	[tilespmem:$0x1DA00] =	vst v63  }
0x1f4: {  	s6 =	simm.s32 $0x2E00  }
0x1f5: {  	[hbm4b:s5+s10] =	stream.indirect.scatter [tilespmem:s8], [sflag:$0xF], $0x40, s6, s10, $0xb8;
	[tilespmem:$0x1DA00] =	vst v63  }
0x1f6: {  	s7 =	simm.s32 $0x2E80  }
0x1f7: {  	[hbm4b:s5+s10] =	stream.indirect.scatter [tilespmem:s9], [sflag:$0xF], $0x40, s7, s10, $0xb8;
	[tilespmem:$0x1DA00] =	vst v63  }
0x1f8: {  	s8 =	simm.s32 $0x2F00  }
0x1f9: {  	[hbm4b:s5+s10] =	stream.indirect.scatter [tilespmem:s21], [sflag:$0xF], $0x40, s8, s10, $0xb8;
	[tilespmem:$0x1DA00] =	vst v63  }
0x1fa: {  	_ =	swait.ge [sflag:s4], $0x2000  }
0x1fb: {  	[sflag:s4] =	ssyncset.done $0x0  }
0x1fc: {  	[sflag:s4] =	ssyncadd.s32 $0xFFFFE000  }
0x1fd: {  	_ =	swait.ge [sflag:s4], $0x2000  }
0x1fe: {  	[sflag:s4] =	ssyncset.done $0x0  }
0x1ff: {  	[sflag:s4] =	ssyncadd.s32 $0xFFFFE000  }
0x200: {  	_ =	swait.ge [sflag:s4], $0x2000  }
0x201: {  	[sflag:s4] =	ssyncset.done $0x0  }
0x202: {  	[sflag:s4] =	ssyncadd.s32 $0xFFFFE000  }
0x203: {  	_ =	swait.ge [sflag:s4], $0x2000  }
0x204: {  	[sflag:s4] =	ssyncset.done $0x0  }
0x205: {  	[sflag:s4] =	ssyncadd.s32 $0xFFFFE000  }
0x206: {  	_ =	swait.ge [sflag:s4], $0x2000  }
0x207: {  	s9 =	rddreg [dreg:$0x6]  }
0x208: {  	s21 =	rddreg [dreg:$0x5];
	s6 =	sadd.s32 $0x1, s9  }
0x209: {  	p0 =	sne.s32 s6, s21  }
.Ltmp3:
0x20a: {  	_ = 	snop;
	(pc) =	sbr.rel @p0 .LBB2_1-.Ltmp3, $3  }
0x20b: {  	_ =	sdelay $0x1  }
0x20c: {  	[sflag:s4] =	ssyncset.done $0x0  }
0x20d: {  	[sflag:s4] =	ssyncadd.s32 $0xFFFFE000  }
0x20e: {  	_ =	sfence.sel $0x180000  }
0x20f: {  	[bflag:$0x0] =	sbarrier.arrive $0xFFFF  }
0x210: {  	_ =	strace $0x90000047  }
0x211: {  	s0 =	stileid.u32;
	[bflag:$0x2] =	sbarrier.arrive $0xFFFF  }
0x212: {  	p0 =	sne.s32 s0, $0x0;
	s0 =	rddreg [dreg:$0x1]  }
0x213: {  	s0 =	sadd.s32 @!p0 $0x100000, s0  }
0x214: {  	[sflag:s0] =	ssyncadd.tile.s32 @!p0 $0x1;
	_ =	shalt  }
.Lfunc_end2:
_tile_overlayer_lowered:
.L_overlay_start_2:
0x215: {  	(tag) =	ssettag $0x2  }
0x216: {  	s0 =	rddreg [dreg:$0x0];
	s2 =	stileid.u32  }
0x217: {  	s1 =	rddreg [dreg:$0x1];
	p0 =	sne.s32 s2, $0x0  }
0x218: {  	s3 =	rddreg [dreg:$0x2];
	[bflag:$0x3] =	sbarrier.arrive $0xFFFF;
	s2 =	simm.s32 @!p0 $0x1C10  }
0x219: {  	[timem:s3], [sflag:s2] =	dma.local @!p0 [hbm:s0], s1  }
0x21a: {  	s0 =	simm.s32 @!p0 $0x10  }
0x21b: {  	_ =	swait.ge @!p0 [sflag:s0], s1  }
0x21c: {  	s1 =	ssub.s32 @!p0 $0x0, s1;
	[sflag:s0] =	ssyncset.done @!p0 $0x0  }
0x21d: {  	[sflag:s0] =	ssyncadd.s32 @!p0 s1  }
0x21e: {  	[bflag:$0x3] =	sbarrier.arrive $0xFFFF  }
0x21f: {  	_ =	shalt  }

// kernel: sparse-core-data-format-call.cloned.1.call-start
scs
called_computation_lowered:
.L_overlay_start_0:
0x0: {  	s2 =	sld [smem:$0x3FD9]  }
0x1: {  	s3 =	sld [smem:$0x3FFE];
	_ =	sdelay $0x1  }
0x2: {  	s1 =	srdreg.scid  }
0x3: {  	s0 =	sand.u32 $0x1, s1  }
0x4: {  	s18 =	sshll.u32 s0, $0xA;
	s2 =	sadd.s32 s3, s2  }
0x5: {  	s2 =	sadd.s32 s2, s18  }
0x6: {  	[smem:$0x3FC5] =	sst s2  }
0x7: {  	_ = 	snop  }
0x8: {  	s2 =	sld [smem:$0x3FD0];
	(tm) =	ssettm $0x1  }
0x9: {  	s19 =	sld [smem:$0x3FFB];
	_ =	sdelay $0x3  }
0xa: {  	_ =	strace s19  }
0xb: {  	s3 =	sld [smem:$0x3FFC];
	_ =	sdelay $0x3  }
0xc: {  	_ =	strace s3  }
0xd: {  	s3 =	sld [smem:$0x3FFD];
	_ =	sdelay $0x3  }
0xe: {  	_ =	strace s3  }
0xf: {  	_ =	strace $0x8FFFFFFF  }
0x10: {  	s20 =	sld [smem:$0x3FDB];
	_ =	sdelay $0x1  }
0x11: {  	s4 =	simm.s32 $_scs_section_size  }
0x12: {  	s5 =	simm.s32 $_size__tile_overlayer_lowered;
	s6 =	simm.s32 $_tile_overlayer_lowered  }
0x13: {  	s23 =	simm.s32 $0x1BFF;
	s22 =	sshll.u32 s6, $0x1;
	s3 =	sadd.s32 s4, s20  }
0x14: {  	s7 =	simm.s32 $0x0;
	s21 =	sshll.u32 s5, $0x1;
	s5 =	sadd.s32 s22, s3  }
0x15: {  	[timem:s7], [sflag:s23] =	dma.local [hbm:s5], s21  }
0x16: {  	_ =	swait.ge [sflag:s23], s21  }
0x17: {  	s4 =	ssub.s32 $0x0, s21;
	[sflag:s23] =	ssyncset.done $0x0  }
0x18: {  	[sflag:s23] =	ssyncadd.s32 s4;
	_ =	sdelay $0x1  }
0x19: {  	s24 =	simm.s32 $0x1B8B  }
0x1a: {  	_ =	swait.ge [sflag:s24], $0x1  }
0x1b: {  	[sflag:s24] =	ssyncset.done $0x0  }
0x1c: {  	s26 =	simm.s32 $0x1B8E;
	s25 =	sld [smem:$0x3FFE];
	[sflag:s24] =	ssyncadd.s32 $0xFFFFFFFF  }
0x1d: {  	s27 =	simm.s32 $execute0_lowered;
	[smem:$0x3FD2] =	sst s26  }
0x1e: {  	s5 =	sshll.u32 s27, $0x1;
	_ =	strace $0x80000049;
	[dreg:$0x1] =	wrdreg $0xFFFFFFFF  }
0x1f: {  	s28 =	simm.s32 $_size_execute0_lowered;
	s3 =	sadd.s32 s3, s5;
	[dreg:$0x0] =	wrdreg $0x0  }
0x20: {  	s5 =	sshll.u32 s28, $0x1;
	[dreg:$0x2] =	wrdreg s3  }
0x21: {  	[dreg:$0x3] =	wrdreg s5  }
0x22: {  	[dreg:$0x4] =	wrdreg $0xC0  }
0x23: {  	_ =	task [dreg:s7], $0x5FFFF  }
0x24: {  	[dreg:$0x1] =	wrdreg $0xFFFFFFFF  }
0x25: {  	[dreg:$0x0] =	wrdreg $0x60  }
0x26: {  	[dreg:$0x2] =	wrdreg s25  }
0x27: {  	[dreg:$0x3] =	wrdreg s2  }
0x28: {  	[dreg:$0x4] =	wrdreg $0x9  }
0x29: {  	_ =	task.clear_ibuf [dreg:s7], $0x5FFFF;
	_ =	strace $0x90000049  }
0x2a: {  	s29 =	simm.s32 $0x9;
	_ =	strace $0x8000004B  }
0x2b: {  	_ =	swait.ge [sflag:s29], $0x1  }
0x2c: {  	[sflag:s29] =	ssyncadd.s32 $0xFFFFFFFF  }
0x2d: {  	_ =	strace $0x9000004B  }
0x2e: {  	_ =	sfence  }
0x2f: {  	s30 =	sld [smem:$0x0];
	_ =	sdelay $0x2  }
0x30: {  	s31 =	sshll.u32 s1, $0xD;
	s1 =	sshrl.u32 s1, $0x2  }
0x31: {  	s3 =	sand.u32 $0x4000, s31;
	s1 =	sadd.s32 s1, s30  }
0x32: {  	s0 =	sor.u32 s3, s0;
	s1 =	sshll.u32 s1, $0x11  }
0x33: {  	s0 =	sor.u32 s1, s0  }
0x34: {  	s0 =	sadd.s32 $0x8F2B, s0  }
0x35: {  	[sflag:s0] =	ssyncadd.remote.s32 $0x1  }
0x36: {  	_ =	sfence.sel $0xFFFF  }
0x37: {  	[dreg:$0x0] =	wrdreg $0xFFFFFFFF;
	(pc) =	sbr.abs _section_cstart, $3  }
0x38: {  	[dreg:$0x1] =	wrdreg $0xFFFFFFFF  }
0x39: {  	_ =	task.clear_ibuf [dreg:s7], $0x2FFFF;
	_ =	strace $0x9FFFFFFF  }
0x3a: {  	(tm) =	ssettm $0x7FFFFFFF  }
0x3b: {  	_ =	shalt  }
tec
execute0_lowered:
.L_overlay_start_1:
0x0: {  	(tag) =	ssettag $0x1  }
0x1: {  	s0 =	stileid.u32;
	s6 =	rddreg [dreg:$0x0]  }
0x2: {  	s2 =	rddreg [dreg:$0x1];
	s5 =	srdreg.scid  }
0x3: {  	s31 =	simm.s32 $0x2;
	s13 =	simm.s32 $0x0;
	s1 =	sshll.u32 s0, $0x7  }
0x4: {  	s14 =	simm.s32 $0x0;
	s12 =	simm.s32 $0x0;
	s3 =	sand.u32 $0x380, s1  }
0x5: {  	s5 =	sshll.u32 s5, $0x4;
	s6 =	sadd.s32 $0x193A00, s6;
	s4 =	ssub.s32 $0x400, s3  }
0x6: {  	s1 =	rddreg [dreg:$0x2];
	_ =	strace $0x8000004A;
	s7 =	sand.u32 $0x380, s4  }
0x7: {  	s5 =	sand.u32 $0x10, s5;
	p0 =	sne.s32 s7, $0x0;
	s7 =	simm.s32 $0x1  }
.Ltmp0:
0x8: {  	s8 =	sshrl.u32 s4, $0xA;
	s7 =	simm.s32 @!p0 $0x0;
	(pc) =	sbr.rel .LBB1_1-.Ltmp0, $4  }
0x9: {  	s9 =	sor.u32 s0, s5;
	s4 =	simm.s32 $0x1;
	s30 =	sadd.s32 s7, s8  }
0xa: {  	s11 =	smov.u32 s3;
	[sflag:s4] =	ssyncpa.u1 $0x0;
	s5 =	smul.u32 $0x55, s30  }
0xb: {  	[sflag:s31] =	ssyncpa.u1 $0x0;
	p0 =	por $0x0, $0x0;
	s7 =	sshrl.u32 s9, $0x3  }
0xc: {  	s9 =	simm.s32 $0x2000;
	s10 =	smov.u32 s7;
	s8 =	sadd.s32 $0x1, s5  }
.LBB1_4:
0xd: {  	s17 =	sand.u32 $0x1F80, s14;
	s13 =	sshll.u32 s13, $0xD  }
0xe: {  	[tilespmem:s16+$0x810 ss:$0x81] =	vst.msk $0xffff, v2;
	s18 =	sshrl.u32 s14, $0x3;
	s31 =	sand.u32 $0x7, s14;
	s17 =	sadd.s32 s2, s17  }
0xf: {  	[tilespmem:s16+$0x1020 ss:$0x81] =	vst.msk $0xffff, v0;
	s18 =	sand.u32 $0xF, s18;
	s14 =	sshll.u32 s31, $0x12;
	s13 =	sadd.s32 s13, s17  }
0x10: {  	[tilespmem:s16+$0x0 ss:$0x81] =	vst.msk $0xffff, v1;
	s14 =	sor.u32 $0x400, s14;
	s13 =	sadd.s32 s18, s13  }
0x11: {  	[hbm4b:s13+s14] =	stream.strided.scatter [tilespmem:s15], [sflag:$0x2], $0x2000, s9, s14, $0x20;
	[tilespmem:$0x8080] =	vst v63  }
.LBB1_5:
0x12: {  	s15 =	sadd.s32 $0x4, s10  }
0x13: {  	s13 =	sadd.s32 $0x400, s11;
	s17 =	smov.u32 s11;
	p2 =	sgt.s32 s15, $0x153  }
0x14: {  	s17 =	smov.u32 @p2 s13  }
0x15: {  	s15 =	smov.u32 @p2 s7;
	p2 =	sgt.s32 s17, $0x3FF  }
0x16: {  	s17 =	smov.u32 @p2 s3;
	p2 =	sne.s32 s12, s8  }
.Ltmp1:
0x17: {  	p1 =	slt.u32 s12, $0x2;
	(pc) =	sbr.rel @!p2 .LBB1_6-.Ltmp1, $4  }
0x18: {  	s16 =	simm.s32 @!p1 $0x2  }
0x19: {  	s14 =	smov.u32 s11;
	p0 =	por !p0, !p0;
	_ =	swait.ge @!p1 [sflag:s16], $0x2000  }
0x1a: {  	s13 =	smov.u32 s10;
	[sflag:s16] =	ssyncset.done @!p1 $0x0;
	s10 =	smov.u32 s15  }
0x1b: {  	s12 =	sadd.s32 $0x1, s12;
	[sflag:s16] =	ssyncadd.s32 @!p1 $0xFFFFE000;
	s11 =	smov.u32 s17  }
.LBB1_1:
0x1c: {  	p1 =	sge.u32 s12, s5  }
0x1d: {  	s15 =	sand.u32 @!p1 $0x1FFFFFF, s10  }
0x1e: {  	s16 =	smulhi.u32 @!p1 $0x2FA0BE9, s15;
	_ =	sdelay $0x1  }
0x1f: {  	s16 =	sshrl.u32 @!p1 s16, $0x2  }
0x20: {  	s16 =	smul.u32 @!p1 $0x158, s16  }
0x21: {  	s17 =	sxor.u32 @!p1 $0xFFFFFFFF, s12;
	s18 =	smul.u32 @!p1 $0x1580, s11  }
0x22: {  	s31 =	sadd.s32 $0xFFFFFFFF, s12;
	s17 =	sshll.u32 @!p1 s17, $0xD;
	s15 =	ssub.s32 @!p1 s15, s16  }
0x23: {  	s16 =	sand.u32 @!p1 $0x2000, s17;
	s17 =	sadd.s32 @!p1 s6, s18;
	s15 =	sshll.u32 @!p1 s15, $0x4  }
0x24: {  	s18 =	simm.s32 @!p1 $0xAC00;
	s15 =	sadd.s32 @!p1 s15, s17;
	s17 =	simm.s32 @!p1 $0x40  }
0x25: {  	[tilespmem:s16], [sflag:$0x1] =	stream.strided.gather @!p1 [hbm4b:s15+s17], $0x2000, s18, s17, $0x38;
	[tilespmem:$0x8080] =	vst v63  }
0x26: {  	p1 =	sge.u32 s31, s5  }
.Ltmp2:
0x27: {  	_ = 	snop;
	(pc) =	sbr.rel @p1 .LBB1_5-.Ltmp2, $1  }
0x28: {  	_ =	sdelay $0x3  }
0x29: {  	s15 =	simm.s32 $0x1  }
0x2a: {  	_ =	swait.ge [sflag:s4], $0x2000;
	s15 =	simm.s32 @!p0 $0x0  }
0x2b: {  	[sflag:s4] =	ssyncset.done $0x0;
	s16 =	sshll.u32 s15, $0xD  }
0x2c: {  	[sflag:s4] =	ssyncadd.s32 $0xFFFFE000;
	s19 =	sor.u32 $0x20, s16  }
0x2d: {  	s15 =	smul.u32 $0x8100, s15;
	v3 =	vld [tilespmem:s19+$0x10]  }
0x2e: {  	s30 =	sand.u32 $0x1, s12;
	v2 =	vld [tilespmem:s19+$0xFFFFFFF0]  }
0x2f: {  	s16 =	smul.u32 $0x8100, s30;
	s15 =	sshrl.u32 s15, $0x2;
	v0 =	vld [tilespmem:s19+$0x0]  }
0x30: {  	v1 =	vld [tilespmem:s19+$0xFFFFFFE0];
	s17 =	sor.u32 $0x4000, s15  }
0x31: {  	s31 =	sshrl.u32 s16, $0x2;
	s16 =	sadd.s32 $0x0, s17  }
0x32: {  	s18 =	simm.s32 $0x4;
	s19 =	sadd.s32 $0x40, s19;
	s15 =	sor.u32 $0x4000, s31;
	[tilespmem:s16+$0x1830 ss:$0x81] =	vst.msk $0xffff, v3  }
.LBB1_3:
0x33: {  	v3 =	vld [tilespmem:s19+$0x10];
	p1 =	sne.s32 s18, $0x1FC;
	[tilespmem:s16+$0x810 ss:$0x81] =	vst.msk $0xffff, v2;
	s20 =	smov.u32 s18;
	s18 =	sadd.s32 $0x4, s18  }
.Ltmp3:
0x34: {  	v2 =	vld [tilespmem:s19+$0xFFFFFFF0];
	[tilespmem:s16+$0x1020 ss:$0x81] =	vst.msk $0xffff, v0;
	(pc) =	sbr.rel @p1 .LBB1_3-.Ltmp3, $4  }
0x35: {  	v0 =	vld [tilespmem:s19+$0x0];
	[tilespmem:s16+$0x0 ss:$0x81] =	vst.msk $0xffff, v1  }
0x36: {  	s16 =	sshra.s32 s20, $0x2;
	v1 =	vld [tilespmem:s19+$0xFFFFFFE0]  }
0x37: {  	s16 =	sadd.s32 s16, s17  }
0x38: {  	s19 =	sadd.s32 $0x40, s19;
	[tilespmem:s16+$0x1830 ss:$0x81] =	vst.msk $0xffff, v3  }
.Ltmp4:
0x39: {  	_ = 	snop;
	(pc) =	sbr.rel .LBB1_4-.Ltmp4, $1  }
0x3a: {  	_ =	sdelay $0x3  }
.LBB1_6:
0x3b: {  	_ =	sfence.sel $0x180000  }
0x3c: {  	s2 =	simm.s32 $0x1;
	[bflag:$0x0] =	sbarrier.arrive $0xFFFF  }
0x3d: {  	s31 =	simm.s32 $0x2;
	[sflag:s2] =	ssyncpa.u1 $0x1  }
0x3e: {  	[sflag:s31] =	ssyncpa.u1 $0x1  }
0x3f: {  	p0 =	sne.s32 s0, $0x0;
	_ =	strace $0x9000004A  }
0x40: {  	s0 =	sadd.s32 @!p0 $0x100000, s1;
	[bflag:$0x2] =	sbarrier.arrive $0xFFFF  }
0x41: {  	[sflag:s0] =	ssyncadd.tile.s32 @!p0 $0x1;
	_ =	shalt  }
.Lfunc_end1:
_tile_overlayer_lowered:
.L_overlay_start_2:
0x42: {  	(tag) =	ssettag $0x2  }
0x43: {  	s0 =	rddreg [dreg:$0x0];
	s2 =	stileid.u32  }
0x44: {  	s1 =	rddreg [dreg:$0x1];
	p0 =	sne.s32 s2, $0x0  }
0x45: {  	s3 =	rddreg [dreg:$0x2];
	[bflag:$0x3] =	sbarrier.arrive $0xFFFF;
	s2 =	simm.s32 @!p0 $0x1C01  }
0x46: {  	[timem:s3], [sflag:s2] =	dma.local @!p0 [hbm:s0], s1  }
0x47: {  	s0 =	simm.s32 @!p0 $0x1  }
0x48: {  	_ =	swait.ge @!p0 [sflag:s0], s1  }
0x49: {  	s1 =	ssub.s32 @!p0 $0x0, s1;
	[sflag:s0] =	ssyncset.done @!p0 $0x0  }
0x4a: {  	[sflag:s0] =	ssyncadd.s32 @!p0 s1  }
0x4b: {  	[bflag:$0x3] =	sbarrier.arrive $0xFFFF  }
0x4c: {  	_ =	shalt  }

</sc_bundles>
